<compile_context>
chip_gen: v7x
topology: tpu7x:2x2x1
jax: 0.10.2.dev20260603
libtpu: 0.0.44.dev20260713+nightly
codegen_flags: <defaults>
</compile_context>

<pallas_src>
import functools
import jax
import jax.numpy as jnp
from jax import lax
from jax.experimental import pallas as pl
from jax.experimental.pallas import tpu as pltpu
from jax.experimental.pallas import tpu_sc as plsc

N_NODES = 10000
N_EDGES = 160000
D = 128
NUM_GAUSS = 20
CUTOFF = 10.0
F32 = jnp.float32

NC = 2
NS = 16
NW = NC * NS
CHUNK = 128
N_CHUNKS = N_EDGES // CHUNK
CH_PER_W = -(-N_CHUNKS // NW)
RO_CHUNK = 80
N_RO = N_NODES // RO_CHUNK
RO_PER_SUB = -(-N_RO // NS)


def _sc_mesh():
    return plsc.VectorSubcoreMesh(core_axis_name="c", subcore_axis_name="s")


def _worker_id():
    return lax.axis_index("s") * NC + lax.axis_index("c")


def _multi_gather(pairs, tc_tiling=True):
    n = len(pairs)
    widths = [int(t.shape[1]) for t, _ in pairs]
    out_type = [jax.ShapeDtypeStruct((N_EDGES, w), F32) for w in widths]
    scratch = []
    for w in widths:
        scratch.append(pltpu.VMEM((CHUNK,), jnp.int32))
        scratch.append(pltpu.VMEM((CHUNK, w), F32))
        scratch.append(pltpu.SemaphoreType.DMA)

    @functools.partial(pl.kernel, out_type=out_type, mesh=_sc_mesh(),
                       scratch_types=scratch,
                       compiler_params=pltpu.CompilerParams(
                           use_tc_tiling_on_sc=tc_tiling))
    def k(*refs):
        tabs = refs[0:n]
        idxs = refs[n:2 * n]
        outs = refs[2 * n:3 * n]
        bufs = refs[3 * n:]
        wid = _worker_id()

        def body(i, _):
            c = wid + i * NW

            @pl.when(c < N_CHUNKS)
            def _():
                base = c * CHUNK
                di = [pltpu.async_copy(idxs[j].at[pl.ds(base, CHUNK)],
                                       bufs[3 * j], bufs[3 * j + 2])
                      for j in range(n)]
                dg = []
                for j in range(n):
                    di[j].wait()
                    dg.append(pltpu.async_copy(tabs[j].at[bufs[3 * j]],
                                               bufs[3 * j + 1], bufs[3 * j + 2]))
                ds = []
                for j in range(n):
                    dg[j].wait()
                    ds.append(pltpu.async_copy(bufs[3 * j + 1],
                                               outs[j].at[pl.ds(base, CHUNK)],
                                               bufs[3 * j + 2]))
                for j in range(n):
                    ds[j].wait()
            return 0

        lax.fori_loop(0, CH_PER_W, body, 0, unroll=False)

    res = k(*[t for t, _ in pairs], *[i for _, i in pairs])
    return res if isinstance(res, (list, tuple)) else [res]


def _scatter_add(rows, idx):

    @functools.partial(
        pl.kernel,
        out_type=jax.ShapeDtypeStruct((NC, N_NODES, D), F32),
        mesh=_sc_mesh(),
        scratch_types=[
            pltpu.VMEM((CHUNK,), jnp.int32),
            pltpu.VMEM((CHUNK, D), F32),
            pltpu.VMEM((CHUNK,), jnp.int32),
            pltpu.VMEM((CHUNK, D), F32),
            pltpu.SemaphoreType.DMA,
            pltpu.SemaphoreType.DMA,
            pltpu.VMEM((RO_CHUNK, D), F32),
            pltpu.VMEM_SHARED((N_NODES, D), F32),
        ],
    )
    def k(rows_hbm, idx_hbm, out_hbm, idx_v0, rows_v0, idx_v1, rows_v1,
          sem0, sem1, stage_v, accum_sh):
        cid = lax.axis_index("c")
        sid = lax.axis_index("s")
        wid = sid * NC + cid

        def zrow(r, _):
            def zlane(kk, _):
                stage_v[r, pl.ds(kk * 16, 16)] = jnp.zeros((16,), F32)
                return 0
            lax.fori_loop(0, D // 16, zlane, 0, unroll=False)
            return 0
        lax.fori_loop(0, RO_CHUNK, zrow, 0, unroll=False)

        def zcopy(j, _):
            c = sid + j * NS

            @pl.when(c < N_RO)
            def _():
                pltpu.sync_copy(stage_v, accum_sh.at[pl.ds(c * RO_CHUNK, RO_CHUNK)])
            return 0
        lax.fori_loop(0, RO_PER_SUB, zcopy, 0, unroll=False)
        plsc.subcore_barrier()

        slots = [(idx_v0, rows_v0, sem0), (idx_v1, rows_v1, sem1)]

        def body(i2, _):
            for b in range(2):
                c = wid + (2 * i2 + b) * NW

                @pl.when(c < N_CHUNKS)
                def _(b=b, c=c):
                    iv, rv, sm = slots[b]
                    base = c * CHUNK
                    pltpu.async_copy(idx_hbm.at[pl.ds(base, CHUNK)], iv, sm)
                    pltpu.async_copy(rows_hbm.at[pl.ds(base, CHUNK)], rv, sm)
            for b in range(2):
                c = wid + (2 * i2 + b) * NW

                @pl.when(c < N_CHUNKS)
                def _(b=b, c=c):
                    iv, rv, sm = slots[b]
                    base = c * CHUNK
                    pltpu.make_async_copy(idx_hbm.at[pl.ds(base, CHUNK)], iv, sm).wait()
                    pltpu.make_async_copy(rows_hbm.at[pl.ds(base, CHUNK)], rv, sm).wait()
                    pltpu.sync_copy(rv, accum_sh.at[iv], add=True)
            return 0

        lax.fori_loop(0, -(-CH_PER_W // 2), body, 0, unroll=False)
        plsc.subcore_barrier()

        def rocopy(j, _):
            c = sid + j * NS

            @pl.when(c < N_RO)
            def _():
                r0 = c * RO_CHUNK
                pltpu.sync_copy(accum_sh.at[pl.ds(r0, RO_CHUNK)], stage_v)
                pltpu.sync_copy(stage_v, out_hbm.at[cid, pl.ds(r0, RO_CHUNK)])
            return 0
        lax.fori_loop(0, RO_PER_SUB, rocopy, 0, unroll=False)

    return k(rows, idx)



T_N = 2000
T_E = 2000


def _dot(a, b):
    return jnp.dot(a, b, preferred_element_type=F32)


def _ln(x, g, b):
    m = jnp.mean(x, -1, keepdims=True)
    v = jnp.mean((x - m) * (x - m), -1, keepdims=True)
    return (x - m) / jnp.sqrt(v + 1e-5) * g + b


def _row_spec(t, w):
    return pl.BlockSpec((t, w), lambda i: (i, 0))


def _full_spec(shape):
    nd = len(shape)
    return pl.BlockSpec(shape, lambda i: (0,) * nd)


def _tc_call(body, n_rows, tile, ins, outs_w):
    grid = (n_rows // tile,)
    in_specs = [
        _row_spec(tile, int(a.shape[-1])) if tiled else _full_spec(a.shape)
        for a, tiled in ins
    ]
    out_specs = [_row_spec(tile, w) for w in outs_w]
    out_shape = [jax.ShapeDtypeStruct((n_rows, w), F32) for w in outs_w]
    return pl.pallas_call(
        body, grid=grid, in_specs=in_specs, out_specs=out_specs,
        out_shape=out_shape,
    )(*[a for a, _ in ins])


def _r2(x):
    return jnp.reshape(x, (1, -1))


def _node_a_body(x_ref, Wl, bl, W1, b1, W2, b2, Wc, bc,
                 h_ref, hn1_ref, cen1_ref):
    x = x_ref[...]
    h = _dot(x, Wl[...]) + bl[...]
    h_ref[...] = h
    t = jnp.maximum(_dot(h, W1[...]) + b1[...], 0.0)
    hn1_ref[...] = _dot(t, W2[...]) + b2[...]
    cen1_ref[...] = _dot(h, Wc[...]) + bc[...]


def _edge1_body(pr_ref, pc_ref, g1_ref, off_ref, Wemb, bemb, W1, b1, W2, b2,
                Wm, bm, msg_ref):
    v = pr_ref[...] - pc_ref[...]
    d = jnp.sqrt(jnp.sum(v * v, -1, keepdims=True) + 1e-8)
    step = CUTOFF / (NUM_GAUSS - 1)
    coeff = -0.5 / (step * step)
    gs = jnp.exp(coeff * (d - off_ref[...]) ** 2)
    ea = _dot(gs, Wemb[...]) + bemb[...]
    t = jnp.maximum(_dot(ea, W1[...]) + b1[...], 0.0)
    he = _dot(t, W2[...]) + b2[...]
    msg_ref[...] = _dot(he * g1_ref[...], Wm[...]) + bm[...]


def _node_b_body(h_ref, p0_ref, p1_ref, cen_ref, Wo, bo, g, b,
                 WnlL, WnfL, bnfL, WnlR, WnfR, bnfR,
                 W1, b1, W2, b2, Wc2, bc2,
                 h1_ref, catL_ref, catR_ref, hn2_ref, cen2_ref):
    t = cen_ref[...] + p0_ref[...] + p1_ref[...]
    t = _ln(t, g[...], b[...])
    h1 = h_ref[...] + _dot(jnp.maximum(t, 0.0), Wo[...]) + bo[...]
    h1_ref[...] = h1
    catL_ref[:, 0:256] = _dot(h1, WnlL[...])
    catL_ref[:, 256:384] = _dot(h1, WnfL[...]) + bnfL[...]
    catR_ref[:, 0:256] = _dot(h1, WnlR[...])
    catR_ref[:, 256:384] = _dot(h1, WnfR[...]) + bnfR[...]
    u = jnp.maximum(_dot(h1, W1[...]) + b1[...], 0.0)
    hn2_ref[...] = _dot(u, W2[...]) + b2[...]
    cen2_ref[...] = _dot(h1, Wc2[...]) + bc2[...]


def _ebond_body(hb_ref, gl_ref, gr_ref,
                WblL, Wl1, bl1, Wl2, bl2, WblR, Wr1, br1, Wr2, br2,
                ml_ref, mr_ref):
    hb = hb_ref[...]
    gl = gl_ref[...]
    gr = gr_ref[...]
    il = _dot(hb, WblL[...]) * gl[:, 0:256]
    tl = jnp.maximum(_dot(il, Wl1[...]) + bl1[...], 0.0)
    ml_ref[...] = _dot(tl, Wl2[...]) + bl2[...]
    ir = _dot(hb, WblR[...]) * gr[:, 0:256]
    tr = jnp.maximum(_dot(ir, Wr1[...]) + br1[...], 0.0)
    mr_ref[...] = _dot(tr, Wr2[...]) + br2[...]


def _combine_body(a0_ref, a1_ref, b0_ref, b1_ref, a_ref, b_ref):
    a_ref[...] = a0_ref[...] + a1_ref[...]
    b_ref[...] = b0_ref[...] + b1_ref[...]


def _bfin_body(hb_ref, al_ref, ar_ref, gl_ref, gr_ref, g2_ref,
               Ws, bs, g, b, Wo, bo, We1, be1, We2, be2, Wm2, bm2,
               hb1_ref, msg2_ref):
    hb = hb_ref[...]
    s = (al_ref[...] + ar_ref[...] + gl_ref[:, 256:384] + gr_ref[:, 256:384]
         + _dot(hb, Ws[...]) + bs[...])
    s = _ln(s, g[...], b[...])
    hb1 = hb + _dot(jnp.maximum(s, 0.0), Wo[...]) + bo[...]
    hb1_ref[...] = hb1
    t = jnp.maximum(_dot(hb1, We1[...]) + be1[...], 0.0)
    he = _dot(t, We2[...]) + be2[...]
    msg2_ref[...] = _dot(he * g2_ref[...], Wm2[...]) + bm2[...]


def _node_c_body(h1_ref, cen2_ref, q0_ref, q1_ref, Wo, bo, g, b, h2_ref):
    t = cen2_ref[...] + q0_ref[...] + q1_ref[...]
    t = _ln(t, g[...], b[...])
    h2_ref[...] = h1_ref[...] + _dot(jnp.maximum(t, 0.0), Wo[...]) + bo[...]



def kernel(h_node, pos_node, h_bond, bond_index, batch, is_mol, is_frag, params):
    p = params
    nbe, bb, nbb = p["nbe"][0], p["bb"][0], p["nbb"][0]
    row = bond_index[0]
    col = bond_index[1]

    pos16 = jnp.zeros((N_NODES, 16), F32).at[:, 0:3].set(pos_node)
    off = _r2(jnp.linspace(0.0, CUTOFF, NUM_GAUSS).astype(F32))

    h, hn1, cen1 = _tc_call(
        _node_a_body, N_NODES, T_N,
        [(h_node, True),
         (p["lin_node"]["W"], False), (_r2(p["lin_node"]["b"]), False),
         (nbe["node_net"]["l1"]["W"], False), (_r2(nbe["node_net"]["l1"]["b"]), False),
         (nbe["node_net"]["l2"]["W"], False), (_r2(nbe["node_net"]["l2"]["b"]), False),
         (nbe["centroid"]["W"], False), (_r2(nbe["centroid"]["b"]), False)],
        [D, D, D])

    pr, pc = _multi_gather([(pos16, row), (pos16, col)], tc_tiling=False)
    (g1,) = _multi_gather([(hn1, col)])

    (msg,) = _tc_call(
        _edge1_body, N_EDGES, T_E,
        [(pr, True), (pc, True), (g1, True), (off, False),
         (p["edge_emb"]["W"], False), (_r2(p["edge_emb"]["b"]), False),
         (nbe["edge_net"]["l1"]["W"], False), (_r2(nbe["edge_net"]["l1"]["b"]), False),
         (nbe["edge_net"]["l2"]["W"], False), (_r2(nbe["edge_net"]["l2"]["b"]), False),
         (nbe["msg_net"]["W"], False), (_r2(nbe["msg_net"]["b"]), False)],
        [D])

    aggr1p = _scatter_add(msg, row)

    h1, catL, catR, hn2, cen2 = _tc_call(
        _node_b_body, N_NODES, T_N,
        [(h, True), (aggr1p[0], True), (aggr1p[1], True), (cen1, True),
         (nbe["out"]["W"], False), (_r2(nbe["out"]["b"]), False),
         (_r2(nbe["ln_g"]), False), (_r2(nbe["ln_b"]), False),
         (bb["ffn_l"]["node_lin"]["W"], False),
         (bb["node_ffn_l"]["W"], False), (_r2(bb["node_ffn_l"]["b"]), False),
         (bb["ffn_r"]["node_lin"]["W"], False),
         (bb["node_ffn_r"]["W"], False), (_r2(bb["node_ffn_r"]["b"]), False),
         (nbb["node_net"]["l1"]["W"], False), (_r2(nbb["node_net"]["l1"]["b"]), False),
         (nbb["node_net"]["l2"]["W"], False), (_r2(nbb["node_net"]["l2"]["b"]), False),
         (nbb["centroid"]["W"], False), (_r2(nbb["centroid"]["b"]), False)],
        [D, 384, 384, D, D])

    gl, gr, g2 = _multi_gather([(catL, row), (catR, col), (hn2, col)])

    m_l, m_r = _tc_call(
        _ebond_body, N_EDGES, T_E,
        [(h_bond, True), (gl, True), (gr, True),
         (bb["ffn_l"]["bond_lin"]["W"], False),
         (bb["ffn_l"]["inter"]["l1"]["W"], False), (_r2(bb["ffn_l"]["inter"]["l1"]["b"]), False),
         (bb["ffn_l"]["inter"]["l2"]["W"], False), (_r2(bb["ffn_l"]["inter"]["l2"]["b"]), False),
         (bb["ffn_r"]["bond_lin"]["W"], False),
         (bb["ffn_r"]["inter"]["l1"]["W"], False), (_r2(bb["ffn_r"]["inter"]["l1"]["b"]), False),
         (bb["ffn_r"]["inter"]["l2"]["W"], False), (_r2(bb["ffn_r"]["inter"]["l2"]["b"]), False)],
        [D, D])

    aggLp = _scatter_add(m_l, col)
    aggRp = _scatter_add(m_r, row)

    aggL, aggR = _tc_call(
        _combine_body, N_NODES, T_N,
        [(aggLp[0], True), (aggLp[1], True), (aggRp[0], True), (aggRp[1], True)],
        [D, D])

    al, ar = _multi_gather([(aggL, row), (aggR, col)])

    hb1, msg2 = _tc_call(
        _bfin_body, N_EDGES, T_E,
        [(h_bond, True), (al, True), (ar, True), (gl, True), (gr, True), (g2, True),
         (bb["self_ffn"]["W"], False), (_r2(bb["self_ffn"]["b"]), False),
         (_r2(bb["ln_g"]), False), (_r2(bb["ln_b"]), False),
         (bb["out"]["W"], False), (_r2(bb["out"]["b"]), False),
         (nbb["edge_net"]["l1"]["W"], False), (_r2(nbb["edge_net"]["l1"]["b"]), False),
         (nbb["edge_net"]["l2"]["W"], False), (_r2(nbb["edge_net"]["l2"]["b"]), False),
         (nbb["msg_net"]["W"], False), (_r2(nbb["msg_net"]["b"]), False)],
        [D, D])

    aggr2p = _scatter_add(msg2, row)

    (h2,) = _tc_call(
        _node_c_body, N_NODES, T_N,
        [(h1, True), (cen2, True), (aggr2p[0], True), (aggr2p[1], True),
         (nbb["out"]["W"], False), (_r2(nbb["out"]["b"]), False),
         (_r2(nbb["ln_g"]), False), (_r2(nbb["ln_b"]), False)],
        [D])

    return h2, hb1

# --- scband reference (transcript-rebuilt; emitter-appended) ---
"""Pipeline reference for scband-node-bond-net-12017318494548 (READ-ONLY COPY).

The authoritative reference and input builder live on the scoring server;
editing this copy changes nothing except your own understanding.
"""

import jax, jax.numpy as jnp
import numpy as np

N_NODES = 10000
N_EDGES = 160000
NODE_DIM = 128
EDGE_DIM = 128
BOND_DIM = 128
INTER_DIM = 2 * BOND_DIM
HIDDEN_DIM = 128
NUM_GAUSS = 20
CUTOFF = 10.0
NUM_BLOCKS = 1


def _lin(key, din, dout, bias=True):
    k1, k2 = jax.random.split(key)
    s = 1.0 / np.sqrt(din)
    p = {"W": jax.random.uniform(k1, (din, dout), minval=-s, maxval=s, dtype=jnp.float32)}
    if bias:
        p["b"] = jax.random.uniform(k2, (dout,), minval=-s, maxval=s, dtype=jnp.float32)
    return p


def _mlp_p(key, din, dout, dh):
    k1, k2 = jax.random.split(key)
    return {"l1": _lin(k1, din, dh), "l2": _lin(k2, dh, dout)}


def _node_block_p(key, node_dim, edge_dim, hidden_dim):
    ks = jax.random.split(key, 5)
    return {
        "node_net": _mlp_p(ks[0], node_dim, hidden_dim, hidden_dim),
        "edge_net": _mlp_p(ks[1], edge_dim, hidden_dim, hidden_dim),
        "msg_net": _lin(ks[2], hidden_dim, hidden_dim),
        "centroid": _lin(ks[3], node_dim, hidden_dim),
        "ln_g": jnp.ones((hidden_dim,), jnp.float32),
        "ln_b": jnp.zeros((hidden_dim,), jnp.float32),
        "out": _lin(ks[4], hidden_dim, node_dim),
    }


def _bond_ffn_p(key, bond_dim, node_dim, inter_dim):
    ks = jax.random.split(key, 3)
    return {
        "bond_lin": _lin(ks[0], bond_dim, inter_dim, bias=False),
        "node_lin": _lin(ks[1], node_dim, inter_dim, bias=False),
        "inter": _mlp_p(ks[2], inter_dim, bond_dim, inter_dim),
    }


def _bond_block_p(key, bond_dim, node_dim, inter_dim):
    ks = jax.random.split(key, 6)
    return {
        "ffn_l": _bond_ffn_p(ks[0], bond_dim, node_dim, inter_dim),
        "ffn_r": _bond_ffn_p(ks[1], bond_dim, node_dim, inter_dim),
        "node_ffn_l": _lin(ks[2], node_dim, bond_dim),
        "node_ffn_r": _lin(ks[3], node_dim, bond_dim),
        "self_ffn": _lin(ks[4], bond_dim, bond_dim),
        "ln_g": jnp.ones((bond_dim,), jnp.float32),
        "ln_b": jnp.zeros((bond_dim,), jnp.float32),
        "out": _lin(ks[5], bond_dim, bond_dim),
    }


def setup_inputs(seed: int = 0):
    key = jax.random.key(seed)
    ks = jax.random.split(key, 10)
    h_node = jax.random.normal(ks[0], (N_NODES, NODE_DIM), jnp.float32)
    pos_node = jax.random.normal(ks[1], (N_NODES, 3), jnp.float32) * 3.0
    h_bond = jax.random.normal(ks[2], (N_EDGES, BOND_DIM), jnp.float32)
    bond_index = jax.random.randint(ks[3], (2, N_EDGES), 0, N_NODES, dtype=jnp.int32)
    batch = jnp.zeros((N_NODES,), jnp.int32)
    is_mol = jnp.ones((N_NODES,), jnp.bool_)
    is_frag = jnp.ones((N_NODES,), jnp.bool_)
    params = {
        "lin_node": _lin(ks[4], NODE_DIM, NODE_DIM),
        "edge_emb": _lin(ks[5], NUM_GAUSS, EDGE_DIM),
        "nbe": [_node_block_p(jax.random.fold_in(ks[6], i), NODE_DIM, EDGE_DIM, HIDDEN_DIM) for i in range(NUM_BLOCKS)],
        "nbb": [_node_block_p(jax.random.fold_in(ks[7], i), NODE_DIM, BOND_DIM, HIDDEN_DIM) for i in range(NUM_BLOCKS)],
        "bb": [_bond_block_p(jax.random.fold_in(ks[8], i), BOND_DIM, NODE_DIM, INTER_DIM) for i in range(NUM_BLOCKS)],
    }
    return {"h_node": h_node, "pos_node": pos_node, "h_bond": h_bond, "bond_index": bond_index,
            "batch": batch, "is_mol": is_mol, "is_frag": is_frag, "params": params}


def _layer_norm(x, g, b):
    m = jnp.mean(x, -1, keepdims=True)
    v = jnp.var(x, -1, keepdims=True)
    return (x - m) / jnp.sqrt(v + 1e-5) * g + b


def _apply_lin(p, x):
    y = x @ p["W"]
    if "b" in p:
        y = y + p["b"]
    return y


def _apply_mlp(p, x):
    return _apply_lin(p["l2"], jax.nn.relu(_apply_lin(p["l1"], x)))


def _gaussian_smearing(d):
    offset = jnp.linspace(0.0, CUTOFF, NUM_GAUSS)
    coeff = -0.5 / (offset[1] - offset[0]) ** 2
    return jnp.exp(coeff * (d[:, None] - offset[None, :]) ** 2)


def _node_block(p, x, row, col, edge_attr, n_nodes):
    h_n = _apply_mlp(p["node_net"], x)
    h_e = _apply_mlp(p["edge_net"], edge_attr)
    msg = _apply_lin(p["msg_net"], h_e * h_n[col])
    aggr = jax.ops.segment_sum(msg, row, num_segments=n_nodes)
    out = _apply_lin(p["centroid"], x) + aggr
    out = _layer_norm(out, p["ln_g"], p["ln_b"])
    return _apply_lin(p["out"], jax.nn.relu(out))


def _bond_ffn(p, bond_in, node_in):
    inter = _apply_lin(p["bond_lin"], bond_in) * _apply_lin(p["node_lin"], node_in)
    return _apply_mlp(p["inter"], inter)


def _bond_block(p, h_bond, left, right, h_node, n_nodes):
    m_l = _bond_ffn(p["ffn_l"], h_bond, h_node[left])
    m_l = jax.ops.segment_sum(m_l, right, num_segments=n_nodes)[left]
    m_r = _bond_ffn(p["ffn_r"], h_bond, h_node[right])
    m_r = jax.ops.segment_sum(m_r, left, num_segments=n_nodes)[right]
    hb = (m_l + m_r + _apply_lin(p["node_ffn_l"], h_node[left])
          + _apply_lin(p["node_ffn_r"], h_node[right]) + _apply_lin(p["self_ffn"], h_bond))
    hb = _layer_norm(hb, p["ln_g"], p["ln_b"])
    return _apply_lin(p["out"], jax.nn.relu(hb))


def _forward(h_node, pos_node, h_bond, bond_index, params):
    n_nodes = h_node.shape[0]
    row, col = bond_index[0], bond_index[1]
    vec = pos_node[row] - pos_node[col]
    dist = jnp.sqrt(jnp.sum(vec * vec, axis=-1) + 1e-8)
    edge_attr = _apply_lin(params["edge_emb"], _gaussian_smearing(dist))
    h = _apply_lin(params["lin_node"], h_node)
    hb = h_bond
    for i in range(NUM_BLOCKS):
        h = h + _node_block(params["nbe"][i], h, row, col, edge_attr, n_nodes)
        hb = hb + _bond_block(params["bb"][i], hb, row, col, h, n_nodes)
        h = h + _node_block(params["nbb"][i], h, row, col, hb, n_nodes)
    return h, hb


def reference(h_node, pos_node, h_bond, bond_index, batch, is_mol, is_frag, params):
    return _forward(h_node, pos_node, h_bond, bond_index, params)

if __name__ == "__main__":
    import jax
    _d = setup_inputs()
    print(jax.jit(kernel)(*tuple(_d.values())))

</pallas_src>

<mosaic_0001>
#map = affine_map<(d0, d1) -> (0, 0)>
#map1 = affine_map<(d0, d1) -> (0)>
module attributes {stable_mosaic.version = 14 : i64} {
  func.func @k(%arg0: i32, %arg1: i32, %arg2: memref<10000x16xf32, #tpu.memory_space<hbm>>, %arg3: memref<10000x16xf32, #tpu.memory_space<hbm>>, %arg4: memref<160000xi32, #tpu.memory_space<hbm>>, %arg5: memref<160000xi32, #tpu.memory_space<hbm>>, %arg6: memref<160000x16xf32, #tpu.memory_space<hbm>>, %arg7: memref<160000x16xf32, #tpu.memory_space<hbm>>, %arg8: memref<128xi32, #tpu.memory_space<vmem>>, %arg9: memref<128x16xf32, #tpu.memory_space<vmem>>, %arg10: memref<!tpu.dma_semaphore, #tpu.memory_space<semaphore_mem>>, %arg11: memref<128xi32, #tpu.memory_space<vmem>>, %arg12: memref<128x16xf32, #tpu.memory_space<vmem>>, %arg13: memref<!tpu.dma_semaphore, #tpu.memory_space<semaphore_mem>>) attributes {dimension_semantics = [#tpu.dimension_semantics<core_parallel>, #tpu.dimension_semantics<subcore_parallel>], iteration_bounds = array<i64: 2, 16>, scalar_prefetch = 0 : i64, scratch_operands = 6 : i64, tpu.core_type = #tpu.core_type<sc_vector_subcore>, window_params = [{transform_indices = #map}, {transform_indices = #map}, {transform_indices = #map1}, {transform_indices = #map1}, {transform_indices = #map}, {transform_indices = #map}]} {
    %mul3A = arith.constant 2 : i32
    %mul3A_0 = arith.muli %arg1, %mul3A : i32
    %add3A = arith.addi %mul3A_0, %arg0 : i32
    %scan3A = arith.constant 0 : i32
    %scan3A_1 = arith.constant 0 : i32
    %scan3A_2 = arith.constant 40 : i32
    %scan3A_3 = arith.addi %scan3A_1, %scan3A_2 : i32
    %scan3A_4 = arith.constant 1 : i32
    %scan3A_5 = scf.for %scan3A_7 = %scan3A_1 to %scan3A_3 step %scan3A_4 iter_args(%scan3A_8 = %scan3A) -> (i32)  : i32 {
      %mul3A_9 = arith.constant 32 : i32
      %mul3A_10 = arith.muli %scan3A_7, %mul3A_9 : i32
      %add3A_11 = arith.addi %add3A, %mul3A_10 : i32
      %lt3A = arith.constant 1250 : i32
      %lt3A_12 = arith.cmpi slt, %add3A_11, %lt3A : i32
      %convert_element_type3A = arith.extui %lt3A_12 : i1 to i32
      %cond3A = arith.constant 0 : i32
      %cond3A_13 = arith.cmpi ne, %convert_element_type3A, %cond3A : i32
      scf.if %cond3A_13 {
        %mul3A_15 = arith.constant 128 : i32
        %mul3A_16 = arith.muli %add3A_11, %mul3A_15 : i32
        %dma_start3A = tpu.memref_slice %arg4[%mul3A_16] : memref<160000xi32, #tpu.memory_space<hbm>> -> memref<128xi32, #tpu.memory_space<hbm>>
        %dma_start3A_17 = tpu.memref_slice %arg4[%mul3A_16] : memref<160000xi32, #tpu.memory_space<hbm>> -> memref<128xi32, #tpu.memory_space<hbm>>
        tpu.enqueue_dma source(%dma_start3A_17 : memref<128xi32, #tpu.memory_space<hbm>>) target(%arg8 : memref<128xi32, #tpu.memory_space<vmem>>) target_semaphore(%arg10 : memref<!tpu.dma_semaphore, #tpu.memory_space<semaphore_mem>>)
        %dma_start3A_18 = tpu.memref_slice %arg5[%mul3A_16] : memref<160000xi32, #tpu.memory_space<hbm>> -> memref<128xi32, #tpu.memory_space<hbm>>
        %dma_start3A_19 = tpu.memref_slice %arg5[%mul3A_16] : memref<160000xi32, #tpu.memory_space<hbm>> -> memref<128xi32, #tpu.memory_space<hbm>>
        tpu.enqueue_dma source(%dma_start3A_19 : memref<128xi32, #tpu.memory_space<hbm>>) target(%arg11 : memref<128xi32, #tpu.memory_space<vmem>>) target_semaphore(%arg13 : memref<!tpu.dma_semaphore, #tpu.memory_space<semaphore_mem>>)
        %dma_wait3A = tpu.memref_slice %arg4[%mul3A_16] : memref<160000xi32, #tpu.memory_space<hbm>> -> memref<128xi32, #tpu.memory_space<hbm>>
        %dma_wait3A_20 = tpu.memref_slice %arg4[%mul3A_16] : memref<160000xi32, #tpu.memory_space<hbm>> -> memref<128xi32, #tpu.memory_space<hbm>>
        tpu.wait_dma2 semaphore(%arg10 : memref<!tpu.dma_semaphore, #tpu.memory_space<semaphore_mem>>) src(%dma_wait3A_20 : memref<128xi32, #tpu.memory_space<hbm>>) dst(%arg8 : memref<128xi32, #tpu.memory_space<vmem>>)
        %dma_start3A_21 = arith.constant 0 : i32
        %dma_start3A_22 = arith.constant 0 : i32
        %dma_start3A_23 = tpu.memref_slice %arg2[%dma_start3A_21, %dma_start3A_22] : memref<10000x16xf32, #tpu.memory_space<hbm>> -> memref<10000x16xf32, #tpu.memory_space<hbm>>
        tpu.enqueue_indirect_dma source(%dma_start3A_23 : memref<10000x16xf32, #tpu.memory_space<hbm>>) target(%arg9 : memref<128x16xf32, #tpu.memory_space<vmem>>) offsets(%arg8 : memref<128xi32, #tpu.memory_space<vmem>>) semaphore(%arg10 : memref<!tpu.dma_semaphore, #tpu.memory_space<semaphore_mem>>)
        %dma_wait3A_24 = tpu.memref_slice %arg5[%mul3A_16] : memref<160000xi32, #tpu.memory_space<hbm>> -> memref<128xi32, #tpu.memory_space<hbm>>
        %dma_wait3A_25 = tpu.memref_slice %arg5[%mul3A_16] : memref<160000xi32, #tpu.memory_space<hbm>> -> memref<128xi32, #tpu.memory_space<hbm>>
        tpu.wait_dma2 semaphore(%arg13 : memref<!tpu.dma_semaphore, #tpu.memory_space<semaphore_mem>>) src(%dma_wait3A_25 : memref<128xi32, #tpu.memory_space<hbm>>) dst(%arg11 : memref<128xi32, #tpu.memory_space<vmem>>)
        %dma_start3A_26 = arith.constant 0 : i32
        %dma_start3A_27 = arith.constant 0 : i32
        %dma_start3A_28 = tpu.memref_slice %arg3[%dma_start3A_26, %dma_start3A_27] : memref<10000x16xf32, #tpu.memory_space<hbm>> -> memref<10000x16xf32, #tpu.memory_space<hbm>>
        tpu.enqueue_indirect_dma source(%dma_start3A_28 : memref<10000x16xf32, #tpu.memory_space<hbm>>) target(%arg12 : memref<128x16xf32, #tpu.memory_space<vmem>>) offsets(%arg11 : memref<128xi32, #tpu.memory_space<vmem>>) semaphore(%arg13 : memref<!tpu.dma_semaphore, #tpu.memory_space<semaphore_mem>>)
        %dma_wait3A_29 = arith.constant 0 : i32
        %dma_wait3A_30 = arith.constant 0 : i32
        %dma_wait3A_31 = tpu.memref_slice %arg2[%dma_wait3A_29, %dma_wait3A_30] : memref<10000x16xf32, #tpu.memory_space<hbm>> -> memref<10000x16xf32, #tpu.memory_space<hbm>>
        tpu.wait_indirect_dma semaphore(%arg10 : memref<!tpu.dma_semaphore, #tpu.memory_space<semaphore_mem>>) src(%dma_wait3A_31 : memref<10000x16xf32, #tpu.memory_space<hbm>>) dst(%arg9 : memref<128x16xf32, #tpu.memory_space<vmem>>)
        %dma_start3A_32 = arith.constant 0 : i32
        %dma_start3A_33 = tpu.memref_slice %arg6[%mul3A_16, %dma_start3A_32] : memref<160000x16xf32, #tpu.memory_space<hbm>> -> memref<128x16xf32, #tpu.memory_space<hbm>>
        %dma_start3A_34 = arith.constant 0 : i32
        %dma_start3A_35 = tpu.memref_slice %arg6[%mul3A_16, %dma_start3A_34] : memref<160000x16xf32, #tpu.memory_space<hbm>> -> memref<128x16xf32, #tpu.memory_space<hbm>>
        tpu.enqueue_dma source(%arg9 : memref<128x16xf32, #tpu.memory_space<vmem>>) target(%dma_start3A_35 : memref<128x16xf32, #tpu.memory_space<hbm>>) target_semaphore(%arg10 : memref<!tpu.dma_semaphore, #tpu.memory_space<semaphore_mem>>)
        %dma_wait3A_36 = arith.constant 0 : i32
        %dma_wait3A_37 = arith.constant 0 : i32
        %dma_wait3A_38 = tpu.memref_slice %arg3[%dma_wait3A_36, %dma_wait3A_37] : memref<10000x16xf32, #tpu.memory_space<hbm>> -> memref<10000x16xf32, #tpu.memory_space<hbm>>
        tpu.wait_indirect_dma semaphore(%arg13 : memref<!tpu.dma_semaphore, #tpu.memory_space<semaphore_mem>>) src(%dma_wait3A_38 : memref<10000x16xf32, #tpu.memory_space<hbm>>) dst(%arg12 : memref<128x16xf32, #tpu.memory_space<vmem>>)
        %dma_start3A_39 = arith.constant 0 : i32
        %dma_start3A_40 = tpu.memref_slice %arg7[%mul3A_16, %dma_start3A_39] : memref<160000x16xf32, #tpu.memory_space<hbm>> -> memref<128x16xf32, #tpu.memory_space<hbm>>
        %dma_start3A_41 = arith.constant 0 : i32
        %dma_start3A_42 = tpu.memref_slice %arg7[%mul3A_16, %dma_start3A_41] : memref<160000x16xf32, #tpu.memory_space<hbm>> -> memref<128x16xf32, #tpu.memory_space<hbm>>
        tpu.enqueue_dma source(%arg12 : memref<128x16xf32, #tpu.memory_space<vmem>>) target(%dma_start3A_42 : memref<128x16xf32, #tpu.memory_space<hbm>>) target_semaphore(%arg13 : memref<!tpu.dma_semaphore, #tpu.memory_space<semaphore_mem>>)
        %dma_wait3A_43 = arith.constant 0 : i32
        %dma_wait3A_44 = tpu.memref_slice %arg6[%mul3A_16, %dma_wait3A_43] : memref<160000x16xf32, #tpu.memory_space<hbm>> -> memref<128x16xf32, #tpu.memory_space<hbm>>
        %dma_wait3A_45 = arith.constant 0 : i32
        %dma_wait3A_46 = tpu.memref_slice %arg6[%mul3A_16, %dma_wait3A_45] : memref<160000x16xf32, #tpu.memory_space<hbm>> -> memref<128x16xf32, #tpu.memory_space<hbm>>
        tpu.wait_dma2 semaphore(%arg10 : memref<!tpu.dma_semaphore, #tpu.memory_space<semaphore_mem>>) src(%arg9 : memref<128x16xf32, #tpu.memory_space<vmem>>) dst(%dma_wait3A_46 : memref<128x16xf32, #tpu.memory_space<hbm>>)
        %dma_wait3A_47 = arith.constant 0 : i32
        %dma_wait3A_48 = tpu.memref_slice %arg7[%mul3A_16, %dma_wait3A_47] : memref<160000x16xf32, #tpu.memory_space<hbm>> -> memref<128x16xf32, #tpu.memory_space<hbm>>
        %dma_wait3A_49 = arith.constant 0 : i32
        %dma_wait3A_50 = tpu.memref_slice %arg7[%mul3A_16, %dma_wait3A_49] : memref<160000x16xf32, #tpu.memory_space<hbm>> -> memref<128x16xf32, #tpu.memory_space<hbm>>
        tpu.wait_dma2 semaphore(%arg13 : memref<!tpu.dma_semaphore, #tpu.memory_space<semaphore_mem>>) src(%arg12 : memref<128x16xf32, #tpu.memory_space<vmem>>) dst(%dma_wait3A_50 : memref<128x16xf32, #tpu.memory_space<hbm>>)
      } else {
      }
      %scan3A_14 = arith.constant 0 : i32
      scf.yield %scan3A_14 : i32
    }
    %scan3A_6 = arith.constant 40 : i32
    return
  }
}

#map = affine_map<(d0, d1) -> (0, 0)>
#map1 = affine_map<(d0, d1) -> (0)>
module attributes {stable_mosaic.version = 14 : i64} {
  func.func @k(%arg0: i32, %arg1: i32, %arg2: memref<10000x128xf32, #tpu.memory_space<hbm>>, %arg3: memref<160000xi32, #tpu.memory_space<hbm>>, %arg4: memref<160000x128xf32, #tpu.memory_space<hbm>>, %arg5: memref<128xi32, #tpu.memory_space<vmem>>, %arg6: memref<128x128xf32, #tpu.memory_space<vmem>>, %arg7: memref<!tpu.dma_semaphore, #tpu.memory_space<semaphore_mem>>) attributes {dimension_semantics = [#tpu.dimension_semantics<core_parallel>, #tpu.dimension_semantics<subcore_parallel>], iteration_bounds = array<i64: 2, 16>, scalar_prefetch = 0 : i64, scratch_operands = 3 : i64, tpu.core_type = #tpu.core_type<sc_vector_subcore>, window_params = [{transform_indices = #map}, {transform_indices = #map1}, {transform_indices = #map}]} {
    %mul3A = arith.constant 2 : i32
    %mul3A_0 = arith.muli %arg1, %mul3A : i32
    %add3A = arith.addi %mul3A_0, %arg0 : i32
    %scan3A = arith.constant 0 : i32
    %scan3A_1 = arith.constant 0 : i32
    %scan3A_2 = arith.constant 40 : i32
    %scan3A_3 = arith.addi %scan3A_1, %scan3A_2 : i32
    %scan3A_4 = arith.constant 1 : i32
    %scan3A_5 = scf.for %scan3A_7 = %scan3A_1 to %scan3A_3 step %scan3A_4 iter_args(%scan3A_8 = %scan3A) -> (i32)  : i32 {
      %mul3A_9 = arith.constant 32 : i32
      %mul3A_10 = arith.muli %scan3A_7, %mul3A_9 : i32
      %add3A_11 = arith.addi %add3A, %mul3A_10 : i32
      %lt3A = arith.constant 1250 : i32
      %lt3A_12 = arith.cmpi slt, %add3A_11, %lt3A : i32
      %convert_element_type3A = arith.extui %lt3A_12 : i1 to i32
      %cond3A = arith.constant 0 : i32
      %cond3A_13 = arith.cmpi ne, %convert_element_type3A, %cond3A : i32
      scf.if %cond3A_13 {
        %mul3A_15 = arith.constant 128 : i32
        %mul3A_16 = arith.muli %add3A_11, %mul3A_15 : i32
        %dma_start3A = tpu.memref_slice %arg3[%mul3A_16] : memref<160000xi32, #tpu.memory_space<hbm>> -> memref<128xi32, #tpu.memory_space<hbm>>
        %dma_start3A_17 = tpu.memref_slice %arg3[%mul3A_16] : memref<160000xi32, #tpu.memory_space<hbm>> -> memref<128xi32, #tpu.memory_space<hbm>>
        tpu.enqueue_dma source(%dma_start3A_17 : memref<128xi32, #tpu.memory_space<hbm>>) target(%arg5 : memref<128xi32, #tpu.memory_space<vmem>>) target_semaphore(%arg7 : memref<!tpu.dma_semaphore, #tpu.memory_space<semaphore_mem>>)
        %dma_wait3A = tpu.memref_slice %arg3[%mul3A_16] : memref<160000xi32, #tpu.memory_space<hbm>> -> memref<128xi32, #tpu.memory_space<hbm>>
        %dma_wait3A_18 = tpu.memref_slice %arg3[%mul3A_16] : memref<160000xi32, #tpu.memory_space<hbm>> -> memref<128xi32, #tpu.memory_space<hbm>>
        tpu.wait_dma2 semaphore(%arg7 : memref<!tpu.dma_semaphore, #tpu.memory_space<semaphore_mem>>) src(%dma_wait3A_18 : memref<128xi32, #tpu.memory_space<hbm>>) dst(%arg5 : memref<128xi32, #tpu.memory_space<vmem>>)
        %dma_start3A_19 = arith.constant 0 : i32
        %dma_start3A_20 = arith.constant 0 : i32
        %dma_start3A_21 = tpu.memref_slice %arg2[%dma_start3A_19, %dma_start3A_20] : memref<10000x128xf32, #tpu.memory_space<hbm>> -> memref<10000x128xf32, #tpu.memory_space<hbm>>
        tpu.enqueue_indirect_dma source(%dma_start3A_21 : memref<10000x128xf32, #tpu.memory_space<hbm>>) target(%arg6 : memref<128x128xf32, #tpu.memory_space<vmem>>) offsets(%arg5 : memref<128xi32, #tpu.memory_space<vmem>>) semaphore(%arg7 : memref<!tpu.dma_semaphore, #tpu.memory_space<semaphore_mem>>)
        %dma_wait3A_22 = arith.constant 0 : i32
        %dma_wait3A_23 = arith.constant 0 : i32
        %dma_wait3A_24 = tpu.memref_slice %arg2[%dma_wait3A_22, %dma_wait3A_23] : memref<10000x128xf32, #tpu.memory_space<hbm>> -> memref<10000x128xf32, #tpu.memory_space<hbm>>
        tpu.wait_indirect_dma semaphore(%arg7 : memref<!tpu.dma_semaphore, #tpu.memory_space<semaphore_mem>>) src(%dma_wait3A_24 : memref<10000x128xf32, #tpu.memory_space<hbm>>) dst(%arg6 : memref<128x128xf32, #tpu.memory_space<vmem>>)
        %dma_start3A_25 = arith.constant 0 : i32
        %dma_start3A_26 = tpu.memref_slice %arg4[%mul3A_16, %dma_start3A_25] : memref<160000x128xf32, #tpu.memory_space<hbm>> -> memref<128x128xf32, #tpu.memory_space<hbm>>
        %dma_start3A_27 = arith.constant 0 : i32
        %dma_start3A_28 = tpu.memref_slice %arg4[%mul3A_16, %dma_start3A_27] : memref<160000x128xf32, #tpu.memory_space<hbm>> -> memref<128x128xf32, #tpu.memory_space<hbm>>
        tpu.enqueue_dma source(%arg6 : memref<128x128xf32, #tpu.memory_space<vmem>>) target(%dma_start3A_28 : memref<128x128xf32, #tpu.memory_space<hbm>>) target_semaphore(%arg7 : memref<!tpu.dma_semaphore, #tpu.memory_space<semaphore_mem>>)
        %dma_wait3A_29 = arith.constant 0 : i32
        %dma_wait3A_30 = tpu.memref_slice %arg4[%mul3A_16, %dma_wait3A_29] : memref<160000x128xf32, #tpu.memory_space<hbm>> -> memref<128x128xf32, #tpu.memory_space<hbm>>
        %dma_wait3A_31 = arith.constant 0 : i32
        %dma_wait3A_32 = tpu.memref_slice %arg4[%mul3A_16, %dma_wait3A_31] : memref<160000x128xf32, #tpu.memory_space<hbm>> -> memref<128x128xf32, #tpu.memory_space<hbm>>
        tpu.wait_dma2 semaphore(%arg7 : memref<!tpu.dma_semaphore, #tpu.memory_space<semaphore_mem>>) src(%arg6 : memref<128x128xf32, #tpu.memory_space<vmem>>) dst(%dma_wait3A_32 : memref<128x128xf32, #tpu.memory_space<hbm>>)
      } else {
      }
      %scan3A_14 = arith.constant 0 : i32
      scf.yield %scan3A_14 : i32
    }
    %scan3A_6 = arith.constant 40 : i32
    return
  }
}

#map = affine_map<(d0, d1) -> (0, 0)>
#map1 = affine_map<(d0, d1) -> (0)>
#map2 = affine_map<(d0, d1) -> (0, 0, 0)>
module attributes {stable_mosaic.version = 14 : i64} {
  func.func @k(%arg0: i32, %arg1: i32, %arg2: memref<160000x128xf32, #tpu.memory_space<hbm>>, %arg3: memref<160000xi32, #tpu.memory_space<hbm>>, %arg4: memref<2x10000x128xf32, #tpu.memory_space<hbm>>, %arg5: memref<128xi32, #tpu.memory_space<vmem>>, %arg6: memref<128x128xf32, #tpu.memory_space<vmem>>, %arg7: memref<128xi32, #tpu.memory_space<vmem>>, %arg8: memref<128x128xf32, #tpu.memory_space<vmem>>, %arg9: memref<!tpu.dma_semaphore, #tpu.memory_space<semaphore_mem>>, %arg10: memref<!tpu.dma_semaphore, #tpu.memory_space<semaphore_mem>>, %arg11: memref<80x128xf32, #tpu.memory_space<vmem>>, %arg12: memref<10000x128xf32, #tpu.memory_space<vmem_shared>>) attributes {dimension_semantics = [#tpu.dimension_semantics<core_parallel>, #tpu.dimension_semantics<subcore_parallel>], iteration_bounds = array<i64: 2, 16>, scalar_prefetch = 0 : i64, scratch_operands = 8 : i64, tpu.core_type = #tpu.core_type<sc_vector_subcore>, window_params = [{transform_indices = #map}, {transform_indices = #map1}, {transform_indices = #map2}]} {
    %mul3A = arith.constant 2 : i32
    %mul3A_0 = arith.muli %arg1, %mul3A : i32
    %add3A = arith.addi %mul3A_0, %arg0 : i32
    %scan3A = arith.constant 0 : i32
    %scan3A_1 = arith.constant 0 : i32
    %scan3A_2 = arith.constant 80 : i32
    %scan3A_3 = arith.addi %scan3A_1, %scan3A_2 : i32
    %scan3A_4 = arith.constant 1 : i32
    %scan3A_5 = scf.for %scan3A_29 = %scan3A_1 to %scan3A_3 step %scan3A_4 iter_args(%scan3A_30 = %scan3A) -> (i32)  : i32 {
      %scan3A_31 = arith.constant 0 : i32
      %scan3A_32 = arith.constant 0 : i32
      %scan3A_33 = arith.constant 8 : i32
      %scan3A_34 = arith.addi %scan3A_32, %scan3A_33 : i32
      %scan3A_35 = arith.constant 1 : i32
      %scan3A_36 = scf.for %scan3A_39 = %scan3A_32 to %scan3A_34 step %scan3A_35 iter_args(%scan3A_40 = %scan3A_31) -> (i32)  : i32 {
        %broadcast_in_dim3A = arith.constant 0.000000e+00 : f32
        %broadcast_in_dim3A_41 = vector.broadcast %broadcast_in_dim3A : f32 to vector<16xf32>
        %mul3A_42 = arith.constant 16 : i32
        %mul3A_43 = arith.muli %scan3A_39, %mul3A_42 : i32
        %swap3A = arith.index_cast %scan3A_29 : i32 to index
        %swap3A_44 = arith.index_cast %mul3A_43 : i32 to index
        %swap3A_45 = tpu.vector_load %arg11[%swap3A, %swap3A_44] {strides = array<i32>} : memref<80x128xf32, #tpu.memory_space<vmem>>, vector<1x16xf32>,
        %swap3A_46 = vector.shape_cast %swap3A_45 : vector<1x16xf32> to vector<16xf32>
        %swap3A_47 = vector.shape_cast %broadcast_in_dim3A_41 : vector<16xf32> to vector<1x16xf32>
        tpu.vector_store %arg11[%swap3A, %swap3A_44], %swap3A_47 {strides = array<i32>} : memref<80x128xf32, #tpu.memory_space<vmem>>, vector<1x16xf32>,
        %scan3A_48 = arith.constant 0 : i32
        scf.yield %scan3A_48 : i32
      }
      %scan3A_37 = arith.constant 8 : i32
      %scan3A_38 = arith.constant 0 : i32
      scf.yield %scan3A_38 : i32
    }
    %scan3A_6 = arith.constant 80 : i32
    %scan3A_7 = arith.constant 0 : i32
    %scan3A_8 = arith.constant 0 : i32
    %scan3A_9 = arith.constant 8 : i32
    %scan3A_10 = arith.addi %scan3A_8, %scan3A_9 : i32
    %scan3A_11 = arith.constant 1 : i32
    %scan3A_12 = scf.for %scan3A_29 = %scan3A_8 to %scan3A_10 step %scan3A_11 iter_args(%scan3A_30 = %scan3A_7) -> (i32)  : i32 {
      %mul3A_31 = arith.constant 16 : i32
      %mul3A_32 = arith.muli %scan3A_29, %mul3A_31 : i32
      %add3A_33 = arith.addi %arg1, %mul3A_32 : i32
      %lt3A = arith.constant 125 : i32
      %lt3A_34 = arith.cmpi slt, %add3A_33, %lt3A : i32
      %convert_element_type3A = arith.extui %lt3A_34 : i1 to i32
      %cond3A = arith.constant 0 : i32
      %cond3A_35 = arith.cmpi ne, %convert_element_type3A, %cond3A : i32
      scf.if %cond3A_35 {
        %mul3A_37 = arith.constant 80 : i32
        %mul3A_38 = arith.muli %add3A_33, %mul3A_37 : i32
        "tpu.region"() ({
          %run_scoped3A = tpu.sem_alloc : memref<!tpu.dma_semaphore, #tpu.memory_space<semaphore_mem>>
          %dma_start3A = arith.constant 0 : i32
          %dma_start3A_39 = tpu.memref_slice %arg12[%mul3A_38, %dma_start3A] : memref<10000x128xf32, #tpu.memory_space<vmem_shared>> -> memref<80x128xf32, #tpu.memory_space<vmem_shared>>
          %dma_start3A_40 = arith.constant 0 : i32
          %dma_start3A_41 = tpu.memref_slice %arg12[%mul3A_38, %dma_start3A_40] : memref<10000x128xf32, #tpu.memory_space<vmem_shared>> -> memref<80x128xf32, #tpu.memory_space<vmem_shared>>
          tpu.enqueue_dma source(%arg11 : memref<80x128xf32, #tpu.memory_space<vmem>>) target(%dma_start3A_41 : memref<80x128xf32, #tpu.memory_space<vmem_shared>>) target_semaphore(%run_scoped3A : memref<!tpu.dma_semaphore, #tpu.memory_space<semaphore_mem>>)
          %dma_wait3A = arith.constant 0 : i32
          %dma_wait3A_42 = tpu.memref_slice %arg12[%mul3A_38, %dma_wait3A] : memref<10000x128xf32, #tpu.memory_space<vmem_shared>> -> memref<80x128xf32, #tpu.memory_space<vmem_shared>>
          %dma_wait3A_43 = arith.constant 0 : i32
          %dma_wait3A_44 = tpu.memref_slice %arg12[%mul3A_38, %dma_wait3A_43] : memref<10000x128xf32, #tpu.memory_space<vmem_shared>> -> memref<80x128xf32, #tpu.memory_space<vmem_shared>>
          tpu.wait_dma2 semaphore(%run_scoped3A : memref<!tpu.dma_semaphore, #tpu.memory_space<semaphore_mem>>) src(%arg11 : memref<80x128xf32, #tpu.memory_space<vmem>>) dst(%dma_wait3A_44 : memref<80x128xf32, #tpu.memory_space<vmem_shared>>)
          tpu.yield
        }) : () -> ()
      } else {
      }
      %scan3A_36 = arith.constant 0 : i32
      scf.yield %scan3A_36 : i32
    }
    %scan3A_13 = arith.constant 8 : i32
    %barrier3A = arith.constant 0 : index
    tpu.barrier barrier_id(%barrier3A)
    %scan3A_14 = arith.constant 0 : i32
    %scan3A_15 = arith.constant 0 : i32
    %scan3A_16 = arith.constant 20 : i32
    %scan3A_17 = arith.addi %scan3A_15, %scan3A_16 : i32
    %scan3A_18 = arith.constant 1 : i32
    %scan3A_19 = scf.for %scan3A_29 = %scan3A_15 to %scan3A_17 step %scan3A_18 iter_args(%scan3A_30 = %scan3A_14) -> (i32)  : i32 {
      %mul3A_31 = arith.constant 2 : i32
      %mul3A_32 = arith.muli %mul3A_31, %scan3A_29 : i32
      %add3A_33 = arith.constant 0 : i32
      %add3A_34 = arith.addi %mul3A_32, %add3A_33 : i32
      %mul3A_35 = arith.constant 32 : i32
      %mul3A_36 = arith.muli %add3A_34, %mul3A_35 : i32
      %add3A_37 = arith.addi %add3A, %mul3A_36 : i32
      %lt3A = arith.constant 1250 : i32
      %lt3A_38 = arith.cmpi slt, %add3A_37, %lt3A : i32
      %convert_element_type3A = arith.extui %lt3A_38 : i1 to i32
      %cond3A = arith.constant 0 : i32
      %cond3A_39 = arith.cmpi ne, %convert_element_type3A, %cond3A : i32
      scf.if %cond3A_39 {
        %mul3A_77 = arith.constant 128 : i32
        %mul3A_78 = arith.muli %add3A_37, %mul3A_77 : i32
        %dma_start3A = tpu.memref_slice %arg3[%mul3A_78] : memref<160000xi32, #tpu.memory_space<hbm>> -> memref<128xi32, #tpu.memory_space<hbm>>
        %dma_start3A_79 = tpu.memref_slice %arg3[%mul3A_78] : memref<160000xi32, #tpu.memory_space<hbm>> -> memref<128xi32, #tpu.memory_space<hbm>>
        tpu.enqueue_dma source(%dma_start3A_79 : memref<128xi32, #tpu.memory_space<hbm>>) target(%arg5 : memref<128xi32, #tpu.memory_space<vmem>>) target_semaphore(%arg9 : memref<!tpu.dma_semaphore, #tpu.memory_space<semaphore_mem>>)
        %dma_start3A_80 = arith.constant 0 : i32
        %dma_start3A_81 = tpu.memref_slice %arg2[%mul3A_78, %dma_start3A_80] : memref<160000x128xf32, #tpu.memory_space<hbm>> -> memref<128x128xf32, #tpu.memory_space<hbm>>
        %dma_start3A_82 = arith.constant 0 : i32
        %dma_start3A_83 = tpu.memref_slice %arg2[%mul3A_78, %dma_start3A_82] : memref<160000x128xf32, #tpu.memory_space<hbm>> -> memref<128x128xf32, #tpu.memory_space<hbm>>
        tpu.enqueue_dma source(%dma_start3A_83 : memref<128x128xf32, #tpu.memory_space<hbm>>) target(%arg6 : memref<128x128xf32, #tpu.memory_space<vmem>>) target_semaphore(%arg9 : memref<!tpu.dma_semaphore, #tpu.memory_space<semaphore_mem>>)
      } else {
      }
      %mul3A_40 = arith.constant 2 : i32
      %mul3A_41 = arith.muli %mul3A_40, %scan3A_29 : i32
      %add3A_42 = arith.constant 1 : i32
      %add3A_43 = arith.addi %mul3A_41, %add3A_42 : i32
      %mul3A_44 = arith.constant 32 : i32
      %mul3A_45 = arith.muli %add3A_43, %mul3A_44 : i32
      %add3A_46 = arith.addi %add3A, %mul3A_45 : i32
      %lt3A_47 = arith.constant 1250 : i32
      %lt3A_48 = arith.cmpi slt, %add3A_46, %lt3A_47 : i32
      %convert_element_type3A_49 = arith.extui %lt3A_48 : i1 to i32
      %cond3A_50 = arith.constant 0 : i32
      %cond3A_51 = arith.cmpi ne, %convert_element_type3A_49, %cond3A_50 : i32
      scf.if %cond3A_51 {
        %mul3A_77 = arith.constant 128 : i32
        %mul3A_78 = arith.muli %add3A_46, %mul3A_77 : i32
        %dma_start3A = tpu.memref_slice %arg3[%mul3A_78] : memref<160000xi32, #tpu.memory_space<hbm>> -> memref<128xi32, #tpu.memory_space<hbm>>
        %dma_start3A_79 = tpu.memref_slice %arg3[%mul3A_78] : memref<160000xi32, #tpu.memory_space<hbm>> -> memref<128xi32, #tpu.memory_space<hbm>>
        tpu.enqueue_dma source(%dma_start3A_79 : memref<128xi32, #tpu.memory_space<hbm>>) target(%arg7 : memref<128xi32, #tpu.memory_space<vmem>>) target_semaphore(%arg10 : memref<!tpu.dma_semaphore, #tpu.memory_space<semaphore_mem>>)
        %dma_start3A_80 = arith.constant 0 : i32
        %dma_start3A_81 = tpu.memref_slice %arg2[%mul3A_78, %dma_start3A_80] : memref<160000x128xf32, #tpu.memory_space<hbm>> -> memref<128x128xf32, #tpu.memory_space<hbm>>
        %dma_start3A_82 = arith.constant 0 : i32
        %dma_start3A_83 = tpu.memref_slice %arg2[%mul3A_78, %dma_start3A_82] : memref<160000x128xf32, #tpu.memory_space<hbm>> -> memref<128x128xf32, #tpu.memory_space<hbm>>
        tpu.enqueue_dma source(%dma_start3A_83 : memref<128x128xf32, #tpu.memory_space<hbm>>) target(%arg8 : memref<128x128xf32, #tpu.memory_space<vmem>>) target_semaphore(%arg10 : memref<!tpu.dma_semaphore, #tpu.memory_space<semaphore_mem>>)
      } else {
      }
      %mul3A_52 = arith.constant 2 : i32
      %mul3A_53 = arith.muli %mul3A_52, %scan3A_29 : i32
      %add3A_54 = arith.constant 0 : i32
      %add3A_55 = arith.addi %mul3A_53, %add3A_54 : i32
      %mul3A_56 = arith.constant 32 : i32
      %mul3A_57 = arith.muli %add3A_55, %mul3A_56 : i32
      %add3A_58 = arith.addi %add3A, %mul3A_57 : i32
      %lt3A_59 = arith.constant 1250 : i32
      %lt3A_60 = arith.cmpi slt, %add3A_58, %lt3A_59 : i32
      %convert_element_type3A_61 = arith.extui %lt3A_60 : i1 to i32
      %cond3A_62 = arith.constant 0 : i32
      %cond3A_63 = arith.cmpi ne, %convert_element_type3A_61, %cond3A_62 : i32
      scf.if %cond3A_63 {
        %mul3A_77 = arith.constant 128 : i32
        %mul3A_78 = arith.muli %add3A_58, %mul3A_77 : i32
        %dma_wait3A = tpu.memref_slice %arg3[%mul3A_78] : memref<160000xi32, #tpu.memory_space<hbm>> -> memref<128xi32, #tpu.memory_space<hbm>>
        %dma_wait3A_79 = tpu.memref_slice %arg3[%mul3A_78] : memref<160000xi32, #tpu.memory_space<hbm>> -> memref<128xi32, #tpu.memory_space<hbm>>
        tpu.wait_dma2 semaphore(%arg9 : memref<!tpu.dma_semaphore, #tpu.memory_space<semaphore_mem>>) src(%dma_wait3A_79 : memref<128xi32, #tpu.memory_space<hbm>>) dst(%arg5 : memref<128xi32, #tpu.memory_space<vmem>>)
        %dma_wait3A_80 = arith.constant 0 : i32
        %dma_wait3A_81 = tpu.memref_slice %arg2[%mul3A_78, %dma_wait3A_80] : memref<160000x128xf32, #tpu.memory_space<hbm>> -> memref<128x128xf32, #tpu.memory_space<hbm>>
        %dma_wait3A_82 = arith.constant 0 : i32
        %dma_wait3A_83 = tpu.memref_slice %arg2[%mul3A_78, %dma_wait3A_82] : memref<160000x128xf32, #tpu.memory_space<hbm>> -> memref<128x128xf32, #tpu.memory_space<hbm>>
        tpu.wait_dma2 semaphore(%arg9 : memref<!tpu.dma_semaphore, #tpu.memory_space<semaphore_mem>>) src(%dma_wait3A_83 : memref<128x128xf32, #tpu.memory_space<hbm>>) dst(%arg6 : memref<128x128xf32, #tpu.memory_space<vmem>>)
        "tpu.region"() ({
          %run_scoped3A = tpu.sem_alloc : memref<!tpu.dma_semaphore, #tpu.memory_space<semaphore_mem>>
          %dma_start3A = arith.constant 0 : i32
          %dma_start3A_84 = arith.constant 0 : i32
          %dma_start3A_85 = tpu.memref_slice %arg12[%dma_start3A, %dma_start3A_84] : memref<10000x128xf32, #tpu.memory_space<vmem_shared>> -> memref<10000x128xf32, #tpu.memory_space<vmem_shared>>
          tpu.enqueue_indirect_dma source(%arg6 : memref<128x128xf32, #tpu.memory_space<vmem>>) target(%dma_start3A_85 : memref<10000x128xf32, #tpu.memory_space<vmem_shared>>) offsets(%arg5 : memref<128xi32, #tpu.memory_space<vmem>>) semaphore(%run_scoped3A : memref<!tpu.dma_semaphore, #tpu.memory_space<semaphore_mem>>) {add = true}
          %dma_wait3A_86 = arith.constant 0 : i32
          %dma_wait3A_87 = arith.constant 0 : i32
          %dma_wait3A_88 = tpu.memref_slice %arg12[%dma_wait3A_86, %dma_wait3A_87] : memref<10000x128xf32, #tpu.memory_space<vmem_shared>> -> memref<10000x128xf32, #tpu.memory_space<vmem_shared>>
          tpu.wait_indirect_dma semaphore(%run_scoped3A : memref<!tpu.dma_semaphore, #tpu.memory_space<semaphore_mem>>) src(%arg6 : memref<128x128xf32, #tpu.memory_space<vmem>>) dst(%dma_wait3A_88 : memref<10000x128xf32, #tpu.memory_space<vmem_shared>>)
          tpu.yield
        }) : () -> ()
      } else {
      }
      %mul3A_64 = arith.constant 2 : i32
      %mul3A_65 = arith.muli %mul3A_64, %scan3A_29 : i32
      %add3A_66 = arith.constant 1 : i32
      %add3A_67 = arith.addi %mul3A_65, %add3A_66 : i32
      %mul3A_68 = arith.constant 32 : i32
      %mul3A_69 = arith.muli %add3A_67, %mul3A_68 : i32
      %add3A_70 = arith.addi %add3A, %mul3A_69 : i32
      %lt3A_71 = arith.constant 1250 : i32
      %lt3A_72 = arith.cmpi slt, %add3A_70, %lt3A_71 : i32
      %convert_element_type3A_73 = arith.extui %lt3A_72 : i1 to i32
      %cond3A_74 = arith.constant 0 : i32
      %cond3A_75 = arith.cmpi ne, %convert_element_type3A_73, %cond3A_74 : i32
      scf.if %cond3A_75 {
        %mul3A_77 = arith.constant 128 : i32
        %mul3A_78 = arith.muli %add3A_70, %mul3A_77 : i32
        %dma_wait3A = tpu.memref_slice %arg3[%mul3A_78] : memref<160000xi32, #tpu.memory_space<hbm>> -> memref<128xi32, #tpu.memory_space<hbm>>
        %dma_wait3A_79 = tpu.memref_slice %arg3[%mul3A_78] : memref<160000xi32, #tpu.memory_space<hbm>> -> memref<128xi32, #tpu.memory_space<hbm>>
        tpu.wait_dma2 semaphore(%arg10 : memref<!tpu.dma_semaphore, #tpu.memory_space<semaphore_mem>>) src(%dma_wait3A_79 : memref<128xi32, #tpu.memory_space<hbm>>) dst(%arg7 : memref<128xi32, #tpu.memory_space<vmem>>)
        %dma_wait3A_80 = arith.constant 0 : i32
        %dma_wait3A_81 = tpu.memref_slice %arg2[%mul3A_78, %dma_wait3A_80] : memref<160000x128xf32, #tpu.memory_space<hbm>> -> memref<128x128xf32, #tpu.memory_space<hbm>>
        %dma_wait3A_82 = arith.constant 0 : i32
        %dma_wait3A_83 = tpu.memref_slice %arg2[%mul3A_78, %dma_wait3A_82] : memref<160000x128xf32, #tpu.memory_space<hbm>> -> memref<128x128xf32, #tpu.memory_space<hbm>>
        tpu.wait_dma2 semaphore(%arg10 : memref<!tpu.dma_semaphore, #tpu.memory_space<semaphore_mem>>) src(%dma_wait3A_83 : memref<128x128xf32, #tpu.memory_space<hbm>>) dst(%arg8 : memref<128x128xf32, #tpu.memory_space<vmem>>)
        "tpu.region"() ({
          %run_scoped3A = tpu.sem_alloc : memref<!tpu.dma_semaphore, #tpu.memory_space<semaphore_mem>>
          %dma_start3A = arith.constant 0 : i32
          %dma_start3A_84 = arith.constant 0 : i32
          %dma_start3A_85 = tpu.memref_slice %arg12[%dma_start3A, %dma_start3A_84] : memref<10000x128xf32, #tpu.memory_space<vmem_shared>> -> memref<10000x128xf32, #tpu.memory_space<vmem_shared>>
          tpu.enqueue_indirect_dma source(%arg8 : memref<128x128xf32, #tpu.memory_space<vmem>>) target(%dma_start3A_85 : memref<10000x128xf32, #tpu.memory_space<vmem_shared>>) offsets(%arg7 : memref<128xi32, #tpu.memory_space<vmem>>) semaphore(%run_scoped3A : memref<!tpu.dma_semaphore, #tpu.memory_space<semaphore_mem>>) {add = true}
          %dma_wait3A_86 = arith.constant 0 : i32
          %dma_wait3A_87 = arith.constant 0 : i32
          %dma_wait3A_88 = tpu.memref_slice %arg12[%dma_wait3A_86, %dma_wait3A_87] : memref<10000x128xf32, #tpu.memory_space<vmem_shared>> -> memref<10000x128xf32, #tpu.memory_space<vmem_shared>>
          tpu.wait_indirect_dma semaphore(%run_scoped3A : memref<!tpu.dma_semaphore, #tpu.memory_space<semaphore_mem>>) src(%arg8 : memref<128x128xf32, #tpu.memory_space<vmem>>) dst(%dma_wait3A_88 : memref<10000x128xf32, #tpu.memory_space<vmem_shared>>)
          tpu.yield
        }) : () -> ()
      } else {
      }
      %scan3A_76 = arith.constant 0 : i32
      scf.yield %scan3A_76 : i32
    }
    %scan3A_20 = arith.constant 20 : i32
    %barrier3A_21 = arith.constant 0 : index
    tpu.barrier barrier_id(%barrier3A_21)
    %scan3A_22 = arith.constant 0 : i32
    %scan3A_23 = arith.constant 0 : i32
    %scan3A_24 = arith.constant 8 : i32
    %scan3A_25 = arith.addi %scan3A_23, %scan3A_24 : i32
    %scan3A_26 = arith.constant 1 : i32
    %scan3A_27 = scf.for %scan3A_29 = %scan3A_23 to %scan3A_25 step %scan3A_26 iter_args(%scan3A_30 = %scan3A_22) -> (i32)  : i32 {
      %mul3A_31 = arith.constant 16 : i32
      %mul3A_32 = arith.muli %scan3A_29, %mul3A_31 : i32
      %add3A_33 = arith.addi %arg1, %mul3A_32 : i32
      %lt3A = arith.constant 125 : i32
      %lt3A_34 = arith.cmpi slt, %add3A_33, %lt3A : i32
      %convert_element_type3A = arith.extui %lt3A_34 : i1 to i32
      %cond3A = arith.constant 0 : i32
      %cond3A_35 = arith.cmpi ne, %convert_element_type3A, %cond3A : i32
      scf.if %cond3A_35 {
        %mul3A_37 = arith.constant 80 : i32
        %mul3A_38 = arith.muli %add3A_33, %mul3A_37 : i32
        "tpu.region"() ({
          %run_scoped3A = tpu.sem_alloc : memref<!tpu.dma_semaphore, #tpu.memory_space<semaphore_mem>>
          %dma_start3A = arith.constant 0 : i32
          %dma_start3A_39 = tpu.memref_slice %arg12[%mul3A_38, %dma_start3A] : memref<10000x128xf32, #tpu.memory_space<vmem_shared>> -> memref<80x128xf32, #tpu.memory_space<vmem_shared>>
          %dma_start3A_40 = arith.constant 0 : i32
          %dma_start3A_41 = tpu.memref_slice %arg12[%mul3A_38, %dma_start3A_40] : memref<10000x128xf32, #tpu.memory_space<vmem_shared>> -> memref<80x128xf32, #tpu.memory_space<vmem_shared>>
          tpu.enqueue_dma source(%dma_start3A_41 : memref<80x128xf32, #tpu.memory_space<vmem_shared>>) target(%arg11 : memref<80x128xf32, #tpu.memory_space<vmem>>) target_semaphore(%run_scoped3A : memref<!tpu.dma_semaphore, #tpu.memory_space<semaphore_mem>>)
          %dma_wait3A = arith.constant 0 : i32
          %dma_wait3A_42 = tpu.memref_slice %arg12[%mul3A_38, %dma_wait3A] : memref<10000x128xf32, #tpu.memory_space<vmem_shared>> -> memref<80x128xf32, #tpu.memory_space<vmem_shared>>
          %dma_wait3A_43 = arith.constant 0 : i32
          %dma_wait3A_44 = tpu.memref_slice %arg12[%mul3A_38, %dma_wait3A_43] : memref<10000x128xf32, #tpu.memory_space<vmem_shared>> -> memref<80x128xf32, #tpu.memory_space<vmem_shared>>
          tpu.wait_dma2 semaphore(%run_scoped3A : memref<!tpu.dma_semaphore, #tpu.memory_space<semaphore_mem>>) src(%dma_wait3A_44 : memref<80x128xf32, #tpu.memory_space<vmem_shared>>) dst(%arg11 : memref<80x128xf32, #tpu.memory_space<vmem>>)
          tpu.yield
        }) : () -> ()
        "tpu.region"() ({
          %run_scoped3A = tpu.sem_alloc : memref<!tpu.dma_semaphore, #tpu.memory_space<semaphore_mem>>
          %dma_start3A = arith.constant 0 : i32
          %dma_start3A_39 = tpu.memref_slice %arg4[%arg0, %mul3A_38, %dma_start3A] : memref<2x10000x128xf32, #tpu.memory_space<hbm>> -> memref<1x80x128xf32, #tpu.memory_space<hbm>>
          %dma_start3A_40 = tpu.memref_squeeze %dma_start3A_39 : memref<1x80x128xf32, #tpu.memory_space<hbm>> -> memref<80x128xf32, #tpu.memory_space<hbm>>
          %dma_start3A_41 = arith.constant 0 : i32
          %dma_start3A_42 = tpu.memref_slice %arg4[%arg0, %mul3A_38, %dma_start3A_41] : memref<2x10000x128xf32, #tpu.memory_space<hbm>> -> memref<1x80x128xf32, #tpu.memory_space<hbm>>
          %dma_start3A_43 = tpu.memref_squeeze %dma_start3A_42 : memref<1x80x128xf32, #tpu.memory_space<hbm>> -> memref<80x128xf32, #tpu.memory_space<hbm>>
          tpu.enqueue_dma source(%arg11 : memref<80x128xf32, #tpu.memory_space<vmem>>) target(%dma_start3A_43 : memref<80x128xf32, #tpu.memory_space<hbm>>) target_semaphore(%run_scoped3A : memref<!tpu.dma_semaphore, #tpu.memory_space<semaphore_mem>>)
          %dma_wait3A = arith.constant 0 : i32
          %dma_wait3A_44 = tpu.memref_slice %arg4[%arg0, %mul3A_38, %dma_wait3A] : memref<2x10000x128xf32, #tpu.memory_space<hbm>> -> memref<1x80x128xf32, #tpu.memory_space<hbm>>
          %dma_wait3A_45 = tpu.memref_squeeze %dma_wait3A_44 : memref<1x80x128xf32, #tpu.memory_space<hbm>> -> memref<80x128xf32, #tpu.memory_space<hbm>>
          %dma_wait3A_46 = arith.constant 0 : i32
          %dma_wait3A_47 = tpu.memref_slice %arg4[%arg0, %mul3A_38, %dma_wait3A_46] : memref<2x10000x128xf32, #tpu.memory_space<hbm>> -> memref<1x80x128xf32, #tpu.memory_space<hbm>>
          %dma_wait3A_48 = tpu.memref_squeeze %dma_wait3A_47 : memref<1x80x128xf32, #tpu.memory_space<hbm>> -> memref<80x128xf32, #tpu.memory_space<hbm>>
          tpu.wait_dma2 semaphore(%run_scoped3A : memref<!tpu.dma_semaphore, #tpu.memory_space<semaphore_mem>>) src(%arg11 : memref<80x128xf32, #tpu.memory_space<vmem>>) dst(%dma_wait3A_48 : memref<80x128xf32, #tpu.memory_space<hbm>>)
          tpu.yield
        }) : () -> ()
      } else {
      }
      %scan3A_36 = arith.constant 0 : i32
      scf.yield %scan3A_36 : i32
    }
    %scan3A_28 = arith.constant 8 : i32
    return
  }
}

#map = affine_map<(d0, d1) -> (0, 0)>
#map1 = affine_map<(d0, d1) -> (0)>
module attributes {stable_mosaic.version = 14 : i64} {
  func.func @k(%arg0: i32, %arg1: i32, %arg2: memref<10000x384xf32, #tpu.memory_space<hbm>>, %arg3: memref<10000x384xf32, #tpu.memory_space<hbm>>, %arg4: memref<10000x128xf32, #tpu.memory_space<hbm>>, %arg5: memref<160000xi32, #tpu.memory_space<hbm>>, %arg6: memref<160000xi32, #tpu.memory_space<hbm>>, %arg7: memref<160000xi32, #tpu.memory_space<hbm>>, %arg8: memref<160000x384xf32, #tpu.memory_space<hbm>>, %arg9: memref<160000x384xf32, #tpu.memory_space<hbm>>, %arg10: memref<160000x128xf32, #tpu.memory_space<hbm>>, %arg11: memref<128xi32, #tpu.memory_space<vmem>>, %arg12: memref<128x384xf32, #tpu.memory_space<vmem>>, %arg13: memref<!tpu.dma_semaphore, #tpu.memory_space<semaphore_mem>>, %arg14: memref<128xi32, #tpu.memory_space<vmem>>, %arg15: memref<128x384xf32, #tpu.memory_space<vmem>>, %arg16: memref<!tpu.dma_semaphore, #tpu.memory_space<semaphore_mem>>, %arg17: memref<128xi32, #tpu.memory_space<vmem>>, %arg18: memref<128x128xf32, #tpu.memory_space<vmem>>, %arg19: memref<!tpu.dma_semaphore, #tpu.memory_space<semaphore_mem>>) attributes {dimension_semantics = [#tpu.dimension_semantics<core_parallel>, #tpu.dimension_semantics<subcore_parallel>], iteration_bounds = array<i64: 2, 16>, scalar_prefetch = 0 : i64, scratch_operands = 9 : i64, tpu.core_type = #tpu.core_type<sc_vector_subcore>, window_params = [{transform_indices = #map}, {transform_indices = #map}, {transform_indices = #map}, {transform_indices = #map1}, {transform_indices = #map1}, {transform_indices = #map1}, {transform_indices = #map}, {transform_indices = #map}, {transform_indices = #map}]} {
    %mul3A = arith.constant 2 : i32
    %mul3A_0 = arith.muli %arg1, %mul3A : i32
    %add3A = arith.addi %mul3A_0, %arg0 : i32
    %scan3A = arith.constant 0 : i32
    %scan3A_1 = arith.constant 0 : i32
    %scan3A_2 = arith.constant 40 : i32
    %scan3A_3 = arith.addi %scan3A_1, %scan3A_2 : i32
    %scan3A_4 = arith.constant 1 : i32
    %scan3A_5 = scf.for %scan3A_7 = %scan3A_1 to %scan3A_3 step %scan3A_4 iter_args(%scan3A_8 = %scan3A) -> (i32)  : i32 {
      %mul3A_9 = arith.constant 32 : i32
      %mul3A_10 = arith.muli %scan3A_7, %mul3A_9 : i32
      %add3A_11 = arith.addi %add3A, %mul3A_10 : i32
      %lt3A = arith.constant 1250 : i32
      %lt3A_12 = arith.cmpi slt, %add3A_11, %lt3A : i32
      %convert_element_type3A = arith.extui %lt3A_12 : i1 to i32
      %cond3A = arith.constant 0 : i32
      %cond3A_13 = arith.cmpi ne, %convert_element_type3A, %cond3A : i32
      scf.if %cond3A_13 {
        %mul3A_15 = arith.constant 128 : i32
        %mul3A_16 = arith.muli %add3A_11, %mul3A_15 : i32
        %dma_start3A = tpu.memref_slice %arg5[%mul3A_16] : memref<160000xi32, #tpu.memory_space<hbm>> -> memref<128xi32, #tpu.memory_space<hbm>>
        %dma_start3A_17 = tpu.memref_slice %arg5[%mul3A_16] : memref<160000xi32, #tpu.memory_space<hbm>> -> memref<128xi32, #tpu.memory_space<hbm>>
        tpu.enqueue_dma source(%dma_start3A_17 : memref<128xi32, #tpu.memory_space<hbm>>) target(%arg11 : memref<128xi32, #tpu.memory_space<vmem>>) target_semaphore(%arg13 : memref<!tpu.dma_semaphore, #tpu.memory_space<semaphore_mem>>)
        %dma_start3A_18 = tpu.memref_slice %arg6[%mul3A_16] : memref<160000xi32, #tpu.memory_space<hbm>> -> memref<128xi32, #tpu.memory_space<hbm>>
        %dma_start3A_19 = tpu.memref_slice %arg6[%mul3A_16] : memref<160000xi32, #tpu.memory_space<hbm>> -> memref<128xi32, #tpu.memory_space<hbm>>
        tpu.enqueue_dma source(%dma_start3A_19 : memref<128xi32, #tpu.memory_space<hbm>>) target(%arg14 : memref<128xi32, #tpu.memory_space<vmem>>) target_semaphore(%arg16 : memref<!tpu.dma_semaphore, #tpu.memory_space<semaphore_mem>>)
        %dma_start3A_20 = tpu.memref_slice %arg7[%mul3A_16] : memref<160000xi32, #tpu.memory_space<hbm>> -> memref<128xi32, #tpu.memory_space<hbm>>
        %dma_start3A_21 = tpu.memref_slice %arg7[%mul3A_16] : memref<160000xi32, #tpu.memory_space<hbm>> -> memref<128xi32, #tpu.memory_space<hbm>>
        tpu.enqueue_dma source(%dma_start3A_21 : memref<128xi32, #tpu.memory_space<hbm>>) target(%arg17 : memref<128xi32, #tpu.memory_space<vmem>>) target_semaphore(%arg19 : memref<!tpu.dma_semaphore, #tpu.memory_space<semaphore_mem>>)
        %dma_wait3A = tpu.memref_slice %arg5[%mul3A_16] : memref<160000xi32, #tpu.memory_space<hbm>> -> memref<128xi32, #tpu.memory_space<hbm>>
        %dma_wait3A_22 = tpu.memref_slice %arg5[%mul3A_16] : memref<160000xi32, #tpu.memory_space<hbm>> -> memref<128xi32, #tpu.memory_space<hbm>>
        tpu.wait_dma2 semaphore(%arg13 : memref<!tpu.dma_semaphore, #tpu.memory_space<semaphore_mem>>) src(%dma_wait3A_22 : memref<128xi32, #tpu.memory_space<hbm>>) dst(%arg11 : memref<128xi32, #tpu.memory_space<vmem>>)
        %dma_start3A_23 = arith.constant 0 : i32
        %dma_start3A_24 = arith.constant 0 : i32
        %dma_start3A_25 = tpu.memref_slice %arg2[%dma_start3A_23, %dma_start3A_24] : memref<10000x384xf32, #tpu.memory_space<hbm>> -> memref<10000x384xf32, #tpu.memory_space<hbm>>
        tpu.enqueue_indirect_dma source(%dma_start3A_25 : memref<10000x384xf32, #tpu.memory_space<hbm>>) target(%arg12 : memref<128x384xf32, #tpu.memory_space<vmem>>) offsets(%arg11 : memref<128xi32, #tpu.memory_space<vmem>>) semaphore(%arg13 : memref<!tpu.dma_semaphore, #tpu.memory_space<semaphore_mem>>)
        %dma_wait3A_26 = tpu.memref_slice %arg6[%mul3A_16] : memref<160000xi32, #tpu.memory_space<hbm>> -> memref<128xi32, #tpu.memory_space<hbm>>
        %dma_wait3A_27 = tpu.memref_slice %arg6[%mul3A_16] : memref<160000xi32, #tpu.memory_space<hbm>> -> memref<128xi32, #tpu.memory_space<hbm>>
        tpu.wait_dma2 semaphore(%arg16 : memref<!tpu.dma_semaphore, #tpu.memory_space<semaphore_mem>>) src(%dma_wait3A_27 : memref<128xi32, #tpu.memory_space<hbm>>) dst(%arg14 : memref<128xi32, #tpu.memory_space<vmem>>)
        %dma_start3A_28 = arith.constant 0 : i32
        %dma_start3A_29 = arith.constant 0 : i32
        %dma_start3A_30 = tpu.memref_slice %arg3[%dma_start3A_28, %dma_start3A_29] : memref<10000x384xf32, #tpu.memory_space<hbm>> -> memref<10000x384xf32, #tpu.memory_space<hbm>>
        tpu.enqueue_indirect_dma source(%dma_start3A_30 : memref<10000x384xf32, #tpu.memory_space<hbm>>) target(%arg15 : memref<128x384xf32, #tpu.memory_space<vmem>>) offsets(%arg14 : memref<128xi32, #tpu.memory_space<vmem>>) semaphore(%arg16 : memref<!tpu.dma_semaphore, #tpu.memory_space<semaphore_mem>>)
        %dma_wait3A_31 = tpu.memref_slice %arg7[%mul3A_16] : memref<160000xi32, #tpu.memory_space<hbm>> -> memref<128xi32, #tpu.memory_space<hbm>>
        %dma_wait3A_32 = tpu.memref_slice %arg7[%mul3A_16] : memref<160000xi32, #tpu.memory_space<hbm>> -> memref<128xi32, #tpu.memory_space<hbm>>
        tpu.wait_dma2 semaphore(%arg19 : memref<!tpu.dma_semaphore, #tpu.memory_space<semaphore_mem>>) src(%dma_wait3A_32 : memref<128xi32, #tpu.memory_space<hbm>>) dst(%arg17 : memref<128xi32, #tpu.memory_space<vmem>>)
        %dma_start3A_33 = arith.constant 0 : i32
        %dma_start3A_34 = arith.constant 0 : i32
        %dma_start3A_35 = tpu.memref_slice %arg4[%dma_start3A_33, %dma_start3A_34] : memref<10000x128xf32, #tpu.memory_space<hbm>> -> memref<10000x128xf32, #tpu.memory_space<hbm>>
        tpu.enqueue_indirect_dma source(%dma_start3A_35 : memref<10000x128xf32, #tpu.memory_space<hbm>>) target(%arg18 : memref<128x128xf32, #tpu.memory_space<vmem>>) offsets(%arg17 : memref<128xi32, #tpu.memory_space<vmem>>) semaphore(%arg19 : memref<!tpu.dma_semaphore, #tpu.memory_space<semaphore_mem>>)
        %dma_wait3A_36 = arith.constant 0 : i32
        %dma_wait3A_37 = arith.constant 0 : i32
        %dma_wait3A_38 = tpu.memref_slice %arg2[%dma_wait3A_36, %dma_wait3A_37] : memref<10000x384xf32, #tpu.memory_space<hbm>> -> memref<10000x384xf32, #tpu.memory_space<hbm>>
        tpu.wait_indirect_dma semaphore(%arg13 : memref<!tpu.dma_semaphore, #tpu.memory_space<semaphore_mem>>) src(%dma_wait3A_38 : memref<10000x384xf32, #tpu.memory_space<hbm>>) dst(%arg12 : memref<128x384xf32, #tpu.memory_space<vmem>>)
        %dma_start3A_39 = arith.constant 0 : i32
        %dma_start3A_40 = tpu.memref_slice %arg8[%mul3A_16, %dma_start3A_39] : memref<160000x384xf32, #tpu.memory_space<hbm>> -> memref<128x384xf32, #tpu.memory_space<hbm>>
        %dma_start3A_41 = arith.constant 0 : i32
        %dma_start3A_42 = tpu.memref_slice %arg8[%mul3A_16, %dma_start3A_41] : memref<160000x384xf32, #tpu.memory_space<hbm>> -> memref<128x384xf32, #tpu.memory_space<hbm>>
        tpu.enqueue_dma source(%arg12 : memref<128x384xf32, #tpu.memory_space<vmem>>) target(%dma_start3A_42 : memref<128x384xf32, #tpu.memory_space<hbm>>) target_semaphore(%arg13 : memref<!tpu.dma_semaphore, #tpu.memory_space<semaphore_mem>>)
        %dma_wait3A_43 = arith.constant 0 : i32
        %dma_wait3A_44 = arith.constant 0 : i32
        %dma_wait3A_45 = tpu.memref_slice %arg3[%dma_wait3A_43, %dma_wait3A_44] : memref<10000x384xf32, #tpu.memory_space<hbm>> -> memref<10000x384xf32, #tpu.memory_space<hbm>>
        tpu.wait_indirect_dma semaphore(%arg16 : memref<!tpu.dma_semaphore, #tpu.memory_space<semaphore_mem>>) src(%dma_wait3A_45 : memref<10000x384xf32, #tpu.memory_space<hbm>>) dst(%arg15 : memref<128x384xf32, #tpu.memory_space<vmem>>)
        %dma_start3A_46 = arith.constant 0 : i32
        %dma_start3A_47 = tpu.memref_slice %arg9[%mul3A_16, %dma_start3A_46] : memref<160000x384xf32, #tpu.memory_space<hbm>> -> memref<128x384xf32, #tpu.memory_space<hbm>>
        %dma_start3A_48 = arith.constant 0 : i32
        %dma_start3A_49 = tpu.memref_slice %arg9[%mul3A_16, %dma_start3A_48] : memref<160000x384xf32, #tpu.memory_space<hbm>> -> memref<128x384xf32, #tpu.memory_space<hbm>>
        tpu.enqueue_dma source(%arg15 : memref<128x384xf32, #tpu.memory_space<vmem>>) target(%dma_start3A_49 : memref<128x384xf32, #tpu.memory_space<hbm>>) target_semaphore(%arg16 : memref<!tpu.dma_semaphore, #tpu.memory_space<semaphore_mem>>)
        %dma_wait3A_50 = arith.constant 0 : i32
        %dma_wait3A_51 = arith.constant 0 : i32
        %dma_wait3A_52 = tpu.memref_slice %arg4[%dma_wait3A_50, %dma_wait3A_51] : memref<10000x128xf32, #tpu.memory_space<hbm>> -> memref<10000x128xf32, #tpu.memory_space<hbm>>
        tpu.wait_indirect_dma semaphore(%arg19 : memref<!tpu.dma_semaphore, #tpu.memory_space<semaphore_mem>>) src(%dma_wait3A_52 : memref<10000x128xf32, #tpu.memory_space<hbm>>) dst(%arg18 : memref<128x128xf32, #tpu.memory_space<vmem>>)
        %dma_start3A_53 = arith.constant 0 : i32
        %dma_start3A_54 = tpu.memref_slice %arg10[%mul3A_16, %dma_start3A_53] : memref<160000x128xf32, #tpu.memory_space<hbm>> -> memref<128x128xf32, #tpu.memory_space<hbm>>
        %dma_start3A_55 = arith.constant 0 : i32
        %dma_start3A_56 = tpu.memref_slice %arg10[%mul3A_16, %dma_start3A_55] : memref<160000x128xf32, #tpu.memory_space<hbm>> -> memref<128x128xf32, #tpu.memory_space<hbm>>
        tpu.enqueue_dma source(%arg18 : memref<128x128xf32, #tpu.memory_space<vmem>>) target(%dma_start3A_56 : memref<128x128xf32, #tpu.memory_space<hbm>>) target_semaphore(%arg19 : memref<!tpu.dma_semaphore, #tpu.memory_space<semaphore_mem>>)
        %dma_wait3A_57 = arith.constant 0 : i32
        %dma_wait3A_58 = tpu.memref_slice %arg8[%mul3A_16, %dma_wait3A_57] : memref<160000x384xf32, #tpu.memory_space<hbm>> -> memref<128x384xf32, #tpu.memory_space<hbm>>
        %dma_wait3A_59 = arith.constant 0 : i32
        %dma_wait3A_60 = tpu.memref_slice %arg8[%mul3A_16, %dma_wait3A_59] : memref<160000x384xf32, #tpu.memory_space<hbm>> -> memref<128x384xf32, #tpu.memory_space<hbm>>
        tpu.wait_dma2 semaphore(%arg13 : memref<!tpu.dma_semaphore, #tpu.memory_space<semaphore_mem>>) src(%arg12 : memref<128x384xf32, #tpu.memory_space<vmem>>) dst(%dma_wait3A_60 : memref<128x384xf32, #tpu.memory_space<hbm>>)
        %dma_wait3A_61 = arith.constant 0 : i32
        %dma_wait3A_62 = tpu.memref_slice %arg9[%mul3A_16, %dma_wait3A_61] : memref<160000x384xf32, #tpu.memory_space<hbm>> -> memref<128x384xf32, #tpu.memory_space<hbm>>
        %dma_wait3A_63 = arith.constant 0 : i32
        %dma_wait3A_64 = tpu.memref_slice %arg9[%mul3A_16, %dma_wait3A_63] : memref<160000x384xf32, #tpu.memory_space<hbm>> -> memref<128x384xf32, #tpu.memory_space<hbm>>
        tpu.wait_dma2 semaphore(%arg16 : memref<!tpu.dma_semaphore, #tpu.memory_space<semaphore_mem>>) src(%arg15 : memref<128x384xf32, #tpu.memory_space<vmem>>) dst(%dma_wait3A_64 : memref<128x384xf32, #tpu.memory_space<hbm>>)
        %dma_wait3A_65 = arith.constant 0 : i32
        %dma_wait3A_66 = tpu.memref_slice %arg10[%mul3A_16, %dma_wait3A_65] : memref<160000x128xf32, #tpu.memory_space<hbm>> -> memref<128x128xf32, #tpu.memory_space<hbm>>
        %dma_wait3A_67 = arith.constant 0 : i32
        %dma_wait3A_68 = tpu.memref_slice %arg10[%mul3A_16, %dma_wait3A_67] : memref<160000x128xf32, #tpu.memory_space<hbm>> -> memref<128x128xf32, #tpu.memory_space<hbm>>
        tpu.wait_dma2 semaphore(%arg19 : memref<!tpu.dma_semaphore, #tpu.memory_space<semaphore_mem>>) src(%arg18 : memref<128x128xf32, #tpu.memory_space<vmem>>) dst(%dma_wait3A_68 : memref<128x128xf32, #tpu.memory_space<hbm>>)
      } else {
      }
      %scan3A_14 = arith.constant 0 : i32
      scf.yield %scan3A_14 : i32
    }
    %scan3A_6 = arith.constant 40 : i32
    return
  }
}

#map = affine_map<(d0, d1) -> (0, 0)>
#map1 = affine_map<(d0, d1) -> (0)>
#map2 = affine_map<(d0, d1) -> (0, 0, 0)>
module attributes {stable_mosaic.version = 14 : i64} {
  func.func @k(%arg0: i32, %arg1: i32, %arg2: memref<160000x128xf32, #tpu.memory_space<hbm>>, %arg3: memref<160000xi32, #tpu.memory_space<hbm>>, %arg4: memref<2x10000x128xf32, #tpu.memory_space<hbm>>, %arg5: memref<128xi32, #tpu.memory_space<vmem>>, %arg6: memref<128x128xf32, #tpu.memory_space<vmem>>, %arg7: memref<128xi32, #tpu.memory_space<vmem>>, %arg8: memref<128x128xf32, #tpu.memory_space<vmem>>, %arg9: memref<!tpu.dma_semaphore, #tpu.memory_space<semaphore_mem>>, %arg10: memref<!tpu.dma_semaphore, #tpu.memory_space<semaphore_mem>>, %arg11: memref<80x128xf32, #tpu.memory_space<vmem>>, %arg12: memref<10000x128xf32, #tpu.memory_space<vmem_shared>>) attributes {dimension_semantics = [#tpu.dimension_semantics<core_parallel>, #tpu.dimension_semantics<subcore_parallel>], iteration_bounds = array<i64: 2, 16>, scalar_prefetch = 0 : i64, scratch_operands = 8 : i64, tpu.core_type = #tpu.core_type<sc_vector_subcore>, window_params = [{transform_indices = #map}, {transform_indices = #map1}, {transform_indices = #map2}]} {
    %mul3A = arith.constant 2 : i32
    %mul3A_0 = arith.muli %arg1, %mul3A : i32
    %add3A = arith.addi %mul3A_0, %arg0 : i32
    %scan3A = arith.constant 0 : i32
    %scan3A_1 = arith.constant 0 : i32
    %scan3A_2 = arith.constant 80 : i32
    %scan3A_3 = arith.addi %scan3A_1, %scan3A_2 : i32
    %scan3A_4 = arith.constant 1 : i32
    %scan3A_5 = scf.for %scan3A_29 = %scan3A_1 to %scan3A_3 step %scan3A_4 iter_args(%scan3A_30 = %scan3A) -> (i32)  : i32 {
      %scan3A_31 = arith.constant 0 : i32
      %scan3A_32 = arith.constant 0 : i32
      %scan3A_33 = arith.constant 8 : i32
      %scan3A_34 = arith.addi %scan3A_32, %scan3A_33 : i32
      %scan3A_35 = arith.constant 1 : i32
      %scan3A_36 = scf.for %scan3A_39 = %scan3A_32 to %scan3A_34 step %scan3A_35 iter_args(%scan3A_40 = %scan3A_31) -> (i32)  : i32 {
        %broadcast_in_dim3A = arith.constant 0.000000e+00 : f32
        %broadcast_in_dim3A_41 = vector.broadcast %broadcast_in_dim3A : f32 to vector<16xf32>
        %mul3A_42 = arith.constant 16 : i32
        %mul3A_43 = arith.muli %scan3A_39, %mul3A_42 : i32
        %swap3A = arith.index_cast %scan3A_29 : i32 to index
        %swap3A_44 = arith.index_cast %mul3A_43 : i32 to index
        %swap3A_45 = tpu.vector_load %arg11[%swap3A, %swap3A_44] {strides = array<i32>} : memref<80x128xf32, #tpu.memory_space<vmem>>, vector<1x16xf32>,
        %swap3A_46 = vector.shape_cast %swap3A_45 : vector<1x16xf32> to vector<16xf32>
        %swap3A_47 = vector.shape_cast %broadcast_in_dim3A_41 : vector<16xf32> to vector<1x16xf32>
        tpu.vector_store %arg11[%swap3A, %swap3A_44], %swap3A_47 {strides = array<i32>} : memref<80x128xf32, #tpu.memory_space<vmem>>, vector<1x16xf32>,
        %scan3A_48 = arith.constant 0 : i32
        scf.yield %scan3A_48 : i32
      }
      %scan3A_37 = arith.constant 8 : i32
      %scan3A_38 = arith.constant 0 : i32
      scf.yield %scan3A_38 : i32
    }
    %scan3A_6 = arith.constant 80 : i32
    %scan3A_7 = arith.constant 0 : i32
    %scan3A_8 = arith.constant 0 : i32
    %scan3A_9 = arith.constant 8 : i32
    %scan3A_10 = arith.addi %scan3A_8, %scan3A_9 : i32
    %scan3A_11 = arith.constant 1 : i32
    %scan3A_12 = scf.for %scan3A_29 = %scan3A_8 to %scan3A_10 step %scan3A_11 iter_args(%scan3A_30 = %scan3A_7) -> (i32)  : i32 {
      %mul3A_31 = arith.constant 16 : i32
      %mul3A_32 = arith.muli %scan3A_29, %mul3A_31 : i32
      %add3A_33 = arith.addi %arg1, %mul3A_32 : i32
      %lt3A = arith.constant 125 : i32
      %lt3A_34 = arith.cmpi slt, %add3A_33, %lt3A : i32
      %convert_element_type3A = arith.extui %lt3A_34 : i1 to i32
      %cond3A = arith.constant 0 : i32
      %cond3A_35 = arith.cmpi ne, %convert_element_type3A, %cond3A : i32
      scf.if %cond3A_35 {
        %mul3A_37 = arith.constant 80 : i32
        %mul3A_38 = arith.muli %add3A_33, %mul3A_37 : i32
        "tpu.region"() ({
          %run_scoped3A = tpu.sem_alloc : memref<!tpu.dma_semaphore, #tpu.memory_space<semaphore_mem>>
          %dma_start3A = arith.constant 0 : i32
          %dma_start3A_39 = tpu.memref_slice %arg12[%mul3A_38, %dma_start3A] : memref<10000x128xf32, #tpu.memory_space<vmem_shared>> -> memref<80x128xf32, #tpu.memory_space<vmem_shared>>
          %dma_start3A_40 = arith.constant 0 : i32
          %dma_start3A_41 = tpu.memref_slice %arg12[%mul3A_38, %dma_start3A_40] : memref<10000x128xf32, #tpu.memory_space<vmem_shared>> -> memref<80x128xf32, #tpu.memory_space<vmem_shared>>
          tpu.enqueue_dma source(%arg11 : memref<80x128xf32, #tpu.memory_space<vmem>>) target(%dma_start3A_41 : memref<80x128xf32, #tpu.memory_space<vmem_shared>>) target_semaphore(%run_scoped3A : memref<!tpu.dma_semaphore, #tpu.memory_space<semaphore_mem>>)
          %dma_wait3A = arith.constant 0 : i32
          %dma_wait3A_42 = tpu.memref_slice %arg12[%mul3A_38, %dma_wait3A] : memref<10000x128xf32, #tpu.memory_space<vmem_shared>> -> memref<80x128xf32, #tpu.memory_space<vmem_shared>>
          %dma_wait3A_43 = arith.constant 0 : i32
          %dma_wait3A_44 = tpu.memref_slice %arg12[%mul3A_38, %dma_wait3A_43] : memref<10000x128xf32, #tpu.memory_space<vmem_shared>> -> memref<80x128xf32, #tpu.memory_space<vmem_shared>>
          tpu.wait_dma2 semaphore(%run_scoped3A : memref<!tpu.dma_semaphore, #tpu.memory_space<semaphore_mem>>) src(%arg11 : memref<80x128xf32, #tpu.memory_space<vmem>>) dst(%dma_wait3A_44 : memref<80x128xf32, #tpu.memory_space<vmem_shared>>)
          tpu.yield
        }) : () -> ()
      } else {
      }
      %scan3A_36 = arith.constant 0 : i32
      scf.yield %scan3A_36 : i32
    }
    %scan3A_13 = arith.constant 8 : i32
    %barrier3A = arith.constant 0 : index
    tpu.barrier barrier_id(%barrier3A)
    %scan3A_14 = arith.constant 0 : i32
    %scan3A_15 = arith.constant 0 : i32
    %scan3A_16 = arith.constant 20 : i32
    %scan3A_17 = arith.addi %scan3A_15, %scan3A_16 : i32
    %scan3A_18 = arith.constant 1 : i32
    %scan3A_19 = scf.for %scan3A_29 = %scan3A_15 to %scan3A_17 step %scan3A_18 iter_args(%scan3A_30 = %scan3A_14) -> (i32)  : i32 {
      %mul3A_31 = arith.constant 2 : i32
      %mul3A_32 = arith.muli %mul3A_31, %scan3A_29 : i32
      %add3A_33 = arith.constant 0 : i32
      %add3A_34 = arith.addi %mul3A_32, %add3A_33 : i32
      %mul3A_35 = arith.constant 32 : i32
      %mul3A_36 = arith.muli %add3A_34, %mul3A_35 : i32
      %add3A_37 = arith.addi %add3A, %mul3A_36 : i32
      %lt3A = arith.constant 1250 : i32
      %lt3A_38 = arith.cmpi slt, %add3A_37, %lt3A : i32
      %convert_element_type3A = arith.extui %lt3A_38 : i1 to i32
      %cond3A = arith.constant 0 : i32
      %cond3A_39 = arith.cmpi ne, %convert_element_type3A, %cond3A : i32
      scf.if %cond3A_39 {
        %mul3A_77 = arith.constant 128 : i32
        %mul3A_78 = arith.muli %add3A_37, %mul3A_77 : i32
        %dma_start3A = tpu.memref_slice %arg3[%mul3A_78] : memref<160000xi32, #tpu.memory_space<hbm>> -> memref<128xi32, #tpu.memory_space<hbm>>
        %dma_start3A_79 = tpu.memref_slice %arg3[%mul3A_78] : memref<160000xi32, #tpu.memory_space<hbm>> -> memref<128xi32, #tpu.memory_space<hbm>>
        tpu.enqueue_dma source(%dma_start3A_79 : memref<128xi32, #tpu.memory_space<hbm>>) target(%arg5 : memref<128xi32, #tpu.memory_space<vmem>>) target_semaphore(%arg9 : memref<!tpu.dma_semaphore, #tpu.memory_space<semaphore_mem>>)
        %dma_start3A_80 = arith.constant 0 : i32
        %dma_start3A_81 = tpu.memref_slice %arg2[%mul3A_78, %dma_start3A_80] : memref<160000x128xf32, #tpu.memory_space<hbm>> -> memref<128x128xf32, #tpu.memory_space<hbm>>
        %dma_start3A_82 = arith.constant 0 : i32
        %dma_start3A_83 = tpu.memref_slice %arg2[%mul3A_78, %dma_start3A_82] : memref<160000x128xf32, #tpu.memory_space<hbm>> -> memref<128x128xf32, #tpu.memory_space<hbm>>
        tpu.enqueue_dma source(%dma_start3A_83 : memref<128x128xf32, #tpu.memory_space<hbm>>) target(%arg6 : memref<128x128xf32, #tpu.memory_space<vmem>>) target_semaphore(%arg9 : memref<!tpu.dma_semaphore, #tpu.memory_space<semaphore_mem>>)
      } else {
      }
      %mul3A_40 = arith.constant 2 : i32
      %mul3A_41 = arith.muli %mul3A_40, %scan3A_29 : i32
      %add3A_42 = arith.constant 1 : i32
      %add3A_43 = arith.addi %mul3A_41, %add3A_42 : i32
      %mul3A_44 = arith.constant 32 : i32
      %mul3A_45 = arith.muli %add3A_43, %mul3A_44 : i32
      %add3A_46 = arith.addi %add3A, %mul3A_45 : i32
      %lt3A_47 = arith.constant 1250 : i32
      %lt3A_48 = arith.cmpi slt, %add3A_46, %lt3A_47 : i32
      %convert_element_type3A_49 = arith.extui %lt3A_48 : i1 to i32
      %cond3A_50 = arith.constant 0 : i32
      %cond3A_51 = arith.cmpi ne, %convert_element_type3A_49, %cond3A_50 : i32
      scf.if %cond3A_51 {
        %mul3A_77 = arith.constant 128 : i32
        %mul3A_78 = arith.muli %add3A_46, %mul3A_77 : i32
        %dma_start3A = tpu.memref_slice %arg3[%mul3A_78] : memref<160000xi32, #tpu.memory_space<hbm>> -> memref<128xi32, #tpu.memory_space<hbm>>
        %dma_start3A_79 = tpu.memref_slice %arg3[%mul3A_78] : memref<160000xi32, #tpu.memory_space<hbm>> -> memref<128xi32, #tpu.memory_space<hbm>>
        tpu.enqueue_dma source(%dma_start3A_79 : memref<128xi32, #tpu.memory_space<hbm>>) target(%arg7 : memref<128xi32, #tpu.memory_space<vmem>>) target_semaphore(%arg10 : memref<!tpu.dma_semaphore, #tpu.memory_space<semaphore_mem>>)
        %dma_start3A_80 = arith.constant 0 : i32
        %dma_start3A_81 = tpu.memref_slice %arg2[%mul3A_78, %dma_start3A_80] : memref<160000x128xf32, #tpu.memory_space<hbm>> -> memref<128x128xf32, #tpu.memory_space<hbm>>
        %dma_start3A_82 = arith.constant 0 : i32
        %dma_start3A_83 = tpu.memref_slice %arg2[%mul3A_78, %dma_start3A_82] : memref<160000x128xf32, #tpu.memory_space<hbm>> -> memref<128x128xf32, #tpu.memory_space<hbm>>
        tpu.enqueue_dma source(%dma_start3A_83 : memref<128x128xf32, #tpu.memory_space<hbm>>) target(%arg8 : memref<128x128xf32, #tpu.memory_space<vmem>>) target_semaphore(%arg10 : memref<!tpu.dma_semaphore, #tpu.memory_space<semaphore_mem>>)
      } else {
      }
      %mul3A_52 = arith.constant 2 : i32
      %mul3A_53 = arith.muli %mul3A_52, %scan3A_29 : i32
      %add3A_54 = arith.constant 0 : i32
      %add3A_55 = arith.addi %mul3A_53, %add3A_54 : i32
      %mul3A_56 = arith.constant 32 : i32
      %mul3A_57 = arith.muli %add3A_55, %mul3A_56 : i32
      %add3A_58 = arith.addi %add3A, %mul3A_57 : i32
      %lt3A_59 = arith.constant 1250 : i32
      %lt3A_60 = arith.cmpi slt, %add3A_58, %lt3A_59 : i32
      %convert_element_type3A_61 = arith.extui %lt3A_60 : i1 to i32
      %cond3A_62 = arith.constant 0 : i32
      %cond3A_63 = arith.cmpi ne, %convert_element_type3A_61, %cond3A_62 : i32
      scf.if %cond3A_63 {
        %mul3A_77 = arith.constant 128 : i32
        %mul3A_78 = arith.muli %add3A_58, %mul3A_77 : i32
        %dma_wait3A = tpu.memref_slice %arg3[%mul3A_78] : memref<160000xi32, #tpu.memory_space<hbm>> -> memref<128xi32, #tpu.memory_space<hbm>>
        %dma_wait3A_79 = tpu.memref_slice %arg3[%mul3A_78] : memref<160000xi32, #tpu.memory_space<hbm>> -> memref<128xi32, #tpu.memory_space<hbm>>
        tpu.wait_dma2 semaphore(%arg9 : memref<!tpu.dma_semaphore, #tpu.memory_space<semaphore_mem>>) src(%dma_wait3A_79 : memref<128xi32, #tpu.memory_space<hbm>>) dst(%arg5 : memref<128xi32, #tpu.memory_space<vmem>>)
        %dma_wait3A_80 = arith.constant 0 : i32
        %dma_wait3A_81 = tpu.memref_slice %arg2[%mul3A_78, %dma_wait3A_80] : memref<160000x128xf32, #tpu.memory_space<hbm>> -> memref<128x128xf32, #tpu.memory_space<hbm>>
        %dma_wait3A_82 = arith.constant 0 : i32
        %dma_wait3A_83 = tpu.memref_slice %arg2[%mul3A_78, %dma_wait3A_82] : memref<160000x128xf32, #tpu.memory_space<hbm>> -> memref<128x128xf32, #tpu.memory_space<hbm>>
        tpu.wait_dma2 semaphore(%arg9 : memref<!tpu.dma_semaphore, #tpu.memory_space<semaphore_mem>>) src(%dma_wait3A_83 : memref<128x128xf32, #tpu.memory_space<hbm>>) dst(%arg6 : memref<128x128xf32, #tpu.memory_space<vmem>>)
        "tpu.region"() ({
          %run_scoped3A = tpu.sem_alloc : memref<!tpu.dma_semaphore, #tpu.memory_space<semaphore_mem>>
          %dma_start3A = arith.constant 0 : i32
          %dma_start3A_84 = arith.constant 0 : i32
          %dma_start3A_85 = tpu.memref_slice %arg12[%dma_start3A, %dma_start3A_84] : memref<10000x128xf32, #tpu.memory_space<vmem_shared>> -> memref<10000x128xf32, #tpu.memory_space<vmem_shared>>
          tpu.enqueue_indirect_dma source(%arg6 : memref<128x128xf32, #tpu.memory_space<vmem>>) target(%dma_start3A_85 : memref<10000x128xf32, #tpu.memory_space<vmem_shared>>) offsets(%arg5 : memref<128xi32, #tpu.memory_space<vmem>>) semaphore(%run_scoped3A : memref<!tpu.dma_semaphore, #tpu.memory_space<semaphore_mem>>) {add = true}
          %dma_wait3A_86 = arith.constant 0 : i32
          %dma_wait3A_87 = arith.constant 0 : i32
          %dma_wait3A_88 = tpu.memref_slice %arg12[%dma_wait3A_86, %dma_wait3A_87] : memref<10000x128xf32, #tpu.memory_space<vmem_shared>> -> memref<10000x128xf32, #tpu.memory_space<vmem_shared>>
          tpu.wait_indirect_dma semaphore(%run_scoped3A : memref<!tpu.dma_semaphore, #tpu.memory_space<semaphore_mem>>) src(%arg6 : memref<128x128xf32, #tpu.memory_space<vmem>>) dst(%dma_wait3A_88 : memref<10000x128xf32, #tpu.memory_space<vmem_shared>>)
          tpu.yield
        }) : () -> ()
      } else {
      }
      %mul3A_64 = arith.constant 2 : i32
      %mul3A_65 = arith.muli %mul3A_64, %scan3A_29 : i32
      %add3A_66 = arith.constant 1 : i32
      %add3A_67 = arith.addi %mul3A_65, %add3A_66 : i32
      %mul3A_68 = arith.constant 32 : i32
      %mul3A_69 = arith.muli %add3A_67, %mul3A_68 : i32
      %add3A_70 = arith.addi %add3A, %mul3A_69 : i32
      %lt3A_71 = arith.constant 1250 : i32
      %lt3A_72 = arith.cmpi slt, %add3A_70, %lt3A_71 : i32
      %convert_element_type3A_73 = arith.extui %lt3A_72 : i1 to i32
      %cond3A_74 = arith.constant 0 : i32
      %cond3A_75 = arith.cmpi ne, %convert_element_type3A_73, %cond3A_74 : i32
      scf.if %cond3A_75 {
        %mul3A_77 = arith.constant 128 : i32
        %mul3A_78 = arith.muli %add3A_70, %mul3A_77 : i32
        %dma_wait3A = tpu.memref_slice %arg3[%mul3A_78] : memref<160000xi32, #tpu.memory_space<hbm>> -> memref<128xi32, #tpu.memory_space<hbm>>
        %dma_wait3A_79 = tpu.memref_slice %arg3[%mul3A_78] : memref<160000xi32, #tpu.memory_space<hbm>> -> memref<128xi32, #tpu.memory_space<hbm>>
        tpu.wait_dma2 semaphore(%arg10 : memref<!tpu.dma_semaphore, #tpu.memory_space<semaphore_mem>>) src(%dma_wait3A_79 : memref<128xi32, #tpu.memory_space<hbm>>) dst(%arg7 : memref<128xi32, #tpu.memory_space<vmem>>)
        %dma_wait3A_80 = arith.constant 0 : i32
        %dma_wait3A_81 = tpu.memref_slice %arg2[%mul3A_78, %dma_wait3A_80] : memref<160000x128xf32, #tpu.memory_space<hbm>> -> memref<128x128xf32, #tpu.memory_space<hbm>>
        %dma_wait3A_82 = arith.constant 0 : i32
        %dma_wait3A_83 = tpu.memref_slice %arg2[%mul3A_78, %dma_wait3A_82] : memref<160000x128xf32, #tpu.memory_space<hbm>> -> memref<128x128xf32, #tpu.memory_space<hbm>>
        tpu.wait_dma2 semaphore(%arg10 : memref<!tpu.dma_semaphore, #tpu.memory_space<semaphore_mem>>) src(%dma_wait3A_83 : memref<128x128xf32, #tpu.memory_space<hbm>>) dst(%arg8 : memref<128x128xf32, #tpu.memory_space<vmem>>)
        "tpu.region"() ({
          %run_scoped3A = tpu.sem_alloc : memref<!tpu.dma_semaphore, #tpu.memory_space<semaphore_mem>>
          %dma_start3A = arith.constant 0 : i32
          %dma_start3A_84 = arith.constant 0 : i32
          %dma_start3A_85 = tpu.memref_slice %arg12[%dma_start3A, %dma_start3A_84] : memref<10000x128xf32, #tpu.memory_space<vmem_shared>> -> memref<10000x128xf32, #tpu.memory_space<vmem_shared>>
          tpu.enqueue_indirect_dma source(%arg8 : memref<128x128xf32, #tpu.memory_space<vmem>>) target(%dma_start3A_85 : memref<10000x128xf32, #tpu.memory_space<vmem_shared>>) offsets(%arg7 : memref<128xi32, #tpu.memory_space<vmem>>) semaphore(%run_scoped3A : memref<!tpu.dma_semaphore, #tpu.memory_space<semaphore_mem>>) {add = true}
          %dma_wait3A_86 = arith.constant 0 : i32
          %dma_wait3A_87 = arith.constant 0 : i32
          %dma_wait3A_88 = tpu.memref_slice %arg12[%dma_wait3A_86, %dma_wait3A_87] : memref<10000x128xf32, #tpu.memory_space<vmem_shared>> -> memref<10000x128xf32, #tpu.memory_space<vmem_shared>>
          tpu.wait_indirect_dma semaphore(%run_scoped3A : memref<!tpu.dma_semaphore, #tpu.memory_space<semaphore_mem>>) src(%arg8 : memref<128x128xf32, #tpu.memory_space<vmem>>) dst(%dma_wait3A_88 : memref<10000x128xf32, #tpu.memory_space<vmem_shared>>)
          tpu.yield
        }) : () -> ()
      } else {
      }
      %scan3A_76 = arith.constant 0 : i32
      scf.yield %scan3A_76 : i32
    }
    %scan3A_20 = arith.constant 20 : i32
    %barrier3A_21 = arith.constant 0 : index
    tpu.barrier barrier_id(%barrier3A_21)
    %scan3A_22 = arith.constant 0 : i32
    %scan3A_23 = arith.constant 0 : i32
    %scan3A_24 = arith.constant 8 : i32
    %scan3A_25 = arith.addi %scan3A_23, %scan3A_24 : i32
    %scan3A_26 = arith.constant 1 : i32
    %scan3A_27 = scf.for %scan3A_29 = %scan3A_23 to %scan3A_25 step %scan3A_26 iter_args(%scan3A_30 = %scan3A_22) -> (i32)  : i32 {
      %mul3A_31 = arith.constant 16 : i32
      %mul3A_32 = arith.muli %scan3A_29, %mul3A_31 : i32
      %add3A_33 = arith.addi %arg1, %mul3A_32 : i32
      %lt3A = arith.constant 125 : i32
      %lt3A_34 = arith.cmpi slt, %add3A_33, %lt3A : i32
      %convert_element_type3A = arith.extui %lt3A_34 : i1 to i32
      %cond3A = arith.constant 0 : i32
      %cond3A_35 = arith.cmpi ne, %convert_element_type3A, %cond3A : i32
      scf.if %cond3A_35 {
        %mul3A_37 = arith.constant 80 : i32
        %mul3A_38 = arith.muli %add3A_33, %mul3A_37 : i32
        "tpu.region"() ({
          %run_scoped3A = tpu.sem_alloc : memref<!tpu.dma_semaphore, #tpu.memory_space<semaphore_mem>>
          %dma_start3A = arith.constant 0 : i32
          %dma_start3A_39 = tpu.memref_slice %arg12[%mul3A_38, %dma_start3A] : memref<10000x128xf32, #tpu.memory_space<vmem_shared>> -> memref<80x128xf32, #tpu.memory_space<vmem_shared>>
          %dma_start3A_40 = arith.constant 0 : i32
          %dma_start3A_41 = tpu.memref_slice %arg12[%mul3A_38, %dma_start3A_40] : memref<10000x128xf32, #tpu.memory_space<vmem_shared>> -> memref<80x128xf32, #tpu.memory_space<vmem_shared>>
          tpu.enqueue_dma source(%dma_start3A_41 : memref<80x128xf32, #tpu.memory_space<vmem_shared>>) target(%arg11 : memref<80x128xf32, #tpu.memory_space<vmem>>) target_semaphore(%run_scoped3A : memref<!tpu.dma_semaphore, #tpu.memory_space<semaphore_mem>>)
          %dma_wait3A = arith.constant 0 : i32
          %dma_wait3A_42 = tpu.memref_slice %arg12[%mul3A_38, %dma_wait3A] : memref<10000x128xf32, #tpu.memory_space<vmem_shared>> -> memref<80x128xf32, #tpu.memory_space<vmem_shared>>
          %dma_wait3A_43 = arith.constant 0 : i32
          %dma_wait3A_44 = tpu.memref_slice %arg12[%mul3A_38, %dma_wait3A_43] : memref<10000x128xf32, #tpu.memory_space<vmem_shared>> -> memref<80x128xf32, #tpu.memory_space<vmem_shared>>
          tpu.wait_dma2 semaphore(%run_scoped3A : memref<!tpu.dma_semaphore, #tpu.memory_space<semaphore_mem>>) src(%dma_wait3A_44 : memref<80x128xf32, #tpu.memory_space<vmem_shared>>) dst(%arg11 : memref<80x128xf32, #tpu.memory_space<vmem>>)
          tpu.yield
        }) : () -> ()
        "tpu.region"() ({
          %run_scoped3A = tpu.sem_alloc : memref<!tpu.dma_semaphore, #tpu.memory_space<semaphore_mem>>
          %dma_start3A = arith.constant 0 : i32
          %dma_start3A_39 = tpu.memref_slice %arg4[%arg0, %mul3A_38, %dma_start3A] : memref<2x10000x128xf32, #tpu.memory_space<hbm>> -> memref<1x80x128xf32, #tpu.memory_space<hbm>>
          %dma_start3A_40 = tpu.memref_squeeze %dma_start3A_39 : memref<1x80x128xf32, #tpu.memory_space<hbm>> -> memref<80x128xf32, #tpu.memory_space<hbm>>
          %dma_start3A_41 = arith.constant 0 : i32
          %dma_start3A_42 = tpu.memref_slice %arg4[%arg0, %mul3A_38, %dma_start3A_41] : memref<2x10000x128xf32, #tpu.memory_space<hbm>> -> memref<1x80x128xf32, #tpu.memory_space<hbm>>
          %dma_start3A_43 = tpu.memref_squeeze %dma_start3A_42 : memref<1x80x128xf32, #tpu.memory_space<hbm>> -> memref<80x128xf32, #tpu.memory_space<hbm>>
          tpu.enqueue_dma source(%arg11 : memref<80x128xf32, #tpu.memory_space<vmem>>) target(%dma_start3A_43 : memref<80x128xf32, #tpu.memory_space<hbm>>) target_semaphore(%run_scoped3A : memref<!tpu.dma_semaphore, #tpu.memory_space<semaphore_mem>>)
          %dma_wait3A = arith.constant 0 : i32
          %dma_wait3A_44 = tpu.memref_slice %arg4[%arg0, %mul3A_38, %dma_wait3A] : memref<2x10000x128xf32, #tpu.memory_space<hbm>> -> memref<1x80x128xf32, #tpu.memory_space<hbm>>
          %dma_wait3A_45 = tpu.memref_squeeze %dma_wait3A_44 : memref<1x80x128xf32, #tpu.memory_space<hbm>> -> memref<80x128xf32, #tpu.memory_space<hbm>>
          %dma_wait3A_46 = arith.constant 0 : i32
          %dma_wait3A_47 = tpu.memref_slice %arg4[%arg0, %mul3A_38, %dma_wait3A_46] : memref<2x10000x128xf32, #tpu.memory_space<hbm>> -> memref<1x80x128xf32, #tpu.memory_space<hbm>>
          %dma_wait3A_48 = tpu.memref_squeeze %dma_wait3A_47 : memref<1x80x128xf32, #tpu.memory_space<hbm>> -> memref<80x128xf32, #tpu.memory_space<hbm>>
          tpu.wait_dma2 semaphore(%run_scoped3A : memref<!tpu.dma_semaphore, #tpu.memory_space<semaphore_mem>>) src(%arg11 : memref<80x128xf32, #tpu.memory_space<vmem>>) dst(%dma_wait3A_48 : memref<80x128xf32, #tpu.memory_space<hbm>>)
          tpu.yield
        }) : () -> ()
      } else {
      }
      %scan3A_36 = arith.constant 0 : i32
      scf.yield %scan3A_36 : i32
    }
    %scan3A_28 = arith.constant 8 : i32
    return
  }
}

#map = affine_map<(d0, d1) -> (0, 0)>
#map1 = affine_map<(d0, d1) -> (0)>
#map2 = affine_map<(d0, d1) -> (0, 0, 0)>
module attributes {stable_mosaic.version = 14 : i64} {
  func.func @k(%arg0: i32, %arg1: i32, %arg2: memref<160000x128xf32, #tpu.memory_space<hbm>>, %arg3: memref<160000xi32, #tpu.memory_space<hbm>>, %arg4: memref<2x10000x128xf32, #tpu.memory_space<hbm>>, %arg5: memref<128xi32, #tpu.memory_space<vmem>>, %arg6: memref<128x128xf32, #tpu.memory_space<vmem>>, %arg7: memref<128xi32, #tpu.memory_space<vmem>>, %arg8: memref<128x128xf32, #tpu.memory_space<vmem>>, %arg9: memref<!tpu.dma_semaphore, #tpu.memory_space<semaphore_mem>>, %arg10: memref<!tpu.dma_semaphore, #tpu.memory_space<semaphore_mem>>, %arg11: memref<80x128xf32, #tpu.memory_space<vmem>>, %arg12: memref<10000x128xf32, #tpu.memory_space<vmem_shared>>) attributes {dimension_semantics = [#tpu.dimension_semantics<core_parallel>, #tpu.dimension_semantics<subcore_parallel>], iteration_bounds = array<i64: 2, 16>, scalar_prefetch = 0 : i64, scratch_operands = 8 : i64, tpu.core_type = #tpu.core_type<sc_vector_subcore>, window_params = [{transform_indices = #map}, {transform_indices = #map1}, {transform_indices = #map2}]} {
    %mul3A = arith.constant 2 : i32
    %mul3A_0 = arith.muli %arg1, %mul3A : i32
    %add3A = arith.addi %mul3A_0, %arg0 : i32
    %scan3A = arith.constant 0 : i32
    %scan3A_1 = arith.constant 0 : i32
    %scan3A_2 = arith.constant 80 : i32
    %scan3A_3 = arith.addi %scan3A_1, %scan3A_2 : i32
    %scan3A_4 = arith.constant 1 : i32
    %scan3A_5 = scf.for %scan3A_29 = %scan3A_1 to %scan3A_3 step %scan3A_4 iter_args(%scan3A_30 = %scan3A) -> (i32)  : i32 {
      %scan3A_31 = arith.constant 0 : i32
      %scan3A_32 = arith.constant 0 : i32
      %scan3A_33 = arith.constant 8 : i32
      %scan3A_34 = arith.addi %scan3A_32, %scan3A_33 : i32
      %scan3A_35 = arith.constant 1 : i32
      %scan3A_36 = scf.for %scan3A_39 = %scan3A_32 to %scan3A_34 step %scan3A_35 iter_args(%scan3A_40 = %scan3A_31) -> (i32)  : i32 {
        %broadcast_in_dim3A = arith.constant 0.000000e+00 : f32
        %broadcast_in_dim3A_41 = vector.broadcast %broadcast_in_dim3A : f32 to vector<16xf32>
        %mul3A_42 = arith.constant 16 : i32
        %mul3A_43 = arith.muli %scan3A_39, %mul3A_42 : i32
        %swap3A = arith.index_cast %scan3A_29 : i32 to index
        %swap3A_44 = arith.index_cast %mul3A_43 : i32 to index
        %swap3A_45 = tpu.vector_load %arg11[%swap3A, %swap3A_44] {strides = array<i32>} : memref<80x128xf32, #tpu.memory_space<vmem>>, vector<1x16xf32>,
        %swap3A_46 = vector.shape_cast %swap3A_45 : vector<1x16xf32> to vector<16xf32>
        %swap3A_47 = vector.shape_cast %broadcast_in_dim3A_41 : vector<16xf32> to vector<1x16xf32>
        tpu.vector_store %arg11[%swap3A, %swap3A_44], %swap3A_47 {strides = array<i32>} : memref<80x128xf32, #tpu.memory_space<vmem>>, vector<1x16xf32>,
        %scan3A_48 = arith.constant 0 : i32
        scf.yield %scan3A_48 : i32
      }
      %scan3A_37 = arith.constant 8 : i32
      %scan3A_38 = arith.constant 0 : i32
      scf.yield %scan3A_38 : i32
    }
    %scan3A_6 = arith.constant 80 : i32
    %scan3A_7 = arith.constant 0 : i32
    %scan3A_8 = arith.constant 0 : i32
    %scan3A_9 = arith.constant 8 : i32
    %scan3A_10 = arith.addi %scan3A_8, %scan3A_9 : i32
    %scan3A_11 = arith.constant 1 : i32
    %scan3A_12 = scf.for %scan3A_29 = %scan3A_8 to %scan3A_10 step %scan3A_11 iter_args(%scan3A_30 = %scan3A_7) -> (i32)  : i32 {
      %mul3A_31 = arith.constant 16 : i32
      %mul3A_32 = arith.muli %scan3A_29, %mul3A_31 : i32
      %add3A_33 = arith.addi %arg1, %mul3A_32 : i32
      %lt3A = arith.constant 125 : i32
      %lt3A_34 = arith.cmpi slt, %add3A_33, %lt3A : i32
      %convert_element_type3A = arith.extui %lt3A_34 : i1 to i32
      %cond3A = arith.constant 0 : i32
      %cond3A_35 = arith.cmpi ne, %convert_element_type3A, %cond3A : i32
      scf.if %cond3A_35 {
        %mul3A_37 = arith.constant 80 : i32
        %mul3A_38 = arith.muli %add3A_33, %mul3A_37 : i32
        "tpu.region"() ({
          %run_scoped3A = tpu.sem_alloc : memref<!tpu.dma_semaphore, #tpu.memory_space<semaphore_mem>>
          %dma_start3A = arith.constant 0 : i32
          %dma_start3A_39 = tpu.memref_slice %arg12[%mul3A_38, %dma_start3A] : memref<10000x128xf32, #tpu.memory_space<vmem_shared>> -> memref<80x128xf32, #tpu.memory_space<vmem_shared>>
          %dma_start3A_40 = arith.constant 0 : i32
          %dma_start3A_41 = tpu.memref_slice %arg12[%mul3A_38, %dma_start3A_40] : memref<10000x128xf32, #tpu.memory_space<vmem_shared>> -> memref<80x128xf32, #tpu.memory_space<vmem_shared>>
          tpu.enqueue_dma source(%arg11 : memref<80x128xf32, #tpu.memory_space<vmem>>) target(%dma_start3A_41 : memref<80x128xf32, #tpu.memory_space<vmem_shared>>) target_semaphore(%run_scoped3A : memref<!tpu.dma_semaphore, #tpu.memory_space<semaphore_mem>>)
          %dma_wait3A = arith.constant 0 : i32
          %dma_wait3A_42 = tpu.memref_slice %arg12[%mul3A_38, %dma_wait3A] : memref<10000x128xf32, #tpu.memory_space<vmem_shared>> -> memref<80x128xf32, #tpu.memory_space<vmem_shared>>
          %dma_wait3A_43 = arith.constant 0 : i32
          %dma_wait3A_44 = tpu.memref_slice %arg12[%mul3A_38, %dma_wait3A_43] : memref<10000x128xf32, #tpu.memory_space<vmem_shared>> -> memref<80x128xf32, #tpu.memory_space<vmem_shared>>
          tpu.wait_dma2 semaphore(%run_scoped3A : memref<!tpu.dma_semaphore, #tpu.memory_space<semaphore_mem>>) src(%arg11 : memref<80x128xf32, #tpu.memory_space<vmem>>) dst(%dma_wait3A_44 : memref<80x128xf32, #tpu.memory_space<vmem_shared>>)
          tpu.yield
        }) : () -> ()
      } else {
      }
      %scan3A_36 = arith.constant 0 : i32
      scf.yield %scan3A_36 : i32
    }
    %scan3A_13 = arith.constant 8 : i32
    %barrier3A = arith.constant 0 : index
    tpu.barrier barrier_id(%barrier3A)
    %scan3A_14 = arith.constant 0 : i32
    %scan3A_15 = arith.constant 0 : i32
    %scan3A_16 = arith.constant 20 : i32
    %scan3A_17 = arith.addi %scan3A_15, %scan3A_16 : i32
    %scan3A_18 = arith.constant 1 : i32
    %scan3A_19 = scf.for %scan3A_29 = %scan3A_15 to %scan3A_17 step %scan3A_18 iter_args(%scan3A_30 = %scan3A_14) -> (i32)  : i32 {
      %mul3A_31 = arith.constant 2 : i32
      %mul3A_32 = arith.muli %mul3A_31, %scan3A_29 : i32
      %add3A_33 = arith.constant 0 : i32
      %add3A_34 = arith.addi %mul3A_32, %add3A_33 : i32
      %mul3A_35 = arith.constant 32 : i32
      %mul3A_36 = arith.muli %add3A_34, %mul3A_35 : i32
      %add3A_37 = arith.addi %add3A, %mul3A_36 : i32
      %lt3A = arith.constant 1250 : i32
      %lt3A_38 = arith.cmpi slt, %add3A_37, %lt3A : i32
      %convert_element_type3A = arith.extui %lt3A_38 : i1 to i32
      %cond3A = arith.constant 0 : i32
      %cond3A_39 = arith.cmpi ne, %convert_element_type3A, %cond3A : i32
      scf.if %cond3A_39 {
        %mul3A_77 = arith.constant 128 : i32
        %mul3A_78 = arith.muli %add3A_37, %mul3A_77 : i32
        %dma_start3A = tpu.memref_slice %arg3[%mul3A_78] : memref<160000xi32, #tpu.memory_space<hbm>> -> memref<128xi32, #tpu.memory_space<hbm>>
        %dma_start3A_79 = tpu.memref_slice %arg3[%mul3A_78] : memref<160000xi32, #tpu.memory_space<hbm>> -> memref<128xi32, #tpu.memory_space<hbm>>
        tpu.enqueue_dma source(%dma_start3A_79 : memref<128xi32, #tpu.memory_space<hbm>>) target(%arg5 : memref<128xi32, #tpu.memory_space<vmem>>) target_semaphore(%arg9 : memref<!tpu.dma_semaphore, #tpu.memory_space<semaphore_mem>>)
        %dma_start3A_80 = arith.constant 0 : i32
        %dma_start3A_81 = tpu.memref_slice %arg2[%mul3A_78, %dma_start3A_80] : memref<160000x128xf32, #tpu.memory_space<hbm>> -> memref<128x128xf32, #tpu.memory_space<hbm>>
        %dma_start3A_82 = arith.constant 0 : i32
        %dma_start3A_83 = tpu.memref_slice %arg2[%mul3A_78, %dma_start3A_82] : memref<160000x128xf32, #tpu.memory_space<hbm>> -> memref<128x128xf32, #tpu.memory_space<hbm>>
        tpu.enqueue_dma source(%dma_start3A_83 : memref<128x128xf32, #tpu.memory_space<hbm>>) target(%arg6 : memref<128x128xf32, #tpu.memory_space<vmem>>) target_semaphore(%arg9 : memref<!tpu.dma_semaphore, #tpu.memory_space<semaphore_mem>>)
      } else {
      }
      %mul3A_40 = arith.constant 2 : i32
      %mul3A_41 = arith.muli %mul3A_40, %scan3A_29 : i32
      %add3A_42 = arith.constant 1 : i32
      %add3A_43 = arith.addi %mul3A_41, %add3A_42 : i32
      %mul3A_44 = arith.constant 32 : i32
      %mul3A_45 = arith.muli %add3A_43, %mul3A_44 : i32
      %add3A_46 = arith.addi %add3A, %mul3A_45 : i32
      %lt3A_47 = arith.constant 1250 : i32
      %lt3A_48 = arith.cmpi slt, %add3A_46, %lt3A_47 : i32
      %convert_element_type3A_49 = arith.extui %lt3A_48 : i1 to i32
      %cond3A_50 = arith.constant 0 : i32
      %cond3A_51 = arith.cmpi ne, %convert_element_type3A_49, %cond3A_50 : i32
      scf.if %cond3A_51 {
        %mul3A_77 = arith.constant 128 : i32
        %mul3A_78 = arith.muli %add3A_46, %mul3A_77 : i32
        %dma_start3A = tpu.memref_slice %arg3[%mul3A_78] : memref<160000xi32, #tpu.memory_space<hbm>> -> memref<128xi32, #tpu.memory_space<hbm>>
        %dma_start3A_79 = tpu.memref_slice %arg3[%mul3A_78] : memref<160000xi32, #tpu.memory_space<hbm>> -> memref<128xi32, #tpu.memory_space<hbm>>
        tpu.enqueue_dma source(%dma_start3A_79 : memref<128xi32, #tpu.memory_space<hbm>>) target(%arg7 : memref<128xi32, #tpu.memory_space<vmem>>) target_semaphore(%arg10 : memref<!tpu.dma_semaphore, #tpu.memory_space<semaphore_mem>>)
        %dma_start3A_80 = arith.constant 0 : i32
        %dma_start3A_81 = tpu.memref_slice %arg2[%mul3A_78, %dma_start3A_80] : memref<160000x128xf32, #tpu.memory_space<hbm>> -> memref<128x128xf32, #tpu.memory_space<hbm>>
        %dma_start3A_82 = arith.constant 0 : i32
        %dma_start3A_83 = tpu.memref_slice %arg2[%mul3A_78, %dma_start3A_82] : memref<160000x128xf32, #tpu.memory_space<hbm>> -> memref<128x128xf32, #tpu.memory_space<hbm>>
        tpu.enqueue_dma source(%dma_start3A_83 : memref<128x128xf32, #tpu.memory_space<hbm>>) target(%arg8 : memref<128x128xf32, #tpu.memory_space<vmem>>) target_semaphore(%arg10 : memref<!tpu.dma_semaphore, #tpu.memory_space<semaphore_mem>>)
      } else {
      }
      %mul3A_52 = arith.constant 2 : i32
      %mul3A_53 = arith.muli %mul3A_52, %scan3A_29 : i32
      %add3A_54 = arith.constant 0 : i32
      %add3A_55 = arith.addi %mul3A_53, %add3A_54 : i32
      %mul3A_56 = arith.constant 32 : i32
      %mul3A_57 = arith.muli %add3A_55, %mul3A_56 : i32
      %add3A_58 = arith.addi %add3A, %mul3A_57 : i32
      %lt3A_59 = arith.constant 1250 : i32
      %lt3A_60 = arith.cmpi slt, %add3A_58, %lt3A_59 : i32
      %convert_element_type3A_61 = arith.extui %lt3A_60 : i1 to i32
      %cond3A_62 = arith.constant 0 : i32
      %cond3A_63 = arith.cmpi ne, %convert_element_type3A_61, %cond3A_62 : i32
      scf.if %cond3A_63 {
        %mul3A_77 = arith.constant 128 : i32
        %mul3A_78 = arith.muli %add3A_58, %mul3A_77 : i32
        %dma_wait3A = tpu.memref_slice %arg3[%mul3A_78] : memref<160000xi32, #tpu.memory_space<hbm>> -> memref<128xi32, #tpu.memory_space<hbm>>
        %dma_wait3A_79 = tpu.memref_slice %arg3[%mul3A_78] : memref<160000xi32, #tpu.memory_space<hbm>> -> memref<128xi32, #tpu.memory_space<hbm>>
        tpu.wait_dma2 semaphore(%arg9 : memref<!tpu.dma_semaphore, #tpu.memory_space<semaphore_mem>>) src(%dma_wait3A_79 : memref<128xi32, #tpu.memory_space<hbm>>) dst(%arg5 : memref<128xi32, #tpu.memory_space<vmem>>)
        %dma_wait3A_80 = arith.constant 0 : i32
        %dma_wait3A_81 = tpu.memref_slice %arg2[%mul3A_78, %dma_wait3A_80] : memref<160000x128xf32, #tpu.memory_space<hbm>> -> memref<128x128xf32, #tpu.memory_space<hbm>>
        %dma_wait3A_82 = arith.constant 0 : i32
        %dma_wait3A_83 = tpu.memref_slice %arg2[%mul3A_78, %dma_wait3A_82] : memref<160000x128xf32, #tpu.memory_space<hbm>> -> memref<128x128xf32, #tpu.memory_space<hbm>>
        tpu.wait_dma2 semaphore(%arg9 : memref<!tpu.dma_semaphore, #tpu.memory_space<semaphore_mem>>) src(%dma_wait3A_83 : memref<128x128xf32, #tpu.memory_space<hbm>>) dst(%arg6 : memref<128x128xf32, #tpu.memory_space<vmem>>)
        "tpu.region"() ({
          %run_scoped3A = tpu.sem_alloc : memref<!tpu.dma_semaphore, #tpu.memory_space<semaphore_mem>>
          %dma_start3A = arith.constant 0 : i32
          %dma_start3A_84 = arith.constant 0 : i32
          %dma_start3A_85 = tpu.memref_slice %arg12[%dma_start3A, %dma_start3A_84] : memref<10000x128xf32, #tpu.memory_space<vmem_shared>> -> memref<10000x128xf32, #tpu.memory_space<vmem_shared>>
          tpu.enqueue_indirect_dma source(%arg6 : memref<128x128xf32, #tpu.memory_space<vmem>>) target(%dma_start3A_85 : memref<10000x128xf32, #tpu.memory_space<vmem_shared>>) offsets(%arg5 : memref<128xi32, #tpu.memory_space<vmem>>) semaphore(%run_scoped3A : memref<!tpu.dma_semaphore, #tpu.memory_space<semaphore_mem>>) {add = true}
          %dma_wait3A_86 = arith.constant 0 : i32
          %dma_wait3A_87 = arith.constant 0 : i32
          %dma_wait3A_88 = tpu.memref_slice %arg12[%dma_wait3A_86, %dma_wait3A_87] : memref<10000x128xf32, #tpu.memory_space<vmem_shared>> -> memref<10000x128xf32, #tpu.memory_space<vmem_shared>>
          tpu.wait_indirect_dma semaphore(%run_scoped3A : memref<!tpu.dma_semaphore, #tpu.memory_space<semaphore_mem>>) src(%arg6 : memref<128x128xf32, #tpu.memory_space<vmem>>) dst(%dma_wait3A_88 : memref<10000x128xf32, #tpu.memory_space<vmem_shared>>)
          tpu.yield
        }) : () -> ()
      } else {
      }
      %mul3A_64 = arith.constant 2 : i32
      %mul3A_65 = arith.muli %mul3A_64, %scan3A_29 : i32
      %add3A_66 = arith.constant 1 : i32
      %add3A_67 = arith.addi %mul3A_65, %add3A_66 : i32
      %mul3A_68 = arith.constant 32 : i32
      %mul3A_69 = arith.muli %add3A_67, %mul3A_68 : i32
      %add3A_70 = arith.addi %add3A, %mul3A_69 : i32
      %lt3A_71 = arith.constant 1250 : i32
      %lt3A_72 = arith.cmpi slt, %add3A_70, %lt3A_71 : i32
      %convert_element_type3A_73 = arith.extui %lt3A_72 : i1 to i32
      %cond3A_74 = arith.constant 0 : i32
      %cond3A_75 = arith.cmpi ne, %convert_element_type3A_73, %cond3A_74 : i32
      scf.if %cond3A_75 {
        %mul3A_77 = arith.constant 128 : i32
        %mul3A_78 = arith.muli %add3A_70, %mul3A_77 : i32
        %dma_wait3A = tpu.memref_slice %arg3[%mul3A_78] : memref<160000xi32, #tpu.memory_space<hbm>> -> memref<128xi32, #tpu.memory_space<hbm>>
        %dma_wait3A_79 = tpu.memref_slice %arg3[%mul3A_78] : memref<160000xi32, #tpu.memory_space<hbm>> -> memref<128xi32, #tpu.memory_space<hbm>>
        tpu.wait_dma2 semaphore(%arg10 : memref<!tpu.dma_semaphore, #tpu.memory_space<semaphore_mem>>) src(%dma_wait3A_79 : memref<128xi32, #tpu.memory_space<hbm>>) dst(%arg7 : memref<128xi32, #tpu.memory_space<vmem>>)
        %dma_wait3A_80 = arith.constant 0 : i32
        %dma_wait3A_81 = tpu.memref_slice %arg2[%mul3A_78, %dma_wait3A_80] : memref<160000x128xf32, #tpu.memory_space<hbm>> -> memref<128x128xf32, #tpu.memory_space<hbm>>
        %dma_wait3A_82 = arith.constant 0 : i32
        %dma_wait3A_83 = tpu.memref_slice %arg2[%mul3A_78, %dma_wait3A_82] : memref<160000x128xf32, #tpu.memory_space<hbm>> -> memref<128x128xf32, #tpu.memory_space<hbm>>
        tpu.wait_dma2 semaphore(%arg10 : memref<!tpu.dma_semaphore, #tpu.memory_space<semaphore_mem>>) src(%dma_wait3A_83 : memref<128x128xf32, #tpu.memory_space<hbm>>) dst(%arg8 : memref<128x128xf32, #tpu.memory_space<vmem>>)
        "tpu.region"() ({
          %run_scoped3A = tpu.sem_alloc : memref<!tpu.dma_semaphore, #tpu.memory_space<semaphore_mem>>
          %dma_start3A = arith.constant 0 : i32
          %dma_start3A_84 = arith.constant 0 : i32
          %dma_start3A_85 = tpu.memref_slice %arg12[%dma_start3A, %dma_start3A_84] : memref<10000x128xf32, #tpu.memory_space<vmem_shared>> -> memref<10000x128xf32, #tpu.memory_space<vmem_shared>>
          tpu.enqueue_indirect_dma source(%arg8 : memref<128x128xf32, #tpu.memory_space<vmem>>) target(%dma_start3A_85 : memref<10000x128xf32, #tpu.memory_space<vmem_shared>>) offsets(%arg7 : memref<128xi32, #tpu.memory_space<vmem>>) semaphore(%run_scoped3A : memref<!tpu.dma_semaphore, #tpu.memory_space<semaphore_mem>>) {add = true}
          %dma_wait3A_86 = arith.constant 0 : i32
          %dma_wait3A_87 = arith.constant 0 : i32
          %dma_wait3A_88 = tpu.memref_slice %arg12[%dma_wait3A_86, %dma_wait3A_87] : memref<10000x128xf32, #tpu.memory_space<vmem_shared>> -> memref<10000x128xf32, #tpu.memory_space<vmem_shared>>
          tpu.wait_indirect_dma semaphore(%run_scoped3A : memref<!tpu.dma_semaphore, #tpu.memory_space<semaphore_mem>>) src(%arg8 : memref<128x128xf32, #tpu.memory_space<vmem>>) dst(%dma_wait3A_88 : memref<10000x128xf32, #tpu.memory_space<vmem_shared>>)
          tpu.yield
        }) : () -> ()
      } else {
      }
      %scan3A_76 = arith.constant 0 : i32
      scf.yield %scan3A_76 : i32
    }
    %scan3A_20 = arith.constant 20 : i32
    %barrier3A_21 = arith.constant 0 : index
    tpu.barrier barrier_id(%barrier3A_21)
    %scan3A_22 = arith.constant 0 : i32
    %scan3A_23 = arith.constant 0 : i32
    %scan3A_24 = arith.constant 8 : i32
    %scan3A_25 = arith.addi %scan3A_23, %scan3A_24 : i32
    %scan3A_26 = arith.constant 1 : i32
    %scan3A_27 = scf.for %scan3A_29 = %scan3A_23 to %scan3A_25 step %scan3A_26 iter_args(%scan3A_30 = %scan3A_22) -> (i32)  : i32 {
      %mul3A_31 = arith.constant 16 : i32
      %mul3A_32 = arith.muli %scan3A_29, %mul3A_31 : i32
      %add3A_33 = arith.addi %arg1, %mul3A_32 : i32
      %lt3A = arith.constant 125 : i32
      %lt3A_34 = arith.cmpi slt, %add3A_33, %lt3A : i32
      %convert_element_type3A = arith.extui %lt3A_34 : i1 to i32
      %cond3A = arith.constant 0 : i32
      %cond3A_35 = arith.cmpi ne, %convert_element_type3A, %cond3A : i32
      scf.if %cond3A_35 {
        %mul3A_37 = arith.constant 80 : i32
        %mul3A_38 = arith.muli %add3A_33, %mul3A_37 : i32
        "tpu.region"() ({
          %run_scoped3A = tpu.sem_alloc : memref<!tpu.dma_semaphore, #tpu.memory_space<semaphore_mem>>
          %dma_start3A = arith.constant 0 : i32
          %dma_start3A_39 = tpu.memref_slice %arg12[%mul3A_38, %dma_start3A] : memref<10000x128xf32, #tpu.memory_space<vmem_shared>> -> memref<80x128xf32, #tpu.memory_space<vmem_shared>>
          %dma_start3A_40 = arith.constant 0 : i32
          %dma_start3A_41 = tpu.memref_slice %arg12[%mul3A_38, %dma_start3A_40] : memref<10000x128xf32, #tpu.memory_space<vmem_shared>> -> memref<80x128xf32, #tpu.memory_space<vmem_shared>>
          tpu.enqueue_dma source(%dma_start3A_41 : memref<80x128xf32, #tpu.memory_space<vmem_shared>>) target(%arg11 : memref<80x128xf32, #tpu.memory_space<vmem>>) target_semaphore(%run_scoped3A : memref<!tpu.dma_semaphore, #tpu.memory_space<semaphore_mem>>)
          %dma_wait3A = arith.constant 0 : i32
          %dma_wait3A_42 = tpu.memref_slice %arg12[%mul3A_38, %dma_wait3A] : memref<10000x128xf32, #tpu.memory_space<vmem_shared>> -> memref<80x128xf32, #tpu.memory_space<vmem_shared>>
          %dma_wait3A_43 = arith.constant 0 : i32
          %dma_wait3A_44 = tpu.memref_slice %arg12[%mul3A_38, %dma_wait3A_43] : memref<10000x128xf32, #tpu.memory_space<vmem_shared>> -> memref<80x128xf32, #tpu.memory_space<vmem_shared>>
          tpu.wait_dma2 semaphore(%run_scoped3A : memref<!tpu.dma_semaphore, #tpu.memory_space<semaphore_mem>>) src(%dma_wait3A_44 : memref<80x128xf32, #tpu.memory_space<vmem_shared>>) dst(%arg11 : memref<80x128xf32, #tpu.memory_space<vmem>>)
          tpu.yield
        }) : () -> ()
        "tpu.region"() ({
          %run_scoped3A = tpu.sem_alloc : memref<!tpu.dma_semaphore, #tpu.memory_space<semaphore_mem>>
          %dma_start3A = arith.constant 0 : i32
          %dma_start3A_39 = tpu.memref_slice %arg4[%arg0, %mul3A_38, %dma_start3A] : memref<2x10000x128xf32, #tpu.memory_space<hbm>> -> memref<1x80x128xf32, #tpu.memory_space<hbm>>
          %dma_start3A_40 = tpu.memref_squeeze %dma_start3A_39 : memref<1x80x128xf32, #tpu.memory_space<hbm>> -> memref<80x128xf32, #tpu.memory_space<hbm>>
          %dma_start3A_41 = arith.constant 0 : i32
          %dma_start3A_42 = tpu.memref_slice %arg4[%arg0, %mul3A_38, %dma_start3A_41] : memref<2x10000x128xf32, #tpu.memory_space<hbm>> -> memref<1x80x128xf32, #tpu.memory_space<hbm>>
          %dma_start3A_43 = tpu.memref_squeeze %dma_start3A_42 : memref<1x80x128xf32, #tpu.memory_space<hbm>> -> memref<80x128xf32, #tpu.memory_space<hbm>>
          tpu.enqueue_dma source(%arg11 : memref<80x128xf32, #tpu.memory_space<vmem>>) target(%dma_start3A_43 : memref<80x128xf32, #tpu.memory_space<hbm>>) target_semaphore(%run_scoped3A : memref<!tpu.dma_semaphore, #tpu.memory_space<semaphore_mem>>)
          %dma_wait3A = arith.constant 0 : i32
          %dma_wait3A_44 = tpu.memref_slice %arg4[%arg0, %mul3A_38, %dma_wait3A] : memref<2x10000x128xf32, #tpu.memory_space<hbm>> -> memref<1x80x128xf32, #tpu.memory_space<hbm>>
          %dma_wait3A_45 = tpu.memref_squeeze %dma_wait3A_44 : memref<1x80x128xf32, #tpu.memory_space<hbm>> -> memref<80x128xf32, #tpu.memory_space<hbm>>
          %dma_wait3A_46 = arith.constant 0 : i32
          %dma_wait3A_47 = tpu.memref_slice %arg4[%arg0, %mul3A_38, %dma_wait3A_46] : memref<2x10000x128xf32, #tpu.memory_space<hbm>> -> memref<1x80x128xf32, #tpu.memory_space<hbm>>
          %dma_wait3A_48 = tpu.memref_squeeze %dma_wait3A_47 : memref<1x80x128xf32, #tpu.memory_space<hbm>> -> memref<80x128xf32, #tpu.memory_space<hbm>>
          tpu.wait_dma2 semaphore(%run_scoped3A : memref<!tpu.dma_semaphore, #tpu.memory_space<semaphore_mem>>) src(%arg11 : memref<80x128xf32, #tpu.memory_space<vmem>>) dst(%dma_wait3A_48 : memref<80x128xf32, #tpu.memory_space<hbm>>)
          tpu.yield
        }) : () -> ()
      } else {
      }
      %scan3A_36 = arith.constant 0 : i32
      scf.yield %scan3A_36 : i32
    }
    %scan3A_28 = arith.constant 8 : i32
    return
  }
}

#map = affine_map<(d0, d1) -> (0, 0)>
#map1 = affine_map<(d0, d1) -> (0)>
module attributes {stable_mosaic.version = 14 : i64} {
  func.func @k(%arg0: i32, %arg1: i32, %arg2: memref<10000x128xf32, #tpu.memory_space<hbm>>, %arg3: memref<10000x128xf32, #tpu.memory_space<hbm>>, %arg4: memref<160000xi32, #tpu.memory_space<hbm>>, %arg5: memref<160000xi32, #tpu.memory_space<hbm>>, %arg6: memref<160000x128xf32, #tpu.memory_space<hbm>>, %arg7: memref<160000x128xf32, #tpu.memory_space<hbm>>, %arg8: memref<128xi32, #tpu.memory_space<vmem>>, %arg9: memref<128x128xf32, #tpu.memory_space<vmem>>, %arg10: memref<!tpu.dma_semaphore, #tpu.memory_space<semaphore_mem>>, %arg11: memref<128xi32, #tpu.memory_space<vmem>>, %arg12: memref<128x128xf32, #tpu.memory_space<vmem>>, %arg13: memref<!tpu.dma_semaphore, #tpu.memory_space<semaphore_mem>>) attributes {dimension_semantics = [#tpu.dimension_semantics<core_parallel>, #tpu.dimension_semantics<subcore_parallel>], iteration_bounds = array<i64: 2, 16>, scalar_prefetch = 0 : i64, scratch_operands = 6 : i64, tpu.core_type = #tpu.core_type<sc_vector_subcore>, window_params = [{transform_indices = #map}, {transform_indices = #map}, {transform_indices = #map1}, {transform_indices = #map1}, {transform_indices = #map}, {transform_indices = #map}]} {
    %mul3A = arith.constant 2 : i32
    %mul3A_0 = arith.muli %arg1, %mul3A : i32
    %add3A = arith.addi %mul3A_0, %arg0 : i32
    %scan3A = arith.constant 0 : i32
    %scan3A_1 = arith.constant 0 : i32
    %scan3A_2 = arith.constant 40 : i32
    %scan3A_3 = arith.addi %scan3A_1, %scan3A_2 : i32
    %scan3A_4 = arith.constant 1 : i32
    %scan3A_5 = scf.for %scan3A_7 = %scan3A_1 to %scan3A_3 step %scan3A_4 iter_args(%scan3A_8 = %scan3A) -> (i32)  : i32 {
      %mul3A_9 = arith.constant 32 : i32
      %mul3A_10 = arith.muli %scan3A_7, %mul3A_9 : i32
      %add3A_11 = arith.addi %add3A, %mul3A_10 : i32
      %lt3A = arith.constant 1250 : i32
      %lt3A_12 = arith.cmpi slt, %add3A_11, %lt3A : i32
      %convert_element_type3A = arith.extui %lt3A_12 : i1 to i32
      %cond3A = arith.constant 0 : i32
      %cond3A_13 = arith.cmpi ne, %convert_element_type3A, %cond3A : i32
      scf.if %cond3A_13 {
        %mul3A_15 = arith.constant 128 : i32
        %mul3A_16 = arith.muli %add3A_11, %mul3A_15 : i32
        %dma_start3A = tpu.memref_slice %arg4[%mul3A_16] : memref<160000xi32, #tpu.memory_space<hbm>> -> memref<128xi32, #tpu.memory_space<hbm>>
        %dma_start3A_17 = tpu.memref_slice %arg4[%mul3A_16] : memref<160000xi32, #tpu.memory_space<hbm>> -> memref<128xi32, #tpu.memory_space<hbm>>
        tpu.enqueue_dma source(%dma_start3A_17 : memref<128xi32, #tpu.memory_space<hbm>>) target(%arg8 : memref<128xi32, #tpu.memory_space<vmem>>) target_semaphore(%arg10 : memref<!tpu.dma_semaphore, #tpu.memory_space<semaphore_mem>>)
        %dma_start3A_18 = tpu.memref_slice %arg5[%mul3A_16] : memref<160000xi32, #tpu.memory_space<hbm>> -> memref<128xi32, #tpu.memory_space<hbm>>
        %dma_start3A_19 = tpu.memref_slice %arg5[%mul3A_16] : memref<160000xi32, #tpu.memory_space<hbm>> -> memref<128xi32, #tpu.memory_space<hbm>>
        tpu.enqueue_dma source(%dma_start3A_19 : memref<128xi32, #tpu.memory_space<hbm>>) target(%arg11 : memref<128xi32, #tpu.memory_space<vmem>>) target_semaphore(%arg13 : memref<!tpu.dma_semaphore, #tpu.memory_space<semaphore_mem>>)
        %dma_wait3A = tpu.memref_slice %arg4[%mul3A_16] : memref<160000xi32, #tpu.memory_space<hbm>> -> memref<128xi32, #tpu.memory_space<hbm>>
        %dma_wait3A_20 = tpu.memref_slice %arg4[%mul3A_16] : memref<160000xi32, #tpu.memory_space<hbm>> -> memref<128xi32, #tpu.memory_space<hbm>>
        tpu.wait_dma2 semaphore(%arg10 : memref<!tpu.dma_semaphore, #tpu.memory_space<semaphore_mem>>) src(%dma_wait3A_20 : memref<128xi32, #tpu.memory_space<hbm>>) dst(%arg8 : memref<128xi32, #tpu.memory_space<vmem>>)
        %dma_start3A_21 = arith.constant 0 : i32
        %dma_start3A_22 = arith.constant 0 : i32
        %dma_start3A_23 = tpu.memref_slice %arg2[%dma_start3A_21, %dma_start3A_22] : memref<10000x128xf32, #tpu.memory_space<hbm>> -> memref<10000x128xf32, #tpu.memory_space<hbm>>
        tpu.enqueue_indirect_dma source(%dma_start3A_23 : memref<10000x128xf32, #tpu.memory_space<hbm>>) target(%arg9 : memref<128x128xf32, #tpu.memory_space<vmem>>) offsets(%arg8 : memref<128xi32, #tpu.memory_space<vmem>>) semaphore(%arg10 : memref<!tpu.dma_semaphore, #tpu.memory_space<semaphore_mem>>)
        %dma_wait3A_24 = tpu.memref_slice %arg5[%mul3A_16] : memref<160000xi32, #tpu.memory_space<hbm>> -> memref<128xi32, #tpu.memory_space<hbm>>
        %dma_wait3A_25 = tpu.memref_slice %arg5[%mul3A_16] : memref<160000xi32, #tpu.memory_space<hbm>> -> memref<128xi32, #tpu.memory_space<hbm>>
        tpu.wait_dma2 semaphore(%arg13 : memref<!tpu.dma_semaphore, #tpu.memory_space<semaphore_mem>>) src(%dma_wait3A_25 : memref<128xi32, #tpu.memory_space<hbm>>) dst(%arg11 : memref<128xi32, #tpu.memory_space<vmem>>)
        %dma_start3A_26 = arith.constant 0 : i32
        %dma_start3A_27 = arith.constant 0 : i32
        %dma_start3A_28 = tpu.memref_slice %arg3[%dma_start3A_26, %dma_start3A_27] : memref<10000x128xf32, #tpu.memory_space<hbm>> -> memref<10000x128xf32, #tpu.memory_space<hbm>>
        tpu.enqueue_indirect_dma source(%dma_start3A_28 : memref<10000x128xf32, #tpu.memory_space<hbm>>) target(%arg12 : memref<128x128xf32, #tpu.memory_space<vmem>>) offsets(%arg11 : memref<128xi32, #tpu.memory_space<vmem>>) semaphore(%arg13 : memref<!tpu.dma_semaphore, #tpu.memory_space<semaphore_mem>>)
        %dma_wait3A_29 = arith.constant 0 : i32
        %dma_wait3A_30 = arith.constant 0 : i32
        %dma_wait3A_31 = tpu.memref_slice %arg2[%dma_wait3A_29, %dma_wait3A_30] : memref<10000x128xf32, #tpu.memory_space<hbm>> -> memref<10000x128xf32, #tpu.memory_space<hbm>>
        tpu.wait_indirect_dma semaphore(%arg10 : memref<!tpu.dma_semaphore, #tpu.memory_space<semaphore_mem>>) src(%dma_wait3A_31 : memref<10000x128xf32, #tpu.memory_space<hbm>>) dst(%arg9 : memref<128x128xf32, #tpu.memory_space<vmem>>)
        %dma_start3A_32 = arith.constant 0 : i32
        %dma_start3A_33 = tpu.memref_slice %arg6[%mul3A_16, %dma_start3A_32] : memref<160000x128xf32, #tpu.memory_space<hbm>> -> memref<128x128xf32, #tpu.memory_space<hbm>>
        %dma_start3A_34 = arith.constant 0 : i32
        %dma_start3A_35 = tpu.memref_slice %arg6[%mul3A_16, %dma_start3A_34] : memref<160000x128xf32, #tpu.memory_space<hbm>> -> memref<128x128xf32, #tpu.memory_space<hbm>>
        tpu.enqueue_dma source(%arg9 : memref<128x128xf32, #tpu.memory_space<vmem>>) target(%dma_start3A_35 : memref<128x128xf32, #tpu.memory_space<hbm>>) target_semaphore(%arg10 : memref<!tpu.dma_semaphore, #tpu.memory_space<semaphore_mem>>)
        %dma_wait3A_36 = arith.constant 0 : i32
        %dma_wait3A_37 = arith.constant 0 : i32
        %dma_wait3A_38 = tpu.memref_slice %arg3[%dma_wait3A_36, %dma_wait3A_37] : memref<10000x128xf32, #tpu.memory_space<hbm>> -> memref<10000x128xf32, #tpu.memory_space<hbm>>
        tpu.wait_indirect_dma semaphore(%arg13 : memref<!tpu.dma_semaphore, #tpu.memory_space<semaphore_mem>>) src(%dma_wait3A_38 : memref<10000x128xf32, #tpu.memory_space<hbm>>) dst(%arg12 : memref<128x128xf32, #tpu.memory_space<vmem>>)
        %dma_start3A_39 = arith.constant 0 : i32
        %dma_start3A_40 = tpu.memref_slice %arg7[%mul3A_16, %dma_start3A_39] : memref<160000x128xf32, #tpu.memory_space<hbm>> -> memref<128x128xf32, #tpu.memory_space<hbm>>
        %dma_start3A_41 = arith.constant 0 : i32
        %dma_start3A_42 = tpu.memref_slice %arg7[%mul3A_16, %dma_start3A_41] : memref<160000x128xf32, #tpu.memory_space<hbm>> -> memref<128x128xf32, #tpu.memory_space<hbm>>
        tpu.enqueue_dma source(%arg12 : memref<128x128xf32, #tpu.memory_space<vmem>>) target(%dma_start3A_42 : memref<128x128xf32, #tpu.memory_space<hbm>>) target_semaphore(%arg13 : memref<!tpu.dma_semaphore, #tpu.memory_space<semaphore_mem>>)
        %dma_wait3A_43 = arith.constant 0 : i32
        %dma_wait3A_44 = tpu.memref_slice %arg6[%mul3A_16, %dma_wait3A_43] : memref<160000x128xf32, #tpu.memory_space<hbm>> -> memref<128x128xf32, #tpu.memory_space<hbm>>
        %dma_wait3A_45 = arith.constant 0 : i32
        %dma_wait3A_46 = tpu.memref_slice %arg6[%mul3A_16, %dma_wait3A_45] : memref<160000x128xf32, #tpu.memory_space<hbm>> -> memref<128x128xf32, #tpu.memory_space<hbm>>
        tpu.wait_dma2 semaphore(%arg10 : memref<!tpu.dma_semaphore, #tpu.memory_space<semaphore_mem>>) src(%arg9 : memref<128x128xf32, #tpu.memory_space<vmem>>) dst(%dma_wait3A_46 : memref<128x128xf32, #tpu.memory_space<hbm>>)
        %dma_wait3A_47 = arith.constant 0 : i32
        %dma_wait3A_48 = tpu.memref_slice %arg7[%mul3A_16, %dma_wait3A_47] : memref<160000x128xf32, #tpu.memory_space<hbm>> -> memref<128x128xf32, #tpu.memory_space<hbm>>
        %dma_wait3A_49 = arith.constant 0 : i32
        %dma_wait3A_50 = tpu.memref_slice %arg7[%mul3A_16, %dma_wait3A_49] : memref<160000x128xf32, #tpu.memory_space<hbm>> -> memref<128x128xf32, #tpu.memory_space<hbm>>
        tpu.wait_dma2 semaphore(%arg13 : memref<!tpu.dma_semaphore, #tpu.memory_space<semaphore_mem>>) src(%arg12 : memref<128x128xf32, #tpu.memory_space<vmem>>) dst(%dma_wait3A_50 : memref<128x128xf32, #tpu.memory_space<hbm>>)
      } else {
      }
      %scan3A_14 = arith.constant 0 : i32
      scf.yield %scan3A_14 : i32
    }
    %scan3A_6 = arith.constant 40 : i32
    return
  }
}

#map = affine_map<(d0, d1) -> (0, 0)>
#map1 = affine_map<(d0, d1) -> (0)>
#map2 = affine_map<(d0, d1) -> (0, 0, 0)>
module attributes {stable_mosaic.version = 14 : i64} {
  func.func @k(%arg0: i32, %arg1: i32, %arg2: memref<160000x128xf32, #tpu.memory_space<hbm>>, %arg3: memref<160000xi32, #tpu.memory_space<hbm>>, %arg4: memref<2x10000x128xf32, #tpu.memory_space<hbm>>, %arg5: memref<128xi32, #tpu.memory_space<vmem>>, %arg6: memref<128x128xf32, #tpu.memory_space<vmem>>, %arg7: memref<128xi32, #tpu.memory_space<vmem>>, %arg8: memref<128x128xf32, #tpu.memory_space<vmem>>, %arg9: memref<!tpu.dma_semaphore, #tpu.memory_space<semaphore_mem>>, %arg10: memref<!tpu.dma_semaphore, #tpu.memory_space<semaphore_mem>>, %arg11: memref<80x128xf32, #tpu.memory_space<vmem>>, %arg12: memref<10000x128xf32, #tpu.memory_space<vmem_shared>>) attributes {dimension_semantics = [#tpu.dimension_semantics<core_parallel>, #tpu.dimension_semantics<subcore_parallel>], iteration_bounds = array<i64: 2, 16>, scalar_prefetch = 0 : i64, scratch_operands = 8 : i64, tpu.core_type = #tpu.core_type<sc_vector_subcore>, window_params = [{transform_indices = #map}, {transform_indices = #map1}, {transform_indices = #map2}]} {
    %mul3A = arith.constant 2 : i32
    %mul3A_0 = arith.muli %arg1, %mul3A : i32
    %add3A = arith.addi %mul3A_0, %arg0 : i32
    %scan3A = arith.constant 0 : i32
    %scan3A_1 = arith.constant 0 : i32
    %scan3A_2 = arith.constant 80 : i32
    %scan3A_3 = arith.addi %scan3A_1, %scan3A_2 : i32
    %scan3A_4 = arith.constant 1 : i32
    %scan3A_5 = scf.for %scan3A_29 = %scan3A_1 to %scan3A_3 step %scan3A_4 iter_args(%scan3A_30 = %scan3A) -> (i32)  : i32 {
      %scan3A_31 = arith.constant 0 : i32
      %scan3A_32 = arith.constant 0 : i32
      %scan3A_33 = arith.constant 8 : i32
      %scan3A_34 = arith.addi %scan3A_32, %scan3A_33 : i32
      %scan3A_35 = arith.constant 1 : i32
      %scan3A_36 = scf.for %scan3A_39 = %scan3A_32 to %scan3A_34 step %scan3A_35 iter_args(%scan3A_40 = %scan3A_31) -> (i32)  : i32 {
        %broadcast_in_dim3A = arith.constant 0.000000e+00 : f32
        %broadcast_in_dim3A_41 = vector.broadcast %broadcast_in_dim3A : f32 to vector<16xf32>
        %mul3A_42 = arith.constant 16 : i32
        %mul3A_43 = arith.muli %scan3A_39, %mul3A_42 : i32
        %swap3A = arith.index_cast %scan3A_29 : i32 to index
        %swap3A_44 = arith.index_cast %mul3A_43 : i32 to index
        %swap3A_45 = tpu.vector_load %arg11[%swap3A, %swap3A_44] {strides = array<i32>} : memref<80x128xf32, #tpu.memory_space<vmem>>, vector<1x16xf32>,
        %swap3A_46 = vector.shape_cast %swap3A_45 : vector<1x16xf32> to vector<16xf32>
        %swap3A_47 = vector.shape_cast %broadcast_in_dim3A_41 : vector<16xf32> to vector<1x16xf32>
        tpu.vector_store %arg11[%swap3A, %swap3A_44], %swap3A_47 {strides = array<i32>} : memref<80x128xf32, #tpu.memory_space<vmem>>, vector<1x16xf32>,
        %scan3A_48 = arith.constant 0 : i32
        scf.yield %scan3A_48 : i32
      }
      %scan3A_37 = arith.constant 8 : i32
      %scan3A_38 = arith.constant 0 : i32
      scf.yield %scan3A_38 : i32
    }
    %scan3A_6 = arith.constant 80 : i32
    %scan3A_7 = arith.constant 0 : i32
    %scan3A_8 = arith.constant 0 : i32
    %scan3A_9 = arith.constant 8 : i32
    %scan3A_10 = arith.addi %scan3A_8, %scan3A_9 : i32
    %scan3A_11 = arith.constant 1 : i32
    %scan3A_12 = scf.for %scan3A_29 = %scan3A_8 to %scan3A_10 step %scan3A_11 iter_args(%scan3A_30 = %scan3A_7) -> (i32)  : i32 {
      %mul3A_31 = arith.constant 16 : i32
      %mul3A_32 = arith.muli %scan3A_29, %mul3A_31 : i32
      %add3A_33 = arith.addi %arg1, %mul3A_32 : i32
      %lt3A = arith.constant 125 : i32
      %lt3A_34 = arith.cmpi slt, %add3A_33, %lt3A : i32
      %convert_element_type3A = arith.extui %lt3A_34 : i1 to i32
      %cond3A = arith.constant 0 : i32
      %cond3A_35 = arith.cmpi ne, %convert_element_type3A, %cond3A : i32
      scf.if %cond3A_35 {
        %mul3A_37 = arith.constant 80 : i32
        %mul3A_38 = arith.muli %add3A_33, %mul3A_37 : i32
        "tpu.region"() ({
          %run_scoped3A = tpu.sem_alloc : memref<!tpu.dma_semaphore, #tpu.memory_space<semaphore_mem>>
          %dma_start3A = arith.constant 0 : i32
          %dma_start3A_39 = tpu.memref_slice %arg12[%mul3A_38, %dma_start3A] : memref<10000x128xf32, #tpu.memory_space<vmem_shared>> -> memref<80x128xf32, #tpu.memory_space<vmem_shared>>
          %dma_start3A_40 = arith.constant 0 : i32
          %dma_start3A_41 = tpu.memref_slice %arg12[%mul3A_38, %dma_start3A_40] : memref<10000x128xf32, #tpu.memory_space<vmem_shared>> -> memref<80x128xf32, #tpu.memory_space<vmem_shared>>
          tpu.enqueue_dma source(%arg11 : memref<80x128xf32, #tpu.memory_space<vmem>>) target(%dma_start3A_41 : memref<80x128xf32, #tpu.memory_space<vmem_shared>>) target_semaphore(%run_scoped3A : memref<!tpu.dma_semaphore, #tpu.memory_space<semaphore_mem>>)
          %dma_wait3A = arith.constant 0 : i32
          %dma_wait3A_42 = tpu.memref_slice %arg12[%mul3A_38, %dma_wait3A] : memref<10000x128xf32, #tpu.memory_space<vmem_shared>> -> memref<80x128xf32, #tpu.memory_space<vmem_shared>>
          %dma_wait3A_43 = arith.constant 0 : i32
          %dma_wait3A_44 = tpu.memref_slice %arg12[%mul3A_38, %dma_wait3A_43] : memref<10000x128xf32, #tpu.memory_space<vmem_shared>> -> memref<80x128xf32, #tpu.memory_space<vmem_shared>>
          tpu.wait_dma2 semaphore(%run_scoped3A : memref<!tpu.dma_semaphore, #tpu.memory_space<semaphore_mem>>) src(%arg11 : memref<80x128xf32, #tpu.memory_space<vmem>>) dst(%dma_wait3A_44 : memref<80x128xf32, #tpu.memory_space<vmem_shared>>)
          tpu.yield
        }) : () -> ()
      } else {
      }
      %scan3A_36 = arith.constant 0 : i32
      scf.yield %scan3A_36 : i32
    }
    %scan3A_13 = arith.constant 8 : i32
    %barrier3A = arith.constant 0 : index
    tpu.barrier barrier_id(%barrier3A)
    %scan3A_14 = arith.constant 0 : i32
    %scan3A_15 = arith.constant 0 : i32
    %scan3A_16 = arith.constant 20 : i32
    %scan3A_17 = arith.addi %scan3A_15, %scan3A_16 : i32
    %scan3A_18 = arith.constant 1 : i32
    %scan3A_19 = scf.for %scan3A_29 = %scan3A_15 to %scan3A_17 step %scan3A_18 iter_args(%scan3A_30 = %scan3A_14) -> (i32)  : i32 {
      %mul3A_31 = arith.constant 2 : i32
      %mul3A_32 = arith.muli %mul3A_31, %scan3A_29 : i32
      %add3A_33 = arith.constant 0 : i32
      %add3A_34 = arith.addi %mul3A_32, %add3A_33 : i32
      %mul3A_35 = arith.constant 32 : i32
      %mul3A_36 = arith.muli %add3A_34, %mul3A_35 : i32
      %add3A_37 = arith.addi %add3A, %mul3A_36 : i32
      %lt3A = arith.constant 1250 : i32
      %lt3A_38 = arith.cmpi slt, %add3A_37, %lt3A : i32
      %convert_element_type3A = arith.extui %lt3A_38 : i1 to i32
      %cond3A = arith.constant 0 : i32
      %cond3A_39 = arith.cmpi ne, %convert_element_type3A, %cond3A : i32
      scf.if %cond3A_39 {
        %mul3A_77 = arith.constant 128 : i32
        %mul3A_78 = arith.muli %add3A_37, %mul3A_77 : i32
        %dma_start3A = tpu.memref_slice %arg3[%mul3A_78] : memref<160000xi32, #tpu.memory_space<hbm>> -> memref<128xi32, #tpu.memory_space<hbm>>
        %dma_start3A_79 = tpu.memref_slice %arg3[%mul3A_78] : memref<160000xi32, #tpu.memory_space<hbm>> -> memref<128xi32, #tpu.memory_space<hbm>>
        tpu.enqueue_dma source(%dma_start3A_79 : memref<128xi32, #tpu.memory_space<hbm>>) target(%arg5 : memref<128xi32, #tpu.memory_space<vmem>>) target_semaphore(%arg9 : memref<!tpu.dma_semaphore, #tpu.memory_space<semaphore_mem>>)
        %dma_start3A_80 = arith.constant 0 : i32
        %dma_start3A_81 = tpu.memref_slice %arg2[%mul3A_78, %dma_start3A_80] : memref<160000x128xf32, #tpu.memory_space<hbm>> -> memref<128x128xf32, #tpu.memory_space<hbm>>
        %dma_start3A_82 = arith.constant 0 : i32
        %dma_start3A_83 = tpu.memref_slice %arg2[%mul3A_78, %dma_start3A_82] : memref<160000x128xf32, #tpu.memory_space<hbm>> -> memref<128x128xf32, #tpu.memory_space<hbm>>
        tpu.enqueue_dma source(%dma_start3A_83 : memref<128x128xf32, #tpu.memory_space<hbm>>) target(%arg6 : memref<128x128xf32, #tpu.memory_space<vmem>>) target_semaphore(%arg9 : memref<!tpu.dma_semaphore, #tpu.memory_space<semaphore_mem>>)
      } else {
      }
      %mul3A_40 = arith.constant 2 : i32
      %mul3A_41 = arith.muli %mul3A_40, %scan3A_29 : i32
      %add3A_42 = arith.constant 1 : i32
      %add3A_43 = arith.addi %mul3A_41, %add3A_42 : i32
      %mul3A_44 = arith.constant 32 : i32
      %mul3A_45 = arith.muli %add3A_43, %mul3A_44 : i32
      %add3A_46 = arith.addi %add3A, %mul3A_45 : i32
      %lt3A_47 = arith.constant 1250 : i32
      %lt3A_48 = arith.cmpi slt, %add3A_46, %lt3A_47 : i32
      %convert_element_type3A_49 = arith.extui %lt3A_48 : i1 to i32
      %cond3A_50 = arith.constant 0 : i32
      %cond3A_51 = arith.cmpi ne, %convert_element_type3A_49, %cond3A_50 : i32
      scf.if %cond3A_51 {
        %mul3A_77 = arith.constant 128 : i32
        %mul3A_78 = arith.muli %add3A_46, %mul3A_77 : i32
        %dma_start3A = tpu.memref_slice %arg3[%mul3A_78] : memref<160000xi32, #tpu.memory_space<hbm>> -> memref<128xi32, #tpu.memory_space<hbm>>
        %dma_start3A_79 = tpu.memref_slice %arg3[%mul3A_78] : memref<160000xi32, #tpu.memory_space<hbm>> -> memref<128xi32, #tpu.memory_space<hbm>>
        tpu.enqueue_dma source(%dma_start3A_79 : memref<128xi32, #tpu.memory_space<hbm>>) target(%arg7 : memref<128xi32, #tpu.memory_space<vmem>>) target_semaphore(%arg10 : memref<!tpu.dma_semaphore, #tpu.memory_space<semaphore_mem>>)
        %dma_start3A_80 = arith.constant 0 : i32
        %dma_start3A_81 = tpu.memref_slice %arg2[%mul3A_78, %dma_start3A_80] : memref<160000x128xf32, #tpu.memory_space<hbm>> -> memref<128x128xf32, #tpu.memory_space<hbm>>
        %dma_start3A_82 = arith.constant 0 : i32
        %dma_start3A_83 = tpu.memref_slice %arg2[%mul3A_78, %dma_start3A_82] : memref<160000x128xf32, #tpu.memory_space<hbm>> -> memref<128x128xf32, #tpu.memory_space<hbm>>
        tpu.enqueue_dma source(%dma_start3A_83 : memref<128x128xf32, #tpu.memory_space<hbm>>) target(%arg8 : memref<128x128xf32, #tpu.memory_space<vmem>>) target_semaphore(%arg10 : memref<!tpu.dma_semaphore, #tpu.memory_space<semaphore_mem>>)
      } else {
      }
      %mul3A_52 = arith.constant 2 : i32
      %mul3A_53 = arith.muli %mul3A_52, %scan3A_29 : i32
      %add3A_54 = arith.constant 0 : i32
      %add3A_55 = arith.addi %mul3A_53, %add3A_54 : i32
      %mul3A_56 = arith.constant 32 : i32
      %mul3A_57 = arith.muli %add3A_55, %mul3A_56 : i32
      %add3A_58 = arith.addi %add3A, %mul3A_57 : i32
      %lt3A_59 = arith.constant 1250 : i32
      %lt3A_60 = arith.cmpi slt, %add3A_58, %lt3A_59 : i32
      %convert_element_type3A_61 = arith.extui %lt3A_60 : i1 to i32
      %cond3A_62 = arith.constant 0 : i32
      %cond3A_63 = arith.cmpi ne, %convert_element_type3A_61, %cond3A_62 : i32
      scf.if %cond3A_63 {
        %mul3A_77 = arith.constant 128 : i32
        %mul3A_78 = arith.muli %add3A_58, %mul3A_77 : i32
        %dma_wait3A = tpu.memref_slice %arg3[%mul3A_78] : memref<160000xi32, #tpu.memory_space<hbm>> -> memref<128xi32, #tpu.memory_space<hbm>>
        %dma_wait3A_79 = tpu.memref_slice %arg3[%mul3A_78] : memref<160000xi32, #tpu.memory_space<hbm>> -> memref<128xi32, #tpu.memory_space<hbm>>
        tpu.wait_dma2 semaphore(%arg9 : memref<!tpu.dma_semaphore, #tpu.memory_space<semaphore_mem>>) src(%dma_wait3A_79 : memref<128xi32, #tpu.memory_space<hbm>>) dst(%arg5 : memref<128xi32, #tpu.memory_space<vmem>>)
        %dma_wait3A_80 = arith.constant 0 : i32
        %dma_wait3A_81 = tpu.memref_slice %arg2[%mul3A_78, %dma_wait3A_80] : memref<160000x128xf32, #tpu.memory_space<hbm>> -> memref<128x128xf32, #tpu.memory_space<hbm>>
        %dma_wait3A_82 = arith.constant 0 : i32
        %dma_wait3A_83 = tpu.memref_slice %arg2[%mul3A_78, %dma_wait3A_82] : memref<160000x128xf32, #tpu.memory_space<hbm>> -> memref<128x128xf32, #tpu.memory_space<hbm>>
        tpu.wait_dma2 semaphore(%arg9 : memref<!tpu.dma_semaphore, #tpu.memory_space<semaphore_mem>>) src(%dma_wait3A_83 : memref<128x128xf32, #tpu.memory_space<hbm>>) dst(%arg6 : memref<128x128xf32, #tpu.memory_space<vmem>>)
        "tpu.region"() ({
          %run_scoped3A = tpu.sem_alloc : memref<!tpu.dma_semaphore, #tpu.memory_space<semaphore_mem>>
          %dma_start3A = arith.constant 0 : i32
          %dma_start3A_84 = arith.constant 0 : i32
          %dma_start3A_85 = tpu.memref_slice %arg12[%dma_start3A, %dma_start3A_84] : memref<10000x128xf32, #tpu.memory_space<vmem_shared>> -> memref<10000x128xf32, #tpu.memory_space<vmem_shared>>
          tpu.enqueue_indirect_dma source(%arg6 : memref<128x128xf32, #tpu.memory_space<vmem>>) target(%dma_start3A_85 : memref<10000x128xf32, #tpu.memory_space<vmem_shared>>) offsets(%arg5 : memref<128xi32, #tpu.memory_space<vmem>>) semaphore(%run_scoped3A : memref<!tpu.dma_semaphore, #tpu.memory_space<semaphore_mem>>) {add = true}
          %dma_wait3A_86 = arith.constant 0 : i32
          %dma_wait3A_87 = arith.constant 0 : i32
          %dma_wait3A_88 = tpu.memref_slice %arg12[%dma_wait3A_86, %dma_wait3A_87] : memref<10000x128xf32, #tpu.memory_space<vmem_shared>> -> memref<10000x128xf32, #tpu.memory_space<vmem_shared>>
          tpu.wait_indirect_dma semaphore(%run_scoped3A : memref<!tpu.dma_semaphore, #tpu.memory_space<semaphore_mem>>) src(%arg6 : memref<128x128xf32, #tpu.memory_space<vmem>>) dst(%dma_wait3A_88 : memref<10000x128xf32, #tpu.memory_space<vmem_shared>>)
          tpu.yield
        }) : () -> ()
      } else {
      }
      %mul3A_64 = arith.constant 2 : i32
      %mul3A_65 = arith.muli %mul3A_64, %scan3A_29 : i32
      %add3A_66 = arith.constant 1 : i32
      %add3A_67 = arith.addi %mul3A_65, %add3A_66 : i32
      %mul3A_68 = arith.constant 32 : i32
      %mul3A_69 = arith.muli %add3A_67, %mul3A_68 : i32
      %add3A_70 = arith.addi %add3A, %mul3A_69 : i32
      %lt3A_71 = arith.constant 1250 : i32
      %lt3A_72 = arith.cmpi slt, %add3A_70, %lt3A_71 : i32
      %convert_element_type3A_73 = arith.extui %lt3A_72 : i1 to i32
      %cond3A_74 = arith.constant 0 : i32
      %cond3A_75 = arith.cmpi ne, %convert_element_type3A_73, %cond3A_74 : i32
      scf.if %cond3A_75 {
        %mul3A_77 = arith.constant 128 : i32
        %mul3A_78 = arith.muli %add3A_70, %mul3A_77 : i32
        %dma_wait3A = tpu.memref_slice %arg3[%mul3A_78] : memref<160000xi32, #tpu.memory_space<hbm>> -> memref<128xi32, #tpu.memory_space<hbm>>
        %dma_wait3A_79 = tpu.memref_slice %arg3[%mul3A_78] : memref<160000xi32, #tpu.memory_space<hbm>> -> memref<128xi32, #tpu.memory_space<hbm>>
        tpu.wait_dma2 semaphore(%arg10 : memref<!tpu.dma_semaphore, #tpu.memory_space<semaphore_mem>>) src(%dma_wait3A_79 : memref<128xi32, #tpu.memory_space<hbm>>) dst(%arg7 : memref<128xi32, #tpu.memory_space<vmem>>)
        %dma_wait3A_80 = arith.constant 0 : i32
        %dma_wait3A_81 = tpu.memref_slice %arg2[%mul3A_78, %dma_wait3A_80] : memref<160000x128xf32, #tpu.memory_space<hbm>> -> memref<128x128xf32, #tpu.memory_space<hbm>>
        %dma_wait3A_82 = arith.constant 0 : i32
        %dma_wait3A_83 = tpu.memref_slice %arg2[%mul3A_78, %dma_wait3A_82] : memref<160000x128xf32, #tpu.memory_space<hbm>> -> memref<128x128xf32, #tpu.memory_space<hbm>>
        tpu.wait_dma2 semaphore(%arg10 : memref<!tpu.dma_semaphore, #tpu.memory_space<semaphore_mem>>) src(%dma_wait3A_83 : memref<128x128xf32, #tpu.memory_space<hbm>>) dst(%arg8 : memref<128x128xf32, #tpu.memory_space<vmem>>)
        "tpu.region"() ({
          %run_scoped3A = tpu.sem_alloc : memref<!tpu.dma_semaphore, #tpu.memory_space<semaphore_mem>>
          %dma_start3A = arith.constant 0 : i32
          %dma_start3A_84 = arith.constant 0 : i32
          %dma_start3A_85 = tpu.memref_slice %arg12[%dma_start3A, %dma_start3A_84] : memref<10000x128xf32, #tpu.memory_space<vmem_shared>> -> memref<10000x128xf32, #tpu.memory_space<vmem_shared>>
          tpu.enqueue_indirect_dma source(%arg8 : memref<128x128xf32, #tpu.memory_space<vmem>>) target(%dma_start3A_85 : memref<10000x128xf32, #tpu.memory_space<vmem_shared>>) offsets(%arg7 : memref<128xi32, #tpu.memory_space<vmem>>) semaphore(%run_scoped3A : memref<!tpu.dma_semaphore, #tpu.memory_space<semaphore_mem>>) {add = true}
          %dma_wait3A_86 = arith.constant 0 : i32
          %dma_wait3A_87 = arith.constant 0 : i32
          %dma_wait3A_88 = tpu.memref_slice %arg12[%dma_wait3A_86, %dma_wait3A_87] : memref<10000x128xf32, #tpu.memory_space<vmem_shared>> -> memref<10000x128xf32, #tpu.memory_space<vmem_shared>>
          tpu.wait_indirect_dma semaphore(%run_scoped3A : memref<!tpu.dma_semaphore, #tpu.memory_space<semaphore_mem>>) src(%arg8 : memref<128x128xf32, #tpu.memory_space<vmem>>) dst(%dma_wait3A_88 : memref<10000x128xf32, #tpu.memory_space<vmem_shared>>)
          tpu.yield
        }) : () -> ()
      } else {
      }
      %scan3A_76 = arith.constant 0 : i32
      scf.yield %scan3A_76 : i32
    }
    %scan3A_20 = arith.constant 20 : i32
    %barrier3A_21 = arith.constant 0 : index
    tpu.barrier barrier_id(%barrier3A_21)
    %scan3A_22 = arith.constant 0 : i32
    %scan3A_23 = arith.constant 0 : i32
    %scan3A_24 = arith.constant 8 : i32
    %scan3A_25 = arith.addi %scan3A_23, %scan3A_24 : i32
    %scan3A_26 = arith.constant 1 : i32
    %scan3A_27 = scf.for %scan3A_29 = %scan3A_23 to %scan3A_25 step %scan3A_26 iter_args(%scan3A_30 = %scan3A_22) -> (i32)  : i32 {
      %mul3A_31 = arith.constant 16 : i32
      %mul3A_32 = arith.muli %scan3A_29, %mul3A_31 : i32
      %add3A_33 = arith.addi %arg1, %mul3A_32 : i32
      %lt3A = arith.constant 125 : i32
      %lt3A_34 = arith.cmpi slt, %add3A_33, %lt3A : i32
      %convert_element_type3A = arith.extui %lt3A_34 : i1 to i32
      %cond3A = arith.constant 0 : i32
      %cond3A_35 = arith.cmpi ne, %convert_element_type3A, %cond3A : i32
      scf.if %cond3A_35 {
        %mul3A_37 = arith.constant 80 : i32
        %mul3A_38 = arith.muli %add3A_33, %mul3A_37 : i32
        "tpu.region"() ({
          %run_scoped3A = tpu.sem_alloc : memref<!tpu.dma_semaphore, #tpu.memory_space<semaphore_mem>>
          %dma_start3A = arith.constant 0 : i32
          %dma_start3A_39 = tpu.memref_slice %arg12[%mul3A_38, %dma_start3A] : memref<10000x128xf32, #tpu.memory_space<vmem_shared>> -> memref<80x128xf32, #tpu.memory_space<vmem_shared>>
          %dma_start3A_40 = arith.constant 0 : i32
          %dma_start3A_41 = tpu.memref_slice %arg12[%mul3A_38, %dma_start3A_40] : memref<10000x128xf32, #tpu.memory_space<vmem_shared>> -> memref<80x128xf32, #tpu.memory_space<vmem_shared>>
          tpu.enqueue_dma source(%dma_start3A_41 : memref<80x128xf32, #tpu.memory_space<vmem_shared>>) target(%arg11 : memref<80x128xf32, #tpu.memory_space<vmem>>) target_semaphore(%run_scoped3A : memref<!tpu.dma_semaphore, #tpu.memory_space<semaphore_mem>>)
          %dma_wait3A = arith.constant 0 : i32
          %dma_wait3A_42 = tpu.memref_slice %arg12[%mul3A_38, %dma_wait3A] : memref<10000x128xf32, #tpu.memory_space<vmem_shared>> -> memref<80x128xf32, #tpu.memory_space<vmem_shared>>
          %dma_wait3A_43 = arith.constant 0 : i32
          %dma_wait3A_44 = tpu.memref_slice %arg12[%mul3A_38, %dma_wait3A_43] : memref<10000x128xf32, #tpu.memory_space<vmem_shared>> -> memref<80x128xf32, #tpu.memory_space<vmem_shared>>
          tpu.wait_dma2 semaphore(%run_scoped3A : memref<!tpu.dma_semaphore, #tpu.memory_space<semaphore_mem>>) src(%dma_wait3A_44 : memref<80x128xf32, #tpu.memory_space<vmem_shared>>) dst(%arg11 : memref<80x128xf32, #tpu.memory_space<vmem>>)
          tpu.yield
        }) : () -> ()
        "tpu.region"() ({
          %run_scoped3A = tpu.sem_alloc : memref<!tpu.dma_semaphore, #tpu.memory_space<semaphore_mem>>
          %dma_start3A = arith.constant 0 : i32
          %dma_start3A_39 = tpu.memref_slice %arg4[%arg0, %mul3A_38, %dma_start3A] : memref<2x10000x128xf32, #tpu.memory_space<hbm>> -> memref<1x80x128xf32, #tpu.memory_space<hbm>>
          %dma_start3A_40 = tpu.memref_squeeze %dma_start3A_39 : memref<1x80x128xf32, #tpu.memory_space<hbm>> -> memref<80x128xf32, #tpu.memory_space<hbm>>
          %dma_start3A_41 = arith.constant 0 : i32
          %dma_start3A_42 = tpu.memref_slice %arg4[%arg0, %mul3A_38, %dma_start3A_41] : memref<2x10000x128xf32, #tpu.memory_space<hbm>> -> memref<1x80x128xf32, #tpu.memory_space<hbm>>
          %dma_start3A_43 = tpu.memref_squeeze %dma_start3A_42 : memref<1x80x128xf32, #tpu.memory_space<hbm>> -> memref<80x128xf32, #tpu.memory_space<hbm>>
          tpu.enqueue_dma source(%arg11 : memref<80x128xf32, #tpu.memory_space<vmem>>) target(%dma_start3A_43 : memref<80x128xf32, #tpu.memory_space<hbm>>) target_semaphore(%run_scoped3A : memref<!tpu.dma_semaphore, #tpu.memory_space<semaphore_mem>>)
          %dma_wait3A = arith.constant 0 : i32
          %dma_wait3A_44 = tpu.memref_slice %arg4[%arg0, %mul3A_38, %dma_wait3A] : memref<2x10000x128xf32, #tpu.memory_space<hbm>> -> memref<1x80x128xf32, #tpu.memory_space<hbm>>
          %dma_wait3A_45 = tpu.memref_squeeze %dma_wait3A_44 : memref<1x80x128xf32, #tpu.memory_space<hbm>> -> memref<80x128xf32, #tpu.memory_space<hbm>>
          %dma_wait3A_46 = arith.constant 0 : i32
          %dma_wait3A_47 = tpu.memref_slice %arg4[%arg0, %mul3A_38, %dma_wait3A_46] : memref<2x10000x128xf32, #tpu.memory_space<hbm>> -> memref<1x80x128xf32, #tpu.memory_space<hbm>>
          %dma_wait3A_48 = tpu.memref_squeeze %dma_wait3A_47 : memref<1x80x128xf32, #tpu.memory_space<hbm>> -> memref<80x128xf32, #tpu.memory_space<hbm>>
          tpu.wait_dma2 semaphore(%run_scoped3A : memref<!tpu.dma_semaphore, #tpu.memory_space<semaphore_mem>>) src(%arg11 : memref<80x128xf32, #tpu.memory_space<vmem>>) dst(%dma_wait3A_48 : memref<80x128xf32, #tpu.memory_space<hbm>>)
          tpu.yield
        }) : () -> ()
      } else {
      }
      %scan3A_36 = arith.constant 0 : i32
      scf.yield %scan3A_36 : i32
    }
    %scan3A_28 = arith.constant 8 : i32
    return
  }
}

module attributes {stable_mosaic.version = 14 : i64} {
  func.func @_node_a_body(%arg0: i32, %arg1: memref<2000x128xf32, #tpu.memory_space<vmem>>, %arg2: memref<128x128xf32, #tpu.memory_space<vmem>>, %arg3: memref<1x128xf32, #tpu.memory_space<vmem>>, %arg4: memref<128x128xf32, #tpu.memory_space<vmem>>, %arg5: memref<1x128xf32, #tpu.memory_space<vmem>>, %arg6: memref<128x128xf32, #tpu.memory_space<vmem>>, %arg7: memref<1x128xf32, #tpu.memory_space<vmem>>, %arg8: memref<128x128xf32, #tpu.memory_space<vmem>>, %arg9: memref<1x128xf32, #tpu.memory_space<vmem>>, %arg10: memref<2000x128xf32, #tpu.memory_space<vmem>>, %arg11: memref<2000x128xf32, #tpu.memory_space<vmem>>, %arg12: memref<2000x128xf32, #tpu.memory_space<vmem>>) attributes {dimension_semantics = [#tpu.dimension_semantics<arbitrary>], iteration_bounds = array<i64: 5>, scalar_prefetch = 0 : i64, scratch_operands = 0 : i64, tpu.core_type = #tpu.core_type<tc>, window_params = [{transform_indices = @transform_0, window_bounds = array<i64: 2000, 128>}, {pipeline_mode = #tpu.pipeline_mode<synchronous>, transform_indices = @transform_1, window_bounds = array<i64: 128, 128>}, {pipeline_mode = #tpu.pipeline_mode<synchronous>, transform_indices = @transform_2, window_bounds = array<i64: 1, 128>}, {pipeline_mode = #tpu.pipeline_mode<synchronous>, transform_indices = @transform_3, window_bounds = array<i64: 128, 128>}, {pipeline_mode = #tpu.pipeline_mode<synchronous>, transform_indices = @transform_4, window_bounds = array<i64: 1, 128>}, {pipeline_mode = #tpu.pipeline_mode<synchronous>, transform_indices = @transform_5, window_bounds = array<i64: 128, 128>}, {pipeline_mode = #tpu.pipeline_mode<synchronous>, transform_indices = @transform_6, window_bounds = array<i64: 1, 128>}, {pipeline_mode = #tpu.pipeline_mode<synchronous>, transform_indices = @transform_7, window_bounds = array<i64: 128, 128>}, {pipeline_mode = #tpu.pipeline_mode<synchronous>, transform_indices = @transform_8, window_bounds = array<i64: 1, 128>}, {transform_indices = @transform_9, window_bounds = array<i64: 2000, 128>}, {transform_indices = @transform_10, window_bounds = array<i64: 2000, 128>}, {transform_indices = @transform_11, window_bounds = array<i64: 2000, 128>}]} {
    %get3A = arith.constant 0 : index
    %get3A_0 = arith.constant 0 : index
    %get3A_1 = vector.load %arg1[%get3A, %get3A_0] : memref<2000x128xf32, #tpu.memory_space<vmem>>, vector<2000x128xf32>
    %get3A_2 = arith.constant 0 : index
    %get3A_3 = arith.constant 0 : index
    %get3A_4 = vector.load %arg2[%get3A_2, %get3A_3] : memref<128x128xf32, #tpu.memory_space<vmem>>, vector<128x128xf32>
    %dot_general3A = arith.constant dense<0.000000e+00> : vector<2000x128xf32>
    %dot_general3A_5 = tpu.matmul %get3A_1, %get3A_4, %dot_general3A {dimension_numbers = #tpu.dot_dimension_numbers<[1], [0], [0], [1], [0, 0, 1, 1], [], []>, transpose_lhs_hint = false} : vector<2000x128xf32>, vector<128x128xf32>, vector<2000x128xf32> -> vector<2000x128xf32>
    %get3A_6 = arith.constant 0 : index
    %get3A_7 = arith.constant 0 : index
    %get3A_8 = vector.load %arg3[%get3A_6, %get3A_7] : memref<1x128xf32, #tpu.memory_space<vmem>>, vector<1x128xf32>
    %add3A = vector.broadcast %get3A_8 : vector<1x128xf32> to vector<2000x128xf32>
    %add3A_9 = arith.addf %dot_general3A_5, %add3A : vector<2000x128xf32>
    %swap3A = arith.constant 0 : index
    %swap3A_10 = arith.constant 0 : index
    %swap3A_11 = vector.load %arg10[%swap3A, %swap3A_10] : memref<2000x128xf32, #tpu.memory_space<vmem>>, vector<2000x128xf32>
    tpu.vector_store %arg10[%swap3A, %swap3A_10], %add3A_9 {strides = array<i32>} : memref<2000x128xf32, #tpu.memory_space<vmem>>, vector<2000x128xf32>,
    %get3A_12 = arith.constant 0 : index
    %get3A_13 = arith.constant 0 : index
    %get3A_14 = vector.load %arg4[%get3A_12, %get3A_13] : memref<128x128xf32, #tpu.memory_space<vmem>>, vector<128x128xf32>
    %dot_general3A_15 = arith.constant dense<0.000000e+00> : vector<2000x128xf32>
    %dot_general3A_16 = tpu.matmul %add3A_9, %get3A_14, %dot_general3A_15 {dimension_numbers = #tpu.dot_dimension_numbers<[1], [0], [0], [1], [0, 0, 1, 1], [], []>, transpose_lhs_hint = false} : vector<2000x128xf32>, vector<128x128xf32>, vector<2000x128xf32> -> vector<2000x128xf32>
    %get3A_17 = arith.constant 0 : index
    %get3A_18 = arith.constant 0 : index
    %get3A_19 = vector.load %arg5[%get3A_17, %get3A_18] : memref<1x128xf32, #tpu.memory_space<vmem>>, vector<1x128xf32>
    %add3A_20 = vector.broadcast %get3A_19 : vector<1x128xf32> to vector<2000x128xf32>
    %add3A_21 = arith.addf %dot_general3A_16, %add3A_20 : vector<2000x128xf32>
    %max3A = arith.constant 0.000000e+00 : f32
    %max3A_22 = vector.broadcast %max3A : f32 to vector<2000x128xf32>
    %max3A_23 = arith.maximumf %add3A_21, %max3A_22 : vector<2000x128xf32>
    %get3A_24 = arith.constant 0 : index
    %get3A_25 = arith.constant 0 : index
    %get3A_26 = vector.load %arg6[%get3A_24, %get3A_25] : memref<128x128xf32, #tpu.memory_space<vmem>>, vector<128x128xf32>
    %dot_general3A_27 = arith.constant dense<0.000000e+00> : vector<2000x128xf32>
    %dot_general3A_28 = tpu.matmul %max3A_23, %get3A_26, %dot_general3A_27 {dimension_numbers = #tpu.dot_dimension_numbers<[1], [0], [0], [1], [0, 0, 1, 1], [], []>, transpose_lhs_hint = false} : vector<2000x128xf32>, vector<128x128xf32>, vector<2000x128xf32> -> vector<2000x128xf32>
    %get3A_29 = arith.constant 0 : index
    %get3A_30 = arith.constant 0 : index
    %get3A_31 = vector.load %arg7[%get3A_29, %get3A_30] : memref<1x128xf32, #tpu.memory_space<vmem>>, vector<1x128xf32>
    %add3A_32 = vector.broadcast %get3A_31 : vector<1x128xf32> to vector<2000x128xf32>
    %add3A_33 = arith.addf %dot_general3A_28, %add3A_32 : vector<2000x128xf32>
    %swap3A_34 = arith.constant 0 : index
    %swap3A_35 = arith.constant 0 : index
    %swap3A_36 = vector.load %arg11[%swap3A_34, %swap3A_35] : memref<2000x128xf32, #tpu.memory_space<vmem>>, vector<2000x128xf32>
    tpu.vector_store %arg11[%swap3A_34, %swap3A_35], %add3A_33 {strides = array<i32>} : memref<2000x128xf32, #tpu.memory_space<vmem>>, vector<2000x128xf32>,
    %get3A_37 = arith.constant 0 : index
    %get3A_38 = arith.constant 0 : index
    %get3A_39 = vector.load %arg8[%get3A_37, %get3A_38] : memref<128x128xf32, #tpu.memory_space<vmem>>, vector<128x128xf32>
    %dot_general3A_40 = arith.constant dense<0.000000e+00> : vector<2000x128xf32>
    %dot_general3A_41 = tpu.matmul %add3A_9, %get3A_39, %dot_general3A_40 {dimension_numbers = #tpu.dot_dimension_numbers<[1], [0], [0], [1], [0, 0, 1, 1], [], []>, transpose_lhs_hint = false} : vector<2000x128xf32>, vector<128x128xf32>, vector<2000x128xf32> -> vector<2000x128xf32>
    %get3A_42 = arith.constant 0 : index
    %get3A_43 = arith.constant 0 : index
    %get3A_44 = vector.load %arg9[%get3A_42, %get3A_43] : memref<1x128xf32, #tpu.memory_space<vmem>>, vector<1x128xf32>
    %add3A_45 = vector.broadcast %get3A_44 : vector<1x128xf32> to vector<2000x128xf32>
    %add3A_46 = arith.addf %dot_general3A_41, %add3A_45 : vector<2000x128xf32>
    %swap3A_47 = arith.constant 0 : index
    %swap3A_48 = arith.constant 0 : index
    %swap3A_49 = vector.load %arg12[%swap3A_47, %swap3A_48] : memref<2000x128xf32, #tpu.memory_space<vmem>>, vector<2000x128xf32>
    tpu.vector_store %arg12[%swap3A_47, %swap3A_48], %add3A_46 {strides = array<i32>} : memref<2000x128xf32, #tpu.memory_space<vmem>>, vector<2000x128xf32>,
    return
  }
  func.func @transform_0(%arg0: i32) -> (i32, i32) {
    %c0_i32 = arith.constant 0 : i32
    %c0_i32_0 = arith.constant 0 : i32
    return %arg0, %c0_i32 : i32, i32
  }
  func.func @transform_1(%arg0: i32) -> (i32, i32) {
    %c0_i32 = arith.constant 0 : i32
    %c0_i32_0 = arith.constant 0 : i32
    %c0_i32_1 = arith.constant 0 : i32
    return %c0_i32, %c0_i32_0 : i32, i32
  }
  func.func @transform_2(%arg0: i32) -> (i32, i32) {
    %c0_i32 = arith.constant 0 : i32
    %c0_i32_0 = arith.constant 0 : i32
    %c0_i32_1 = arith.constant 0 : i32
    return %c0_i32, %c0_i32_0 : i32, i32
  }
  func.func @transform_3(%arg0: i32) -> (i32, i32) {
    %c0_i32 = arith.constant 0 : i32
    %c0_i32_0 = arith.constant 0 : i32
    %c0_i32_1 = arith.constant 0 : i32
    return %c0_i32, %c0_i32_0 : i32, i32
  }
  func.func @transform_4(%arg0: i32) -> (i32, i32) {
    %c0_i32 = arith.constant 0 : i32
    %c0_i32_0 = arith.constant 0 : i32
    %c0_i32_1 = arith.constant 0 : i32
    return %c0_i32, %c0_i32_0 : i32, i32
  }
  func.func @transform_5(%arg0: i32) -> (i32, i32) {
    %c0_i32 = arith.constant 0 : i32
    %c0_i32_0 = arith.constant 0 : i32
    %c0_i32_1 = arith.constant 0 : i32
    return %c0_i32, %c0_i32_0 : i32, i32
  }
  func.func @transform_6(%arg0: i32) -> (i32, i32) {
    %c0_i32 = arith.constant 0 : i32
    %c0_i32_0 = arith.constant 0 : i32
    %c0_i32_1 = arith.constant 0 : i32
    return %c0_i32, %c0_i32_0 : i32, i32
  }
  func.func @transform_7(%arg0: i32) -> (i32, i32) {
    %c0_i32 = arith.constant 0 : i32
    %c0_i32_0 = arith.constant 0 : i32
    %c0_i32_1 = arith.constant 0 : i32
    return %c0_i32, %c0_i32_0 : i32, i32
  }
  func.func @transform_8(%arg0: i32) -> (i32, i32) {
    %c0_i32 = arith.constant 0 : i32
    %c0_i32_0 = arith.constant 0 : i32
    %c0_i32_1 = arith.constant 0 : i32
    return %c0_i32, %c0_i32_0 : i32, i32
  }
  func.func @transform_9(%arg0: i32) -> (i32, i32) {
    %c0_i32 = arith.constant 0 : i32
    %c0_i32_0 = arith.constant 0 : i32
    return %arg0, %c0_i32 : i32, i32
  }
  func.func @transform_10(%arg0: i32) -> (i32, i32) {
    %c0_i32 = arith.constant 0 : i32
    %c0_i32_0 = arith.constant 0 : i32
    return %arg0, %c0_i32 : i32, i32
  }
  func.func @transform_11(%arg0: i32) -> (i32, i32) {
    %c0_i32 = arith.constant 0 : i32
    %c0_i32_0 = arith.constant 0 : i32
    return %arg0, %c0_i32 : i32, i32
  }
}

module attributes {stable_mosaic.version = 14 : i64} {
  func.func @_edge1_body(%arg0: i32, %arg1: memref<2000x16xf32, #tpu.memory_space<vmem>>, %arg2: memref<2000x16xf32, #tpu.memory_space<vmem>>, %arg3: memref<2000x128xf32, #tpu.memory_space<vmem>>, %arg4: memref<1x20xf32, #tpu.memory_space<vmem>>, %arg5: memref<20x128xf32, #tpu.memory_space<vmem>>, %arg6: memref<1x128xf32, #tpu.memory_space<vmem>>, %arg7: memref<128x128xf32, #tpu.memory_space<vmem>>, %arg8: memref<1x128xf32, #tpu.memory_space<vmem>>, %arg9: memref<128x128xf32, #tpu.memory_space<vmem>>, %arg10: memref<1x128xf32, #tpu.memory_space<vmem>>, %arg11: memref<128x128xf32, #tpu.memory_space<vmem>>, %arg12: memref<1x128xf32, #tpu.memory_space<vmem>>, %arg13: memref<2000x128xf32, #tpu.memory_space<vmem>>) attributes {dimension_semantics = [#tpu.dimension_semantics<arbitrary>], iteration_bounds = array<i64: 80>, scalar_prefetch = 0 : i64, scratch_operands = 0 : i64, tpu.core_type = #tpu.core_type<tc>, window_params = [{transform_indices = @transform_0, window_bounds = array<i64: 2000, 16>}, {transform_indices = @transform_1, window_bounds = array<i64: 2000, 16>}, {transform_indices = @transform_2, window_bounds = array<i64: 2000, 128>}, {pipeline_mode = #tpu.pipeline_mode<synchronous>, transform_indices = @transform_3, window_bounds = array<i64: 1, 20>}, {pipeline_mode = #tpu.pipeline_mode<synchronous>, transform_indices = @transform_4, window_bounds = array<i64: 20, 128>}, {pipeline_mode = #tpu.pipeline_mode<synchronous>, transform_indices = @transform_5, window_bounds = array<i64: 1, 128>}, {pipeline_mode = #tpu.pipeline_mode<synchronous>, transform_indices = @transform_6, window_bounds = array<i64: 128, 128>}, {pipeline_mode = #tpu.pipeline_mode<synchronous>, transform_indices = @transform_7, window_bounds = array<i64: 1, 128>}, {pipeline_mode = #tpu.pipeline_mode<synchronous>, transform_indices = @transform_8, window_bounds = array<i64: 128, 128>}, {pipeline_mode = #tpu.pipeline_mode<synchronous>, transform_indices = @transform_9, window_bounds = array<i64: 1, 128>}, {pipeline_mode = #tpu.pipeline_mode<synchronous>, transform_indices = @transform_10, window_bounds = array<i64: 128, 128>}, {pipeline_mode = #tpu.pipeline_mode<synchronous>, transform_indices = @transform_11, window_bounds = array<i64: 1, 128>}, {transform_indices = @transform_12, window_bounds = array<i64: 2000, 128>}]} {
    %get3A = arith.constant 0 : index
    %get3A_0 = arith.constant 0 : index
    %get3A_1 = vector.load %arg1[%get3A, %get3A_0] : memref<2000x16xf32, #tpu.memory_space<vmem>>, vector<2000x16xf32>
    %get3A_2 = arith.constant 0 : index
    %get3A_3 = arith.constant 0 : index
    %get3A_4 = vector.load %arg2[%get3A_2, %get3A_3] : memref<2000x16xf32, #tpu.memory_space<vmem>>, vector<2000x16xf32>
    %sub3A = arith.subf %get3A_1, %get3A_4 : vector<2000x16xf32>
    %mul3A = arith.mulf %sub3A, %sub3A : vector<2000x16xf32>
    %reduce_sum3A = arith.constant dense<0.000000e+00> : vector<2000xf32>
    %reduce_sum3A_5 = vector.multi_reduction <add>, %mul3A, %reduce_sum3A [1] : vector<2000x16xf32> to vector<2000xf32>
    %broadcast_in_dim3A = vector.shape_cast %reduce_sum3A_5 : vector<2000xf32> to vector<2000x1xf32>
    %add3A = arith.constant 9.99999993E-9 : f32
    %add3A_6 = vector.broadcast %add3A : f32 to vector<2000x1xf32>
    %add3A_7 = arith.addf %broadcast_in_dim3A, %add3A_6 : vector<2000x1xf32>
    %sqrt3A = math.sqrt %add3A_7 : vector<2000x1xf32>
    %get3A_8 = arith.constant 0 : index
    %get3A_9 = arith.constant 0 : index
    %get3A_10 = vector.load %arg4[%get3A_8, %get3A_9] : memref<1x20xf32, #tpu.memory_space<vmem>>, vector<1x20xf32>
    %sub3A_11 = vector.broadcast %sqrt3A : vector<2000x1xf32> to vector<2000x20xf32>
    %sub3A_12 = vector.broadcast %get3A_10 : vector<1x20xf32> to vector<2000x20xf32>
    %sub3A_13 = arith.subf %sub3A_11, %sub3A_12 : vector<2000x20xf32>
    %integer_pow3A = arith.mulf %sub3A_13, %sub3A_13 : vector<2000x20xf32>
    %mul3A_14 = arith.constant -1.805000e+00 : f32
    %mul3A_15 = vector.broadcast %mul3A_14 : f32 to vector<2000x20xf32>
    %mul3A_16 = arith.mulf %mul3A_15, %integer_pow3A : vector<2000x20xf32>
    %exp3A = math.exp %mul3A_16 : vector<2000x20xf32>
    %get3A_17 = arith.constant 0 : index
    %get3A_18 = arith.constant 0 : index
    %get3A_19 = vector.load %arg5[%get3A_17, %get3A_18] : memref<20x128xf32, #tpu.memory_space<vmem>>, vector<20x128xf32>
    %dot_general3A = arith.constant dense<0.000000e+00> : vector<2000x128xf32>
    %dot_general3A_20 = tpu.matmul %exp3A, %get3A_19, %dot_general3A {dimension_numbers = #tpu.dot_dimension_numbers<[1], [0], [0], [1], [0, 0, 1, 1], [], []>, transpose_lhs_hint = false} : vector<2000x20xf32>, vector<20x128xf32>, vector<2000x128xf32> -> vector<2000x128xf32>
    %get3A_21 = arith.constant 0 : index
    %get3A_22 = arith.constant 0 : index
    %get3A_23 = vector.load %arg6[%get3A_21, %get3A_22] : memref<1x128xf32, #tpu.memory_space<vmem>>, vector<1x128xf32>
    %add3A_24 = vector.broadcast %get3A_23 : vector<1x128xf32> to vector<2000x128xf32>
    %add3A_25 = arith.addf %dot_general3A_20, %add3A_24 : vector<2000x128xf32>
    %get3A_26 = arith.constant 0 : index
    %get3A_27 = arith.constant 0 : index
    %get3A_28 = vector.load %arg7[%get3A_26, %get3A_27] : memref<128x128xf32, #tpu.memory_space<vmem>>, vector<128x128xf32>
    %dot_general3A_29 = arith.constant dense<0.000000e+00> : vector<2000x128xf32>
    %dot_general3A_30 = tpu.matmul %add3A_25, %get3A_28, %dot_general3A_29 {dimension_numbers = #tpu.dot_dimension_numbers<[1], [0], [0], [1], [0, 0, 1, 1], [], []>, transpose_lhs_hint = false} : vector<2000x128xf32>, vector<128x128xf32>, vector<2000x128xf32> -> vector<2000x128xf32>
    %get3A_31 = arith.constant 0 : index
    %get3A_32 = arith.constant 0 : index
    %get3A_33 = vector.load %arg8[%get3A_31, %get3A_32] : memref<1x128xf32, #tpu.memory_space<vmem>>, vector<1x128xf32>
    %add3A_34 = vector.broadcast %get3A_33 : vector<1x128xf32> to vector<2000x128xf32>
    %add3A_35 = arith.addf %dot_general3A_30, %add3A_34 : vector<2000x128xf32>
    %max3A = arith.constant 0.000000e+00 : f32
    %max3A_36 = vector.broadcast %max3A : f32 to vector<2000x128xf32>
    %max3A_37 = arith.maximumf %add3A_35, %max3A_36 : vector<2000x128xf32>
    %get3A_38 = arith.constant 0 : index
    %get3A_39 = arith.constant 0 : index
    %get3A_40 = vector.load %arg9[%get3A_38, %get3A_39] : memref<128x128xf32, #tpu.memory_space<vmem>>, vector<128x128xf32>
    %dot_general3A_41 = arith.constant dense<0.000000e+00> : vector<2000x128xf32>
    %dot_general3A_42 = tpu.matmul %max3A_37, %get3A_40, %dot_general3A_41 {dimension_numbers = #tpu.dot_dimension_numbers<[1], [0], [0], [1], [0, 0, 1, 1], [], []>, transpose_lhs_hint = false} : vector<2000x128xf32>, vector<128x128xf32>, vector<2000x128xf32> -> vector<2000x128xf32>
    %get3A_43 = arith.constant 0 : index
    %get3A_44 = arith.constant 0 : index
    %get3A_45 = vector.load %arg10[%get3A_43, %get3A_44] : memref<1x128xf32, #tpu.memory_space<vmem>>, vector<1x128xf32>
    %add3A_46 = vector.broadcast %get3A_45 : vector<1x128xf32> to vector<2000x128xf32>
    %add3A_47 = arith.addf %dot_general3A_42, %add3A_46 : vector<2000x128xf32>
    %get3A_48 = arith.constant 0 : index
    %get3A_49 = arith.constant 0 : index
    %get3A_50 = vector.load %arg3[%get3A_48, %get3A_49] : memref<2000x128xf32, #tpu.memory_space<vmem>>, vector<2000x128xf32>
    %mul3A_51 = arith.mulf %add3A_47, %get3A_50 : vector<2000x128xf32>
    %get3A_52 = arith.constant 0 : index
    %get3A_53 = arith.constant 0 : index
    %get3A_54 = vector.load %arg11[%get3A_52, %get3A_53] : memref<128x128xf32, #tpu.memory_space<vmem>>, vector<128x128xf32>
    %dot_general3A_55 = arith.constant dense<0.000000e+00> : vector<2000x128xf32>
    %dot_general3A_56 = tpu.matmul %mul3A_51, %get3A_54, %dot_general3A_55 {dimension_numbers = #tpu.dot_dimension_numbers<[1], [0], [0], [1], [0, 0, 1, 1], [], []>, transpose_lhs_hint = false} : vector<2000x128xf32>, vector<128x128xf32>, vector<2000x128xf32> -> vector<2000x128xf32>
    %get3A_57 = arith.constant 0 : index
    %get3A_58 = arith.constant 0 : index
    %get3A_59 = vector.load %arg12[%get3A_57, %get3A_58] : memref<1x128xf32, #tpu.memory_space<vmem>>, vector<1x128xf32>
    %add3A_60 = vector.broadcast %get3A_59 : vector<1x128xf32> to vector<2000x128xf32>
    %add3A_61 = arith.addf %dot_general3A_56, %add3A_60 : vector<2000x128xf32>
    %swap3A = arith.constant 0 : index
    %swap3A_62 = arith.constant 0 : index
    %swap3A_63 = vector.load %arg13[%swap3A, %swap3A_62] : memref<2000x128xf32, #tpu.memory_space<vmem>>, vector<2000x128xf32>
    tpu.vector_store %arg13[%swap3A, %swap3A_62], %add3A_61 {strides = array<i32>} : memref<2000x128xf32, #tpu.memory_space<vmem>>, vector<2000x128xf32>,
    return
  }
  func.func @transform_0(%arg0: i32) -> (i32, i32) {
    %c0_i32 = arith.constant 0 : i32
    %c0_i32_0 = arith.constant 0 : i32
    return %arg0, %c0_i32 : i32, i32
  }
  func.func @transform_1(%arg0: i32) -> (i32, i32) {
    %c0_i32 = arith.constant 0 : i32
    %c0_i32_0 = arith.constant 0 : i32
    return %arg0, %c0_i32 : i32, i32
  }
  func.func @transform_2(%arg0: i32) -> (i32, i32) {
    %c0_i32 = arith.constant 0 : i32
    %c0_i32_0 = arith.constant 0 : i32
    return %arg0, %c0_i32 : i32, i32
  }
  func.func @transform_3(%arg0: i32) -> (i32, i32) {
    %c0_i32 = arith.constant 0 : i32
    %c0_i32_0 = arith.constant 0 : i32
    %c0_i32_1 = arith.constant 0 : i32
    return %c0_i32, %c0_i32_0 : i32, i32
  }
  func.func @transform_4(%arg0: i32) -> (i32, i32) {
    %c0_i32 = arith.constant 0 : i32
    %c0_i32_0 = arith.constant 0 : i32
    %c0_i32_1 = arith.constant 0 : i32
    return %c0_i32, %c0_i32_0 : i32, i32
  }
  func.func @transform_5(%arg0: i32) -> (i32, i32) {
    %c0_i32 = arith.constant 0 : i32
    %c0_i32_0 = arith.constant 0 : i32
    %c0_i32_1 = arith.constant 0 : i32
    return %c0_i32, %c0_i32_0 : i32, i32
  }
  func.func @transform_6(%arg0: i32) -> (i32, i32) {
    %c0_i32 = arith.constant 0 : i32
    %c0_i32_0 = arith.constant 0 : i32
    %c0_i32_1 = arith.constant 0 : i32
    return %c0_i32, %c0_i32_0 : i32, i32
  }
  func.func @transform_7(%arg0: i32) -> (i32, i32) {
    %c0_i32 = arith.constant 0 : i32
    %c0_i32_0 = arith.constant 0 : i32
    %c0_i32_1 = arith.constant 0 : i32
    return %c0_i32, %c0_i32_0 : i32, i32
  }
  func.func @transform_8(%arg0: i32) -> (i32, i32) {
    %c0_i32 = arith.constant 0 : i32
    %c0_i32_0 = arith.constant 0 : i32
    %c0_i32_1 = arith.constant 0 : i32
    return %c0_i32, %c0_i32_0 : i32, i32
  }
  func.func @transform_9(%arg0: i32) -> (i32, i32) {
    %c0_i32 = arith.constant 0 : i32
    %c0_i32_0 = arith.constant 0 : i32
    %c0_i32_1 = arith.constant 0 : i32
    return %c0_i32, %c0_i32_0 : i32, i32
  }
  func.func @transform_10(%arg0: i32) -> (i32, i32) {
    %c0_i32 = arith.constant 0 : i32
    %c0_i32_0 = arith.constant 0 : i32
    %c0_i32_1 = arith.constant 0 : i32
    return %c0_i32, %c0_i32_0 : i32, i32
  }
  func.func @transform_11(%arg0: i32) -> (i32, i32) {
    %c0_i32 = arith.constant 0 : i32
    %c0_i32_0 = arith.constant 0 : i32
    %c0_i32_1 = arith.constant 0 : i32
    return %c0_i32, %c0_i32_0 : i32, i32
  }
  func.func @transform_12(%arg0: i32) -> (i32, i32) {
    %c0_i32 = arith.constant 0 : i32
    %c0_i32_0 = arith.constant 0 : i32
    return %arg0, %c0_i32 : i32, i32
  }
}

module attributes {stable_mosaic.version = 14 : i64} {
  func.func @_node_b_body(%arg0: i32, %arg1: memref<2000x128xf32, #tpu.memory_space<vmem>>, %arg2: memref<2000x128xf32, #tpu.memory_space<vmem>>, %arg3: memref<2000x128xf32, #tpu.memory_space<vmem>>, %arg4: memref<2000x128xf32, #tpu.memory_space<vmem>>, %arg5: memref<128x128xf32, #tpu.memory_space<vmem>>, %arg6: memref<1x128xf32, #tpu.memory_space<vmem>>, %arg7: memref<1x128xf32, #tpu.memory_space<vmem>>, %arg8: memref<1x128xf32, #tpu.memory_space<vmem>>, %arg9: memref<128x256xf32, #tpu.memory_space<vmem>>, %arg10: memref<128x128xf32, #tpu.memory_space<vmem>>, %arg11: memref<1x128xf32, #tpu.memory_space<vmem>>, %arg12: memref<128x256xf32, #tpu.memory_space<vmem>>, %arg13: memref<128x128xf32, #tpu.memory_space<vmem>>, %arg14: memref<1x128xf32, #tpu.memory_space<vmem>>, %arg15: memref<128x128xf32, #tpu.memory_space<vmem>>, %arg16: memref<1x128xf32, #tpu.memory_space<vmem>>, %arg17: memref<128x128xf32, #tpu.memory_space<vmem>>, %arg18: memref<1x128xf32, #tpu.memory_space<vmem>>, %arg19: memref<128x128xf32, #tpu.memory_space<vmem>>, %arg20: memref<1x128xf32, #tpu.memory_space<vmem>>, %arg21: memref<2000x128xf32, #tpu.memory_space<vmem>>, %arg22: memref<2000x384xf32, #tpu.memory_space<vmem>>, %arg23: memref<2000x384xf32, #tpu.memory_space<vmem>>, %arg24: memref<2000x128xf32, #tpu.memory_space<vmem>>, %arg25: memref<2000x128xf32, #tpu.memory_space<vmem>>) attributes {dimension_semantics = [#tpu.dimension_semantics<arbitrary>], iteration_bounds = array<i64: 5>, scalar_prefetch = 0 : i64, scratch_operands = 0 : i64, tpu.core_type = #tpu.core_type<tc>, window_params = [{transform_indices = @transform_0, window_bounds = array<i64: 2000, 128>}, {transform_indices = @transform_1, window_bounds = array<i64: 2000, 128>}, {transform_indices = @transform_2, window_bounds = array<i64: 2000, 128>}, {transform_indices = @transform_3, window_bounds = array<i64: 2000, 128>}, {pipeline_mode = #tpu.pipeline_mode<synchronous>, transform_indices = @transform_4, window_bounds = array<i64: 128, 128>}, {pipeline_mode = #tpu.pipeline_mode<synchronous>, transform_indices = @transform_5, window_bounds = array<i64: 1, 128>}, {pipeline_mode = #tpu.pipeline_mode<synchronous>, transform_indices = @transform_6, window_bounds = array<i64: 1, 128>}, {pipeline_mode = #tpu.pipeline_mode<synchronous>, transform_indices = @transform_7, window_bounds = array<i64: 1, 128>}, {pipeline_mode = #tpu.pipeline_mode<synchronous>, transform_indices = @transform_8, window_bounds = array<i64: 128, 256>}, {pipeline_mode = #tpu.pipeline_mode<synchronous>, transform_indices = @transform_9, window_bounds = array<i64: 128, 128>}, {pipeline_mode = #tpu.pipeline_mode<synchronous>, transform_indices = @transform_10, window_bounds = array<i64: 1, 128>}, {pipeline_mode = #tpu.pipeline_mode<synchronous>, transform_indices = @transform_11, window_bounds = array<i64: 128, 256>}, {pipeline_mode = #tpu.pipeline_mode<synchronous>, transform_indices = @transform_12, window_bounds = array<i64: 128, 128>}, {pipeline_mode = #tpu.pipeline_mode<synchronous>, transform_indices = @transform_13, window_bounds = array<i64: 1, 128>}, {pipeline_mode = #tpu.pipeline_mode<synchronous>, transform_indices = @transform_14, window_bounds = array<i64: 128, 128>}, {pipeline_mode = #tpu.pipeline_mode<synchronous>, transform_indices = @transform_15, window_bounds = array<i64: 1, 128>}, {pipeline_mode = #tpu.pipeline_mode<synchronous>, transform_indices = @transform_16, window_bounds = array<i64: 128, 128>}, {pipeline_mode = #tpu.pipeline_mode<synchronous>, transform_indices = @transform_17, window_bounds = array<i64: 1, 128>}, {pipeline_mode = #tpu.pipeline_mode<synchronous>, transform_indices = @transform_18, window_bounds = array<i64: 128, 128>}, {pipeline_mode = #tpu.pipeline_mode<synchronous>, transform_indices = @transform_19, window_bounds = array<i64: 1, 128>}, {transform_indices = @transform_20, window_bounds = array<i64: 2000, 128>}, {transform_indices = @transform_21, window_bounds = array<i64: 2000, 384>}, {transform_indices = @transform_22, window_bounds = array<i64: 2000, 384>}, {transform_indices = @transform_23, window_bounds = array<i64: 2000, 128>}, {transform_indices = @transform_24, window_bounds = array<i64: 2000, 128>}]} {
    %get3A = arith.constant 0 : index
    %get3A_0 = arith.constant 0 : index
    %get3A_1 = vector.load %arg4[%get3A, %get3A_0] : memref<2000x128xf32, #tpu.memory_space<vmem>>, vector<2000x128xf32>
    %get3A_2 = arith.constant 0 : index
    %get3A_3 = arith.constant 0 : index
    %get3A_4 = vector.load %arg2[%get3A_2, %get3A_3] : memref<2000x128xf32, #tpu.memory_space<vmem>>, vector<2000x128xf32>
    %add3A = arith.addf %get3A_1, %get3A_4 : vector<2000x128xf32>
    %get3A_5 = arith.constant 0 : index
    %get3A_6 = arith.constant 0 : index
    %get3A_7 = vector.load %arg3[%get3A_5, %get3A_6] : memref<2000x128xf32, #tpu.memory_space<vmem>>, vector<2000x128xf32>
    %add3A_8 = arith.addf %add3A, %get3A_7 : vector<2000x128xf32>
    %get3A_9 = arith.constant 0 : index
    %get3A_10 = arith.constant 0 : index
    %get3A_11 = vector.load %arg7[%get3A_9, %get3A_10] : memref<1x128xf32, #tpu.memory_space<vmem>>, vector<1x128xf32>
    %get3A_12 = arith.constant 0 : index
    %get3A_13 = arith.constant 0 : index
    %get3A_14 = vector.load %arg8[%get3A_12, %get3A_13] : memref<1x128xf32, #tpu.memory_space<vmem>>, vector<1x128xf32>
    %reduce_sum3A = arith.constant dense<0.000000e+00> : vector<2000xf32>
    %reduce_sum3A_15 = vector.multi_reduction <add>, %add3A_8, %reduce_sum3A [1] : vector<2000x128xf32> to vector<2000xf32>
    %broadcast_in_dim3A = vector.shape_cast %reduce_sum3A_15 : vector<2000xf32> to vector<2000x1xf32>
    %div3A = arith.constant 1.280000e+02 : f32
    %div3A_16 = vector.broadcast %div3A : f32 to vector<2000x1xf32>
    %div3A_17 = arith.divf %broadcast_in_dim3A, %div3A_16 : vector<2000x1xf32>
    %sub3A = vector.broadcast %div3A_17 : vector<2000x1xf32> to vector<2000x128xf32>
    %sub3A_18 = arith.subf %add3A_8, %sub3A : vector<2000x128xf32>
    %sub3A_19 = vector.broadcast %div3A_17 : vector<2000x1xf32> to vector<2000x128xf32>
    %sub3A_20 = arith.subf %add3A_8, %sub3A_19 : vector<2000x128xf32>
    %mul3A = arith.mulf %sub3A_18, %sub3A_20 : vector<2000x128xf32>
    %reduce_sum3A_21 = arith.constant dense<0.000000e+00> : vector<2000xf32>
    %reduce_sum3A_22 = vector.multi_reduction <add>, %mul3A, %reduce_sum3A_21 [1] : vector<2000x128xf32> to vector<2000xf32>
    %broadcast_in_dim3A_23 = vector.shape_cast %reduce_sum3A_22 : vector<2000xf32> to vector<2000x1xf32>
    %div3A_24 = arith.constant 1.280000e+02 : f32
    %div3A_25 = vector.broadcast %div3A_24 : f32 to vector<2000x1xf32>
    %div3A_26 = arith.divf %broadcast_in_dim3A_23, %div3A_25 : vector<2000x1xf32>
    %sub3A_27 = vector.broadcast %div3A_17 : vector<2000x1xf32> to vector<2000x128xf32>
    %sub3A_28 = arith.subf %add3A_8, %sub3A_27 : vector<2000x128xf32>
    %add3A_29 = arith.constant 9.99999974E-6 : f32
    %add3A_30 = vector.broadcast %add3A_29 : f32 to vector<2000x1xf32>
    %add3A_31 = arith.addf %div3A_26, %add3A_30 : vector<2000x1xf32>
    %sqrt3A = math.sqrt %add3A_31 : vector<2000x1xf32>
    %div3A_32 = vector.broadcast %sqrt3A : vector<2000x1xf32> to vector<2000x128xf32>
    %div3A_33 = arith.divf %sub3A_28, %div3A_32 : vector<2000x128xf32>
    %mul3A_34 = vector.broadcast %get3A_11 : vector<1x128xf32> to vector<2000x128xf32>
    %mul3A_35 = arith.mulf %div3A_33, %mul3A_34 : vector<2000x128xf32>
    %add3A_36 = vector.broadcast %get3A_14 : vector<1x128xf32> to vector<2000x128xf32>
    %add3A_37 = arith.addf %mul3A_35, %add3A_36 : vector<2000x128xf32>
    %get3A_38 = arith.constant 0 : index
    %get3A_39 = arith.constant 0 : index
    %get3A_40 = vector.load %arg1[%get3A_38, %get3A_39] : memref<2000x128xf32, #tpu.memory_space<vmem>>, vector<2000x128xf32>
    %max3A = arith.constant 0.000000e+00 : f32
    %max3A_41 = vector.broadcast %max3A : f32 to vector<2000x128xf32>
    %max3A_42 = arith.maximumf %add3A_37, %max3A_41 : vector<2000x128xf32>
    %get3A_43 = arith.constant 0 : index
    %get3A_44 = arith.constant 0 : index
    %get3A_45 = vector.load %arg5[%get3A_43, %get3A_44] : memref<128x128xf32, #tpu.memory_space<vmem>>, vector<128x128xf32>
    %dot_general3A = arith.constant dense<0.000000e+00> : vector<2000x128xf32>
    %dot_general3A_46 = tpu.matmul %max3A_42, %get3A_45, %dot_general3A {dimension_numbers = #tpu.dot_dimension_numbers<[1], [0], [0], [1], [0, 0, 1, 1], [], []>, transpose_lhs_hint = false} : vector<2000x128xf32>, vector<128x128xf32>, vector<2000x128xf32> -> vector<2000x128xf32>
    %add3A_47 = arith.addf %get3A_40, %dot_general3A_46 : vector<2000x128xf32>
    %get3A_48 = arith.constant 0 : index
    %get3A_49 = arith.constant 0 : index
    %get3A_50 = vector.load %arg6[%get3A_48, %get3A_49] : memref<1x128xf32, #tpu.memory_space<vmem>>, vector<1x128xf32>
    %add3A_51 = vector.broadcast %get3A_50 : vector<1x128xf32> to vector<2000x128xf32>
    %add3A_52 = arith.addf %add3A_47, %add3A_51 : vector<2000x128xf32>
    %swap3A = arith.constant 0 : index
    %swap3A_53 = arith.constant 0 : index
    %swap3A_54 = vector.load %arg21[%swap3A, %swap3A_53] : memref<2000x128xf32, #tpu.memory_space<vmem>>, vector<2000x128xf32>
    tpu.vector_store %arg21[%swap3A, %swap3A_53], %add3A_52 {strides = array<i32>} : memref<2000x128xf32, #tpu.memory_space<vmem>>, vector<2000x128xf32>,
    %get3A_55 = arith.constant 0 : index
    %get3A_56 = arith.constant 0 : index
    %get3A_57 = vector.load %arg9[%get3A_55, %get3A_56] : memref<128x256xf32, #tpu.memory_space<vmem>>, vector<128x256xf32>
    %dot_general3A_58 = arith.constant dense<0.000000e+00> : vector<2000x256xf32>
    %dot_general3A_59 = tpu.matmul %add3A_52, %get3A_57, %dot_general3A_58 {dimension_numbers = #tpu.dot_dimension_numbers<[1], [0], [0], [1], [0, 0, 1, 1], [], []>, transpose_lhs_hint = false} : vector<2000x128xf32>, vector<128x256xf32>, vector<2000x256xf32> -> vector<2000x256xf32>
    %swap3A_60 = arith.constant 0 : index
    %swap3A_61 = arith.constant 0 : index
    %swap3A_62 = vector.load %arg22[%swap3A_60, %swap3A_61] : memref<2000x384xf32, #tpu.memory_space<vmem>>, vector<2000x256xf32>
    tpu.vector_store %arg22[%swap3A_60, %swap3A_61], %dot_general3A_59 {strides = array<i32>} : memref<2000x384xf32, #tpu.memory_space<vmem>>, vector<2000x256xf32>,
    %get3A_63 = arith.constant 0 : index
    %get3A_64 = arith.constant 0 : index
    %get3A_65 = vector.load %arg10[%get3A_63, %get3A_64] : memref<128x128xf32, #tpu.memory_space<vmem>>, vector<128x128xf32>
    %dot_general3A_66 = arith.constant dense<0.000000e+00> : vector<2000x128xf32>
    %dot_general3A_67 = tpu.matmul %add3A_52, %get3A_65, %dot_general3A_66 {dimension_numbers = #tpu.dot_dimension_numbers<[1], [0], [0], [1], [0, 0, 1, 1], [], []>, transpose_lhs_hint = false} : vector<2000x128xf32>, vector<128x128xf32>, vector<2000x128xf32> -> vector<2000x128xf32>
    %get3A_68 = arith.constant 0 : index
    %get3A_69 = arith.constant 0 : index
    %get3A_70 = vector.load %arg11[%get3A_68, %get3A_69] : memref<1x128xf32, #tpu.memory_space<vmem>>, vector<1x128xf32>
    %add3A_71 = vector.broadcast %get3A_70 : vector<1x128xf32> to vector<2000x128xf32>
    %add3A_72 = arith.addf %dot_general3A_67, %add3A_71 : vector<2000x128xf32>
    %swap3A_73 = arith.constant 0 : index
    %swap3A_74 = arith.constant 256 : index
    %swap3A_75 = vector.load %arg22[%swap3A_73, %swap3A_74] : memref<2000x384xf32, #tpu.memory_space<vmem>>, vector<2000x128xf32>
    tpu.vector_store %arg22[%swap3A_73, %swap3A_74], %add3A_72 {strides = array<i32>} : memref<2000x384xf32, #tpu.memory_space<vmem>>, vector<2000x128xf32>,
    %get3A_76 = arith.constant 0 : index
    %get3A_77 = arith.constant 0 : index
    %get3A_78 = vector.load %arg12[%get3A_76, %get3A_77] : memref<128x256xf32, #tpu.memory_space<vmem>>, vector<128x256xf32>
    %dot_general3A_79 = arith.constant dense<0.000000e+00> : vector<2000x256xf32>
    %dot_general3A_80 = tpu.matmul %add3A_52, %get3A_78, %dot_general3A_79 {dimension_numbers = #tpu.dot_dimension_numbers<[1], [0], [0], [1], [0, 0, 1, 1], [], []>, transpose_lhs_hint = false} : vector<2000x128xf32>, vector<128x256xf32>, vector<2000x256xf32> -> vector<2000x256xf32>
    %swap3A_81 = arith.constant 0 : index
    %swap3A_82 = arith.constant 0 : index
    %swap3A_83 = vector.load %arg23[%swap3A_81, %swap3A_82] : memref<2000x384xf32, #tpu.memory_space<vmem>>, vector<2000x256xf32>
    tpu.vector_store %arg23[%swap3A_81, %swap3A_82], %dot_general3A_80 {strides = array<i32>} : memref<2000x384xf32, #tpu.memory_space<vmem>>, vector<2000x256xf32>,
    %get3A_84 = arith.constant 0 : index
    %get3A_85 = arith.constant 0 : index
    %get3A_86 = vector.load %arg13[%get3A_84, %get3A_85] : memref<128x128xf32, #tpu.memory_space<vmem>>, vector<128x128xf32>
    %dot_general3A_87 = arith.constant dense<0.000000e+00> : vector<2000x128xf32>
    %dot_general3A_88 = tpu.matmul %add3A_52, %get3A_86, %dot_general3A_87 {dimension_numbers = #tpu.dot_dimension_numbers<[1], [0], [0], [1], [0, 0, 1, 1], [], []>, transpose_lhs_hint = false} : vector<2000x128xf32>, vector<128x128xf32>, vector<2000x128xf32> -> vector<2000x128xf32>
    %get3A_89 = arith.constant 0 : index
    %get3A_90 = arith.constant 0 : index
    %get3A_91 = vector.load %arg14[%get3A_89, %get3A_90] : memref<1x128xf32, #tpu.memory_space<vmem>>, vector<1x128xf32>
    %add3A_92 = vector.broadcast %get3A_91 : vector<1x128xf32> to vector<2000x128xf32>
    %add3A_93 = arith.addf %dot_general3A_88, %add3A_92 : vector<2000x128xf32>
    %swap3A_94 = arith.constant 0 : index
    %swap3A_95 = arith.constant 256 : index
    %swap3A_96 = vector.load %arg23[%swap3A_94, %swap3A_95] : memref<2000x384xf32, #tpu.memory_space<vmem>>, vector<2000x128xf32>
    tpu.vector_store %arg23[%swap3A_94, %swap3A_95], %add3A_93 {strides = array<i32>} : memref<2000x384xf32, #tpu.memory_space<vmem>>, vector<2000x128xf32>,
    %get3A_97 = arith.constant 0 : index
    %get3A_98 = arith.constant 0 : index
    %get3A_99 = vector.load %arg15[%get3A_97, %get3A_98] : memref<128x128xf32, #tpu.memory_space<vmem>>, vector<128x128xf32>
    %dot_general3A_100 = arith.constant dense<0.000000e+00> : vector<2000x128xf32>
    %dot_general3A_101 = tpu.matmul %add3A_52, %get3A_99, %dot_general3A_100 {dimension_numbers = #tpu.dot_dimension_numbers<[1], [0], [0], [1], [0, 0, 1, 1], [], []>, transpose_lhs_hint = false} : vector<2000x128xf32>, vector<128x128xf32>, vector<2000x128xf32> -> vector<2000x128xf32>
    %get3A_102 = arith.constant 0 : index
    %get3A_103 = arith.constant 0 : index
    %get3A_104 = vector.load %arg16[%get3A_102, %get3A_103] : memref<1x128xf32, #tpu.memory_space<vmem>>, vector<1x128xf32>
    %add3A_105 = vector.broadcast %get3A_104 : vector<1x128xf32> to vector<2000x128xf32>
    %add3A_106 = arith.addf %dot_general3A_101, %add3A_105 : vector<2000x128xf32>
    %max3A_107 = arith.constant 0.000000e+00 : f32
    %max3A_108 = vector.broadcast %max3A_107 : f32 to vector<2000x128xf32>
    %max3A_109 = arith.maximumf %add3A_106, %max3A_108 : vector<2000x128xf32>
    %get3A_110 = arith.constant 0 : index
    %get3A_111 = arith.constant 0 : index
    %get3A_112 = vector.load %arg17[%get3A_110, %get3A_111] : memref<128x128xf32, #tpu.memory_space<vmem>>, vector<128x128xf32>
    %dot_general3A_113 = arith.constant dense<0.000000e+00> : vector<2000x128xf32>
    %dot_general3A_114 = tpu.matmul %max3A_109, %get3A_112, %dot_general3A_113 {dimension_numbers = #tpu.dot_dimension_numbers<[1], [0], [0], [1], [0, 0, 1, 1], [], []>, transpose_lhs_hint = false} : vector<2000x128xf32>, vector<128x128xf32>, vector<2000x128xf32> -> vector<2000x128xf32>
    %get3A_115 = arith.constant 0 : index
    %get3A_116 = arith.constant 0 : index
    %get3A_117 = vector.load %arg18[%get3A_115, %get3A_116] : memref<1x128xf32, #tpu.memory_space<vmem>>, vector<1x128xf32>
    %add3A_118 = vector.broadcast %get3A_117 : vector<1x128xf32> to vector<2000x128xf32>
    %add3A_119 = arith.addf %dot_general3A_114, %add3A_118 : vector<2000x128xf32>
    %swap3A_120 = arith.constant 0 : index
    %swap3A_121 = arith.constant 0 : index
    %swap3A_122 = vector.load %arg24[%swap3A_120, %swap3A_121] : memref<2000x128xf32, #tpu.memory_space<vmem>>, vector<2000x128xf32>
    tpu.vector_store %arg24[%swap3A_120, %swap3A_121], %add3A_119 {strides = array<i32>} : memref<2000x128xf32, #tpu.memory_space<vmem>>, vector<2000x128xf32>,
    %get3A_123 = arith.constant 0 : index
    %get3A_124 = arith.constant 0 : index
    %get3A_125 = vector.load %arg19[%get3A_123, %get3A_124] : memref<128x128xf32, #tpu.memory_space<vmem>>, vector<128x128xf32>
    %dot_general3A_126 = arith.constant dense<0.000000e+00> : vector<2000x128xf32>
    %dot_general3A_127 = tpu.matmul %add3A_52, %get3A_125, %dot_general3A_126 {dimension_numbers = #tpu.dot_dimension_numbers<[1], [0], [0], [1], [0, 0, 1, 1], [], []>, transpose_lhs_hint = false} : vector<2000x128xf32>, vector<128x128xf32>, vector<2000x128xf32> -> vector<2000x128xf32>
    %get3A_128 = arith.constant 0 : index
    %get3A_129 = arith.constant 0 : index
    %get3A_130 = vector.load %arg20[%get3A_128, %get3A_129] : memref<1x128xf32, #tpu.memory_space<vmem>>, vector<1x128xf32>
    %add3A_131 = vector.broadcast %get3A_130 : vector<1x128xf32> to vector<2000x128xf32>
    %add3A_132 = arith.addf %dot_general3A_127, %add3A_131 : vector<2000x128xf32>
    %swap3A_133 = arith.constant 0 : index
    %swap3A_134 = arith.constant 0 : index
    %swap3A_135 = vector.load %arg25[%swap3A_133, %swap3A_134] : memref<2000x128xf32, #tpu.memory_space<vmem>>, vector<2000x128xf32>
    tpu.vector_store %arg25[%swap3A_133, %swap3A_134], %add3A_132 {strides = array<i32>} : memref<2000x128xf32, #tpu.memory_space<vmem>>, vector<2000x128xf32>,
    return
  }
  func.func @transform_0(%arg0: i32) -> (i32, i32) {
    %c0_i32 = arith.constant 0 : i32
    %c0_i32_0 = arith.constant 0 : i32
    return %arg0, %c0_i32 : i32, i32
  }
  func.func @transform_1(%arg0: i32) -> (i32, i32) {
    %c0_i32 = arith.constant 0 : i32
    %c0_i32_0 = arith.constant 0 : i32
    return %arg0, %c0_i32 : i32, i32
  }
  func.func @transform_2(%arg0: i32) -> (i32, i32) {
    %c0_i32 = arith.constant 0 : i32
    %c0_i32_0 = arith.constant 0 : i32
    return %arg0, %c0_i32 : i32, i32
  }
  func.func @transform_3(%arg0: i32) -> (i32, i32) {
    %c0_i32 = arith.constant 0 : i32
    %c0_i32_0 = arith.constant 0 : i32
    return %arg0, %c0_i32 : i32, i32
  }
  func.func @transform_4(%arg0: i32) -> (i32, i32) {
    %c0_i32 = arith.constant 0 : i32
    %c0_i32_0 = arith.constant 0 : i32
    %c0_i32_1 = arith.constant 0 : i32
    return %c0_i32, %c0_i32_0 : i32, i32
  }
  func.func @transform_5(%arg0: i32) -> (i32, i32) {
    %c0_i32 = arith.constant 0 : i32
    %c0_i32_0 = arith.constant 0 : i32
    %c0_i32_1 = arith.constant 0 : i32
    return %c0_i32, %c0_i32_0 : i32, i32
  }
  func.func @transform_6(%arg0: i32) -> (i32, i32) {
    %c0_i32 = arith.constant 0 : i32
    %c0_i32_0 = arith.constant 0 : i32
    %c0_i32_1 = arith.constant 0 : i32
    return %c0_i32, %c0_i32_0 : i32, i32
  }
  func.func @transform_7(%arg0: i32) -> (i32, i32) {
    %c0_i32 = arith.constant 0 : i32
    %c0_i32_0 = arith.constant 0 : i32
    %c0_i32_1 = arith.constant 0 : i32
    return %c0_i32, %c0_i32_0 : i32, i32
  }
  func.func @transform_8(%arg0: i32) -> (i32, i32) {
    %c0_i32 = arith.constant 0 : i32
    %c0_i32_0 = arith.constant 0 : i32
    %c0_i32_1 = arith.constant 0 : i32
    return %c0_i32, %c0_i32_0 : i32, i32
  }
  func.func @transform_9(%arg0: i32) -> (i32, i32) {
    %c0_i32 = arith.constant 0 : i32
    %c0_i32_0 = arith.constant 0 : i32
    %c0_i32_1 = arith.constant 0 : i32
    return %c0_i32, %c0_i32_0 : i32, i32
  }
  func.func @transform_10(%arg0: i32) -> (i32, i32) {
    %c0_i32 = arith.constant 0 : i32
    %c0_i32_0 = arith.constant 0 : i32
    %c0_i32_1 = arith.constant 0 : i32
    return %c0_i32, %c0_i32_0 : i32, i32
  }
  func.func @transform_11(%arg0: i32) -> (i32, i32) {
    %c0_i32 = arith.constant 0 : i32
    %c0_i32_0 = arith.constant 0 : i32
    %c0_i32_1 = arith.constant 0 : i32
    return %c0_i32, %c0_i32_0 : i32, i32
  }
  func.func @transform_12(%arg0: i32) -> (i32, i32) {
    %c0_i32 = arith.constant 0 : i32
    %c0_i32_0 = arith.constant 0 : i32
    %c0_i32_1 = arith.constant 0 : i32
    return %c0_i32, %c0_i32_0 : i32, i32
  }
  func.func @transform_13(%arg0: i32) -> (i32, i32) {
    %c0_i32 = arith.constant 0 : i32
    %c0_i32_0 = arith.constant 0 : i32
    %c0_i32_1 = arith.constant 0 : i32
    return %c0_i32, %c0_i32_0 : i32, i32
  }
  func.func @transform_14(%arg0: i32) -> (i32, i32) {
    %c0_i32 = arith.constant 0 : i32
    %c0_i32_0 = arith.constant 0 : i32
    %c0_i32_1 = arith.constant 0 : i32
    return %c0_i32, %c0_i32_0 : i32, i32
  }
  func.func @transform_15(%arg0: i32) -> (i32, i32) {
    %c0_i32 = arith.constant 0 : i32
    %c0_i32_0 = arith.constant 0 : i32
    %c0_i32_1 = arith.constant 0 : i32
    return %c0_i32, %c0_i32_0 : i32, i32
  }
  func.func @transform_16(%arg0: i32) -> (i32, i32) {
    %c0_i32 = arith.constant 0 : i32
    %c0_i32_0 = arith.constant 0 : i32
    %c0_i32_1 = arith.constant 0 : i32
    return %c0_i32, %c0_i32_0 : i32, i32
  }
  func.func @transform_17(%arg0: i32) -> (i32, i32) {
    %c0_i32 = arith.constant 0 : i32
    %c0_i32_0 = arith.constant 0 : i32
    %c0_i32_1 = arith.constant 0 : i32
    return %c0_i32, %c0_i32_0 : i32, i32
  }
  func.func @transform_18(%arg0: i32) -> (i32, i32) {
    %c0_i32 = arith.constant 0 : i32
    %c0_i32_0 = arith.constant 0 : i32
    %c0_i32_1 = arith.constant 0 : i32
    return %c0_i32, %c0_i32_0 : i32, i32
  }
  func.func @transform_19(%arg0: i32) -> (i32, i32) {
    %c0_i32 = arith.constant 0 : i32
    %c0_i32_0 = arith.constant 0 : i32
    %c0_i32_1 = arith.constant 0 : i32
    return %c0_i32, %c0_i32_0 : i32, i32
  }
  func.func @transform_20(%arg0: i32) -> (i32, i32) {
    %c0_i32 = arith.constant 0 : i32
    %c0_i32_0 = arith.constant 0 : i32
    return %arg0, %c0_i32 : i32, i32
  }
  func.func @transform_21(%arg0: i32) -> (i32, i32) {
    %c0_i32 = arith.constant 0 : i32
    %c0_i32_0 = arith.constant 0 : i32
    return %arg0, %c0_i32 : i32, i32
  }
  func.func @transform_22(%arg0: i32) -> (i32, i32) {
    %c0_i32 = arith.constant 0 : i32
    %c0_i32_0 = arith.constant 0 : i32
    return %arg0, %c0_i32 : i32, i32
  }
  func.func @transform_23(%arg0: i32) -> (i32, i32) {
    %c0_i32 = arith.constant 0 : i32
    %c0_i32_0 = arith.constant 0 : i32
    return %arg0, %c0_i32 : i32, i32
  }
  func.func @transform_24(%arg0: i32) -> (i32, i32) {
    %c0_i32 = arith.constant 0 : i32
    %c0_i32_0 = arith.constant 0 : i32
    return %arg0, %c0_i32 : i32, i32
  }
}

module attributes {stable_mosaic.version = 14 : i64} {
  func.func @_ebond_body(%arg0: i32, %arg1: memref<2000x128xf32, #tpu.memory_space<vmem>>, %arg2: memref<2000x384xf32, #tpu.memory_space<vmem>>, %arg3: memref<2000x384xf32, #tpu.memory_space<vmem>>, %arg4: memref<128x256xf32, #tpu.memory_space<vmem>>, %arg5: memref<256x256xf32, #tpu.memory_space<vmem>>, %arg6: memref<1x256xf32, #tpu.memory_space<vmem>>, %arg7: memref<256x128xf32, #tpu.memory_space<vmem>>, %arg8: memref<1x128xf32, #tpu.memory_space<vmem>>, %arg9: memref<128x256xf32, #tpu.memory_space<vmem>>, %arg10: memref<256x256xf32, #tpu.memory_space<vmem>>, %arg11: memref<1x256xf32, #tpu.memory_space<vmem>>, %arg12: memref<256x128xf32, #tpu.memory_space<vmem>>, %arg13: memref<1x128xf32, #tpu.memory_space<vmem>>, %arg14: memref<2000x128xf32, #tpu.memory_space<vmem>>, %arg15: memref<2000x128xf32, #tpu.memory_space<vmem>>) attributes {dimension_semantics = [#tpu.dimension_semantics<arbitrary>], iteration_bounds = array<i64: 80>, scalar_prefetch = 0 : i64, scratch_operands = 0 : i64, tpu.core_type = #tpu.core_type<tc>, window_params = [{transform_indices = @transform_0, window_bounds = array<i64: 2000, 128>}, {transform_indices = @transform_1, window_bounds = array<i64: 2000, 384>}, {transform_indices = @transform_2, window_bounds = array<i64: 2000, 384>}, {pipeline_mode = #tpu.pipeline_mode<synchronous>, transform_indices = @transform_3, window_bounds = array<i64: 128, 256>}, {pipeline_mode = #tpu.pipeline_mode<synchronous>, transform_indices = @transform_4, window_bounds = array<i64: 256, 256>}, {pipeline_mode = #tpu.pipeline_mode<synchronous>, transform_indices = @transform_5, window_bounds = array<i64: 1, 256>}, {pipeline_mode = #tpu.pipeline_mode<synchronous>, transform_indices = @transform_6, window_bounds = array<i64: 256, 128>}, {pipeline_mode = #tpu.pipeline_mode<synchronous>, transform_indices = @transform_7, window_bounds = array<i64: 1, 128>}, {pipeline_mode = #tpu.pipeline_mode<synchronous>, transform_indices = @transform_8, window_bounds = array<i64: 128, 256>}, {pipeline_mode = #tpu.pipeline_mode<synchronous>, transform_indices = @transform_9, window_bounds = array<i64: 256, 256>}, {pipeline_mode = #tpu.pipeline_mode<synchronous>, transform_indices = @transform_10, window_bounds = array<i64: 1, 256>}, {pipeline_mode = #tpu.pipeline_mode<synchronous>, transform_indices = @transform_11, window_bounds = array<i64: 256, 128>}, {pipeline_mode = #tpu.pipeline_mode<synchronous>, transform_indices = @transform_12, window_bounds = array<i64: 1, 128>}, {transform_indices = @transform_13, window_bounds = array<i64: 2000, 128>}, {transform_indices = @transform_14, window_bounds = array<i64: 2000, 128>}]} {
    %get3A = arith.constant 0 : index
    %get3A_0 = arith.constant 0 : index
    %get3A_1 = vector.load %arg1[%get3A, %get3A_0] : memref<2000x128xf32, #tpu.memory_space<vmem>>, vector<2000x128xf32>
    %get3A_2 = arith.constant 0 : index
    %get3A_3 = arith.constant 0 : index
    %get3A_4 = vector.load %arg2[%get3A_2, %get3A_3] : memref<2000x384xf32, #tpu.memory_space<vmem>>, vector<2000x384xf32>
    %get3A_5 = arith.constant 0 : index
    %get3A_6 = arith.constant 0 : index
    %get3A_7 = vector.load %arg3[%get3A_5, %get3A_6] : memref<2000x384xf32, #tpu.memory_space<vmem>>, vector<2000x384xf32>
    %get3A_8 = arith.constant 0 : index
    %get3A_9 = arith.constant 0 : index
    %get3A_10 = vector.load %arg4[%get3A_8, %get3A_9] : memref<128x256xf32, #tpu.memory_space<vmem>>, vector<128x256xf32>
    %dot_general3A = arith.constant dense<0.000000e+00> : vector<2000x256xf32>
    %dot_general3A_11 = tpu.matmul %get3A_1, %get3A_10, %dot_general3A {dimension_numbers = #tpu.dot_dimension_numbers<[1], [0], [0], [1], [0, 0, 1, 1], [], []>, transpose_lhs_hint = false} : vector<2000x128xf32>, vector<128x256xf32>, vector<2000x256xf32> -> vector<2000x256xf32>
    %slice3A = vector.extract_strided_slice %get3A_4 {offsets = [0, 0], sizes = [2000, 256], strides = [1, 1]} : vector<2000x384xf32> to vector<2000x256xf32>
    %mul3A = arith.mulf %dot_general3A_11, %slice3A : vector<2000x256xf32>
    %get3A_12 = arith.constant 0 : index
    %get3A_13 = arith.constant 0 : index
    %get3A_14 = vector.load %arg5[%get3A_12, %get3A_13] : memref<256x256xf32, #tpu.memory_space<vmem>>, vector<256x256xf32>
    %dot_general3A_15 = arith.constant dense<0.000000e+00> : vector<2000x256xf32>
    %dot_general3A_16 = tpu.matmul %mul3A, %get3A_14, %dot_general3A_15 {dimension_numbers = #tpu.dot_dimension_numbers<[1], [0], [0], [1], [0, 0, 1, 1], [], []>, transpose_lhs_hint = false} : vector<2000x256xf32>, vector<256x256xf32>, vector<2000x256xf32> -> vector<2000x256xf32>
    %get3A_17 = arith.constant 0 : index
    %get3A_18 = arith.constant 0 : index
    %get3A_19 = vector.load %arg6[%get3A_17, %get3A_18] : memref<1x256xf32, #tpu.memory_space<vmem>>, vector<1x256xf32>
    %add3A = vector.broadcast %get3A_19 : vector<1x256xf32> to vector<2000x256xf32>
    %add3A_20 = arith.addf %dot_general3A_16, %add3A : vector<2000x256xf32>
    %max3A = arith.constant 0.000000e+00 : f32
    %max3A_21 = vector.broadcast %max3A : f32 to vector<2000x256xf32>
    %max3A_22 = arith.maximumf %add3A_20, %max3A_21 : vector<2000x256xf32>
    %get3A_23 = arith.constant 0 : index
    %get3A_24 = arith.constant 0 : index
    %get3A_25 = vector.load %arg7[%get3A_23, %get3A_24] : memref<256x128xf32, #tpu.memory_space<vmem>>, vector<256x128xf32>
    %dot_general3A_26 = arith.constant dense<0.000000e+00> : vector<2000x128xf32>
    %dot_general3A_27 = tpu.matmul %max3A_22, %get3A_25, %dot_general3A_26 {dimension_numbers = #tpu.dot_dimension_numbers<[1], [0], [0], [1], [0, 0, 1, 1], [], []>, transpose_lhs_hint = false} : vector<2000x256xf32>, vector<256x128xf32>, vector<2000x128xf32> -> vector<2000x128xf32>
    %get3A_28 = arith.constant 0 : index
    %get3A_29 = arith.constant 0 : index
    %get3A_30 = vector.load %arg8[%get3A_28, %get3A_29] : memref<1x128xf32, #tpu.memory_space<vmem>>, vector<1x128xf32>
    %add3A_31 = vector.broadcast %get3A_30 : vector<1x128xf32> to vector<2000x128xf32>
    %add3A_32 = arith.addf %dot_general3A_27, %add3A_31 : vector<2000x128xf32>
    %swap3A = arith.constant 0 : index
    %swap3A_33 = arith.constant 0 : index
    %swap3A_34 = vector.load %arg14[%swap3A, %swap3A_33] : memref<2000x128xf32, #tpu.memory_space<vmem>>, vector<2000x128xf32>
    tpu.vector_store %arg14[%swap3A, %swap3A_33], %add3A_32 {strides = array<i32>} : memref<2000x128xf32, #tpu.memory_space<vmem>>, vector<2000x128xf32>,
    %get3A_35 = arith.constant 0 : index
    %get3A_36 = arith.constant 0 : index
    %get3A_37 = vector.load %arg9[%get3A_35, %get3A_36] : memref<128x256xf32, #tpu.memory_space<vmem>>, vector<128x256xf32>
    %dot_general3A_38 = arith.constant dense<0.000000e+00> : vector<2000x256xf32>
    %dot_general3A_39 = tpu.matmul %get3A_1, %get3A_37, %dot_general3A_38 {dimension_numbers = #tpu.dot_dimension_numbers<[1], [0], [0], [1], [0, 0, 1, 1], [], []>, transpose_lhs_hint = false} : vector<2000x128xf32>, vector<128x256xf32>, vector<2000x256xf32> -> vector<2000x256xf32>
    %slice3A_40 = vector.extract_strided_slice %get3A_7 {offsets = [0, 0], sizes = [2000, 256], strides = [1, 1]} : vector<2000x384xf32> to vector<2000x256xf32>
    %mul3A_41 = arith.mulf %dot_general3A_39, %slice3A_40 : vector<2000x256xf32>
    %get3A_42 = arith.constant 0 : index
    %get3A_43 = arith.constant 0 : index
    %get3A_44 = vector.load %arg10[%get3A_42, %get3A_43] : memref<256x256xf32, #tpu.memory_space<vmem>>, vector<256x256xf32>
    %dot_general3A_45 = arith.constant dense<0.000000e+00> : vector<2000x256xf32>
    %dot_general3A_46 = tpu.matmul %mul3A_41, %get3A_44, %dot_general3A_45 {dimension_numbers = #tpu.dot_dimension_numbers<[1], [0], [0], [1], [0, 0, 1, 1], [], []>, transpose_lhs_hint = false} : vector<2000x256xf32>, vector<256x256xf32>, vector<2000x256xf32> -> vector<2000x256xf32>
    %get3A_47 = arith.constant 0 : index
    %get3A_48 = arith.constant 0 : index
    %get3A_49 = vector.load %arg11[%get3A_47, %get3A_48] : memref<1x256xf32, #tpu.memory_space<vmem>>, vector<1x256xf32>
    %add3A_50 = vector.broadcast %get3A_49 : vector<1x256xf32> to vector<2000x256xf32>
    %add3A_51 = arith.addf %dot_general3A_46, %add3A_50 : vector<2000x256xf32>
    %max3A_52 = arith.constant 0.000000e+00 : f32
    %max3A_53 = vector.broadcast %max3A_52 : f32 to vector<2000x256xf32>
    %max3A_54 = arith.maximumf %add3A_51, %max3A_53 : vector<2000x256xf32>
    %get3A_55 = arith.constant 0 : index
    %get3A_56 = arith.constant 0 : index
    %get3A_57 = vector.load %arg12[%get3A_55, %get3A_56] : memref<256x128xf32, #tpu.memory_space<vmem>>, vector<256x128xf32>
    %dot_general3A_58 = arith.constant dense<0.000000e+00> : vector<2000x128xf32>
    %dot_general3A_59 = tpu.matmul %max3A_54, %get3A_57, %dot_general3A_58 {dimension_numbers = #tpu.dot_dimension_numbers<[1], [0], [0], [1], [0, 0, 1, 1], [], []>, transpose_lhs_hint = false} : vector<2000x256xf32>, vector<256x128xf32>, vector<2000x128xf32> -> vector<2000x128xf32>
    %get3A_60 = arith.constant 0 : index
    %get3A_61 = arith.constant 0 : index
    %get3A_62 = vector.load %arg13[%get3A_60, %get3A_61] : memref<1x128xf32, #tpu.memory_space<vmem>>, vector<1x128xf32>
    %add3A_63 = vector.broadcast %get3A_62 : vector<1x128xf32> to vector<2000x128xf32>
    %add3A_64 = arith.addf %dot_general3A_59, %add3A_63 : vector<2000x128xf32>
    %swap3A_65 = arith.constant 0 : index
    %swap3A_66 = arith.constant 0 : index
    %swap3A_67 = vector.load %arg15[%swap3A_65, %swap3A_66] : memref<2000x128xf32, #tpu.memory_space<vmem>>, vector<2000x128xf32>
    tpu.vector_store %arg15[%swap3A_65, %swap3A_66], %add3A_64 {strides = array<i32>} : memref<2000x128xf32, #tpu.memory_space<vmem>>, vector<2000x128xf32>,
    return
  }
  func.func @transform_0(%arg0: i32) -> (i32, i32) {
    %c0_i32 = arith.constant 0 : i32
    %c0_i32_0 = arith.constant 0 : i32
    return %arg0, %c0_i32 : i32, i32
  }
  func.func @transform_1(%arg0: i32) -> (i32, i32) {
    %c0_i32 = arith.constant 0 : i32
    %c0_i32_0 = arith.constant 0 : i32
    return %arg0, %c0_i32 : i32, i32
  }
  func.func @transform_2(%arg0: i32) -> (i32, i32) {
    %c0_i32 = arith.constant 0 : i32
    %c0_i32_0 = arith.constant 0 : i32
    return %arg0, %c0_i32 : i32, i32
  }
  func.func @transform_3(%arg0: i32) -> (i32, i32) {
    %c0_i32 = arith.constant 0 : i32
    %c0_i32_0 = arith.constant 0 : i32
    %c0_i32_1 = arith.constant 0 : i32
    return %c0_i32, %c0_i32_0 : i32, i32
  }
  func.func @transform_4(%arg0: i32) -> (i32, i32) {
    %c0_i32 = arith.constant 0 : i32
    %c0_i32_0 = arith.constant 0 : i32
    %c0_i32_1 = arith.constant 0 : i32
    return %c0_i32, %c0_i32_0 : i32, i32
  }
  func.func @transform_5(%arg0: i32) -> (i32, i32) {
    %c0_i32 = arith.constant 0 : i32
    %c0_i32_0 = arith.constant 0 : i32
    %c0_i32_1 = arith.constant 0 : i32
    return %c0_i32, %c0_i32_0 : i32, i32
  }
  func.func @transform_6(%arg0: i32) -> (i32, i32) {
    %c0_i32 = arith.constant 0 : i32
    %c0_i32_0 = arith.constant 0 : i32
    %c0_i32_1 = arith.constant 0 : i32
    return %c0_i32, %c0_i32_0 : i32, i32
  }
  func.func @transform_7(%arg0: i32) -> (i32, i32) {
    %c0_i32 = arith.constant 0 : i32
    %c0_i32_0 = arith.constant 0 : i32
    %c0_i32_1 = arith.constant 0 : i32
    return %c0_i32, %c0_i32_0 : i32, i32
  }
  func.func @transform_8(%arg0: i32) -> (i32, i32) {
    %c0_i32 = arith.constant 0 : i32
    %c0_i32_0 = arith.constant 0 : i32
    %c0_i32_1 = arith.constant 0 : i32
    return %c0_i32, %c0_i32_0 : i32, i32
  }
  func.func @transform_9(%arg0: i32) -> (i32, i32) {
    %c0_i32 = arith.constant 0 : i32
    %c0_i32_0 = arith.constant 0 : i32
    %c0_i32_1 = arith.constant 0 : i32
    return %c0_i32, %c0_i32_0 : i32, i32
  }
  func.func @transform_10(%arg0: i32) -> (i32, i32) {
    %c0_i32 = arith.constant 0 : i32
    %c0_i32_0 = arith.constant 0 : i32
    %c0_i32_1 = arith.constant 0 : i32
    return %c0_i32, %c0_i32_0 : i32, i32
  }
  func.func @transform_11(%arg0: i32) -> (i32, i32) {
    %c0_i32 = arith.constant 0 : i32
    %c0_i32_0 = arith.constant 0 : i32
    %c0_i32_1 = arith.constant 0 : i32
    return %c0_i32, %c0_i32_0 : i32, i32
  }
  func.func @transform_12(%arg0: i32) -> (i32, i32) {
    %c0_i32 = arith.constant 0 : i32
    %c0_i32_0 = arith.constant 0 : i32
    %c0_i32_1 = arith.constant 0 : i32
    return %c0_i32, %c0_i32_0 : i32, i32
  }
  func.func @transform_13(%arg0: i32) -> (i32, i32) {
    %c0_i32 = arith.constant 0 : i32
    %c0_i32_0 = arith.constant 0 : i32
    return %arg0, %c0_i32 : i32, i32
  }
  func.func @transform_14(%arg0: i32) -> (i32, i32) {
    %c0_i32 = arith.constant 0 : i32
    %c0_i32_0 = arith.constant 0 : i32
    return %arg0, %c0_i32 : i32, i32
  }
}

module attributes {stable_mosaic.version = 14 : i64} {
  func.func @_combine_body(%arg0: i32, %arg1: memref<2000x128xf32, #tpu.memory_space<vmem>>, %arg2: memref<2000x128xf32, #tpu.memory_space<vmem>>, %arg3: memref<2000x128xf32, #tpu.memory_space<vmem>>, %arg4: memref<2000x128xf32, #tpu.memory_space<vmem>>, %arg5: memref<2000x128xf32, #tpu.memory_space<vmem>>, %arg6: memref<2000x128xf32, #tpu.memory_space<vmem>>) attributes {dimension_semantics = [#tpu.dimension_semantics<arbitrary>], iteration_bounds = array<i64: 5>, scalar_prefetch = 0 : i64, scratch_operands = 0 : i64, tpu.core_type = #tpu.core_type<tc>, window_params = [{transform_indices = @transform_0, window_bounds = array<i64: 2000, 128>}, {transform_indices = @transform_1, window_bounds = array<i64: 2000, 128>}, {transform_indices = @transform_2, window_bounds = array<i64: 2000, 128>}, {transform_indices = @transform_3, window_bounds = array<i64: 2000, 128>}, {transform_indices = @transform_4, window_bounds = array<i64: 2000, 128>}, {transform_indices = @transform_5, window_bounds = array<i64: 2000, 128>}]} {
    %get3A = arith.constant 0 : index
    %get3A_0 = arith.constant 0 : index
    %get3A_1 = vector.load %arg1[%get3A, %get3A_0] : memref<2000x128xf32, #tpu.memory_space<vmem>>, vector<2000x128xf32>
    %get3A_2 = arith.constant 0 : index
    %get3A_3 = arith.constant 0 : index
    %get3A_4 = vector.load %arg2[%get3A_2, %get3A_3] : memref<2000x128xf32, #tpu.memory_space<vmem>>, vector<2000x128xf32>
    %add3A = arith.addf %get3A_1, %get3A_4 : vector<2000x128xf32>
    %swap3A = arith.constant 0 : index
    %swap3A_5 = arith.constant 0 : index
    %swap3A_6 = vector.load %arg5[%swap3A, %swap3A_5] : memref<2000x128xf32, #tpu.memory_space<vmem>>, vector<2000x128xf32>
    tpu.vector_store %arg5[%swap3A, %swap3A_5], %add3A {strides = array<i32>} : memref<2000x128xf32, #tpu.memory_space<vmem>>, vector<2000x128xf32>,
    %get3A_7 = arith.constant 0 : index
    %get3A_8 = arith.constant 0 : index
    %get3A_9 = vector.load %arg3[%get3A_7, %get3A_8] : memref<2000x128xf32, #tpu.memory_space<vmem>>, vector<2000x128xf32>
    %get3A_10 = arith.constant 0 : index
    %get3A_11 = arith.constant 0 : index
    %get3A_12 = vector.load %arg4[%get3A_10, %get3A_11] : memref<2000x128xf32, #tpu.memory_space<vmem>>, vector<2000x128xf32>
    %add3A_13 = arith.addf %get3A_9, %get3A_12 : vector<2000x128xf32>
    %swap3A_14 = arith.constant 0 : index
    %swap3A_15 = arith.constant 0 : index
    %swap3A_16 = vector.load %arg6[%swap3A_14, %swap3A_15] : memref<2000x128xf32, #tpu.memory_space<vmem>>, vector<2000x128xf32>
    tpu.vector_store %arg6[%swap3A_14, %swap3A_15], %add3A_13 {strides = array<i32>} : memref<2000x128xf32, #tpu.memory_space<vmem>>, vector<2000x128xf32>,
    return
  }
  func.func @transform_0(%arg0: i32) -> (i32, i32) {
    %c0_i32 = arith.constant 0 : i32
    %c0_i32_0 = arith.constant 0 : i32
    return %arg0, %c0_i32 : i32, i32
  }
  func.func @transform_1(%arg0: i32) -> (i32, i32) {
    %c0_i32 = arith.constant 0 : i32
    %c0_i32_0 = arith.constant 0 : i32
    return %arg0, %c0_i32 : i32, i32
  }
  func.func @transform_2(%arg0: i32) -> (i32, i32) {
    %c0_i32 = arith.constant 0 : i32
    %c0_i32_0 = arith.constant 0 : i32
    return %arg0, %c0_i32 : i32, i32
  }
  func.func @transform_3(%arg0: i32) -> (i32, i32) {
    %c0_i32 = arith.constant 0 : i32
    %c0_i32_0 = arith.constant 0 : i32
    return %arg0, %c0_i32 : i32, i32
  }
  func.func @transform_4(%arg0: i32) -> (i32, i32) {
    %c0_i32 = arith.constant 0 : i32
    %c0_i32_0 = arith.constant 0 : i32
    return %arg0, %c0_i32 : i32, i32
  }
  func.func @transform_5(%arg0: i32) -> (i32, i32) {
    %c0_i32 = arith.constant 0 : i32
    %c0_i32_0 = arith.constant 0 : i32
    return %arg0, %c0_i32 : i32, i32
  }
}

module attributes {stable_mosaic.version = 14 : i64} {
  func.func @_bfin_body(%arg0: i32, %arg1: memref<2000x128xf32, #tpu.memory_space<vmem>>, %arg2: memref<2000x128xf32, #tpu.memory_space<vmem>>, %arg3: memref<2000x128xf32, #tpu.memory_space<vmem>>, %arg4: memref<2000x384xf32, #tpu.memory_space<vmem>>, %arg5: memref<2000x384xf32, #tpu.memory_space<vmem>>, %arg6: memref<2000x128xf32, #tpu.memory_space<vmem>>, %arg7: memref<128x128xf32, #tpu.memory_space<vmem>>, %arg8: memref<1x128xf32, #tpu.memory_space<vmem>>, %arg9: memref<1x128xf32, #tpu.memory_space<vmem>>, %arg10: memref<1x128xf32, #tpu.memory_space<vmem>>, %arg11: memref<128x128xf32, #tpu.memory_space<vmem>>, %arg12: memref<1x128xf32, #tpu.memory_space<vmem>>, %arg13: memref<128x128xf32, #tpu.memory_space<vmem>>, %arg14: memref<1x128xf32, #tpu.memory_space<vmem>>, %arg15: memref<128x128xf32, #tpu.memory_space<vmem>>, %arg16: memref<1x128xf32, #tpu.memory_space<vmem>>, %arg17: memref<128x128xf32, #tpu.memory_space<vmem>>, %arg18: memref<1x128xf32, #tpu.memory_space<vmem>>, %arg19: memref<2000x128xf32, #tpu.memory_space<vmem>>, %arg20: memref<2000x128xf32, #tpu.memory_space<vmem>>) attributes {dimension_semantics = [#tpu.dimension_semantics<arbitrary>], iteration_bounds = array<i64: 80>, scalar_prefetch = 0 : i64, scratch_operands = 0 : i64, tpu.core_type = #tpu.core_type<tc>, window_params = [{transform_indices = @transform_0, window_bounds = array<i64: 2000, 128>}, {transform_indices = @transform_1, window_bounds = array<i64: 2000, 128>}, {transform_indices = @transform_2, window_bounds = array<i64: 2000, 128>}, {transform_indices = @transform_3, window_bounds = array<i64: 2000, 384>}, {transform_indices = @transform_4, window_bounds = array<i64: 2000, 384>}, {transform_indices = @transform_5, window_bounds = array<i64: 2000, 128>}, {pipeline_mode = #tpu.pipeline_mode<synchronous>, transform_indices = @transform_6, window_bounds = array<i64: 128, 128>}, {pipeline_mode = #tpu.pipeline_mode<synchronous>, transform_indices = @transform_7, window_bounds = array<i64: 1, 128>}, {pipeline_mode = #tpu.pipeline_mode<synchronous>, transform_indices = @transform_8, window_bounds = array<i64: 1, 128>}, {pipeline_mode = #tpu.pipeline_mode<synchronous>, transform_indices = @transform_9, window_bounds = array<i64: 1, 128>}, {pipeline_mode = #tpu.pipeline_mode<synchronous>, transform_indices = @transform_10, window_bounds = array<i64: 128, 128>}, {pipeline_mode = #tpu.pipeline_mode<synchronous>, transform_indices = @transform_11, window_bounds = array<i64: 1, 128>}, {pipeline_mode = #tpu.pipeline_mode<synchronous>, transform_indices = @transform_12, window_bounds = array<i64: 128, 128>}, {pipeline_mode = #tpu.pipeline_mode<synchronous>, transform_indices = @transform_13, window_bounds = array<i64: 1, 128>}, {pipeline_mode = #tpu.pipeline_mode<synchronous>, transform_indices = @transform_14, window_bounds = array<i64: 128, 128>}, {pipeline_mode = #tpu.pipeline_mode<synchronous>, transform_indices = @transform_15, window_bounds = array<i64: 1, 128>}, {pipeline_mode = #tpu.pipeline_mode<synchronous>, transform_indices = @transform_16, window_bounds = array<i64: 128, 128>}, {pipeline_mode = #tpu.pipeline_mode<synchronous>, transform_indices = @transform_17, window_bounds = array<i64: 1, 128>}, {transform_indices = @transform_18, window_bounds = array<i64: 2000, 128>}, {transform_indices = @transform_19, window_bounds = array<i64: 2000, 128>}]} {
    %get3A = arith.constant 0 : index
    %get3A_0 = arith.constant 0 : index
    %get3A_1 = vector.load %arg1[%get3A, %get3A_0] : memref<2000x128xf32, #tpu.memory_space<vmem>>, vector<2000x128xf32>
    %get3A_2 = arith.constant 0 : index
    %get3A_3 = arith.constant 0 : index
    %get3A_4 = vector.load %arg2[%get3A_2, %get3A_3] : memref<2000x128xf32, #tpu.memory_space<vmem>>, vector<2000x128xf32>
    %get3A_5 = arith.constant 0 : index
    %get3A_6 = arith.constant 0 : index
    %get3A_7 = vector.load %arg3[%get3A_5, %get3A_6] : memref<2000x128xf32, #tpu.memory_space<vmem>>, vector<2000x128xf32>
    %add3A = arith.addf %get3A_4, %get3A_7 : vector<2000x128xf32>
    %get3A_8 = arith.constant 0 : index
    %get3A_9 = arith.constant 256 : index
    %get3A_10 = vector.load %arg4[%get3A_8, %get3A_9] : memref<2000x384xf32, #tpu.memory_space<vmem>>, vector<2000x128xf32>
    %add3A_11 = arith.addf %add3A, %get3A_10 : vector<2000x128xf32>
    %get3A_12 = arith.constant 0 : index
    %get3A_13 = arith.constant 256 : index
    %get3A_14 = vector.load %arg5[%get3A_12, %get3A_13] : memref<2000x384xf32, #tpu.memory_space<vmem>>, vector<2000x128xf32>
    %add3A_15 = arith.addf %add3A_11, %get3A_14 : vector<2000x128xf32>
    %get3A_16 = arith.constant 0 : index
    %get3A_17 = arith.constant 0 : index
    %get3A_18 = vector.load %arg7[%get3A_16, %get3A_17] : memref<128x128xf32, #tpu.memory_space<vmem>>, vector<128x128xf32>
    %dot_general3A = arith.constant dense<0.000000e+00> : vector<2000x128xf32>
    %dot_general3A_19 = tpu.matmul %get3A_1, %get3A_18, %dot_general3A {dimension_numbers = #tpu.dot_dimension_numbers<[1], [0], [0], [1], [0, 0, 1, 1], [], []>, transpose_lhs_hint = false} : vector<2000x128xf32>, vector<128x128xf32>, vector<2000x128xf32> -> vector<2000x128xf32>
    %add3A_20 = arith.addf %add3A_15, %dot_general3A_19 : vector<2000x128xf32>
    %get3A_21 = arith.constant 0 : index
    %get3A_22 = arith.constant 0 : index
    %get3A_23 = vector.load %arg8[%get3A_21, %get3A_22] : memref<1x128xf32, #tpu.memory_space<vmem>>, vector<1x128xf32>
    %add3A_24 = vector.broadcast %get3A_23 : vector<1x128xf32> to vector<2000x128xf32>
    %add3A_25 = arith.addf %add3A_20, %add3A_24 : vector<2000x128xf32>
    %get3A_26 = arith.constant 0 : index
    %get3A_27 = arith.constant 0 : index
    %get3A_28 = vector.load %arg9[%get3A_26, %get3A_27] : memref<1x128xf32, #tpu.memory_space<vmem>>, vector<1x128xf32>
    %get3A_29 = arith.constant 0 : index
    %get3A_30 = arith.constant 0 : index
    %get3A_31 = vector.load %arg10[%get3A_29, %get3A_30] : memref<1x128xf32, #tpu.memory_space<vmem>>, vector<1x128xf32>
    %reduce_sum3A = arith.constant dense<0.000000e+00> : vector<2000xf32>
    %reduce_sum3A_32 = vector.multi_reduction <add>, %add3A_25, %reduce_sum3A [1] : vector<2000x128xf32> to vector<2000xf32>
    %broadcast_in_dim3A = vector.shape_cast %reduce_sum3A_32 : vector<2000xf32> to vector<2000x1xf32>
    %div3A = arith.constant 1.280000e+02 : f32
    %div3A_33 = vector.broadcast %div3A : f32 to vector<2000x1xf32>
    %div3A_34 = arith.divf %broadcast_in_dim3A, %div3A_33 : vector<2000x1xf32>
    %sub3A = vector.broadcast %div3A_34 : vector<2000x1xf32> to vector<2000x128xf32>
    %sub3A_35 = arith.subf %add3A_25, %sub3A : vector<2000x128xf32>
    %sub3A_36 = vector.broadcast %div3A_34 : vector<2000x1xf32> to vector<2000x128xf32>
    %sub3A_37 = arith.subf %add3A_25, %sub3A_36 : vector<2000x128xf32>
    %mul3A = arith.mulf %sub3A_35, %sub3A_37 : vector<2000x128xf32>
    %reduce_sum3A_38 = arith.constant dense<0.000000e+00> : vector<2000xf32>
    %reduce_sum3A_39 = vector.multi_reduction <add>, %mul3A, %reduce_sum3A_38 [1] : vector<2000x128xf32> to vector<2000xf32>
    %broadcast_in_dim3A_40 = vector.shape_cast %reduce_sum3A_39 : vector<2000xf32> to vector<2000x1xf32>
    %div3A_41 = arith.constant 1.280000e+02 : f32
    %div3A_42 = vector.broadcast %div3A_41 : f32 to vector<2000x1xf32>
    %div3A_43 = arith.divf %broadcast_in_dim3A_40, %div3A_42 : vector<2000x1xf32>
    %sub3A_44 = vector.broadcast %div3A_34 : vector<2000x1xf32> to vector<2000x128xf32>
    %sub3A_45 = arith.subf %add3A_25, %sub3A_44 : vector<2000x128xf32>
    %add3A_46 = arith.constant 9.99999974E-6 : f32
    %add3A_47 = vector.broadcast %add3A_46 : f32 to vector<2000x1xf32>
    %add3A_48 = arith.addf %div3A_43, %add3A_47 : vector<2000x1xf32>
    %sqrt3A = math.sqrt %add3A_48 : vector<2000x1xf32>
    %div3A_49 = vector.broadcast %sqrt3A : vector<2000x1xf32> to vector<2000x128xf32>
    %div3A_50 = arith.divf %sub3A_45, %div3A_49 : vector<2000x128xf32>
    %mul3A_51 = vector.broadcast %get3A_28 : vector<1x128xf32> to vector<2000x128xf32>
    %mul3A_52 = arith.mulf %div3A_50, %mul3A_51 : vector<2000x128xf32>
    %add3A_53 = vector.broadcast %get3A_31 : vector<1x128xf32> to vector<2000x128xf32>
    %add3A_54 = arith.addf %mul3A_52, %add3A_53 : vector<2000x128xf32>
    %max3A = arith.constant 0.000000e+00 : f32
    %max3A_55 = vector.broadcast %max3A : f32 to vector<2000x128xf32>
    %max3A_56 = arith.maximumf %add3A_54, %max3A_55 : vector<2000x128xf32>
    %get3A_57 = arith.constant 0 : index
    %get3A_58 = arith.constant 0 : index
    %get3A_59 = vector.load %arg11[%get3A_57, %get3A_58] : memref<128x128xf32, #tpu.memory_space<vmem>>, vector<128x128xf32>
    %dot_general3A_60 = arith.constant dense<0.000000e+00> : vector<2000x128xf32>
    %dot_general3A_61 = tpu.matmul %max3A_56, %get3A_59, %dot_general3A_60 {dimension_numbers = #tpu.dot_dimension_numbers<[1], [0], [0], [1], [0, 0, 1, 1], [], []>, transpose_lhs_hint = false} : vector<2000x128xf32>, vector<128x128xf32>, vector<2000x128xf32> -> vector<2000x128xf32>
    %add3A_62 = arith.addf %get3A_1, %dot_general3A_61 : vector<2000x128xf32>
    %get3A_63 = arith.constant 0 : index
    %get3A_64 = arith.constant 0 : index
    %get3A_65 = vector.load %arg12[%get3A_63, %get3A_64] : memref<1x128xf32, #tpu.memory_space<vmem>>, vector<1x128xf32>
    %add3A_66 = vector.broadcast %get3A_65 : vector<1x128xf32> to vector<2000x128xf32>
    %add3A_67 = arith.addf %add3A_62, %add3A_66 : vector<2000x128xf32>
    %swap3A = arith.constant 0 : index
    %swap3A_68 = arith.constant 0 : index
    %swap3A_69 = vector.load %arg19[%swap3A, %swap3A_68] : memref<2000x128xf32, #tpu.memory_space<vmem>>, vector<2000x128xf32>
    tpu.vector_store %arg19[%swap3A, %swap3A_68], %add3A_67 {strides = array<i32>} : memref<2000x128xf32, #tpu.memory_space<vmem>>, vector<2000x128xf32>,
    %get3A_70 = arith.constant 0 : index
    %get3A_71 = arith.constant 0 : index
    %get3A_72 = vector.load %arg13[%get3A_70, %get3A_71] : memref<128x128xf32, #tpu.memory_space<vmem>>, vector<128x128xf32>
    %dot_general3A_73 = arith.constant dense<0.000000e+00> : vector<2000x128xf32>
    %dot_general3A_74 = tpu.matmul %add3A_67, %get3A_72, %dot_general3A_73 {dimension_numbers = #tpu.dot_dimension_numbers<[1], [0], [0], [1], [0, 0, 1, 1], [], []>, transpose_lhs_hint = false} : vector<2000x128xf32>, vector<128x128xf32>, vector<2000x128xf32> -> vector<2000x128xf32>
    %get3A_75 = arith.constant 0 : index
    %get3A_76 = arith.constant 0 : index
    %get3A_77 = vector.load %arg14[%get3A_75, %get3A_76] : memref<1x128xf32, #tpu.memory_space<vmem>>, vector<1x128xf32>
    %add3A_78 = vector.broadcast %get3A_77 : vector<1x128xf32> to vector<2000x128xf32>
    %add3A_79 = arith.addf %dot_general3A_74, %add3A_78 : vector<2000x128xf32>
    %max3A_80 = arith.constant 0.000000e+00 : f32
    %max3A_81 = vector.broadcast %max3A_80 : f32 to vector<2000x128xf32>
    %max3A_82 = arith.maximumf %add3A_79, %max3A_81 : vector<2000x128xf32>
    %get3A_83 = arith.constant 0 : index
    %get3A_84 = arith.constant 0 : index
    %get3A_85 = vector.load %arg15[%get3A_83, %get3A_84] : memref<128x128xf32, #tpu.memory_space<vmem>>, vector<128x128xf32>
    %dot_general3A_86 = arith.constant dense<0.000000e+00> : vector<2000x128xf32>
    %dot_general3A_87 = tpu.matmul %max3A_82, %get3A_85, %dot_general3A_86 {dimension_numbers = #tpu.dot_dimension_numbers<[1], [0], [0], [1], [0, 0, 1, 1], [], []>, transpose_lhs_hint = false} : vector<2000x128xf32>, vector<128x128xf32>, vector<2000x128xf32> -> vector<2000x128xf32>
    %get3A_88 = arith.constant 0 : index
    %get3A_89 = arith.constant 0 : index
    %get3A_90 = vector.load %arg16[%get3A_88, %get3A_89] : memref<1x128xf32, #tpu.memory_space<vmem>>, vector<1x128xf32>
    %add3A_91 = vector.broadcast %get3A_90 : vector<1x128xf32> to vector<2000x128xf32>
    %add3A_92 = arith.addf %dot_general3A_87, %add3A_91 : vector<2000x128xf32>
    %get3A_93 = arith.constant 0 : index
    %get3A_94 = arith.constant 0 : index
    %get3A_95 = vector.load %arg6[%get3A_93, %get3A_94] : memref<2000x128xf32, #tpu.memory_space<vmem>>, vector<2000x128xf32>
    %mul3A_96 = arith.mulf %add3A_92, %get3A_95 : vector<2000x128xf32>
    %get3A_97 = arith.constant 0 : index
    %get3A_98 = arith.constant 0 : index
    %get3A_99 = vector.load %arg17[%get3A_97, %get3A_98] : memref<128x128xf32, #tpu.memory_space<vmem>>, vector<128x128xf32>
    %dot_general3A_100 = arith.constant dense<0.000000e+00> : vector<2000x128xf32>
    %dot_general3A_101 = tpu.matmul %mul3A_96, %get3A_99, %dot_general3A_100 {dimension_numbers = #tpu.dot_dimension_numbers<[1], [0], [0], [1], [0, 0, 1, 1], [], []>, transpose_lhs_hint = false} : vector<2000x128xf32>, vector<128x128xf32>, vector<2000x128xf32> -> vector<2000x128xf32>
    %get3A_102 = arith.constant 0 : index
    %get3A_103 = arith.constant 0 : index
    %get3A_104 = vector.load %arg18[%get3A_102, %get3A_103] : memref<1x128xf32, #tpu.memory_space<vmem>>, vector<1x128xf32>
    %add3A_105 = vector.broadcast %get3A_104 : vector<1x128xf32> to vector<2000x128xf32>
    %add3A_106 = arith.addf %dot_general3A_101, %add3A_105 : vector<2000x128xf32>
    %swap3A_107 = arith.constant 0 : index
    %swap3A_108 = arith.constant 0 : index
    %swap3A_109 = vector.load %arg20[%swap3A_107, %swap3A_108] : memref<2000x128xf32, #tpu.memory_space<vmem>>, vector<2000x128xf32>
    tpu.vector_store %arg20[%swap3A_107, %swap3A_108], %add3A_106 {strides = array<i32>} : memref<2000x128xf32, #tpu.memory_space<vmem>>, vector<2000x128xf32>,
    return
  }
  func.func @transform_0(%arg0: i32) -> (i32, i32) {
    %c0_i32 = arith.constant 0 : i32
    %c0_i32_0 = arith.constant 0 : i32
    return %arg0, %c0_i32 : i32, i32
  }
  func.func @transform_1(%arg0: i32) -> (i32, i32) {
    %c0_i32 = arith.constant 0 : i32
    %c0_i32_0 = arith.constant 0 : i32
    return %arg0, %c0_i32 : i32, i32
  }
  func.func @transform_2(%arg0: i32) -> (i32, i32) {
    %c0_i32 = arith.constant 0 : i32
    %c0_i32_0 = arith.constant 0 : i32
    return %arg0, %c0_i32 : i32, i32
  }
  func.func @transform_3(%arg0: i32) -> (i32, i32) {
    %c0_i32 = arith.constant 0 : i32
    %c0_i32_0 = arith.constant 0 : i32
    return %arg0, %c0_i32 : i32, i32
  }
  func.func @transform_4(%arg0: i32) -> (i32, i32) {
    %c0_i32 = arith.constant 0 : i32
    %c0_i32_0 = arith.constant 0 : i32
    return %arg0, %c0_i32 : i32, i32
  }
  func.func @transform_5(%arg0: i32) -> (i32, i32) {
    %c0_i32 = arith.constant 0 : i32
    %c0_i32_0 = arith.constant 0 : i32
    return %arg0, %c0_i32 : i32, i32
  }
  func.func @transform_6(%arg0: i32) -> (i32, i32) {
    %c0_i32 = arith.constant 0 : i32
    %c0_i32_0 = arith.constant 0 : i32
    %c0_i32_1 = arith.constant 0 : i32
    return %c0_i32, %c0_i32_0 : i32, i32
  }
  func.func @transform_7(%arg0: i32) -> (i32, i32) {
    %c0_i32 = arith.constant 0 : i32
    %c0_i32_0 = arith.constant 0 : i32
    %c0_i32_1 = arith.constant 0 : i32
    return %c0_i32, %c0_i32_0 : i32, i32
  }
  func.func @transform_8(%arg0: i32) -> (i32, i32) {
    %c0_i32 = arith.constant 0 : i32
    %c0_i32_0 = arith.constant 0 : i32
    %c0_i32_1 = arith.constant 0 : i32
    return %c0_i32, %c0_i32_0 : i32, i32
  }
  func.func @transform_9(%arg0: i32) -> (i32, i32) {
    %c0_i32 = arith.constant 0 : i32
    %c0_i32_0 = arith.constant 0 : i32
    %c0_i32_1 = arith.constant 0 : i32
    return %c0_i32, %c0_i32_0 : i32, i32
  }
  func.func @transform_10(%arg0: i32) -> (i32, i32) {
    %c0_i32 = arith.constant 0 : i32
    %c0_i32_0 = arith.constant 0 : i32
    %c0_i32_1 = arith.constant 0 : i32
    return %c0_i32, %c0_i32_0 : i32, i32
  }
  func.func @transform_11(%arg0: i32) -> (i32, i32) {
    %c0_i32 = arith.constant 0 : i32
    %c0_i32_0 = arith.constant 0 : i32
    %c0_i32_1 = arith.constant 0 : i32
    return %c0_i32, %c0_i32_0 : i32, i32
  }
  func.func @transform_12(%arg0: i32) -> (i32, i32) {
    %c0_i32 = arith.constant 0 : i32
    %c0_i32_0 = arith.constant 0 : i32
    %c0_i32_1 = arith.constant 0 : i32
    return %c0_i32, %c0_i32_0 : i32, i32
  }
  func.func @transform_13(%arg0: i32) -> (i32, i32) {
    %c0_i32 = arith.constant 0 : i32
    %c0_i32_0 = arith.constant 0 : i32
    %c0_i32_1 = arith.constant 0 : i32
    return %c0_i32, %c0_i32_0 : i32, i32
  }
  func.func @transform_14(%arg0: i32) -> (i32, i32) {
    %c0_i32 = arith.constant 0 : i32
    %c0_i32_0 = arith.constant 0 : i32
    %c0_i32_1 = arith.constant 0 : i32
    return %c0_i32, %c0_i32_0 : i32, i32
  }
  func.func @transform_15(%arg0: i32) -> (i32, i32) {
    %c0_i32 = arith.constant 0 : i32
    %c0_i32_0 = arith.constant 0 : i32
    %c0_i32_1 = arith.constant 0 : i32
    return %c0_i32, %c0_i32_0 : i32, i32
  }
  func.func @transform_16(%arg0: i32) -> (i32, i32) {
    %c0_i32 = arith.constant 0 : i32
    %c0_i32_0 = arith.constant 0 : i32
    %c0_i32_1 = arith.constant 0 : i32
    return %c0_i32, %c0_i32_0 : i32, i32
  }
  func.func @transform_17(%arg0: i32) -> (i32, i32) {
    %c0_i32 = arith.constant 0 : i32
    %c0_i32_0 = arith.constant 0 : i32
    %c0_i32_1 = arith.constant 0 : i32
    return %c0_i32, %c0_i32_0 : i32, i32
  }
  func.func @transform_18(%arg0: i32) -> (i32, i32) {
    %c0_i32 = arith.constant 0 : i32
    %c0_i32_0 = arith.constant 0 : i32
    return %arg0, %c0_i32 : i32, i32
  }
  func.func @transform_19(%arg0: i32) -> (i32, i32) {
    %c0_i32 = arith.constant 0 : i32
    %c0_i32_0 = arith.constant 0 : i32
    return %arg0, %c0_i32 : i32, i32
  }
}

module attributes {stable_mosaic.version = 14 : i64} {
  func.func @_node_c_body(%arg0: i32, %arg1: memref<2000x128xf32, #tpu.memory_space<vmem>>, %arg2: memref<2000x128xf32, #tpu.memory_space<vmem>>, %arg3: memref<2000x128xf32, #tpu.memory_space<vmem>>, %arg4: memref<2000x128xf32, #tpu.memory_space<vmem>>, %arg5: memref<128x128xf32, #tpu.memory_space<vmem>>, %arg6: memref<1x128xf32, #tpu.memory_space<vmem>>, %arg7: memref<1x128xf32, #tpu.memory_space<vmem>>, %arg8: memref<1x128xf32, #tpu.memory_space<vmem>>, %arg9: memref<2000x128xf32, #tpu.memory_space<vmem>>) attributes {dimension_semantics = [#tpu.dimension_semantics<arbitrary>], iteration_bounds = array<i64: 5>, scalar_prefetch = 0 : i64, scratch_operands = 0 : i64, tpu.core_type = #tpu.core_type<tc>, window_params = [{transform_indices = @transform_0, window_bounds = array<i64: 2000, 128>}, {transform_indices = @transform_1, window_bounds = array<i64: 2000, 128>}, {transform_indices = @transform_2, window_bounds = array<i64: 2000, 128>}, {transform_indices = @transform_3, window_bounds = array<i64: 2000, 128>}, {pipeline_mode = #tpu.pipeline_mode<synchronous>, transform_indices = @transform_4, window_bounds = array<i64: 128, 128>}, {pipeline_mode = #tpu.pipeline_mode<synchronous>, transform_indices = @transform_5, window_bounds = array<i64: 1, 128>}, {pipeline_mode = #tpu.pipeline_mode<synchronous>, transform_indices = @transform_6, window_bounds = array<i64: 1, 128>}, {pipeline_mode = #tpu.pipeline_mode<synchronous>, transform_indices = @transform_7, window_bounds = array<i64: 1, 128>}, {transform_indices = @transform_8, window_bounds = array<i64: 2000, 128>}]} {
    %get3A = arith.constant 0 : index
    %get3A_0 = arith.constant 0 : index
    %get3A_1 = vector.load %arg2[%get3A, %get3A_0] : memref<2000x128xf32, #tpu.memory_space<vmem>>, vector<2000x128xf32>
    %get3A_2 = arith.constant 0 : index
    %get3A_3 = arith.constant 0 : index
    %get3A_4 = vector.load %arg3[%get3A_2, %get3A_3] : memref<2000x128xf32, #tpu.memory_space<vmem>>, vector<2000x128xf32>
    %add3A = arith.addf %get3A_1, %get3A_4 : vector<2000x128xf32>
    %get3A_5 = arith.constant 0 : index
    %get3A_6 = arith.constant 0 : index
    %get3A_7 = vector.load %arg4[%get3A_5, %get3A_6] : memref<2000x128xf32, #tpu.memory_space<vmem>>, vector<2000x128xf32>
    %add3A_8 = arith.addf %add3A, %get3A_7 : vector<2000x128xf32>
    %get3A_9 = arith.constant 0 : index
    %get3A_10 = arith.constant 0 : index
    %get3A_11 = vector.load %arg7[%get3A_9, %get3A_10] : memref<1x128xf32, #tpu.memory_space<vmem>>, vector<1x128xf32>
    %get3A_12 = arith.constant 0 : index
    %get3A_13 = arith.constant 0 : index
    %get3A_14 = vector.load %arg8[%get3A_12, %get3A_13] : memref<1x128xf32, #tpu.memory_space<vmem>>, vector<1x128xf32>
    %reduce_sum3A = arith.constant dense<0.000000e+00> : vector<2000xf32>
    %reduce_sum3A_15 = vector.multi_reduction <add>, %add3A_8, %reduce_sum3A [1] : vector<2000x128xf32> to vector<2000xf32>
    %broadcast_in_dim3A = vector.shape_cast %reduce_sum3A_15 : vector<2000xf32> to vector<2000x1xf32>
    %div3A = arith.constant 1.280000e+02 : f32
    %div3A_16 = vector.broadcast %div3A : f32 to vector<2000x1xf32>
    %div3A_17 = arith.divf %broadcast_in_dim3A, %div3A_16 : vector<2000x1xf32>
    %sub3A = vector.broadcast %div3A_17 : vector<2000x1xf32> to vector<2000x128xf32>
    %sub3A_18 = arith.subf %add3A_8, %sub3A : vector<2000x128xf32>
    %sub3A_19 = vector.broadcast %div3A_17 : vector<2000x1xf32> to vector<2000x128xf32>
    %sub3A_20 = arith.subf %add3A_8, %sub3A_19 : vector<2000x128xf32>
    %mul3A = arith.mulf %sub3A_18, %sub3A_20 : vector<2000x128xf32>
    %reduce_sum3A_21 = arith.constant dense<0.000000e+00> : vector<2000xf32>
    %reduce_sum3A_22 = vector.multi_reduction <add>, %mul3A, %reduce_sum3A_21 [1] : vector<2000x128xf32> to vector<2000xf32>
    %broadcast_in_dim3A_23 = vector.shape_cast %reduce_sum3A_22 : vector<2000xf32> to vector<2000x1xf32>
    %div3A_24 = arith.constant 1.280000e+02 : f32
    %div3A_25 = vector.broadcast %div3A_24 : f32 to vector<2000x1xf32>
    %div3A_26 = arith.divf %broadcast_in_dim3A_23, %div3A_25 : vector<2000x1xf32>
    %sub3A_27 = vector.broadcast %div3A_17 : vector<2000x1xf32> to vector<2000x128xf32>
    %sub3A_28 = arith.subf %add3A_8, %sub3A_27 : vector<2000x128xf32>
    %add3A_29 = arith.constant 9.99999974E-6 : f32
    %add3A_30 = vector.broadcast %add3A_29 : f32 to vector<2000x1xf32>
    %add3A_31 = arith.addf %div3A_26, %add3A_30 : vector<2000x1xf32>
    %sqrt3A = math.sqrt %add3A_31 : vector<2000x1xf32>
    %div3A_32 = vector.broadcast %sqrt3A : vector<2000x1xf32> to vector<2000x128xf32>
    %div3A_33 = arith.divf %sub3A_28, %div3A_32 : vector<2000x128xf32>
    %mul3A_34 = vector.broadcast %get3A_11 : vector<1x128xf32> to vector<2000x128xf32>
    %mul3A_35 = arith.mulf %div3A_33, %mul3A_34 : vector<2000x128xf32>
    %add3A_36 = vector.broadcast %get3A_14 : vector<1x128xf32> to vector<2000x128xf32>
    %add3A_37 = arith.addf %mul3A_35, %add3A_36 : vector<2000x128xf32>
    %get3A_38 = arith.constant 0 : index
    %get3A_39 = arith.constant 0 : index
    %get3A_40 = vector.load %arg1[%get3A_38, %get3A_39] : memref<2000x128xf32, #tpu.memory_space<vmem>>, vector<2000x128xf32>
    %max3A = arith.constant 0.000000e+00 : f32
    %max3A_41 = vector.broadcast %max3A : f32 to vector<2000x128xf32>
    %max3A_42 = arith.maximumf %add3A_37, %max3A_41 : vector<2000x128xf32>
    %get3A_43 = arith.constant 0 : index
    %get3A_44 = arith.constant 0 : index
    %get3A_45 = vector.load %arg5[%get3A_43, %get3A_44] : memref<128x128xf32, #tpu.memory_space<vmem>>, vector<128x128xf32>
    %dot_general3A = arith.constant dense<0.000000e+00> : vector<2000x128xf32>
    %dot_general3A_46 = tpu.matmul %max3A_42, %get3A_45, %dot_general3A {dimension_numbers = #tpu.dot_dimension_numbers<[1], [0], [0], [1], [0, 0, 1, 1], [], []>, transpose_lhs_hint = false} : vector<2000x128xf32>, vector<128x128xf32>, vector<2000x128xf32> -> vector<2000x128xf32>
    %add3A_47 = arith.addf %get3A_40, %dot_general3A_46 : vector<2000x128xf32>
    %get3A_48 = arith.constant 0 : index
    %get3A_49 = arith.constant 0 : index
    %get3A_50 = vector.load %arg6[%get3A_48, %get3A_49] : memref<1x128xf32, #tpu.memory_space<vmem>>, vector<1x128xf32>
    %add3A_51 = vector.broadcast %get3A_50 : vector<1x128xf32> to vector<2000x128xf32>
    %add3A_52 = arith.addf %add3A_47, %add3A_51 : vector<2000x128xf32>
    %swap3A = arith.constant 0 : index
    %swap3A_53 = arith.constant 0 : index
    %swap3A_54 = vector.load %arg9[%swap3A, %swap3A_53] : memref<2000x128xf32, #tpu.memory_space<vmem>>, vector<2000x128xf32>
    tpu.vector_store %arg9[%swap3A, %swap3A_53], %add3A_52 {strides = array<i32>} : memref<2000x128xf32, #tpu.memory_space<vmem>>, vector<2000x128xf32>,
    return
  }
  func.func @transform_0(%arg0: i32) -> (i32, i32) {
    %c0_i32 = arith.constant 0 : i32
    %c0_i32_0 = arith.constant 0 : i32
    return %arg0, %c0_i32 : i32, i32
  }
  func.func @transform_1(%arg0: i32) -> (i32, i32) {
    %c0_i32 = arith.constant 0 : i32
    %c0_i32_0 = arith.constant 0 : i32
    return %arg0, %c0_i32 : i32, i32
  }
  func.func @transform_2(%arg0: i32) -> (i32, i32) {
    %c0_i32 = arith.constant 0 : i32
    %c0_i32_0 = arith.constant 0 : i32
    return %arg0, %c0_i32 : i32, i32
  }
  func.func @transform_3(%arg0: i32) -> (i32, i32) {
    %c0_i32 = arith.constant 0 : i32
    %c0_i32_0 = arith.constant 0 : i32
    return %arg0, %c0_i32 : i32, i32
  }
  func.func @transform_4(%arg0: i32) -> (i32, i32) {
    %c0_i32 = arith.constant 0 : i32
    %c0_i32_0 = arith.constant 0 : i32
    %c0_i32_1 = arith.constant 0 : i32
    return %c0_i32, %c0_i32_0 : i32, i32
  }
  func.func @transform_5(%arg0: i32) -> (i32, i32) {
    %c0_i32 = arith.constant 0 : i32
    %c0_i32_0 = arith.constant 0 : i32
    %c0_i32_1 = arith.constant 0 : i32
    return %c0_i32, %c0_i32_0 : i32, i32
  }
  func.func @transform_6(%arg0: i32) -> (i32, i32) {
    %c0_i32 = arith.constant 0 : i32
    %c0_i32_0 = arith.constant 0 : i32
    %c0_i32_1 = arith.constant 0 : i32
    return %c0_i32, %c0_i32_0 : i32, i32
  }
  func.func @transform_7(%arg0: i32) -> (i32, i32) {
    %c0_i32 = arith.constant 0 : i32
    %c0_i32_0 = arith.constant 0 : i32
    %c0_i32_1 = arith.constant 0 : i32
    return %c0_i32, %c0_i32_0 : i32, i32
  }
  func.func @transform_8(%arg0: i32) -> (i32, i32) {
    %c0_i32 = arith.constant 0 : i32
    %c0_i32_0 = arith.constant 0 : i32
    return %arg0, %c0_i32 : i32, i32
  }
}

</mosaic_0001>

<sc_bundles>
// kernel: kernel.17.cloned.1.call-start
scs
__scs_entry_jumppad:
0x0: {  	(pc) =	sbr.rel $0x88, $3  }
0x1: {  	(tag) =	ssettag $0x0;
	lr =	simm.s32 $0x1  }
0x2: {  	[smem:$0x3F63] =	sst lr;
	_ =	strace $0xD0000000  }
0x3: {  	_ = 	snop  }
0x4: {  	_ = 	snop  }
0x5: {  	_ = 	snop  }
0x6: {  	_ = 	snop  }
0x7: {  	_ = 	snop  }
__scs_overlays_trampoline_lowered:
0x8: {  	[smem:$0x3F72] =	sst s0  }
0x9: {  	[smem:$0x3F73] =	sst s1  }
0xa: {  	[smem:$0x3F74] =	sst s2  }
0xb: {  	[smem:$0x3F75] =	sst s3  }
0xc: {  	[smem:$0x3F76] =	sst s4  }
0xd: {  	[smem:$0x3F77] =	sst s5  }
0xe: {  	[smem:$0x3F78] =	sst s6  }
0xf: {  	[smem:$0x3F79] =	sst s7  }
0x10: {  	[smem:$0x3F7A] =	sst s8  }
0x11: {  	[smem:$0x3F7B] =	sst s9;
	s0 =	simm.s32 @!p0 $0x0  }
0x12: {  	s1 =	sld [smem:$0x3F61];
	s0 =	simm.s32 @p0 $0x1  }
0x13: {  	[smem:$0x3F7C] =	sst s0;
	s0 =	simm.s32 @!p1 $0x0  }
0x14: {  	s2 =	sld [smem:$0x3F60];
	s0 =	simm.s32 @p1 $0x1  }
0x15: {  	[smem:$0x3F7D] =	sst s0;
	s0 =	simm.s32 @!p2 $0x0  }
0x16: {  	s3 =	sld [smem:$0x3FDB];
	s0 =	simm.s32 @p2 $0x1  }
0x17: {  	s4 =	simm.s32 $0x1BF5;
	[smem:$0x3F7F] =	sst s0  }
0x18: {  	s0 =	sld [smem:$0x3F62];
	_ =	swait.ge [sflag:s4], $0x0  }
0x19: {  	s7 =	sld [smem:$0x3F63]  }
0x1a: {  	s8 =	sadd.s32 $0xFFFFE003, lr  }
0x1b: {  	s9 =	sadd.s32 $0xFFFFFEF7, lr;
	s5 =	simm.s32 $0xFFFFFFFF;
	p2 =	slt.u32 s8, $0xFFFFF086  }
0x1c: {  	p1 =	slt.u32 s9, $0xF7A;
	s5 =	simm.s32 @!p2 $0x0  }
0x1d: {  	s5 =	simm.s32 @p1 $0x1;
	p0 =	seq.s32 s7, s2  }
0x1e: {  	s7 =	smul.u32 @!p0 $0xF7A, s2;
	p2 =	seq.s32 @!p0 s5, $0x0  }
0x1f: {  	s9 =	smul.u32 $0xF7A, s1;
	s8 =	simm.s32 @!p0 $0x1BF5;
	p2 =	por !p2, p0  }
0x20: {  	[sflag:s8] =	ssyncset.s32 @!p0 $0xFFFFF086;
	s6 =	sadd.s32 @!p0 s3, s7;
	s7 =	simm.s32 @!p0 $0x108  }
0x21: {  	s3 =	sadd.s32 s3, s9;
	s6 =	sadd.s32 @!p0 $0x88, s6;
	s7 =	simm.s32 @p2 $0x1082  }
0x22: {  	[simem:s7], [sflag:s8] =	dma.local @!p0 [hbm:s6], $0xF7A  }
0x23: {  	s9 =	sor.u32 $0xD0000000, s2;
	s6 =	simm.s32 $0x108;
	_ =	swait.ge @!p0 [sflag:s8], $0x0  }
0x24: {  	s3 =	sadd.s32 $0x88, s3;
	s6 =	simm.s32 @!p1 $0x1082;
	[sflag:s4] =	ssyncset.s32 $0xFFFFF086  }
0x25: {  	[simem:s6], [sflag:s4] =	dma.local [hbm:s3], $0xF7A  }
0x26: {  	[smem:$0x3F63] =	sst s1;
	(tag) =	ssettag s2;
	_ =	strace s9  }
0x27: {  	s1 =	sld [smem:$0x3F73]  }
0x28: {  	s2 =	sld [smem:$0x3F74]  }
0x29: {  	s4 =	sld [smem:$0x3F76]  }
0x2a: {  	p0 =	seq.s32 s5, $0x0;
	s5 =	sld [smem:$0x3F77]  }
0x2b: {  	s6 =	sld [smem:$0x3F78]  }
0x2c: {  	s7 =	sld [smem:$0x3F79]  }
0x2d: {  	s3 =	simm.s32 $0x108;
	s8 =	sld [smem:$0x3F7A]  }
0x2e: {  	s3 =	simm.s32 @!p0 $0x1082;
	s9 =	sld [smem:$0x3F7B]  }
0x2f: {  	lr =	sadd.s32 s0, s3;
	s0 =	sld [smem:$0x3F72]  }
0x30: {  	s3 =	sld [smem:$0x3F75]  }
0x31: {  	[smem:$0x3F7E] =	sst s10  }
0x32: {  	s10 =	sld [smem:$0x3F7C];
	_ =	sdelay $0x3  }
0x33: {  	p0 =	seq.s32 s10, $0x1;
	s10 =	sld [smem:$0x3F7E];
	_ =	sdelay $0x3  }
0x34: {  	[smem:$0x3F7E] =	sst s10  }
0x35: {  	s10 =	sld [smem:$0x3F7D];
	_ =	sdelay $0x3  }
0x36: {  	p1 =	seq.s32 s10, $0x1;
	s10 =	sld [smem:$0x3F7E];
	_ =	sdelay $0x3  }
0x37: {  	[smem:$0x3F7E] =	sst s10  }
0x38: {  	s10 =	sld [smem:$0x3F7F]  }
0x39: {  	_ = 	snop;
	(pc) =	sbr.ind lr, $3  }
0x3a: {  	_ = 	snop  }
0x3b: {  	_ = 	snop  }
0x3c: {  	p2 =	seq.s32 s10, $0x1;
	s10 =	sld [smem:$0x3F7E]  }
0x3d: {  	_ =	shalt  }
0x3e: {  	_ =	shalt  }
0x3f: {  	_ =	shalt  }
0x40: {  	_ =	shalt  }
0x41: {  	_ =	shalt  }
0x42: {  	_ =	shalt  }
0x43: {  	_ =	shalt  }
0x44: {  	_ =	shalt  }
0x45: {  	_ =	shalt  }
0x46: {  	_ =	shalt  }
0x47: {  	_ =	shalt  }
0x48: {  	_ =	shalt  }
0x49: {  	_ =	shalt  }
0x4a: {  	_ =	shalt  }
0x4b: {  	_ =	shalt  }
0x4c: {  	_ =	shalt  }
0x4d: {  	_ =	shalt  }
0x4e: {  	_ =	shalt  }
0x4f: {  	_ =	shalt  }
0x50: {  	_ =	shalt  }
0x51: {  	_ =	shalt  }
0x52: {  	_ =	shalt  }
0x53: {  	_ =	shalt  }
0x54: {  	_ =	shalt  }
0x55: {  	_ =	shalt  }
0x56: {  	_ =	shalt  }
0x57: {  	_ =	shalt  }
0x58: {  	_ =	shalt  }
0x59: {  	_ =	shalt  }
0x5a: {  	_ =	shalt  }
0x5b: {  	_ =	shalt  }
0x5c: {  	_ =	shalt  }
0x5d: {  	_ =	shalt  }
0x5e: {  	_ =	shalt  }
0x5f: {  	_ =	shalt  }
0x60: {  	_ =	shalt  }
0x61: {  	_ =	shalt  }
0x62: {  	_ =	shalt  }
0x63: {  	_ =	shalt  }
0x64: {  	_ =	shalt  }
0x65: {  	_ =	shalt  }
0x66: {  	_ =	shalt  }
0x67: {  	_ =	shalt  }
0x68: {  	_ =	shalt  }
0x69: {  	_ =	shalt  }
0x6a: {  	_ =	shalt  }
0x6b: {  	_ =	shalt  }
0x6c: {  	_ =	shalt  }
0x6d: {  	_ =	shalt  }
0x6e: {  	_ =	shalt  }
0x6f: {  	_ =	shalt  }
0x70: {  	_ =	shalt  }
0x71: {  	_ =	shalt  }
0x72: {  	_ =	shalt  }
0x73: {  	_ =	shalt  }
0x74: {  	_ =	shalt  }
0x75: {  	_ =	shalt  }
0x76: {  	_ =	shalt  }
0x77: {  	_ =	shalt  }
0x78: {  	_ =	shalt  }
0x79: {  	_ =	shalt  }
0x7a: {  	_ =	shalt  }
0x7b: {  	_ =	shalt  }
0x7c: {  	_ =	shalt  }
0x7d: {  	_ =	shalt  }
0x7e: {  	_ =	shalt  }
0x7f: {  	_ =	shalt  }
0x80: {  	_ =	shalt  }
0x81: {  	_ =	shalt  }
0x82: {  	_ =	shalt  }
0x83: {  	_ =	shalt  }
0x84: {  	_ =	shalt  }
0x85: {  	_ =	shalt  }
0x86: {  	_ =	shalt  }
0x87: {  	_ =	shalt  }
.Lfunc_end0:
.L_simem_size_0:
called_computation_lowered:
.L_overlay_start_0:
0x88: {  	s2 =	sld [smem:$0x3FD9]  }
0x89: {  	s3 =	sld [smem:$0x3FFE];
	_ =	sdelay $0x1  }
0x8a: {  	s1 =	srdreg.scid  }
0x8b: {  	s0 =	sand.u32 $0x1, s1  }
0x8c: {  	s14 =	sshll.u32 s0, $0xA;
	s2 =	sadd.s32 s3, s2  }
0x8d: {  	s2 =	sadd.s32 s2, s14  }
0x8e: {  	[smem:$0x3F8A] =	sst s2  }
0x8f: {  	_ = 	snop  }
0x90: {  	s2 =	sld [smem:$0x3FD0];
	_ =	sdelay $0x2  }
0x91: {  	s15 =	simm.s32 $0xB;
	s4 =	simm.s32 $0x10  }
0x92: {  	[smem:s4], [sflag:s15] =	dma.local [hbm:s2], $0x1  }
0x93: {  	_ =	swait.eq [sflag:s15], $0x1  }
0x94: {  	[sflag:s15] =	ssyncset.done $0x0  }
0x95: {  	[sflag:s15] =	ssyncadd.s32 $0xFFFFFFFF  }
0x96: {  	s16 =	sld [smem:$0x11];
	(tm) =	ssettm $0x1  }
0x97: {  	s17 =	sld [smem:$0x3FFB];
	_ =	sdelay $0x3  }
0x98: {  	_ =	strace s17  }
0x99: {  	s3 =	sld [smem:$0x3FFC];
	_ =	sdelay $0x3  }
0x9a: {  	_ =	strace s3  }
0x9b: {  	s3 =	sld [smem:$0x3FFD];
	_ =	sdelay $0x3  }
0x9c: {  	_ =	strace s3  }
0x9d: {  	_ =	strace $0x8FFFFFFF  }
0x9e: {  	s18 =	sld [smem:$0x3FDB];
	_ =	sdelay $0x1  }
0x9f: {  	s19 =	simm.s32 $_scs_section_size  }
0xa0: {  	s5 =	simm.s32 $_size__tile_overlayer_lowered;
	s6 =	simm.s32 $_tile_overlayer_lowered  }
0xa1: {  	s22 =	simm.s32 $0x1BFF;
	s21 =	sshll.u32 s6, $0x1;
	s3 =	sadd.s32 s19, s18  }
0xa2: {  	s7 =	simm.s32 $0x0;
	s20 =	sshll.u32 s5, $0x1;
	s5 =	sadd.s32 s21, s3  }
0xa3: {  	[timem:s7], [sflag:s22] =	dma.local [hbm:s5], s20  }
0xa4: {  	_ =	swait.ge [sflag:s22], s20  }
0xa5: {  	s4 =	ssub.s32 $0x0, s20;
	[sflag:s22] =	ssyncset.done $0x0  }
0xa6: {  	[sflag:s22] =	ssyncadd.s32 s4;
	_ =	sdelay $0x1  }
0xa7: {  	s23 =	simm.s32 $0x1B8B  }
0xa8: {  	_ =	swait.ge [sflag:s23], $0x1  }
0xa9: {  	[sflag:s23] =	ssyncset.done $0x0  }
0xaa: {  	s25 =	simm.s32 $0x1B8E;
	s24 =	sld [smem:$0x3FFE];
	[sflag:s23] =	ssyncadd.s32 $0xFFFFFFFF  }
0xab: {  	s26 =	simm.s32 $execute0_lowered;
	[smem:$0x3FD2] =	sst s25  }
0xac: {  	s5 =	sshll.u32 s26, $0x1;
	_ =	strace $0x80000046;
	[dreg:$0x1] =	wrdreg $0xFFFFFFFF  }
0xad: {  	s28 =	simm.s32 $_size_execute0_lowered;
	s3 =	sadd.s32 s3, s5;
	[dreg:$0x0] =	wrdreg $0x0  }
0xae: {  	s5 =	sshll.u32 s28, $0x1;
	[dreg:$0x2] =	wrdreg s3  }
0xaf: {  	[dreg:$0x3] =	wrdreg s5  }
0xb0: {  	[dreg:$0x4] =	wrdreg $0xC0  }
0xb1: {  	_ =	task [dreg:s7], $0x5FFFF  }
0xb2: {  	[dreg:$0x1] =	wrdreg $0xFFFFFFFF  }
0xb3: {  	[dreg:$0x0] =	wrdreg $0x60  }
0xb4: {  	[dreg:$0x2] =	wrdreg s24  }
0xb5: {  	[dreg:$0x3] =	wrdreg s16  }
0xb6: {  	[dreg:$0x4] =	wrdreg $0x9  }
0xb7: {  	_ =	task.clear_ibuf [dreg:s7], $0x5FFFF;
	_ =	strace $0x90000046  }
0xb8: {  	s29 =	simm.s32 $0x9;
	_ =	strace $0x80000048  }
0xb9: {  	_ =	swait.ge [sflag:s29], $0x1  }
0xba: {  	[sflag:s29] =	ssyncadd.s32 $0xFFFFFFFF  }
0xbb: {  	_ =	strace $0x90000048  }
0xbc: {  	_ =	sfence  }
0xbd: {  	s30 =	sld [smem:$0x0];
	_ =	sdelay $0x2  }
0xbe: {  	s31 =	sshll.u32 s1, $0xD;
	s1 =	sshrl.u32 s1, $0x2  }
0xbf: {  	s3 =	sand.u32 $0x4000, s31;
	s1 =	sadd.s32 s1, s30  }
0xc0: {  	s0 =	sor.u32 s3, s0;
	s1 =	sshll.u32 s1, $0x11  }
0xc1: {  	s0 =	sor.u32 s1, s0  }
0xc2: {  	s0 =	sadd.s32 $0x8F2B, s0  }
0xc3: {  	[sflag:s0] =	ssyncadd.remote.s32 $0x1  }
0xc4: {  	_ =	sfence.sel $0xFFFF  }
0xc5: {  	[dreg:$0x0] =	wrdreg $0xFFFFFFFF;
	(pc) =	sbr.abs _section_cstart, $3  }
0xc6: {  	[dreg:$0x1] =	wrdreg $0xFFFFFFFF  }
0xc7: {  	_ =	task.clear_ibuf [dreg:s7], $0x2FFFF;
	_ =	strace $0x9FFFFFFF  }
0xc8: {  	(tm) =	ssettm $0x7FFFFFFF  }
0xc9: {  	_ =	shalt  }
tec
execute0_lowered:
.L_overlay_start_1:
0x0: {  	(tag) =	ssettag $0x1  }
0x1: {  	s4 =	rddreg [dreg:$0x0]  }
0x2: {  	s7 =	rddreg [dreg:$0x1]  }
0x3: {  	s0 =	rddreg [dreg:$0x2];
	s1 =	simm.s32 $0x0;
	s5 =	srdreg.scid  }
0x4: {  	s2 =	stileid.u32;
	[smem:$0x7FF] =	sst s1  }
0x5: {  	s3 =	sadd.s32 $0x16800, s4;
	s6 =	sand.u32 $0x1, s5;
	s26 =	sshll.u32 s2, $0x5  }
0x6: {  	s8 =	sshll.u32 s2, $0x9;
	_ =	strace $0x80000047;
	s9 =	ssub.s32 $0x2, s6  }
0x7: {  	s10 =	sadd.s32 s26, s4;
	s11 =	sadd.s32 s8, s4;
	s4 =	sshll.u32 s2, $0x1  }
0x8: {  	s30 =	sshll.u32 s6, $0x4;
	s31 =	sshll.u32 s6, $0x8;
	s28 =	sshrl.u32 s9, $0x1  }
0x9: {  	s12 =	sadd.s32 s8, s7;
	s11 =	sadd.s32 s31, s11;
	s29 =	ssub.s32 s9, s28  }
0xa: {  	s9 =	sadd.s32 s30, s10;
	s8 =	sadd.s32 $0x1B800, s11;
	s5 =	smax.u32 s29, $0x1  }
0xb: {  	s6 =	sadd.s32 $0xC800, s9;
	s7 =	sadd.s32 $0x11800, s9;
	s9 =	sadd.s32 s31, s12  }
.LBB2_1:
0xc: {  	p0 =	sgt.u32 s4, $0x4E1  }
0xd: {  	s10 =	sadd.s32 @!p0 $0x0, s7;
	s11 =	simm.s32 @!p0 $0x0  }
0xe: {  	[tilespmem:s11], [sflag:$0x1] =	stream.linear.gather @!p0 [hbm4b:s10+s11], $0x80, $0x38;
	[tilespmem:$0x1100] =	vst v63  }
0xf: {  	s13 =	simm.s32 @!p0 $0x880;
	s15 =	simm.s32 @!p0 $0x1;
	s10 =	sadd.s32 @!p0 $0x0, s6  }
0x10: {  	[tilespmem:s13], [sflag:$0x2] =	stream.linear.gather @!p0 [hbm4b:s10+s11], $0x80, $0x38;
	[tilespmem:$0x1100] =	vst v63  }
0x11: {  	_ =	swait.ge @!p0 [sflag:s15], $0x80  }
0x12: {  	[sflag:s15] =	ssyncset.done @!p0 $0x0;
	p0 =	por p0, p0  }
0x13: {  	[sflag:s15] =	ssyncadd.s32 @!p0 $0xFFFFFF80;
	s10 =	simm.s32 @!p0 $0x80;
	s12 =	simm.s32 @!p0 $0x2  }
0x14: {  	[tilespmem:s10], [sflag:$0x1] =	stream.indirect.gather @!p0 [hbm4b:s3+s10], $0x10, s11, s10, $0xb8;
	[tilespmem:$0x1100] =	vst v63  }
0x15: {  	_ =	swait.ge @!p0 [sflag:s12], $0x80  }
0x16: {  	[sflag:s12] =	ssyncset.done @!p0 $0x0  }
0x17: {  	s14 =	simm.s32 @!p0 $0x900;
	[sflag:s12] =	ssyncadd.s32 @!p0 $0xFFFFFF80  }
0x18: {  	[tilespmem:s14], [sflag:$0x2] =	stream.indirect.gather @!p0 [hbm4b:s3+s10], $0x10, s13, s10, $0xb8;
	[tilespmem:$0x1100] =	vst v63  }
0x19: {  	_ =	swait.ge @!p0 [sflag:s15], $0x800  }
0x1a: {  	[sflag:s15] =	ssyncset.done @!p0 $0x0  }
0x1b: {  	[sflag:s15] =	ssyncadd.s32 @!p0 $0xFFFFF800  }
0x1c: {  	[hbm4b:s9+s11] =	stream.linear.scatter @!p0 [tilespmem:s10], [sflag:$0x1], $0x800, $0x38;
	[tilespmem:$0x1100] =	vst v63  }
0x1d: {  	_ =	swait.ge @!p0 [sflag:s12], $0x800  }
0x1e: {  	[sflag:s12] =	ssyncset.done @!p0 $0x0  }
0x1f: {  	[sflag:s12] =	ssyncadd.s32 @!p0 $0xFFFFF800  }
0x20: {  	[hbm4b:s8+s11] =	stream.linear.scatter @!p0 [tilespmem:s14], [sflag:$0x2], $0x800, $0x38;
	[tilespmem:$0x1100] =	vst v63  }
0x21: {  	_ =	swait.ge @!p0 [sflag:s15], $0x800  }
0x22: {  	[sflag:s15] =	ssyncset.done @!p0 $0x0  }
0x23: {  	s13 =	simm.s32 $0x400;
	s10 =	sadd.s32 $0x2000, s9;
	[sflag:s15] =	ssyncadd.s32 @!p0 $0xFFFFF800  }
0x24: {  	s14 =	simm.s32 $0x200;
	s15 =	sadd.s32 $0x20, s4;
	_ =	swait.ge @!p0 [sflag:s12], $0x800  }
0x25: {  	s11 =	sadd.s32 $0x2000, s8;
	p2 =	sgt.u32 s15, $0x4E1;
	[sflag:s12] =	ssyncset.done @!p0 $0x0  }
.LBB2_2:
0x26: {  	s16 =	sadd.s32 @!p2 s14, s7;
	s17 =	simm.s32 @!p2 $0x0;
	[sflag:s12] =	ssyncadd.s32 @!p0 $0xFFFFF800  }
0x27: {  	[tilespmem:s17], [sflag:$0x1] =	stream.linear.gather @!p2 [hbm4b:s16+s17], $0x80, $0x38;
	[tilespmem:$0x1100] =	vst v63  }
0x28: {  	s12 =	sadd.s32 @!p2 s14, s6;
	s18 =	simm.s32 @!p2 $0x1;
	s16 =	simm.s32 @!p2 $0x880  }
0x29: {  	[tilespmem:s16], [sflag:$0x2] =	stream.linear.gather @!p2 [hbm4b:s12+s17], $0x80, $0x38;
	[tilespmem:$0x1100] =	vst v63  }
0x2a: {  	s14 =	smov.u32 s13;
	s13 =	sadd.s32 $0x200, s13;
	_ =	swait.ge @!p2 [sflag:s18], $0x80  }
0x2b: {  	p0 =	por p2, p2;
	p1 =	sne.s32 s13, $0x5000;
	[sflag:s18] =	ssyncset.done @!p2 $0x0  }
0x2c: {  	s19 =	simm.s32 @!p0 $0x80;
	s12 =	simm.s32 @!p0 $0x2;
	[sflag:s18] =	ssyncadd.s32 @!p0 $0xFFFFFF80  }
0x2d: {  	[tilespmem:s19], [sflag:$0x1] =	stream.indirect.gather @!p0 [hbm4b:s3+s19], $0x10, s17, s19, $0xb8;
	[tilespmem:$0x1100] =	vst v63  }
0x2e: {  	_ =	swait.ge @!p0 [sflag:s12], $0x80  }
0x2f: {  	[sflag:s12] =	ssyncset.done @!p0 $0x0  }
0x30: {  	s20 =	simm.s32 @!p0 $0x900;
	[sflag:s12] =	ssyncadd.s32 @!p0 $0xFFFFFF80  }
0x31: {  	[tilespmem:s20], [sflag:$0x2] =	stream.indirect.gather @!p0 [hbm4b:s3+s19], $0x10, s16, s19, $0xb8;
	[tilespmem:$0x1100] =	vst v63  }
0x32: {  	_ =	swait.ge @!p0 [sflag:s18], $0x800  }
0x33: {  	[sflag:s18] =	ssyncset.done @!p0 $0x0  }
0x34: {  	[sflag:s18] =	ssyncadd.s32 @!p0 $0xFFFFF800  }
0x35: {  	[hbm4b:s10+s17] =	stream.linear.scatter @!p0 [tilespmem:s19], [sflag:$0x1], $0x800, $0x38;
	[tilespmem:$0x1100] =	vst v63  }
0x36: {  	_ =	swait.ge @!p0 [sflag:s12], $0x800  }
0x37: {  	[sflag:s12] =	ssyncset.done @!p0 $0x0  }
0x38: {  	[sflag:s12] =	ssyncadd.s32 @!p0 $0xFFFFF800  }
0x39: {  	[hbm4b:s11+s17] =	stream.linear.scatter @!p0 [tilespmem:s20], [sflag:$0x2], $0x800, $0x38;
	[tilespmem:$0x1100] =	vst v63  }
.Ltmp0:
0x3a: {  	_ =	swait.ge @!p0 [sflag:s18], $0x800;
	(pc) =	sbr.rel @p1 .LBB2_2-.Ltmp0, $4  }
0x3b: {  	[sflag:s18] =	ssyncset.done @!p0 $0x0  }
0x3c: {  	[sflag:s18] =	ssyncadd.s32 @!p0 $0xFFFFF800  }
0x3d: {  	s15 =	sadd.s32 $0x20, s15;
	s10 =	sadd.s32 $0x2000, s10;
	_ =	swait.ge @!p0 [sflag:s12], $0x800  }
0x3e: {  	p2 =	sgt.u32 s15, $0x4E1;
	s11 =	sadd.s32 $0x2000, s11;
	[sflag:s12] =	ssyncset.done @!p0 $0x0  }
0x3f: {  	s13 =	sadd.s32 @!p2 s14, s7;
	s15 =	simm.s32 @!p2 $0x0;
	[sflag:s12] =	ssyncadd.s32 @!p0 $0xFFFFF800  }
0x40: {  	[tilespmem:s15], [sflag:$0x1] =	stream.linear.gather @!p2 [hbm4b:s13+s15], $0x80, $0x38;
	[tilespmem:$0x1100] =	vst v63  }
0x41: {  	s12 =	sadd.s32 @!p2 s14, s6;
	s14 =	simm.s32 @!p2 $0x1;
	s13 =	simm.s32 @!p2 $0x880  }
0x42: {  	[tilespmem:s13], [sflag:$0x2] =	stream.linear.gather @!p2 [hbm4b:s12+s15], $0x80, $0x38;
	[tilespmem:$0x1100] =	vst v63  }
0x43: {  	_ =	swait.ge @!p2 [sflag:s14], $0x80  }
0x44: {  	p0 =	por p2, p2;
	[sflag:s14] =	ssyncset.done @!p2 $0x0  }
0x45: {  	s16 =	simm.s32 @!p0 $0x2;
	s12 =	simm.s32 @!p0 $0x80;
	[sflag:s14] =	ssyncadd.s32 @!p0 $0xFFFFFF80  }
0x46: {  	[tilespmem:s12], [sflag:$0x1] =	stream.indirect.gather @!p0 [hbm4b:s3+s12], $0x10, s15, s12, $0xb8;
	[tilespmem:$0x1100] =	vst v63  }
0x47: {  	_ =	swait.ge @!p0 [sflag:s16], $0x80  }
0x48: {  	[sflag:s16] =	ssyncset.done @!p0 $0x0  }
0x49: {  	s17 =	simm.s32 @!p0 $0x900;
	[sflag:s16] =	ssyncadd.s32 @!p0 $0xFFFFFF80  }
0x4a: {  	[tilespmem:s17], [sflag:$0x2] =	stream.indirect.gather @!p0 [hbm4b:s3+s12], $0x10, s13, s12, $0xb8;
	[tilespmem:$0x1100] =	vst v63  }
0x4b: {  	_ =	swait.ge @!p0 [sflag:s14], $0x800  }
0x4c: {  	[sflag:s14] =	ssyncset.done @!p0 $0x0  }
0x4d: {  	[sflag:s14] =	ssyncadd.s32 @!p0 $0xFFFFF800  }
0x4e: {  	[hbm4b:s10+s15] =	stream.linear.scatter @!p0 [tilespmem:s12], [sflag:$0x1], $0x800, $0x38;
	[tilespmem:$0x1100] =	vst v63  }
0x4f: {  	_ =	swait.ge @!p0 [sflag:s16], $0x800  }
0x50: {  	[sflag:s16] =	ssyncset.done @!p0 $0x0  }
0x51: {  	s1 =	sadd.s32 $0x1, s1;
	[sflag:s16] =	ssyncadd.s32 @!p0 $0xFFFFF800  }
0x52: {  	[hbm4b:s11+s15] =	stream.linear.scatter @!p0 [tilespmem:s17], [sflag:$0x2], $0x800, $0x38;
	[tilespmem:$0x1100] =	vst v63  }
0x53: {  	p1 =	sne.s32 s1, s5;
	_ =	swait.ge @!p0 [sflag:s14], $0x800  }
.Ltmp1:
0x54: {  	[sflag:s14] =	ssyncset.done @!p0 $0x0;
	(pc) =	sbr.rel @p1 .LBB2_1-.Ltmp1, $4  }
0x55: {  	[sflag:s14] =	ssyncadd.s32 @!p0 $0xFFFFF800  }
0x56: {  	_ =	swait.ge @!p0 [sflag:s16], $0x800  }
0x57: {  	[sflag:s16] =	ssyncset.done @!p0 $0x0  }
0x58: {  	[sflag:s16] =	ssyncadd.s32 @!p0 $0xFFFFF800  }
0x59: {  	_ =	sfence.sel $0x180000  }
0x5a: {  	[bflag:$0x0] =	sbarrier.arrive $0xFFFF  }
0x5b: {  	p0 =	sne.s32 s2, $0x0;
	_ =	strace $0x90000047  }
0x5c: {  	s0 =	sadd.s32 @!p0 $0x100000, s0;
	[bflag:$0x2] =	sbarrier.arrive $0xFFFF  }
0x5d: {  	[sflag:s0] =	ssyncadd.tile.s32 @!p0 $0x1;
	_ =	shalt  }
.Lfunc_end2:
_tile_overlayer_lowered:
.L_overlay_start_2:
0x5e: {  	(tag) =	ssettag $0x2  }
0x5f: {  	s0 =	rddreg [dreg:$0x0];
	s2 =	stileid.u32  }
0x60: {  	s1 =	rddreg [dreg:$0x1];
	p0 =	sne.s32 s2, $0x0  }
0x61: {  	s3 =	rddreg [dreg:$0x2];
	[bflag:$0x3] =	sbarrier.arrive $0xFFFF;
	s2 =	simm.s32 @!p0 $0x1C03  }
0x62: {  	[timem:s3], [sflag:s2] =	dma.local @!p0 [hbm:s0], s1  }
0x63: {  	s0 =	simm.s32 @!p0 $0x3  }
0x64: {  	_ =	swait.ge @!p0 [sflag:s0], s1  }
0x65: {  	s1 =	ssub.s32 @!p0 $0x0, s1;
	[sflag:s0] =	ssyncset.done @!p0 $0x0  }
0x66: {  	[sflag:s0] =	ssyncadd.s32 @!p0 s1  }
0x67: {  	[bflag:$0x3] =	sbarrier.arrive $0xFFFF  }
0x68: {  	_ =	shalt  }

// kernel: kernel.20.cloned.1.call-start
scs
__scs_entry_jumppad:
0x0: {  	(pc) =	sbr.rel $0x88, $3  }
0x1: {  	(tag) =	ssettag $0x0;
	lr =	simm.s32 $0x1  }
0x2: {  	[smem:$0x3F63] =	sst lr;
	_ =	strace $0xD0000000  }
0x3: {  	_ = 	snop  }
0x4: {  	_ = 	snop  }
0x5: {  	_ = 	snop  }
0x6: {  	_ = 	snop  }
0x7: {  	_ = 	snop  }
__scs_overlays_trampoline_lowered:
0x8: {  	[smem:$0x3F72] =	sst s0  }
0x9: {  	[smem:$0x3F73] =	sst s1  }
0xa: {  	[smem:$0x3F74] =	sst s2  }
0xb: {  	[smem:$0x3F75] =	sst s3  }
0xc: {  	[smem:$0x3F76] =	sst s4  }
0xd: {  	[smem:$0x3F77] =	sst s5  }
0xe: {  	[smem:$0x3F78] =	sst s6  }
0xf: {  	[smem:$0x3F79] =	sst s7  }
0x10: {  	[smem:$0x3F7A] =	sst s8  }
0x11: {  	[smem:$0x3F7B] =	sst s9;
	s0 =	simm.s32 @!p0 $0x0  }
0x12: {  	s1 =	sld [smem:$0x3F61];
	s0 =	simm.s32 @p0 $0x1  }
0x13: {  	[smem:$0x3F7C] =	sst s0;
	s0 =	simm.s32 @!p1 $0x0  }
0x14: {  	s2 =	sld [smem:$0x3F60];
	s0 =	simm.s32 @p1 $0x1  }
0x15: {  	[smem:$0x3F7D] =	sst s0;
	s0 =	simm.s32 @!p2 $0x0  }
0x16: {  	s3 =	sld [smem:$0x3FDB];
	s0 =	simm.s32 @p2 $0x1  }
0x17: {  	s4 =	simm.s32 $0x1BF5;
	[smem:$0x3F7F] =	sst s0  }
0x18: {  	s0 =	sld [smem:$0x3F62];
	_ =	swait.ge [sflag:s4], $0x0  }
0x19: {  	s7 =	sld [smem:$0x3F63]  }
0x1a: {  	s8 =	sadd.s32 $0xFFFFE003, lr  }
0x1b: {  	s9 =	sadd.s32 $0xFFFFFEF7, lr;
	s5 =	simm.s32 $0xFFFFFFFF;
	p2 =	slt.u32 s8, $0xFFFFF086  }
0x1c: {  	p1 =	slt.u32 s9, $0xF7A;
	s5 =	simm.s32 @!p2 $0x0  }
0x1d: {  	s5 =	simm.s32 @p1 $0x1;
	p0 =	seq.s32 s7, s2  }
0x1e: {  	s7 =	smul.u32 @!p0 $0xF7A, s2;
	p2 =	seq.s32 @!p0 s5, $0x0  }
0x1f: {  	s9 =	smul.u32 $0xF7A, s1;
	s8 =	simm.s32 @!p0 $0x1BF5;
	p2 =	por !p2, p0  }
0x20: {  	[sflag:s8] =	ssyncset.s32 @!p0 $0xFFFFF086;
	s6 =	sadd.s32 @!p0 s3, s7;
	s7 =	simm.s32 @!p0 $0x108  }
0x21: {  	s3 =	sadd.s32 s3, s9;
	s6 =	sadd.s32 @!p0 $0x88, s6;
	s7 =	simm.s32 @p2 $0x1082  }
0x22: {  	[simem:s7], [sflag:s8] =	dma.local @!p0 [hbm:s6], $0xF7A  }
0x23: {  	s9 =	sor.u32 $0xD0000000, s2;
	s6 =	simm.s32 $0x108;
	_ =	swait.ge @!p0 [sflag:s8], $0x0  }
0x24: {  	s3 =	sadd.s32 $0x88, s3;
	s6 =	simm.s32 @!p1 $0x1082;
	[sflag:s4] =	ssyncset.s32 $0xFFFFF086  }
0x25: {  	[simem:s6], [sflag:s4] =	dma.local [hbm:s3], $0xF7A  }
0x26: {  	[smem:$0x3F63] =	sst s1;
	(tag) =	ssettag s2;
	_ =	strace s9  }
0x27: {  	s1 =	sld [smem:$0x3F73]  }
0x28: {  	s2 =	sld [smem:$0x3F74]  }
0x29: {  	s4 =	sld [smem:$0x3F76]  }
0x2a: {  	p0 =	seq.s32 s5, $0x0;
	s5 =	sld [smem:$0x3F77]  }
0x2b: {  	s6 =	sld [smem:$0x3F78]  }
0x2c: {  	s7 =	sld [smem:$0x3F79]  }
0x2d: {  	s3 =	simm.s32 $0x108;
	s8 =	sld [smem:$0x3F7A]  }
0x2e: {  	s3 =	simm.s32 @!p0 $0x1082;
	s9 =	sld [smem:$0x3F7B]  }
0x2f: {  	lr =	sadd.s32 s0, s3;
	s0 =	sld [smem:$0x3F72]  }
0x30: {  	s3 =	sld [smem:$0x3F75]  }
0x31: {  	[smem:$0x3F7E] =	sst s10  }
0x32: {  	s10 =	sld [smem:$0x3F7C];
	_ =	sdelay $0x3  }
0x33: {  	p0 =	seq.s32 s10, $0x1;
	s10 =	sld [smem:$0x3F7E];
	_ =	sdelay $0x3  }
0x34: {  	[smem:$0x3F7E] =	sst s10  }
0x35: {  	s10 =	sld [smem:$0x3F7D];
	_ =	sdelay $0x3  }
0x36: {  	p1 =	seq.s32 s10, $0x1;
	s10 =	sld [smem:$0x3F7E];
	_ =	sdelay $0x3  }
0x37: {  	[smem:$0x3F7E] =	sst s10  }
0x38: {  	s10 =	sld [smem:$0x3F7F]  }
0x39: {  	_ = 	snop;
	(pc) =	sbr.ind lr, $3  }
0x3a: {  	_ = 	snop  }
0x3b: {  	_ = 	snop  }
0x3c: {  	p2 =	seq.s32 s10, $0x1;
	s10 =	sld [smem:$0x3F7E]  }
0x3d: {  	_ =	shalt  }
0x3e: {  	_ =	shalt  }
0x3f: {  	_ =	shalt  }
0x40: {  	_ =	shalt  }
0x41: {  	_ =	shalt  }
0x42: {  	_ =	shalt  }
0x43: {  	_ =	shalt  }
0x44: {  	_ =	shalt  }
0x45: {  	_ =	shalt  }
0x46: {  	_ =	shalt  }
0x47: {  	_ =	shalt  }
0x48: {  	_ =	shalt  }
0x49: {  	_ =	shalt  }
0x4a: {  	_ =	shalt  }
0x4b: {  	_ =	shalt  }
0x4c: {  	_ =	shalt  }
0x4d: {  	_ =	shalt  }
0x4e: {  	_ =	shalt  }
0x4f: {  	_ =	shalt  }
0x50: {  	_ =	shalt  }
0x51: {  	_ =	shalt  }
0x52: {  	_ =	shalt  }
0x53: {  	_ =	shalt  }
0x54: {  	_ =	shalt  }
0x55: {  	_ =	shalt  }
0x56: {  	_ =	shalt  }
0x57: {  	_ =	shalt  }
0x58: {  	_ =	shalt  }
0x59: {  	_ =	shalt  }
0x5a: {  	_ =	shalt  }
0x5b: {  	_ =	shalt  }
0x5c: {  	_ =	shalt  }
0x5d: {  	_ =	shalt  }
0x5e: {  	_ =	shalt  }
0x5f: {  	_ =	shalt  }
0x60: {  	_ =	shalt  }
0x61: {  	_ =	shalt  }
0x62: {  	_ =	shalt  }
0x63: {  	_ =	shalt  }
0x64: {  	_ =	shalt  }
0x65: {  	_ =	shalt  }
0x66: {  	_ =	shalt  }
0x67: {  	_ =	shalt  }
0x68: {  	_ =	shalt  }
0x69: {  	_ =	shalt  }
0x6a: {  	_ =	shalt  }
0x6b: {  	_ =	shalt  }
0x6c: {  	_ =	shalt  }
0x6d: {  	_ =	shalt  }
0x6e: {  	_ =	shalt  }
0x6f: {  	_ =	shalt  }
0x70: {  	_ =	shalt  }
0x71: {  	_ =	shalt  }
0x72: {  	_ =	shalt  }
0x73: {  	_ =	shalt  }
0x74: {  	_ =	shalt  }
0x75: {  	_ =	shalt  }
0x76: {  	_ =	shalt  }
0x77: {  	_ =	shalt  }
0x78: {  	_ =	shalt  }
0x79: {  	_ =	shalt  }
0x7a: {  	_ =	shalt  }
0x7b: {  	_ =	shalt  }
0x7c: {  	_ =	shalt  }
0x7d: {  	_ =	shalt  }
0x7e: {  	_ =	shalt  }
0x7f: {  	_ =	shalt  }
0x80: {  	_ =	shalt  }
0x81: {  	_ =	shalt  }
0x82: {  	_ =	shalt  }
0x83: {  	_ =	shalt  }
0x84: {  	_ =	shalt  }
0x85: {  	_ =	shalt  }
0x86: {  	_ =	shalt  }
0x87: {  	_ =	shalt  }
.Lfunc_end0:
.L_simem_size_0:
called_computation.1_lowered:
.L_overlay_start_0:
0x88: {  	s2 =	sld [smem:$0x3FD9]  }
0x89: {  	s3 =	sld [smem:$0x3FFE];
	_ =	sdelay $0x1  }
0x8a: {  	s1 =	srdreg.scid  }
0x8b: {  	s0 =	sand.u32 $0x1, s1  }
0x8c: {  	s17 =	sshll.u32 s0, $0xA;
	s2 =	sadd.s32 s3, s2  }
0x8d: {  	s2 =	sadd.s32 s2, s17  }
0x8e: {  	[smem:$0x3F8A] =	sst s2  }
0x8f: {  	_ = 	snop  }
0x90: {  	(tm) =	ssettm $0x1  }
0x91: {  	s18 =	sld [smem:$0x3FFB];
	_ =	sdelay $0x3  }
0x92: {  	_ =	strace s18  }
0x93: {  	s2 =	sld [smem:$0x3FFC];
	_ =	sdelay $0x3  }
0x94: {  	_ =	strace s2  }
0x95: {  	s2 =	sld [smem:$0x3FFD];
	_ =	sdelay $0x3  }
0x96: {  	_ =	strace s2  }
0x97: {  	_ =	strace $0x8FFFFFFF  }
0x98: {  	s19 =	sld [smem:$0x3FDB];
	_ =	sdelay $0x1  }
0x99: {  	s20 =	simm.s32 $_scs_section_size  }
0x9a: {  	s4 =	simm.s32 $_size__tile_overlayer_lowered;
	s5 =	simm.s32 $_tile_overlayer_lowered  }
0x9b: {  	s6 =	simm.s32 $0x1BFF;
	s21 =	sshll.u32 s5, $0x1;
	s3 =	sadd.s32 s20, s19  }
0x9c: {  	s22 =	simm.s32 $0x0;
	s4 =	sshll.u32 s4, $0x1;
	s5 =	sadd.s32 s21, s3  }
0x9d: {  	[timem:s22], [sflag:s6] =	dma.local [hbm:s5], s4  }
0x9e: {  	_ =	swait.ge [sflag:s6], s4  }
0x9f: {  	s4 =	ssub.s32 $0x0, s4;
	[sflag:s6] =	ssyncset.done $0x0  }
0xa0: {  	[sflag:s6] =	ssyncadd.s32 s4;
	_ =	sdelay $0x1  }
0xa1: {  	s23 =	simm.s32 $0x1B8B  }
0xa2: {  	_ =	swait.ge [sflag:s23], $0x1  }
0xa3: {  	[sflag:s23] =	ssyncset.done $0x0  }
0xa4: {  	[sflag:s23] =	ssyncadd.s32 $0xFFFFFFFF  }
0xa5: {  	s4 =	sld [smem:$0x0]  }
0xa6: {  	s5 =	sand.u32 $0xFFFFFFFE, s1  }
0xa7: {  	p0 =	sne.s32 s1, s5  }
0xa8: {  	s5 =	sshll.u32 @p0 s5, $0xE  }
0xa9: {  	s5 =	sadd.s32 @p0 $0x11B8D, s5;
	s6 =	sshll.u32 @p0 s4, $0x11  }
0xaa: {  	s5 =	sor.u32 @p0 s6, s5  }
0xab: {  	[sflag:s5] =	ssyncadd.remote.s32 @p0 $0x1;
	_ =	sdelay $0x1  }
0xac: {  	s5 =	simm.s32 @p0 $0x1B8D  }
0xad: {  	_ =	swait.eq @p0 [sflag:s5], $0x1  }
0xae: {  	[sflag:s5] =	ssyncadd.s32 @p0 $0xFFFFFFFF  }
0xaf: {  	s6 =	sshll.u32 @!p0 s1, $0xE  }
0xb0: {  	s6 =	sor.u32 @!p0 $0x4000, s6;
	s5 =	simm.s32 @!p0 $0x1B8D  }
0xb1: {  	s4 =	sshll.u32 @!p0 s4, $0x11;
	s6 =	sadd.s32 @!p0 $0x11B8D, s6;
	_ =	swait.eq @!p0 [sflag:s5], $0x1  }
0xb2: {  	s4 =	sor.u32 @!p0 s4, s6;
	[sflag:s5] =	ssyncadd.s32 @!p0 $0xFFFFFFFF  }
0xb3: {  	s25 =	simm.s32 $0x1B8E;
	s24 =	sld [smem:$0x3FFE];
	[sflag:s4] =	ssyncadd.remote.s32 @!p0 $0x1  }
0xb4: {  	s26 =	simm.s32 $execute0_lowered;
	[smem:$0x3FD2] =	sst s25  }
0xb5: {  	s5 =	sshll.u32 s26, $0x1;
	_ =	strace $0x80000049;
	[dreg:$0x1] =	wrdreg $0xFFFFFFFF  }
0xb6: {  	s28 =	simm.s32 $_size_execute0_lowered;
	s3 =	sadd.s32 s3, s5;
	[dreg:$0x0] =	wrdreg $0x0  }
0xb7: {  	s5 =	sshll.u32 s28, $0x1;
	[dreg:$0x2] =	wrdreg s3  }
0xb8: {  	[dreg:$0x3] =	wrdreg s5  }
0xb9: {  	[dreg:$0x4] =	wrdreg $0xC0  }
0xba: {  	_ =	task [dreg:s22], $0x5FFFF  }
0xbb: {  	[dreg:$0x1] =	wrdreg $0xFFFFFFFF  }
0xbc: {  	[dreg:$0x0] =	wrdreg $0x60  }
0xbd: {  	[dreg:$0x2] =	wrdreg s24  }
0xbe: {  	[dreg:$0x3] =	wrdreg $0xA  }
0xbf: {  	_ =	task.clear_ibuf [dreg:s22], $0x4FFFF;
	_ =	strace $0x90000049  }
0xc0: {  	s29 =	simm.s32 $0xA;
	_ =	strace $0x8000004B  }
0xc1: {  	_ =	swait.ge [sflag:s29], $0x1  }
0xc2: {  	[sflag:s29] =	ssyncadd.s32 $0xFFFFFFFF  }
0xc3: {  	_ =	strace $0x9000004B  }
0xc4: {  	_ =	sfence  }
0xc5: {  	s30 =	sld [smem:$0x0];
	_ =	sdelay $0x2  }
0xc6: {  	s31 =	sshll.u32 s1, $0xD;
	s1 =	sshrl.u32 s1, $0x2  }
0xc7: {  	s4 =	sand.u32 $0x4000, s31;
	s1 =	sadd.s32 s1, s30  }
0xc8: {  	s0 =	sor.u32 s4, s0;
	s1 =	sshll.u32 s1, $0x11  }
0xc9: {  	s0 =	sor.u32 s1, s0  }
0xca: {  	s0 =	sadd.s32 $0x8F2B, s0  }
0xcb: {  	[sflag:s0] =	ssyncadd.remote.s32 $0x1  }
0xcc: {  	_ =	sfence.sel $0xFFFF  }
0xcd: {  	[dreg:$0x0] =	wrdreg $0xFFFFFFFF;
	(pc) =	sbr.abs _section_cstart, $3  }
0xce: {  	[dreg:$0x1] =	wrdreg $0xFFFFFFFF  }
0xcf: {  	_ =	task.clear_ibuf [dreg:s22], $0x2FFFF;
	_ =	strace $0x9FFFFFFF  }
0xd0: {  	(tm) =	ssettm $0x7FFFFFFF  }
0xd1: {  	_ =	shalt  }
tec
execute0_lowered:
.L_overlay_start_1:
0x0: {  	(tag) =	ssettag $0x1  }
0x1: {  	s4 =	rddreg [dreg:$0x0]  }
0x2: {  	s0 =	rddreg [dreg:$0x1];
	s1 =	simm.s32 $0x0;
	s5 =	srdreg.scid  }
0x3: {  	s2 =	stileid.u32;
	[smem:$0x7FF] =	sst s1  }
0x4: {  	s3 =	sadd.s32 $0x69A00, s4;
	s5 =	sand.u32 $0x1, s5;
	s6 =	sshll.u32 s2, $0x5  }
0x5: {  	s7 =	sshll.u32 s2, $0xC;
	_ =	strace $0x8000004A;
	s8 =	ssub.s32 $0x2, s5  }
0x6: {  	s6 =	sadd.s32 s6, s4;
	s7 =	sadd.s32 s7, s4;
	s9 =	sshll.u32 s5, $0xB  }
0x7: {  	s5 =	sshll.u32 s5, $0x4;
	s4 =	sshll.u32 s2, $0x1;
	s30 =	sshrl.u32 s8, $0x1  }
0x8: {  	s7 =	sadd.s32 s9, s7;
	s31 =	sadd.s32 s5, s6;
	s8 =	ssub.s32 s8, s30  }
0x9: {  	s6 =	sadd.s32 $0xB7E00, s7;
	s7 =	sadd.s32 $0xC800, s31;
	s5 =	smax.u32 s8, $0x1  }
.LBB2_1:
0xa: {  	s8 =	sadd.s32 $0x0, s4  }
0xb: {  	p0 =	sgt.u32 s8, $0x4E1  }
0xc: {  	s9 =	simm.s32 @!p0 $0x0;
	s8 =	simm.s32 @!p0 $0x1  }
0xd: {  	[tilespmem:s9], [sflag:$0x1] =	stream.linear.gather @!p0 [hbm4b:s7+s9], $0x80, $0x38;
	[tilespmem:$0x4080] =	vst v63  }
0xe: {  	_ =	swait.ge @!p0 [sflag:s8], $0x80  }
0xf: {  	[sflag:s8] =	ssyncset.done @!p0 $0x0;
	p0 =	por p0, p0  }
0x10: {  	[sflag:s8] =	ssyncadd.s32 @!p0 $0xFFFFFF80;
	s11 =	simm.s32 @!p0 $0x80  }
0x11: {  	[tilespmem:s11], [sflag:$0x1] =	stream.indirect.gather @!p0 [hbm4b:s3+s11], $0x80, s9, s11, $0xb8;
	[tilespmem:$0x4080] =	vst v63  }
0x12: {  	_ =	swait.ge @!p0 [sflag:s8], $0x4000  }
0x13: {  	[sflag:s8] =	ssyncset.done @!p0 $0x0  }
0x14: {  	s31 =	sadd.s32 $0x20, s4;
	[sflag:s8] =	ssyncadd.s32 @!p0 $0xFFFFC000  }
0x15: {  	[hbm4b:s6+s9] =	stream.linear.scatter @!p0 [tilespmem:s11], [sflag:$0x1], $0x4000, $0x38;
	[tilespmem:$0x4080] =	vst v63  }
0x16: {  	s10 =	simm.s32 $0x40;
	p1 =	sgt.u32 s31, $0x4E1;
	_ =	swait.ge @!p0 [sflag:s8], $0x4000  }
0x17: {  	s11 =	sadd.s32 $0x200, s7;
	s9 =	sadd.s32 $0x10000, s6;
	[sflag:s8] =	ssyncset.done @!p0 $0x0  }
.LBB2_2:
0x18: {  	s12 =	simm.s32 @!p1 $0x0;
	[sflag:s8] =	ssyncadd.s32 @!p0 $0xFFFFC000;
	s8 =	simm.s32 @!p1 $0x1  }
0x19: {  	[tilespmem:s12], [sflag:$0x1] =	stream.linear.gather @!p1 [hbm4b:s11+s12], $0x80, $0x38;
	[tilespmem:$0x4080] =	vst v63  }
0x1a: {  	s13 =	smov.u32 s10;
	s10 =	sadd.s32 $0x20, s10;
	_ =	swait.ge @!p1 [sflag:s8], $0x80  }
0x1b: {  	p0 =	por p1, p1;
	p2 =	sne.s32 s10, $0x500;
	[sflag:s8] =	ssyncset.done @!p1 $0x0  }
0x1c: {  	s14 =	simm.s32 @!p0 $0x80;
	[sflag:s8] =	ssyncadd.s32 @!p0 $0xFFFFFF80  }
0x1d: {  	[tilespmem:s14], [sflag:$0x1] =	stream.indirect.gather @!p0 [hbm4b:s3+s14], $0x80, s12, s14, $0xb8;
	[tilespmem:$0x4080] =	vst v63  }
0x1e: {  	_ =	swait.ge @!p0 [sflag:s8], $0x4000  }
.Ltmp0:
0x1f: {  	[sflag:s8] =	ssyncset.done @!p0 $0x0;
	(pc) =	sbr.rel @p2 .LBB2_2-.Ltmp0, $4  }
0x20: {  	[sflag:s8] =	ssyncadd.s32 @!p0 $0xFFFFC000  }
0x21: {  	[hbm4b:s9+s12] =	stream.linear.scatter @!p0 [tilespmem:s14], [sflag:$0x1], $0x4000, $0x38;
	[tilespmem:$0x4080] =	vst v63  }
0x22: {  	s11 =	sadd.s32 $0x200, s11;
	s12 =	sadd.s32 s13, s4;
	_ =	swait.ge @!p0 [sflag:s8], $0x4000  }
0x23: {  	s9 =	sadd.s32 $0x10000, s9;
	p1 =	sgt.u32 s12, $0x4E1;
	[sflag:s8] =	ssyncset.done @!p0 $0x0  }
0x24: {  	s10 =	simm.s32 @!p1 $0x0;
	s12 =	simm.s32 @!p1 $0x1;
	[sflag:s8] =	ssyncadd.s32 @!p0 $0xFFFFC000  }
0x25: {  	[tilespmem:s10], [sflag:$0x1] =	stream.linear.gather @!p1 [hbm4b:s11+s10], $0x80, $0x38;
	[tilespmem:$0x4080] =	vst v63  }
0x26: {  	_ =	swait.ge @!p1 [sflag:s12], $0x80  }
0x27: {  	p0 =	por p1, p1;
	[sflag:s12] =	ssyncset.done @!p1 $0x0  }
0x28: {  	s8 =	simm.s32 @!p0 $0x80;
	[sflag:s12] =	ssyncadd.s32 @!p0 $0xFFFFFF80  }
0x29: {  	[tilespmem:s8], [sflag:$0x1] =	stream.indirect.gather @!p0 [hbm4b:s3+s8], $0x80, s10, s8, $0xb8;
	[tilespmem:$0x4080] =	vst v63  }
0x2a: {  	s1 =	sadd.s32 $0x1, s1;
	_ =	swait.ge @!p0 [sflag:s12], $0x4000  }
0x2b: {  	p1 =	sne.s32 s1, s5;
	[sflag:s12] =	ssyncset.done @!p0 $0x0  }
.Ltmp1:
0x2c: {  	[sflag:s12] =	ssyncadd.s32 @!p0 $0xFFFFC000;
	(pc) =	sbr.rel @p1 .LBB2_1-.Ltmp1, $4  }
0x2d: {  	[hbm4b:s9+s10] =	stream.linear.scatter @!p0 [tilespmem:s8], [sflag:$0x1], $0x4000, $0x38;
	[tilespmem:$0x4080] =	vst v63  }
0x2e: {  	_ =	swait.ge @!p0 [sflag:s12], $0x4000  }
0x2f: {  	[sflag:s12] =	ssyncset.done @!p0 $0x0  }
0x30: {  	[sflag:s12] =	ssyncadd.s32 @!p0 $0xFFFFC000  }
0x31: {  	_ =	sfence.sel $0x180000  }
0x32: {  	[bflag:$0x0] =	sbarrier.arrive $0xFFFF  }
0x33: {  	p0 =	sne.s32 s2, $0x0;
	_ =	strace $0x9000004A  }
0x34: {  	s0 =	sadd.s32 @!p0 $0x100000, s0;
	[bflag:$0x2] =	sbarrier.arrive $0xFFFF  }
0x35: {  	[sflag:s0] =	ssyncadd.tile.s32 @!p0 $0x1;
	_ =	shalt  }
.Lfunc_end2:
_tile_overlayer_lowered:
.L_overlay_start_2:
0x36: {  	(tag) =	ssettag $0x2  }
0x37: {  	s0 =	rddreg [dreg:$0x0];
	s2 =	stileid.u32  }
0x38: {  	s1 =	rddreg [dreg:$0x1];
	p0 =	sne.s32 s2, $0x0  }
0x39: {  	s3 =	rddreg [dreg:$0x2];
	[bflag:$0x3] =	sbarrier.arrive $0xFFFF;
	s2 =	simm.s32 @!p0 $0x1C02  }
0x3a: {  	[timem:s3], [sflag:s2] =	dma.local @!p0 [hbm:s0], s1  }
0x3b: {  	s0 =	simm.s32 @!p0 $0x2  }
0x3c: {  	_ =	swait.ge @!p0 [sflag:s0], s1  }
0x3d: {  	s1 =	ssub.s32 @!p0 $0x0, s1;
	[sflag:s0] =	ssyncset.done @!p0 $0x0  }
0x3e: {  	[sflag:s0] =	ssyncadd.s32 @!p0 s1  }
0x3f: {  	[bflag:$0x3] =	sbarrier.arrive $0xFFFF  }
0x40: {  	_ =	shalt  }

// kernel: kernel.23.cloned.1.call-start
scs
__scs_entry_jumppad:
0x0: {  	(pc) =	sbr.rel $0x88, $3  }
0x1: {  	(tag) =	ssettag $0x0;
	lr =	simm.s32 $0x1  }
0x2: {  	[smem:$0x3F63] =	sst lr;
	_ =	strace $0xD0000000  }
0x3: {  	_ = 	snop  }
0x4: {  	_ = 	snop  }
0x5: {  	_ = 	snop  }
0x6: {  	_ = 	snop  }
0x7: {  	_ = 	snop  }
__scs_overlays_trampoline_lowered:
0x8: {  	[smem:$0x3F72] =	sst s0  }
0x9: {  	[smem:$0x3F73] =	sst s1  }
0xa: {  	[smem:$0x3F74] =	sst s2  }
0xb: {  	[smem:$0x3F75] =	sst s3  }
0xc: {  	[smem:$0x3F76] =	sst s4  }
0xd: {  	[smem:$0x3F77] =	sst s5  }
0xe: {  	[smem:$0x3F78] =	sst s6  }
0xf: {  	[smem:$0x3F79] =	sst s7  }
0x10: {  	[smem:$0x3F7A] =	sst s8  }
0x11: {  	[smem:$0x3F7B] =	sst s9;
	s0 =	simm.s32 @!p0 $0x0  }
0x12: {  	s1 =	sld [smem:$0x3F61];
	s0 =	simm.s32 @p0 $0x1  }
0x13: {  	[smem:$0x3F7C] =	sst s0;
	s0 =	simm.s32 @!p1 $0x0  }
0x14: {  	s2 =	sld [smem:$0x3F60];
	s0 =	simm.s32 @p1 $0x1  }
0x15: {  	[smem:$0x3F7D] =	sst s0;
	s0 =	simm.s32 @!p2 $0x0  }
0x16: {  	s3 =	sld [smem:$0x3FDB];
	s0 =	simm.s32 @p2 $0x1  }
0x17: {  	s4 =	simm.s32 $0x1BF5;
	[smem:$0x3F7F] =	sst s0  }
0x18: {  	s0 =	sld [smem:$0x3F62];
	_ =	swait.ge [sflag:s4], $0x0  }
0x19: {  	s7 =	sld [smem:$0x3F63]  }
0x1a: {  	s8 =	sadd.s32 $0xFFFFE003, lr  }
0x1b: {  	s9 =	sadd.s32 $0xFFFFFEF7, lr;
	s5 =	simm.s32 $0xFFFFFFFF;
	p2 =	slt.u32 s8, $0xFFFFF086  }
0x1c: {  	p1 =	slt.u32 s9, $0xF7A;
	s5 =	simm.s32 @!p2 $0x0  }
0x1d: {  	s5 =	simm.s32 @p1 $0x1;
	p0 =	seq.s32 s7, s2  }
0x1e: {  	s7 =	smul.u32 @!p0 $0xF7A, s2;
	p2 =	seq.s32 @!p0 s5, $0x0  }
0x1f: {  	s9 =	smul.u32 $0xF7A, s1;
	s8 =	simm.s32 @!p0 $0x1BF5;
	p2 =	por !p2, p0  }
0x20: {  	[sflag:s8] =	ssyncset.s32 @!p0 $0xFFFFF086;
	s6 =	sadd.s32 @!p0 s3, s7;
	s7 =	simm.s32 @!p0 $0x108  }
0x21: {  	s3 =	sadd.s32 s3, s9;
	s6 =	sadd.s32 @!p0 $0x88, s6;
	s7 =	simm.s32 @p2 $0x1082  }
0x22: {  	[simem:s7], [sflag:s8] =	dma.local @!p0 [hbm:s6], $0xF7A  }
0x23: {  	s9 =	sor.u32 $0xD0000000, s2;
	s6 =	simm.s32 $0x108;
	_ =	swait.ge @!p0 [sflag:s8], $0x0  }
0x24: {  	s3 =	sadd.s32 $0x88, s3;
	s6 =	simm.s32 @!p1 $0x1082;
	[sflag:s4] =	ssyncset.s32 $0xFFFFF086  }
0x25: {  	[simem:s6], [sflag:s4] =	dma.local [hbm:s3], $0xF7A  }
0x26: {  	[smem:$0x3F63] =	sst s1;
	(tag) =	ssettag s2;
	_ =	strace s9  }
0x27: {  	s1 =	sld [smem:$0x3F73]  }
0x28: {  	s2 =	sld [smem:$0x3F74]  }
0x29: {  	s4 =	sld [smem:$0x3F76]  }
0x2a: {  	p0 =	seq.s32 s5, $0x0;
	s5 =	sld [smem:$0x3F77]  }
0x2b: {  	s6 =	sld [smem:$0x3F78]  }
0x2c: {  	s7 =	sld [smem:$0x3F79]  }
0x2d: {  	s3 =	simm.s32 $0x108;
	s8 =	sld [smem:$0x3F7A]  }
0x2e: {  	s3 =	simm.s32 @!p0 $0x1082;
	s9 =	sld [smem:$0x3F7B]  }
0x2f: {  	lr =	sadd.s32 s0, s3;
	s0 =	sld [smem:$0x3F72]  }
0x30: {  	s3 =	sld [smem:$0x3F75]  }
0x31: {  	[smem:$0x3F7E] =	sst s10  }
0x32: {  	s10 =	sld [smem:$0x3F7C];
	_ =	sdelay $0x3  }
0x33: {  	p0 =	seq.s32 s10, $0x1;
	s10 =	sld [smem:$0x3F7E];
	_ =	sdelay $0x3  }
0x34: {  	[smem:$0x3F7E] =	sst s10  }
0x35: {  	s10 =	sld [smem:$0x3F7D];
	_ =	sdelay $0x3  }
0x36: {  	p1 =	seq.s32 s10, $0x1;
	s10 =	sld [smem:$0x3F7E];
	_ =	sdelay $0x3  }
0x37: {  	[smem:$0x3F7E] =	sst s10  }
0x38: {  	s10 =	sld [smem:$0x3F7F]  }
0x39: {  	_ = 	snop;
	(pc) =	sbr.ind lr, $3  }
0x3a: {  	_ = 	snop  }
0x3b: {  	_ = 	snop  }
0x3c: {  	p2 =	seq.s32 s10, $0x1;
	s10 =	sld [smem:$0x3F7E]  }
0x3d: {  	_ =	shalt  }
0x3e: {  	_ =	shalt  }
0x3f: {  	_ =	shalt  }
0x40: {  	_ =	shalt  }
0x41: {  	_ =	shalt  }
0x42: {  	_ =	shalt  }
0x43: {  	_ =	shalt  }
0x44: {  	_ =	shalt  }
0x45: {  	_ =	shalt  }
0x46: {  	_ =	shalt  }
0x47: {  	_ =	shalt  }
0x48: {  	_ =	shalt  }
0x49: {  	_ =	shalt  }
0x4a: {  	_ =	shalt  }
0x4b: {  	_ =	shalt  }
0x4c: {  	_ =	shalt  }
0x4d: {  	_ =	shalt  }
0x4e: {  	_ =	shalt  }
0x4f: {  	_ =	shalt  }
0x50: {  	_ =	shalt  }
0x51: {  	_ =	shalt  }
0x52: {  	_ =	shalt  }
0x53: {  	_ =	shalt  }
0x54: {  	_ =	shalt  }
0x55: {  	_ =	shalt  }
0x56: {  	_ =	shalt  }
0x57: {  	_ =	shalt  }
0x58: {  	_ =	shalt  }
0x59: {  	_ =	shalt  }
0x5a: {  	_ =	shalt  }
0x5b: {  	_ =	shalt  }
0x5c: {  	_ =	shalt  }
0x5d: {  	_ =	shalt  }
0x5e: {  	_ =	shalt  }
0x5f: {  	_ =	shalt  }
0x60: {  	_ =	shalt  }
0x61: {  	_ =	shalt  }
0x62: {  	_ =	shalt  }
0x63: {  	_ =	shalt  }
0x64: {  	_ =	shalt  }
0x65: {  	_ =	shalt  }
0x66: {  	_ =	shalt  }
0x67: {  	_ =	shalt  }
0x68: {  	_ =	shalt  }
0x69: {  	_ =	shalt  }
0x6a: {  	_ =	shalt  }
0x6b: {  	_ =	shalt  }
0x6c: {  	_ =	shalt  }
0x6d: {  	_ =	shalt  }
0x6e: {  	_ =	shalt  }
0x6f: {  	_ =	shalt  }
0x70: {  	_ =	shalt  }
0x71: {  	_ =	shalt  }
0x72: {  	_ =	shalt  }
0x73: {  	_ =	shalt  }
0x74: {  	_ =	shalt  }
0x75: {  	_ =	shalt  }
0x76: {  	_ =	shalt  }
0x77: {  	_ =	shalt  }
0x78: {  	_ =	shalt  }
0x79: {  	_ =	shalt  }
0x7a: {  	_ =	shalt  }
0x7b: {  	_ =	shalt  }
0x7c: {  	_ =	shalt  }
0x7d: {  	_ =	shalt  }
0x7e: {  	_ =	shalt  }
0x7f: {  	_ =	shalt  }
0x80: {  	_ =	shalt  }
0x81: {  	_ =	shalt  }
0x82: {  	_ =	shalt  }
0x83: {  	_ =	shalt  }
0x84: {  	_ =	shalt  }
0x85: {  	_ =	shalt  }
0x86: {  	_ =	shalt  }
0x87: {  	_ =	shalt  }
.Lfunc_end0:
.L_simem_size_0:
called_computation.2_lowered:
.L_overlay_start_0:
0x88: {  	s2 =	sld [smem:$0x3FD9]  }
0x89: {  	s3 =	sld [smem:$0x3FFE];
	_ =	sdelay $0x1  }
0x8a: {  	s1 =	srdreg.scid  }
0x8b: {  	s0 =	sand.u32 $0x1, s1  }
0x8c: {  	s14 =	sshll.u32 s0, $0xA;
	s2 =	sadd.s32 s3, s2  }
0x8d: {  	s2 =	sadd.s32 s2, s14  }
0x8e: {  	[smem:$0x3F8A] =	sst s2  }
0x8f: {  	_ = 	snop  }
0x90: {  	s2 =	sld [smem:$0x3FD0];
	_ =	sdelay $0x2  }
0x91: {  	s15 =	simm.s32 $0xB;
	s4 =	simm.s32 $0x10  }
0x92: {  	[smem:s4], [sflag:s15] =	dma.local [hbm:s2], $0x1  }
0x93: {  	_ =	swait.eq [sflag:s15], $0x1  }
0x94: {  	[sflag:s15] =	ssyncset.done $0x0  }
0x95: {  	[sflag:s15] =	ssyncadd.s32 $0xFFFFFFFF  }
0x96: {  	s16 =	sld [smem:$0x11];
	(tm) =	ssettm $0x1  }
0x97: {  	s17 =	sld [smem:$0x3FFB];
	_ =	sdelay $0x3  }
0x98: {  	_ =	strace s17  }
0x99: {  	s3 =	sld [smem:$0x3FFC];
	_ =	sdelay $0x3  }
0x9a: {  	_ =	strace s3  }
0x9b: {  	s3 =	sld [smem:$0x3FFD];
	_ =	sdelay $0x3  }
0x9c: {  	_ =	strace s3  }
0x9d: {  	_ =	strace $0x8FFFFFFF  }
0x9e: {  	s18 =	sld [smem:$0x3FDB];
	_ =	sdelay $0x1  }
0x9f: {  	s19 =	simm.s32 $_scs_section_size  }
0xa0: {  	s5 =	simm.s32 $_size__tile_overlayer_lowered;
	s6 =	simm.s32 $_tile_overlayer_lowered  }
0xa1: {  	s22 =	simm.s32 $0x1BFF;
	s21 =	sshll.u32 s6, $0x1;
	s3 =	sadd.s32 s19, s18  }
0xa2: {  	s7 =	simm.s32 $0x0;
	s20 =	sshll.u32 s5, $0x1;
	s5 =	sadd.s32 s21, s3  }
0xa3: {  	[timem:s7], [sflag:s22] =	dma.local [hbm:s5], s20  }
0xa4: {  	_ =	swait.ge [sflag:s22], s20  }
0xa5: {  	s4 =	ssub.s32 $0x0, s20;
	[sflag:s22] =	ssyncset.done $0x0  }
0xa6: {  	[sflag:s22] =	ssyncadd.s32 s4;
	_ =	sdelay $0x1  }
0xa7: {  	s23 =	simm.s32 $0x1B8B  }
0xa8: {  	_ =	swait.ge [sflag:s23], $0x1  }
0xa9: {  	[sflag:s23] =	ssyncset.done $0x0  }
0xaa: {  	s25 =	simm.s32 $0x1B8E;
	s24 =	sld [smem:$0x3FFE];
	[sflag:s23] =	ssyncadd.s32 $0xFFFFFFFF  }
0xab: {  	s26 =	simm.s32 $execute0_lowered;
	[smem:$0x3FD2] =	sst s25  }
0xac: {  	s5 =	sshll.u32 s26, $0x1;
	_ =	strace $0x8000004C;
	[dreg:$0x1] =	wrdreg $0xFFFFFFFF  }
0xad: {  	s28 =	simm.s32 $_size_execute0_lowered;
	s3 =	sadd.s32 s3, s5;
	[dreg:$0x0] =	wrdreg $0x0  }
0xae: {  	s5 =	sshll.u32 s28, $0x1;
	[dreg:$0x2] =	wrdreg s3  }
0xaf: {  	[dreg:$0x3] =	wrdreg s5  }
0xb0: {  	[dreg:$0x4] =	wrdreg $0xC0  }
0xb1: {  	_ =	task [dreg:s7], $0x5FFFF  }
0xb2: {  	[dreg:$0x1] =	wrdreg $0xFFFFFFFF  }
0xb3: {  	[dreg:$0x0] =	wrdreg $0x60  }
0xb4: {  	[dreg:$0x2] =	wrdreg s24  }
0xb5: {  	[dreg:$0x3] =	wrdreg s16  }
0xb6: {  	[dreg:$0x4] =	wrdreg $0xA9000  }
0xb7: {  	[dreg:$0x5] =	wrdreg $0x9  }
0xb8: {  	_ =	task.clear_ibuf [dreg:s7], $0x6FFFF;
	_ =	strace $0x9000004C  }
0xb9: {  	s29 =	simm.s32 $0x9;
	_ =	strace $0x8000004E  }
0xba: {  	_ =	swait.ge [sflag:s29], $0x1  }
0xbb: {  	[sflag:s29] =	ssyncadd.s32 $0xFFFFFFFF  }
0xbc: {  	_ =	strace $0x9000004E  }
0xbd: {  	_ =	sfence  }
0xbe: {  	s30 =	sld [smem:$0x0];
	_ =	sdelay $0x2  }
0xbf: {  	s31 =	sshll.u32 s1, $0xD;
	s1 =	sshrl.u32 s1, $0x2  }
0xc0: {  	s3 =	sand.u32 $0x4000, s31;
	s1 =	sadd.s32 s1, s30  }
0xc1: {  	s0 =	sor.u32 s3, s0;
	s1 =	sshll.u32 s1, $0x11  }
0xc2: {  	s0 =	sor.u32 s1, s0  }
0xc3: {  	s0 =	sadd.s32 $0x8F2B, s0  }
0xc4: {  	[sflag:s0] =	ssyncadd.remote.s32 $0x1  }
0xc5: {  	_ =	sfence.sel $0xFFFF  }
0xc6: {  	[dreg:$0x0] =	wrdreg $0xFFFFFFFF;
	(pc) =	sbr.abs _section_cstart, $3  }
0xc7: {  	[dreg:$0x1] =	wrdreg $0xFFFFFFFF  }
0xc8: {  	_ =	task.clear_ibuf [dreg:s7], $0x2FFFF;
	_ =	strace $0x9FFFFFFF  }
0xc9: {  	(tm) =	ssettm $0x7FFFFFFF  }
tec
execute0_lowered:
.L_overlay_start_1:
0x0: {  	(tag) =	ssettag $0x1  }
0x1: {  	s25 =	stileid.u32  }
0x2: {  	s0 =	srdreg.scid;
	s5 =	smul.u32 $0xA000, s25  }
0x3: {  	s1 =	rddreg [dreg:$0x0];
	s22 =	sand.u32 $0x1, s0;
	s11 =	smul.u32 $0x2800, s25  }
0x4: {  	s2 =	rddreg [dreg:$0x2];
	s6 =	sor.u32 $0x10, s25;
	s4 =	smul.u32 $0x138800, s22  }
0x5: {  	s3 =	simm.s32 $0x0;
	s8 =	sor.u32 $0x20, s25;
	s7 =	smul.u32 $0xA000, s6  }
0x6: {  	s29 =	simm.s32 $0x4;
	s0 =	rddreg [dreg:$0x1];
	s9 =	smul.u32 $0xA000, s8  }
0x7: {  	s30 =	simm.s32 $0x0;
	[smem:$0x7FF] =	sst s3;
	s6 =	smul.u32 $0x2800, s6  }
0x8: {  	s10 =	sshll.u32 s25, $0xC;
	s12 =	sor.u32 $0x30, s25;
	s8 =	smul.u32 $0x2800, s8  }
0x9: {  	s24 =	sshll.u32 s25, $0x5;
	s15 =	sor.u32 $0x50, s25;
	s13 =	smul.u32 $0x2800, s12  }
0xa: {  	s19 =	sor.u32 $0x60, s25;
	_ =	strace $0x8000004D;
	s20 =	smul.u32 $0x2800, s15  }
0xb: {  	s17 =	sadd.s32 s10, s1;
	s1 =	sadd.s32 s24, s1;
	s26 =	smul.u32 $0x2800, s19  }
0xc: {  	s10 =	sor.u32 $0x40, s25;
	s14 =	ssub.s32 $0x2, s22;
	s28 =	smul.u32 $0xA000, s15  }
0xd: {  	s24 =	sor.u32 $0x70, s25;
	s25 =	sshll.u32 s25, $0x1;
	s16 =	smul.u32 $0x2800, s10  }
0xe: {  	s18 =	sshrl.u32 s14, $0x1;
	s31 =	smul.u32 $0x2800, s24;
	s5 =	sshrl.u32 s5, $0x2  }
0xf: {  	p0 =	sgt.u32 s24, $0x7C;
	s14 =	ssub.s32 s14, s18;
	s11 =	sadd.s32 s4, s11  }
0x10: {  	s21 =	sadd.s32 s4, s6;
	s23 =	sadd.s32 s4, s8;
	s13 =	sadd.s32 s4, s13  }
0x11: {  	s20 =	sadd.s32 s4, s20;
	s18 =	sadd.s32 s4, s26;
	s26 =	smul.u32 $0xA000, s12  }
0x12: {  	s5 =	sadd.s32 s5, s2;
	s7 =	sshrl.u32 s7, $0x2;
	s9 =	sshrl.u32 s9, $0x2  }
0x13: {  	s16 =	sadd.s32 s4, s16;
	s4 =	sadd.s32 s4, s31;
	s31 =	smax.u32 s14, $0x1  }
0x14: {  	s6 =	sadd.s32 s7, s2;
	s7 =	sadd.s32 s9, s2;
	s14 =	sshrl.u32 s23, $0x3  }
0x15: {  	[dreg:$0x4] =	wrdreg s31;
	s8 =	sshrl.u32 s26, $0x2;
	s26 =	smul.u32 $0xA000, s10  }
0x16: {  	s10 =	sshrl.u32 s11, $0x3;
	s11 =	sshrl.u32 s21, $0x3;
	s15 =	sadd.s32 s0, s14  }
0x17: {  	s21 =	sshrl.u32 s13, $0x3;
	s23 =	sshrl.u32 s16, $0x3;
	s4 =	sshrl.u32 s4, $0x3  }
0x18: {  	s8 =	sadd.s32 s8, s2;
	s9 =	sadd.s32 s0, s10;
	s12 =	sadd.s32 s0, s11  }
0x19: {  	[dreg:$0x7] =	wrdreg s15;
	s31 =	sadd.s32 s0, s21;
	s13 =	sadd.s32 s0, s23  }
0x1a: {  	s10 =	sshrl.u32 s18, $0x3;
	s16 =	sadd.s32 s0, s4;
	s11 =	sshll.u32 s22, $0x4  }
0x1b: {  	s21 =	smul.u32 $0xA000, s24;
	s23 =	sshrl.u32 s28, $0x2;
	[dreg:$0x5] =	wrdreg s9  }
0x1c: {  	s24 =	simm.s32 $0x8100;
	s28 =	simm.s32 $0x1;
	[dreg:$0x6] =	wrdreg s12  }
0x1d: {  	[dreg:$0x8] =	wrdreg s31;
	s9 =	sshrl.u32 s20, $0x3;
	s15 =	sadd.s32 s0, s10  }
0x1e: {  	s12 =	smul.u32 $0xA000, s19;
	s19 =	sshll.u32 s22, $0xB;
	s20 =	sshrl.u32 s26, $0x2  }
0x1f: {  	s18 =	sadd.s32 s23, s2;
	s31 =	sor.u32 s22, s25;
	s25 =	simm.s32 $0x3  }
0x20: {  	s14 =	sadd.s32 s0, s9;
	s0 =	sadd.s32 s11, s1;
	s1 =	sadd.s32 s19, s17  }
0x21: {  	s17 =	sadd.s32 s20, s2;
	s26 =	sshrl.u32 s21, $0x2;
	s23 =	sor.u32 $0x20, s31  }
0x22: {  	s4 =	sshrl.u32 s12, $0x2;
	s20 =	sadd.s32 s26, s2;
	s21 =	sadd.s32 $0x11800, s0  }
0x23: {  	v0 =	vimm.f32 $0.0e+00;
	s0 =	sadd.s32 $0x599E00, s1;
	s26 =	simm.s32 $0x80;
	s19 =	sadd.s32 s4, s2  }
.LBB2_1:
0x24: {  	s1 =	simm.s32 $0x70;
	s4 =	simm.s32 $0x3C0  }
.LBB2_2:
0x25: {  	p1 =	sne.s32 s4, $0x9FC0;
	[tilespmem:s1+$0x8100] =	vst v0  }
0x26: {  	[tilespmem:s1+$0x8090] =	vst v0  }
0x27: {  	[tilespmem:s1+$0x80A0] =	vst v0  }
.Ltmp0:
0x28: {  	[tilespmem:s1+$0x80B0] =	vst v0;
	(pc) =	sbr.rel @p1 .LBB2_2-.Ltmp0, $4  }
0x29: {  	[tilespmem:s1+$0x80C0] =	vst v0  }
0x2a: {  	[tilespmem:s1+$0x80D0] =	vst v0  }
0x2b: {  	[tilespmem:s1+$0x80E0] =	vst v0  }
0x2c: {  	[tilespmem:s1+$0x80F0] =	vst v0;
	s1 =	sshra.s32 s4, $0x2;
	s4 =	sadd.s32 $0x200, s4  }
0x2d: {  	[tilespmem:s1+$0x8100] =	vst v0  }
0x2e: {  	[tilespmem:s1+$0x8090] =	vst v0  }
0x2f: {  	[tilespmem:s1+$0x80A0] =	vst v0  }
0x30: {  	[tilespmem:s1+$0x80B0] =	vst v0  }
0x31: {  	[tilespmem:s1+$0x80C0] =	vst v0  }
0x32: {  	[tilespmem:s1+$0x80D0] =	vst v0  }
0x33: {  	[tilespmem:s1+$0x80E0] =	vst v0  }
0x34: {  	[tilespmem:s1+$0x80F0] =	vst v0  }
0x35: {  	[spmem:s5] =	stream.linear.scatter [tilespmem:s24], [sflag:$0x3], $0x2800, $0x38;
	[tilespmem:$0x1E180] =	vst v63  }
0x36: {  	_ =	swait.ge [sflag:s25], $0x2800  }
0x37: {  	[sflag:s25] =	ssyncset.done $0x0  }
0x38: {  	[sflag:s25] =	ssyncadd.s32 $0xFFFFD800  }
0x39: {  	[spmem:s6] =	stream.linear.scatter [tilespmem:s24], [sflag:$0x3], $0x2800, $0x38;
	[tilespmem:$0x1E180] =	vst v63  }
0x3a: {  	_ =	swait.ge [sflag:s25], $0x2800  }
0x3b: {  	[sflag:s25] =	ssyncset.done $0x0  }
0x3c: {  	[sflag:s25] =	ssyncadd.s32 $0xFFFFD800  }
0x3d: {  	[spmem:s7] =	stream.linear.scatter [tilespmem:s24], [sflag:$0x3], $0x2800, $0x38;
	[tilespmem:$0x1E180] =	vst v63  }
0x3e: {  	_ =	swait.ge [sflag:s25], $0x2800  }
0x3f: {  	[sflag:s25] =	ssyncset.done $0x0  }
0x40: {  	[sflag:s25] =	ssyncadd.s32 $0xFFFFD800  }
0x41: {  	[spmem:s8] =	stream.linear.scatter [tilespmem:s24], [sflag:$0x3], $0x2800, $0x38;
	[tilespmem:$0x1E180] =	vst v63  }
0x42: {  	_ =	swait.ge [sflag:s25], $0x2800  }
0x43: {  	[sflag:s25] =	ssyncset.done $0x0  }
0x44: {  	[sflag:s25] =	ssyncadd.s32 $0xFFFFD800  }
0x45: {  	[spmem:s17] =	stream.linear.scatter [tilespmem:s24], [sflag:$0x3], $0x2800, $0x38;
	[tilespmem:$0x1E180] =	vst v63  }
0x46: {  	_ =	swait.ge [sflag:s25], $0x2800  }
0x47: {  	[sflag:s25] =	ssyncset.done $0x0  }
0x48: {  	[sflag:s25] =	ssyncadd.s32 $0xFFFFD800  }
0x49: {  	[spmem:s18] =	stream.linear.scatter [tilespmem:s24], [sflag:$0x3], $0x2800, $0x38;
	[tilespmem:$0x1E180] =	vst v63  }
0x4a: {  	_ =	swait.ge [sflag:s25], $0x2800  }
0x4b: {  	[sflag:s25] =	ssyncset.done $0x0  }
0x4c: {  	[sflag:s25] =	ssyncadd.s32 $0xFFFFD800  }
0x4d: {  	[spmem:s19] =	stream.linear.scatter [tilespmem:s24], [sflag:$0x3], $0x2800, $0x38;
	[tilespmem:$0x1E180] =	vst v63  }
0x4e: {  	_ =	swait.ge [sflag:s25], $0x2800  }
0x4f: {  	[sflag:s25] =	ssyncset.done $0x0  }
0x50: {  	s1 =	simm.s32 @!p0 $0x8100;
	[sflag:s25] =	ssyncadd.s32 $0xFFFFD800  }
0x51: {  	[spmem:s20] =	stream.linear.scatter @!p0 [tilespmem:s1], [sflag:$0x3], $0x2800, $0x38;
	[tilespmem:$0x1E180] =	vst v63  }
0x52: {  	s1 =	simm.s32 @!p0 $0x3  }
0x53: {  	_ =	swait.ge @!p0 [sflag:s1], $0x2800  }
0x54: {  	[sflag:s1] =	ssyncset.done @!p0 $0x0  }
0x55: {  	[sflag:s1] =	ssyncadd.s32 @!p0 $0xFFFFD800  }
0x56: {  	s22 =	sadd.s32 $0x0, s21;
	p1 =	sgt.u32 s23, $0x4E1;
	[bflag:$0x0] =	sbarrier.arrive $0xFFFF  }
0x57: {  	[tilespmem:s3], [sflag:$0x1] =	stream.linear.gather [hbm4b:s22+s3], $0x80, $0x38;
	[tilespmem:$0x1E180] =	vst v63  }
0x58: {  	s1 =	sadd.s32 @!p1 $0x0, s21  }
0x59: {  	[tilespmem:s26], [sflag:$0x1] =	stream.linear.gather [hbm4b:s0+s3], $0x4000, $0x38;
	[tilespmem:$0x1E180] =	vst v63  }
0x5a: {  	s4 =	simm.s32 @!p1 $0x0;
	s1 =	sadd.s32 @!p1 $0x200, s1;
	s22 =	simm.s32 @!p1 $0x4080  }
0x5b: {  	[tilespmem:s22], [sflag:$0x2] =	stream.linear.gather @!p1 [hbm4b:s1+s4], $0x80, $0x38;
	[tilespmem:$0x1E180] =	vst v63  }
0x5c: {  	s31 =	simm.s32 @!p1 $0x4100;
	s1 =	sadd.s32 @!p1 $0x10000, s0  }
0x5d: {  	[tilespmem:s31], [sflag:$0x2] =	stream.linear.gather @!p1 [hbm4b:s1+s4], $0x4000, $0x38;
	[tilespmem:$0x1E180] =	vst v63  }
0x5e: {  	_ =	swait.ge [sflag:s28], $0x80  }
0x5f: {  	[sflag:s28] =	ssyncset.done $0x0  }
0x60: {  	[sflag:s28] =	ssyncadd.s32 $0xFFFFFF80  }
0x61: {  	_ =	swait.ge [sflag:s28], $0x4000  }
0x62: {  	[sflag:s28] =	ssyncset.done $0x0  }
0x63: {  	[sflag:s28] =	ssyncadd.s32 $0xFFFFC000  }
0x64: {  	[spmem:s2] =	stream.indirect.scatter.add.f32 [tilespmem:s26], [sflag:$0x4], $0x80, s3, s26, $0xb8;
	[tilespmem:$0x1E180] =	vst v63  }
0x65: {  	_ =	swait.ge [sflag:s29], $0x4000  }
0x66: {  	[sflag:s29] =	ssyncset.done $0x0  }
0x67: {  	s1 =	simm.s32 @!p1 $0x2;
	[sflag:s29] =	ssyncadd.s32 $0xFFFFC000  }
0x68: {  	_ =	swait.ge @!p1 [sflag:s1], $0x80  }
0x69: {  	[sflag:s1] =	ssyncset.done @!p1 $0x0  }
0x6a: {  	[sflag:s1] =	ssyncadd.s32 @!p1 $0xFFFFFF80  }
0x6b: {  	_ =	swait.ge @!p1 [sflag:s1], $0x4000  }
0x6c: {  	[sflag:s1] =	ssyncset.done @!p1 $0x0  }
0x6d: {  	s4 =	simm.s32 @!p1 $0x80;
	[sflag:s1] =	ssyncadd.s32 @!p1 $0xFFFFC000  }
0x6e: {  	[spmem:s2] =	stream.indirect.scatter.add.f32 @!p1 [tilespmem:s31], [sflag:$0x3], $0x80, s22, s4, $0xb8;
	[tilespmem:$0x1E180] =	vst v63  }
0x6f: {  	s1 =	sadd.s32 $0x40, s23;
	s4 =	simm.s32 @!p1 $0x3  }
0x70: {  	s31 =	simm.s32 $0x400;
	s22 =	smov.u32 s0;
	_ =	swait.ge @!p1 [sflag:s4], $0x4000  }
.LBB2_4:
0x71: {  	[sflag:s4] =	ssyncset.done @!p1 $0x0  }
0x72: {  	s22 =	sadd.s32 $0x20000, s22;
	s9 =	smov.u32 s31;
	s31 =	sadd.s32 $0x400, s31  }
0x73: {  	s10 =	sadd.s32 s9, s21;
	p2 =	sne.s32 s31, $0x5000;
	[sflag:s4] =	ssyncadd.s32 @!p1 $0xFFFFC000  }
0x74: {  	[tilespmem:s3], [sflag:$0x1] =	stream.linear.gather [hbm4b:s10+s3], $0x80, $0x38;
	[tilespmem:$0x1E180] =	vst v63  }
0x75: {  	p1 =	sgt.u32 s1, $0x4E1  }
0x76: {  	[tilespmem:s26], [sflag:$0x1] =	stream.linear.gather [hbm4b:s22+s3], $0x4000, $0x38;
	[tilespmem:$0x1E180] =	vst v63  }
0x77: {  	s4 =	sadd.s32 @!p1 s9, s21;
	s9 =	simm.s32 @!p1 $0x0;
	s10 =	simm.s32 @!p1 $0x4080  }
0x78: {  	s11 =	sadd.s32 @!p1 $0x10000, s22;
	s12 =	simm.s32 @!p1 $0x4100;
	s4 =	sadd.s32 @!p1 $0x200, s4  }
0x79: {  	[tilespmem:s10], [sflag:$0x2] =	stream.linear.gather @!p1 [hbm4b:s4+s9], $0x80, $0x38;
	[tilespmem:$0x1E180] =	vst v63  }
0x7a: {  	_ = 	snop  }
0x7b: {  	[tilespmem:s12], [sflag:$0x2] =	stream.linear.gather @!p1 [hbm4b:s11+s9], $0x4000, $0x38;
	[tilespmem:$0x1E180] =	vst v63  }
0x7c: {  	_ =	swait.ge [sflag:s28], $0x80  }
0x7d: {  	[sflag:s28] =	ssyncset.done $0x0  }
0x7e: {  	[sflag:s28] =	ssyncadd.s32 $0xFFFFFF80  }
0x7f: {  	_ =	swait.ge [sflag:s28], $0x4000  }
0x80: {  	[sflag:s28] =	ssyncset.done $0x0  }
0x81: {  	[sflag:s28] =	ssyncadd.s32 $0xFFFFC000  }
0x82: {  	[spmem:s2] =	stream.indirect.scatter.add.f32 [tilespmem:s26], [sflag:$0x4], $0x80, s3, s26, $0xb8;
	[tilespmem:$0x1E180] =	vst v63  }
0x83: {  	_ =	swait.ge [sflag:s29], $0x4000  }
0x84: {  	s4 =	simm.s32 @!p1 $0x2;
	[sflag:s29] =	ssyncset.done $0x0  }
0x85: {  	[sflag:s29] =	ssyncadd.s32 $0xFFFFC000  }
0x86: {  	_ =	swait.ge @!p1 [sflag:s4], $0x80  }
0x87: {  	[sflag:s4] =	ssyncset.done @!p1 $0x0  }
0x88: {  	[sflag:s4] =	ssyncadd.s32 @!p1 $0xFFFFFF80  }
.Ltmp1:
0x89: {  	_ =	swait.ge @!p1 [sflag:s4], $0x4000;
	(pc) =	sbr.rel @p2 .LBB2_4-.Ltmp1, $4  }
0x8a: {  	s9 =	simm.s32 @!p1 $0x80;
	[sflag:s4] =	ssyncset.done @!p1 $0x0  }
0x8b: {  	[sflag:s4] =	ssyncadd.s32 @!p1 $0xFFFFC000;
	s4 =	simm.s32 @!p1 $0x3  }
0x8c: {  	[spmem:s2] =	stream.indirect.scatter.add.f32 @!p1 [tilespmem:s12], [sflag:$0x3], $0x80, s10, s9, $0xb8;
	[tilespmem:$0x1E180] =	vst v63  }
0x8d: {  	s1 =	sadd.s32 $0x40, s1;
	_ =	swait.ge @!p1 [sflag:s4], $0x4000  }
0x8e: {  	[sflag:s4] =	ssyncset.done @!p1 $0x0  }
0x8f: {  	[sflag:s4] =	ssyncadd.s32 @!p1 $0xFFFFC000  }
0x90: {  	[bflag:$0x0] =	sbarrier.arrive $0xFFFF  }
0x91: {  	[tilespmem:s24], [sflag:$0x4] =	stream.linear.gather [spmem:s5], $0x2800, $0x38;
	[tilespmem:$0x1E180] =	vst v63  }
0x92: {  	_ =	swait.ge [sflag:s29], $0x2800  }
0x93: {  	[sflag:s29] =	ssyncset.done $0x0  }
0x94: {  	s1 =	rddreg [dreg:$0x5];
	[sflag:s29] =	ssyncadd.s32 $0xFFFFD800  }
0x95: {  	[hbm4b:s1+s3] =	stream.linear.scatter [tilespmem:s24], [sflag:$0x3], $0x2800, $0x38;
	[tilespmem:$0x1E180] =	vst v63  }
0x96: {  	_ =	swait.ge [sflag:s25], $0x2800  }
0x97: {  	[sflag:s25] =	ssyncset.done $0x0  }
0x98: {  	[sflag:s25] =	ssyncadd.s32 $0xFFFFD800  }
0x99: {  	[tilespmem:s24], [sflag:$0x4] =	stream.linear.gather [spmem:s6], $0x2800, $0x38;
	[tilespmem:$0x1E180] =	vst v63  }
0x9a: {  	_ =	swait.ge [sflag:s29], $0x2800  }
0x9b: {  	[sflag:s29] =	ssyncset.done $0x0  }
0x9c: {  	s11 =	rddreg [dreg:$0x6];
	[sflag:s29] =	ssyncadd.s32 $0xFFFFD800  }
0x9d: {  	[hbm4b:s11+s3] =	stream.linear.scatter [tilespmem:s24], [sflag:$0x3], $0x2800, $0x38;
	[tilespmem:$0x1E180] =	vst v63  }
0x9e: {  	_ =	swait.ge [sflag:s25], $0x2800  }
0x9f: {  	[sflag:s25] =	ssyncset.done $0x0  }
0xa0: {  	[sflag:s25] =	ssyncadd.s32 $0xFFFFD800  }
0xa1: {  	[tilespmem:s24], [sflag:$0x4] =	stream.linear.gather [spmem:s7], $0x2800, $0x38;
	[tilespmem:$0x1E180] =	vst v63  }
0xa2: {  	_ =	swait.ge [sflag:s29], $0x2800  }
0xa3: {  	[sflag:s29] =	ssyncset.done $0x0  }
0xa4: {  	s12 =	rddreg [dreg:$0x7];
	[sflag:s29] =	ssyncadd.s32 $0xFFFFD800  }
0xa5: {  	[hbm4b:s12+s3] =	stream.linear.scatter [tilespmem:s24], [sflag:$0x3], $0x2800, $0x38;
	[tilespmem:$0x1E180] =	vst v63  }
0xa6: {  	_ =	swait.ge [sflag:s25], $0x2800  }
0xa7: {  	[sflag:s25] =	ssyncset.done $0x0  }
0xa8: {  	[sflag:s25] =	ssyncadd.s32 $0xFFFFD800  }
0xa9: {  	[tilespmem:s24], [sflag:$0x4] =	stream.linear.gather [spmem:s8], $0x2800, $0x38;
	[tilespmem:$0x1E180] =	vst v63  }
0xaa: {  	_ =	swait.ge [sflag:s29], $0x2800  }
0xab: {  	[sflag:s29] =	ssyncset.done $0x0  }
0xac: {  	s22 =	rddreg [dreg:$0x8];
	[sflag:s29] =	ssyncadd.s32 $0xFFFFD800  }
0xad: {  	[hbm4b:s22+s3] =	stream.linear.scatter [tilespmem:s24], [sflag:$0x3], $0x2800, $0x38;
	[tilespmem:$0x1E180] =	vst v63  }
0xae: {  	_ =	swait.ge [sflag:s25], $0x2800  }
0xaf: {  	[sflag:s25] =	ssyncset.done $0x0  }
0xb0: {  	[sflag:s25] =	ssyncadd.s32 $0xFFFFD800  }
0xb1: {  	[tilespmem:s24], [sflag:$0x4] =	stream.linear.gather [spmem:s17], $0x2800, $0x38;
	[tilespmem:$0x1E180] =	vst v63  }
0xb2: {  	_ =	swait.ge [sflag:s29], $0x2800  }
0xb3: {  	[sflag:s29] =	ssyncset.done $0x0  }
0xb4: {  	[sflag:s29] =	ssyncadd.s32 $0xFFFFD800  }
0xb5: {  	[hbm4b:s13+s3] =	stream.linear.scatter [tilespmem:s24], [sflag:$0x3], $0x2800, $0x38;
	[tilespmem:$0x1E180] =	vst v63  }
0xb6: {  	_ =	swait.ge [sflag:s25], $0x2800  }
0xb7: {  	[sflag:s25] =	ssyncset.done $0x0  }
0xb8: {  	[sflag:s25] =	ssyncadd.s32 $0xFFFFD800  }
0xb9: {  	[tilespmem:s24], [sflag:$0x4] =	stream.linear.gather [spmem:s18], $0x2800, $0x38;
	[tilespmem:$0x1E180] =	vst v63  }
0xba: {  	_ =	swait.ge [sflag:s29], $0x2800  }
0xbb: {  	[sflag:s29] =	ssyncset.done $0x0  }
0xbc: {  	[sflag:s29] =	ssyncadd.s32 $0xFFFFD800  }
0xbd: {  	[hbm4b:s14+s3] =	stream.linear.scatter [tilespmem:s24], [sflag:$0x3], $0x2800, $0x38;
	[tilespmem:$0x1E180] =	vst v63  }
0xbe: {  	_ =	swait.ge [sflag:s25], $0x2800  }
0xbf: {  	[sflag:s25] =	ssyncset.done $0x0  }
0xc0: {  	[sflag:s25] =	ssyncadd.s32 $0xFFFFD800  }
0xc1: {  	[tilespmem:s24], [sflag:$0x4] =	stream.linear.gather [spmem:s19], $0x2800, $0x38;
	[tilespmem:$0x1E180] =	vst v63  }
0xc2: {  	_ =	swait.ge [sflag:s29], $0x2800  }
0xc3: {  	[sflag:s29] =	ssyncset.done $0x0  }
0xc4: {  	[sflag:s29] =	ssyncadd.s32 $0xFFFFD800  }
0xc5: {  	[hbm4b:s15+s3] =	stream.linear.scatter [tilespmem:s24], [sflag:$0x3], $0x2800, $0x38;
	[tilespmem:$0x1E180] =	vst v63  }
0xc6: {  	_ =	swait.ge [sflag:s25], $0x2800  }
0xc7: {  	[sflag:s25] =	ssyncset.done $0x0  }
0xc8: {  	s4 =	simm.s32 @!p0 $0x4;
	s1 =	simm.s32 @!p0 $0x8100;
	[sflag:s25] =	ssyncadd.s32 $0xFFFFD800  }
0xc9: {  	[tilespmem:s1], [sflag:$0x4] =	stream.linear.gather @!p0 [spmem:s20], $0x2800, $0x38;
	[tilespmem:$0x1E180] =	vst v63  }
0xca: {  	_ =	swait.ge @!p0 [sflag:s4], $0x2800  }
0xcb: {  	[sflag:s4] =	ssyncset.done @!p0 $0x0  }
0xcc: {  	[sflag:s4] =	ssyncadd.s32 @!p0 $0xFFFFD800;
	s4 =	simm.s32 @!p0 $0x0  }
0xcd: {  	[hbm4b:s16+s4] =	stream.linear.scatter @!p0 [tilespmem:s1], [sflag:$0x3], $0x2800, $0x38;
	[tilespmem:$0x1E180] =	vst v63  }
0xce: {  	s1 =	simm.s32 @!p0 $0x3  }
0xcf: {  	_ =	swait.ge @!p0 [sflag:s1], $0x2800  }
0xd0: {  	s30 =	sadd.s32 $0x1, s30;
	s31 =	rddreg [dreg:$0x4]  }
0xd1: {  	p1 =	sne.s32 s30, s31  }
.Ltmp2:
0xd2: {  	_ = 	snop;
	(pc) =	sbr.rel @p1 .LBB2_1-.Ltmp2, $3  }
0xd3: {  	_ =	sdelay $0x1  }
0xd4: {  	[sflag:s1] =	ssyncset.done @!p0 $0x0  }
0xd5: {  	[sflag:s1] =	ssyncadd.s32 @!p0 $0xFFFFD800  }
0xd6: {  	_ =	sfence.sel $0x180000  }
0xd7: {  	[bflag:$0x0] =	sbarrier.arrive $0xFFFF  }
0xd8: {  	_ =	strace $0x9000004D  }
0xd9: {  	s0 =	stileid.u32;
	[bflag:$0x2] =	sbarrier.arrive $0xFFFF  }
0xda: {  	p0 =	sne.s32 s0, $0x0;
	s0 =	rddreg [dreg:$0x3]  }
0xdb: {  	s0 =	sadd.s32 @!p0 $0x100000, s0  }
0xdc: {  	[sflag:s0] =	ssyncadd.tile.s32 @!p0 $0x1;
	_ =	shalt  }
.Lfunc_end2:
_tile_overlayer_lowered:
.L_overlay_start_2:
0xdd: {  	(tag) =	ssettag $0x2  }
0xde: {  	s0 =	rddreg [dreg:$0x0];
	s2 =	stileid.u32  }
0xdf: {  	s1 =	rddreg [dreg:$0x1];
	p0 =	sne.s32 s2, $0x0  }
0xe0: {  	s3 =	rddreg [dreg:$0x2];
	[bflag:$0x3] =	sbarrier.arrive $0xFFFF;
	s2 =	simm.s32 @!p0 $0x1C03  }
0xe1: {  	[timem:s3], [sflag:s2] =	dma.local @!p0 [hbm:s0], s1  }
0xe2: {  	s0 =	simm.s32 @!p0 $0x3  }
0xe3: {  	_ =	swait.ge @!p0 [sflag:s0], s1  }
0xe4: {  	s1 =	ssub.s32 @!p0 $0x0, s1;
	[sflag:s0] =	ssyncset.done @!p0 $0x0  }
0xe5: {  	[sflag:s0] =	ssyncadd.s32 @!p0 s1  }
0xe6: {  	[bflag:$0x3] =	sbarrier.arrive $0xFFFF  }
0xe7: {  	_ =	shalt  }

// kernel: kernel.26.cloned.1.call-start
scs
__scs_entry_jumppad:
0x0: {  	(pc) =	sbr.rel $0x88, $3  }
0x1: {  	(tag) =	ssettag $0x0;
	lr =	simm.s32 $0x1  }
0x2: {  	[smem:$0x3F63] =	sst lr;
	_ =	strace $0xD0000000  }
0x3: {  	_ = 	snop  }
0x4: {  	_ = 	snop  }
0x5: {  	_ = 	snop  }
0x6: {  	_ = 	snop  }
0x7: {  	_ = 	snop  }
__scs_overlays_trampoline_lowered:
0x8: {  	[smem:$0x3F72] =	sst s0  }
0x9: {  	[smem:$0x3F73] =	sst s1  }
0xa: {  	[smem:$0x3F74] =	sst s2  }
0xb: {  	[smem:$0x3F75] =	sst s3  }
0xc: {  	[smem:$0x3F76] =	sst s4  }
0xd: {  	[smem:$0x3F77] =	sst s5  }
0xe: {  	[smem:$0x3F78] =	sst s6  }
0xf: {  	[smem:$0x3F79] =	sst s7  }
0x10: {  	[smem:$0x3F7A] =	sst s8  }
0x11: {  	[smem:$0x3F7B] =	sst s9;
	s0 =	simm.s32 @!p0 $0x0  }
0x12: {  	s1 =	sld [smem:$0x3F61];
	s0 =	simm.s32 @p0 $0x1  }
0x13: {  	[smem:$0x3F7C] =	sst s0;
	s0 =	simm.s32 @!p1 $0x0  }
0x14: {  	s2 =	sld [smem:$0x3F60];
	s0 =	simm.s32 @p1 $0x1  }
0x15: {  	[smem:$0x3F7D] =	sst s0;
	s0 =	simm.s32 @!p2 $0x0  }
0x16: {  	s3 =	sld [smem:$0x3FDB];
	s0 =	simm.s32 @p2 $0x1  }
0x17: {  	s4 =	simm.s32 $0x1BF5;
	[smem:$0x3F7F] =	sst s0  }
0x18: {  	s0 =	sld [smem:$0x3F62];
	_ =	swait.ge [sflag:s4], $0x0  }
0x19: {  	s7 =	sld [smem:$0x3F63]  }
0x1a: {  	s8 =	sadd.s32 $0xFFFFE003, lr  }
0x1b: {  	s9 =	sadd.s32 $0xFFFFFEF7, lr;
	s5 =	simm.s32 $0xFFFFFFFF;
	p2 =	slt.u32 s8, $0xFFFFF086  }
0x1c: {  	p1 =	slt.u32 s9, $0xF7A;
	s5 =	simm.s32 @!p2 $0x0  }
0x1d: {  	s5 =	simm.s32 @p1 $0x1;
	p0 =	seq.s32 s7, s2  }
0x1e: {  	s7 =	smul.u32 @!p0 $0xF7A, s2;
	p2 =	seq.s32 @!p0 s5, $0x0  }
0x1f: {  	s9 =	smul.u32 $0xF7A, s1;
	s8 =	simm.s32 @!p0 $0x1BF5;
	p2 =	por !p2, p0  }
0x20: {  	[sflag:s8] =	ssyncset.s32 @!p0 $0xFFFFF086;
	s6 =	sadd.s32 @!p0 s3, s7;
	s7 =	simm.s32 @!p0 $0x108  }
0x21: {  	s3 =	sadd.s32 s3, s9;
	s6 =	sadd.s32 @!p0 $0x88, s6;
	s7 =	simm.s32 @p2 $0x1082  }
0x22: {  	[simem:s7], [sflag:s8] =	dma.local @!p0 [hbm:s6], $0xF7A  }
0x23: {  	s9 =	sor.u32 $0xD0000000, s2;
	s6 =	simm.s32 $0x108;
	_ =	swait.ge @!p0 [sflag:s8], $0x0  }
0x24: {  	s3 =	sadd.s32 $0x88, s3;
	s6 =	simm.s32 @!p1 $0x1082;
	[sflag:s4] =	ssyncset.s32 $0xFFFFF086  }
0x25: {  	[simem:s6], [sflag:s4] =	dma.local [hbm:s3], $0xF7A  }
0x26: {  	[smem:$0x3F63] =	sst s1;
	(tag) =	ssettag s2;
	_ =	strace s9  }
0x27: {  	s1 =	sld [smem:$0x3F73]  }
0x28: {  	s2 =	sld [smem:$0x3F74]  }
0x29: {  	s4 =	sld [smem:$0x3F76]  }
0x2a: {  	p0 =	seq.s32 s5, $0x0;
	s5 =	sld [smem:$0x3F77]  }
0x2b: {  	s6 =	sld [smem:$0x3F78]  }
0x2c: {  	s7 =	sld [smem:$0x3F79]  }
0x2d: {  	s3 =	simm.s32 $0x108;
	s8 =	sld [smem:$0x3F7A]  }
0x2e: {  	s3 =	simm.s32 @!p0 $0x1082;
	s9 =	sld [smem:$0x3F7B]  }
0x2f: {  	lr =	sadd.s32 s0, s3;
	s0 =	sld [smem:$0x3F72]  }
0x30: {  	s3 =	sld [smem:$0x3F75]  }
0x31: {  	[smem:$0x3F7E] =	sst s10  }
0x32: {  	s10 =	sld [smem:$0x3F7C];
	_ =	sdelay $0x3  }
0x33: {  	p0 =	seq.s32 s10, $0x1;
	s10 =	sld [smem:$0x3F7E];
	_ =	sdelay $0x3  }
0x34: {  	[smem:$0x3F7E] =	sst s10  }
0x35: {  	s10 =	sld [smem:$0x3F7D];
	_ =	sdelay $0x3  }
0x36: {  	p1 =	seq.s32 s10, $0x1;
	s10 =	sld [smem:$0x3F7E];
	_ =	sdelay $0x3  }
0x37: {  	[smem:$0x3F7E] =	sst s10  }
0x38: {  	s10 =	sld [smem:$0x3F7F]  }
0x39: {  	_ = 	snop;
	(pc) =	sbr.ind lr, $3  }
0x3a: {  	_ = 	snop  }
0x3b: {  	_ = 	snop  }
0x3c: {  	p2 =	seq.s32 s10, $0x1;
	s10 =	sld [smem:$0x3F7E]  }
0x3d: {  	_ =	shalt  }
0x3e: {  	_ =	shalt  }
0x3f: {  	_ =	shalt  }
0x40: {  	_ =	shalt  }
0x41: {  	_ =	shalt  }
0x42: {  	_ =	shalt  }
0x43: {  	_ =	shalt  }
0x44: {  	_ =	shalt  }
0x45: {  	_ =	shalt  }
0x46: {  	_ =	shalt  }
0x47: {  	_ =	shalt  }
0x48: {  	_ =	shalt  }
0x49: {  	_ =	shalt  }
0x4a: {  	_ =	shalt  }
0x4b: {  	_ =	shalt  }
0x4c: {  	_ =	shalt  }
0x4d: {  	_ =	shalt  }
0x4e: {  	_ =	shalt  }
0x4f: {  	_ =	shalt  }
0x50: {  	_ =	shalt  }
0x51: {  	_ =	shalt  }
0x52: {  	_ =	shalt  }
0x53: {  	_ =	shalt  }
0x54: {  	_ =	shalt  }
0x55: {  	_ =	shalt  }
0x56: {  	_ =	shalt  }
0x57: {  	_ =	shalt  }
0x58: {  	_ =	shalt  }
0x59: {  	_ =	shalt  }
0x5a: {  	_ =	shalt  }
0x5b: {  	_ =	shalt  }
0x5c: {  	_ =	shalt  }
0x5d: {  	_ =	shalt  }
0x5e: {  	_ =	shalt  }
0x5f: {  	_ =	shalt  }
0x60: {  	_ =	shalt  }
0x61: {  	_ =	shalt  }
0x62: {  	_ =	shalt  }
0x63: {  	_ =	shalt  }
0x64: {  	_ =	shalt  }
0x65: {  	_ =	shalt  }
0x66: {  	_ =	shalt  }
0x67: {  	_ =	shalt  }
0x68: {  	_ =	shalt  }
0x69: {  	_ =	shalt  }
0x6a: {  	_ =	shalt  }
0x6b: {  	_ =	shalt  }
0x6c: {  	_ =	shalt  }
0x6d: {  	_ =	shalt  }
0x6e: {  	_ =	shalt  }
0x6f: {  	_ =	shalt  }
0x70: {  	_ =	shalt  }
0x71: {  	_ =	shalt  }
0x72: {  	_ =	shalt  }
0x73: {  	_ =	shalt  }
0x74: {  	_ =	shalt  }
0x75: {  	_ =	shalt  }
0x76: {  	_ =	shalt  }
0x77: {  	_ =	shalt  }
0x78: {  	_ =	shalt  }
0x79: {  	_ =	shalt  }
0x7a: {  	_ =	shalt  }
0x7b: {  	_ =	shalt  }
0x7c: {  	_ =	shalt  }
0x7d: {  	_ =	shalt  }
0x7e: {  	_ =	shalt  }
0x7f: {  	_ =	shalt  }
0x80: {  	_ =	shalt  }
0x81: {  	_ =	shalt  }
0x82: {  	_ =	shalt  }
0x83: {  	_ =	shalt  }
0x84: {  	_ =	shalt  }
0x85: {  	_ =	shalt  }
0x86: {  	_ =	shalt  }
0x87: {  	_ =	shalt  }
.Lfunc_end0:
.L_simem_size_0:
called_computation.3_lowered:
.L_overlay_start_0:
0x88: {  	s2 =	sld [smem:$0x3FD9]  }
0x89: {  	s3 =	sld [smem:$0x3FFE];
	_ =	sdelay $0x1  }
0x8a: {  	s1 =	srdreg.scid  }
0x8b: {  	s0 =	sand.u32 $0x1, s1  }
0x8c: {  	s14 =	sshll.u32 s0, $0xA;
	s2 =	sadd.s32 s3, s2  }
0x8d: {  	s2 =	sadd.s32 s2, s14  }
0x8e: {  	[smem:$0x3F8A] =	sst s2  }
0x8f: {  	_ = 	snop  }
0x90: {  	s2 =	sld [smem:$0x3FD0];
	_ =	sdelay $0x2  }
0x91: {  	s15 =	simm.s32 $0xB;
	s4 =	simm.s32 $0x10  }
0x92: {  	[smem:s4], [sflag:s15] =	dma.local [hbm:s2], $0x1  }
0x93: {  	_ =	swait.eq [sflag:s15], $0x1  }
0x94: {  	[sflag:s15] =	ssyncset.done $0x0  }
0x95: {  	[sflag:s15] =	ssyncadd.s32 $0xFFFFFFFF  }
0x96: {  	s16 =	sld [smem:$0x11];
	(tm) =	ssettm $0x1  }
0x97: {  	s17 =	sld [smem:$0x3FFB];
	_ =	sdelay $0x3  }
0x98: {  	_ =	strace s17  }
0x99: {  	s3 =	sld [smem:$0x3FFC];
	_ =	sdelay $0x3  }
0x9a: {  	_ =	strace s3  }
0x9b: {  	s3 =	sld [smem:$0x3FFD];
	_ =	sdelay $0x3  }
0x9c: {  	_ =	strace s3  }
0x9d: {  	_ =	strace $0x8FFFFFFF  }
0x9e: {  	s18 =	sld [smem:$0x3FDB];
	_ =	sdelay $0x1  }
0x9f: {  	s19 =	simm.s32 $_scs_section_size  }
0xa0: {  	s5 =	simm.s32 $_size__tile_overlayer_lowered;
	s6 =	simm.s32 $_tile_overlayer_lowered  }
0xa1: {  	s22 =	simm.s32 $0x1BFF;
	s21 =	sshll.u32 s6, $0x1;
	s3 =	sadd.s32 s19, s18  }
0xa2: {  	s7 =	simm.s32 $0x0;
	s20 =	sshll.u32 s5, $0x1;
	s5 =	sadd.s32 s21, s3  }
0xa3: {  	[timem:s7], [sflag:s22] =	dma.local [hbm:s5], s20  }
0xa4: {  	_ =	swait.ge [sflag:s22], s20  }
0xa5: {  	s4 =	ssub.s32 $0x0, s20;
	[sflag:s22] =	ssyncset.done $0x0  }
0xa6: {  	[sflag:s22] =	ssyncadd.s32 s4;
	_ =	sdelay $0x1  }
0xa7: {  	s23 =	simm.s32 $0x1B8B  }
0xa8: {  	_ =	swait.ge [sflag:s23], $0x1  }
0xa9: {  	[sflag:s23] =	ssyncset.done $0x0  }
0xaa: {  	s25 =	simm.s32 $0x1B8E;
	s24 =	sld [smem:$0x3FFE];
	[sflag:s23] =	ssyncadd.s32 $0xFFFFFFFF  }
0xab: {  	s26 =	simm.s32 $execute0_lowered;
	[smem:$0x3FD2] =	sst s25  }
0xac: {  	s5 =	sshll.u32 s26, $0x1;
	_ =	strace $0x8000004F;
	[dreg:$0x1] =	wrdreg $0xFFFFFFFF  }
0xad: {  	s28 =	simm.s32 $_size_execute0_lowered;
	s3 =	sadd.s32 s3, s5;
	[dreg:$0x0] =	wrdreg $0x0  }
0xae: {  	s5 =	sshll.u32 s28, $0x1;
	[dreg:$0x2] =	wrdreg s3  }
0xaf: {  	[dreg:$0x3] =	wrdreg s5  }
0xb0: {  	[dreg:$0x4] =	wrdreg $0xC0  }
0xb1: {  	_ =	task [dreg:s7], $0x5FFFF  }
0xb2: {  	[dreg:$0x1] =	wrdreg $0xFFFFFFFF  }
0xb3: {  	[dreg:$0x0] =	wrdreg $0x60  }
0xb4: {  	[dreg:$0x2] =	wrdreg s16  }
0xb5: {  	[dreg:$0x3] =	wrdreg s24  }
0xb6: {  	[dreg:$0x4] =	wrdreg $0x9  }
0xb7: {  	_ =	task.clear_ibuf [dreg:s7], $0x5FFFF;
	_ =	strace $0x9000004F  }
0xb8: {  	s29 =	simm.s32 $0x9;
	_ =	strace $0x80000051  }
0xb9: {  	_ =	swait.ge [sflag:s29], $0x1  }
0xba: {  	[sflag:s29] =	ssyncadd.s32 $0xFFFFFFFF  }
0xbb: {  	_ =	strace $0x90000051  }
0xbc: {  	_ =	sfence  }
0xbd: {  	s30 =	sld [smem:$0x0];
	_ =	sdelay $0x2  }
0xbe: {  	s31 =	sshll.u32 s1, $0xD;
	s1 =	sshrl.u32 s1, $0x2  }
0xbf: {  	s3 =	sand.u32 $0x4000, s31;
	s1 =	sadd.s32 s1, s30  }
0xc0: {  	s0 =	sor.u32 s3, s0;
	s1 =	sshll.u32 s1, $0x11  }
0xc1: {  	s0 =	sor.u32 s1, s0  }
0xc2: {  	s0 =	sadd.s32 $0x8F2B, s0  }
0xc3: {  	[sflag:s0] =	ssyncadd.remote.s32 $0x1  }
0xc4: {  	_ =	sfence.sel $0xFFFF  }
0xc5: {  	[dreg:$0x0] =	wrdreg $0xFFFFFFFF;
	(pc) =	sbr.abs _section_cstart, $3  }
0xc6: {  	[dreg:$0x1] =	wrdreg $0xFFFFFFFF  }
0xc7: {  	_ =	task.clear_ibuf [dreg:s7], $0x2FFFF;
	_ =	strace $0x9FFFFFFF  }
0xc8: {  	(tm) =	ssettm $0x7FFFFFFF  }
0xc9: {  	_ =	shalt  }
tec
execute0_lowered:
.L_overlay_start_1:
0x0: {  	(tag) =	ssettag $0x1  }
0x1: {  	s1 =	rddreg [dreg:$0x0]  }
0x2: {  	s0 =	rddreg [dreg:$0x1];
	s2 =	simm.s32 $0x0;
	s12 =	stileid.u32  }
0x3: {  	s3 =	srdreg.scid;
	s16 =	simm.s32 $0x18100;
	s17 =	simm.s32 $0x1  }
0x4: {  	s18 =	simm.s32 $0x80;
	s31 =	simm.s32 $0x2;
	s13 =	simm.s32 $0x14D00  }
0x5: {  	s14 =	simm.s32 $0x15100;
	s15 =	simm.s32 $0x15900;
	s19 =	simm.s32 $0x15D00  }
0x6: {  	s20 =	simm.s32 $0x16500;
	s21 =	simm.s32 $0x16900;
	[smem:$0x7FF] =	sst s2  }
0x7: {  	s4 =	sadd.s32 $0xB7E00, s0;
	s5 =	sadd.s32 $0x16800, s0;
	s6 =	sshll.u32 s12, $0x5  }
0x8: {  	s7 =	smul.u32 $0x3000, s12;
	s3 =	sand.u32 $0x1, s3;
	s8 =	sshll.u32 s12, $0xC  }
0x9: {  	s23 =	sshll.u32 s12, $0x1;
	_ =	strace $0x80000050;
	s6 =	sadd.s32 s6, s0  }
0xa: {  	s9 =	ssub.s32 $0x2, s3;
	s11 =	sadd.s32 s8, s0;
	[dreg:$0x3] =	wrdreg s23  }
0xb: {  	s24 =	smul.u32 $0x1800, s3;
	s8 =	sadd.s32 $0xB7F00, s0;
	s25 =	sshll.u32 s3, $0xB  }
0xc: {  	s3 =	sshll.u32 s3, $0x4;
	s23 =	simm.s32 $0x17500;
	s10 =	sadd.s32 s7, s0  }
0xd: {  	s22 =	sshrl.u32 s9, $0x1;
	s7 =	sadd.s32 $0x100, s1;
	s0 =	sadd.s32 s25, s11  }
0xe: {  	s28 =	sadd.s32 s3, s6;
	s25 =	simm.s32 $0x3;
	s6 =	simm.s32 $0x0  }
0xf: {  	s9 =	ssub.s32 s9, s22;
	s26 =	sadd.s32 s24, s10;
	s0 =	sadd.s32 $0xFD3200, s0  }
.Ltmp0:
0x10: {  	s30 =	sadd.s32 $0xC800, s28;
	s22 =	simm.s32 $0x17100;
	(pc) =	sbr.rel .LBB2_1-.Ltmp0, $4  }
0x11: {  	s24 =	simm.s32 $0x17D00;
	[dreg:$0x4] =	wrdreg s0;
	s10 =	sadd.s32 $0x880200, s26  }
0x12: {  	v2 =	vlaneseq.u32;
	s29 =	smax.u32 s9, $0x1;
	s12 =	sadd.s32 $0x12D200, s26;
	[dreg:$0x6] =	wrdreg s30  }
0x13: {  	vm0 =	vmmov $0xffff;
	vm1 =	vmmov $0xff;
	v1 =	vshrl.u32 v2, $0x3;
	s0 =	sadd.s32 $0x11800, s28;
	s9 =	simm.s32 $0x14500;
	[dreg:$0x5] =	wrdreg s29  }
0x14: {  	v0 =	vand.u32 $0x7, v2;
	v2 =	vor.u32 $0x8, v2;
	v1 =	vmul.u32 $0x8, v1;
	s26 =	simm.s32 $0x18180;
	[dreg:$0x7] =	wrdreg s0;
	s0 =	simm.s32 $0xC100  }
.LBB2_5:
0x15: {  	s6 =	rddreg [dreg:$0x8]  }
0x16: {  	s3 =	rddreg [dreg:$0x5];
	s6 =	sadd.s32 $0x1, s6  }
0x17: {  	p0 =	sne.s32 s6, s3  }
.Ltmp1:
0x18: {  	_ = 	snop;
	(pc) =	sbr.rel @!p0 .LBB2_6-.Ltmp1, $1  }
0x19: {  	_ =	sdelay $0x3  }
.LBB2_1:
.Ltmp2:
0x1a: {  	[dreg:$0x8] =	wrdreg s6;
	(pc) =	sbr.rel .LBB2_2-.Ltmp2, $4  }
0x1b: {  	s28 =	rddreg [dreg:$0x3]  }
0x1c: {  	s29 =	rddreg [dreg:$0x7]  }
0x1d: {  	s30 =	rddreg [dreg:$0x6]  }
0x1e: {  	s3 =	rddreg [dreg:$0x4];
	s6 =	simm.s32 $0x0  }
.LBB2_4:
0x1f: {  	s6 =	sadd.s32 $0x30000, s6  }
0x20: {  	p0 =	sne.s32 s6, $0x780000  }
.Ltmp3:
0x21: {  	_ = 	snop;
	(pc) =	sbr.rel @!p0 .LBB2_5-.Ltmp3, $3  }
0x22: {  	_ =	sdelay $0x1  }
0x23: {  	s3 =	sadd.s32 $0x10000, s3  }
0x24: {  	s30 =	sadd.s32 $0x200, s30;
	s29 =	sadd.s32 $0x200, s29;
	s28 =	sadd.s32 $0x20, s28  }
.LBB2_2:
0x25: {  	p0 =	sgt.u32 s28, $0x4E1  }
.Ltmp4:
0x26: {  	_ = 	snop;
	(pc) =	sbr.rel @p0 .LBB2_4-.Ltmp4, $1  }
0x27: {  	_ =	sdelay $0x3  }
0x28: {  	[tilespmem:s2], [sflag:$0x1] =	stream.linear.gather [hbm4b:s29+s2], $0x80, $0x38;
	[tilespmem:$0x1C180] =	vst v63  }
0x29: {  	s11 =	simm.s32 $0xC080  }
0x2a: {  	[tilespmem:s11], [sflag:$0x2] =	stream.linear.gather [hbm4b:s30+s2], $0x80, $0x38;
	[tilespmem:$0x1C180] =	vst v63  }
0x2b: {  	_ = 	snop  }
0x2c: {  	[tilespmem:s16], [sflag:$0x3] =	stream.linear.gather [hbm4b:s30+s2], $0x80, $0x38;
	[tilespmem:$0x1C180] =	vst v63  }
0x2d: {  	_ =	swait.ge [sflag:s17], $0x80  }
0x2e: {  	[sflag:s17] =	ssyncset.done $0x0  }
0x2f: {  	[sflag:s17] =	ssyncadd.s32 $0xFFFFFF80  }
0x30: {  	v3 =	vld [tilespmem:$0x0];
	_ =	sdelay $0x4  }
0x31: {  	v4 =	vshrl.u32 v3, $0x3  }
0x32: {  	v4 =	vmul.u32 $0x18, v4  }
0x33: {  	v3 =	vand.u32 $0x7, v3  }
0x34: {  	v3 =	vor.u32 v3, v4  }
0x35: {  	v4 =	vperm.xlane v3, v0;
	_ =	sdelay $0x1  }
0x36: {  	v4 =	vadd.s32 v1, v4;
	_ =	sdelay $0x1  }
0x37: {  	v3 =	vperm.xlane v3, v2;
	_ =	sdelay $0x1  }
0x38: {  	v3 =	vadd.s32 v1, v3  }
0x39: {  	[tilespmem:s18], [sflag:$0x1] =	stream.indirect_vreg.gather [hbm4b:s1+s2], $0x80, v4, vm0, $0xb8;
	[tilespmem:$0x1C180] =	vst v63  }
0x3a: {  	s11 =	simm.s32 $0x880  }
0x3b: {  	[tilespmem:s11], [sflag:$0x1] =	stream.indirect_vreg.gather [hbm4b:s7+s2], $0x80, v4, vm1, $0xb8;
	[tilespmem:$0x1C180] =	vst v63  }
0x3c: {  	s11 =	simm.s32 $0xC80  }
0x3d: {  	[tilespmem:s11], [sflag:$0x1] =	stream.indirect_vreg.gather [hbm4b:s1+s2], $0x80, v3, vm0, $0xb8;
	[tilespmem:$0x1C180] =	vst v63  }
0x3e: {  	s11 =	simm.s32 $0x1480  }
0x3f: {  	[tilespmem:s11], [sflag:$0x1] =	stream.indirect_vreg.gather [hbm4b:s7+s2], $0x80, v3, vm1, $0xb8;
	[tilespmem:$0x1C180] =	vst v63  }
0x40: {  	v3 =	vld [tilespmem:$0x10];
	_ =	sdelay $0x4  }
0x41: {  	v49 =	vshrl.u32 v3, $0x3  }
0x42: {  	v4 =	vmul.u32 $0x18, v49  }
0x43: {  	v3 =	vand.u32 $0x7, v3  }
0x44: {  	v3 =	vor.u32 v3, v4  }
0x45: {  	v4 =	vperm.xlane v3, v0;
	_ =	sdelay $0x1  }
0x46: {  	v4 =	vadd.s32 v1, v4;
	_ =	sdelay $0x1  }
0x47: {  	v3 =	vperm.xlane v3, v2;
	_ =	sdelay $0x1  }
0x48: {  	s11 =	simm.s32 $0x1880;
	v3 =	vadd.s32 v1, v3  }
0x49: {  	[tilespmem:s11], [sflag:$0x1] =	stream.indirect_vreg.gather [hbm4b:s1+s2], $0x80, v4, vm0, $0xb8;
	[tilespmem:$0x1C180] =	vst v63  }
0x4a: {  	s11 =	simm.s32 $0x2080  }
0x4b: {  	[tilespmem:s11], [sflag:$0x1] =	stream.indirect_vreg.gather [hbm4b:s7+s2], $0x80, v4, vm1, $0xb8;
	[tilespmem:$0x1C180] =	vst v63  }
0x4c: {  	s11 =	simm.s32 $0x2480  }
0x4d: {  	[tilespmem:s11], [sflag:$0x1] =	stream.indirect_vreg.gather [hbm4b:s1+s2], $0x80, v3, vm0, $0xb8;
	[tilespmem:$0x1C180] =	vst v63  }
0x4e: {  	s11 =	simm.s32 $0x2C80  }
0x4f: {  	[tilespmem:s11], [sflag:$0x1] =	stream.indirect_vreg.gather [hbm4b:s7+s2], $0x80, v3, vm1, $0xb8;
	[tilespmem:$0x1C180] =	vst v63  }
0x50: {  	v3 =	vld [tilespmem:$0x20];
	_ =	sdelay $0x4  }
0x51: {  	v50 =	vshrl.u32 v3, $0x3  }
0x52: {  	v4 =	vmul.u32 $0x18, v50  }
0x53: {  	v3 =	vand.u32 $0x7, v3  }
0x54: {  	v3 =	vor.u32 v3, v4  }
0x55: {  	v4 =	vperm.xlane v3, v0;
	_ =	sdelay $0x1  }
0x56: {  	v4 =	vadd.s32 v1, v4;
	_ =	sdelay $0x1  }
0x57: {  	v3 =	vperm.xlane v3, v2;
	_ =	sdelay $0x1  }
0x58: {  	s11 =	simm.s32 $0x3080;
	v3 =	vadd.s32 v1, v3  }
0x59: {  	[tilespmem:s11], [sflag:$0x1] =	stream.indirect_vreg.gather [hbm4b:s1+s2], $0x80, v4, vm0, $0xb8;
	[tilespmem:$0x1C180] =	vst v63  }
0x5a: {  	s11 =	simm.s32 $0x3880  }
0x5b: {  	[tilespmem:s11], [sflag:$0x1] =	stream.indirect_vreg.gather [hbm4b:s7+s2], $0x80, v4, vm1, $0xb8;
	[tilespmem:$0x1C180] =	vst v63  }
0x5c: {  	s11 =	simm.s32 $0x3C80  }
0x5d: {  	[tilespmem:s11], [sflag:$0x1] =	stream.indirect_vreg.gather [hbm4b:s1+s2], $0x80, v3, vm0, $0xb8;
	[tilespmem:$0x1C180] =	vst v63  }
0x5e: {  	s11 =	simm.s32 $0x4480  }
0x5f: {  	[tilespmem:s11], [sflag:$0x1] =	stream.indirect_vreg.gather [hbm4b:s7+s2], $0x80, v3, vm1, $0xb8;
	[tilespmem:$0x1C180] =	vst v63  }
0x60: {  	v3 =	vld [tilespmem:$0x30];
	_ =	sdelay $0x4  }
0x61: {  	v51 =	vshrl.u32 v3, $0x3  }
0x62: {  	v4 =	vmul.u32 $0x18, v51  }
0x63: {  	v3 =	vand.u32 $0x7, v3  }
0x64: {  	v3 =	vor.u32 v3, v4  }
0x65: {  	v4 =	vperm.xlane v3, v0;
	_ =	sdelay $0x1  }
0x66: {  	v4 =	vadd.s32 v1, v4;
	_ =	sdelay $0x1  }
0x67: {  	v3 =	vperm.xlane v3, v2;
	_ =	sdelay $0x1  }
0x68: {  	s11 =	simm.s32 $0x4880;
	v3 =	vadd.s32 v1, v3  }
0x69: {  	[tilespmem:s11], [sflag:$0x1] =	stream.indirect_vreg.gather [hbm4b:s1+s2], $0x80, v4, vm0, $0xb8;
	[tilespmem:$0x1C180] =	vst v63  }
0x6a: {  	s11 =	simm.s32 $0x5080  }
0x6b: {  	[tilespmem:s11], [sflag:$0x1] =	stream.indirect_vreg.gather [hbm4b:s7+s2], $0x80, v4, vm1, $0xb8;
	[tilespmem:$0x1C180] =	vst v63  }
0x6c: {  	s11 =	simm.s32 $0x5480  }
0x6d: {  	[tilespmem:s11], [sflag:$0x1] =	stream.indirect_vreg.gather [hbm4b:s1+s2], $0x80, v3, vm0, $0xb8;
	[tilespmem:$0x1C180] =	vst v63  }
0x6e: {  	s11 =	simm.s32 $0x5C80  }
0x6f: {  	[tilespmem:s11], [sflag:$0x1] =	stream.indirect_vreg.gather [hbm4b:s7+s2], $0x80, v3, vm1, $0xb8;
	[tilespmem:$0x1C180] =	vst v63  }
0x70: {  	v3 =	vld [tilespmem:$0x40];
	_ =	sdelay $0x4  }
0x71: {  	v52 =	vshrl.u32 v3, $0x3  }
0x72: {  	v4 =	vmul.u32 $0x18, v52  }
0x73: {  	v3 =	vand.u32 $0x7, v3  }
0x74: {  	v3 =	vor.u32 v3, v4  }
0x75: {  	v4 =	vperm.xlane v3, v0;
	_ =	sdelay $0x1  }
0x76: {  	v4 =	vadd.s32 v1, v4;
	_ =	sdelay $0x1  }
0x77: {  	v3 =	vperm.xlane v3, v2;
	_ =	sdelay $0x1  }
0x78: {  	s11 =	simm.s32 $0x6080;
	v3 =	vadd.s32 v1, v3  }
0x79: {  	[tilespmem:s11], [sflag:$0x1] =	stream.indirect_vreg.gather [hbm4b:s1+s2], $0x80, v4, vm0, $0xb8;
	[tilespmem:$0x1C180] =	vst v63  }
0x7a: {  	s11 =	simm.s32 $0x6880  }
0x7b: {  	[tilespmem:s11], [sflag:$0x1] =	stream.indirect_vreg.gather [hbm4b:s7+s2], $0x80, v4, vm1, $0xb8;
	[tilespmem:$0x1C180] =	vst v63  }
0x7c: {  	s11 =	simm.s32 $0x6C80  }
0x7d: {  	[tilespmem:s11], [sflag:$0x1] =	stream.indirect_vreg.gather [hbm4b:s1+s2], $0x80, v3, vm0, $0xb8;
	[tilespmem:$0x1C180] =	vst v63  }
0x7e: {  	s11 =	simm.s32 $0x7480  }
0x7f: {  	[tilespmem:s11], [sflag:$0x1] =	stream.indirect_vreg.gather [hbm4b:s7+s2], $0x80, v3, vm1, $0xb8;
	[tilespmem:$0x1C180] =	vst v63  }
0x80: {  	v3 =	vld [tilespmem:$0x50];
	_ =	sdelay $0x4  }
0x81: {  	v53 =	vshrl.u32 v3, $0x3  }
0x82: {  	v4 =	vmul.u32 $0x18, v53  }
0x83: {  	v3 =	vand.u32 $0x7, v3  }
0x84: {  	v3 =	vor.u32 v3, v4  }
0x85: {  	v4 =	vperm.xlane v3, v0;
	_ =	sdelay $0x1  }
0x86: {  	v4 =	vadd.s32 v1, v4;
	_ =	sdelay $0x1  }
0x87: {  	v3 =	vperm.xlane v3, v2;
	_ =	sdelay $0x1  }
0x88: {  	s11 =	simm.s32 $0x7880;
	v3 =	vadd.s32 v1, v3  }
0x89: {  	[tilespmem:s11], [sflag:$0x1] =	stream.indirect_vreg.gather [hbm4b:s1+s2], $0x80, v4, vm0, $0xb8;
	[tilespmem:$0x1C180] =	vst v63  }
0x8a: {  	s11 =	simm.s32 $0x8080  }
0x8b: {  	[tilespmem:s11], [sflag:$0x1] =	stream.indirect_vreg.gather [hbm4b:s7+s2], $0x80, v4, vm1, $0xb8;
	[tilespmem:$0x1C180] =	vst v63  }
0x8c: {  	s11 =	simm.s32 $0x8480  }
0x8d: {  	[tilespmem:s11], [sflag:$0x1] =	stream.indirect_vreg.gather [hbm4b:s1+s2], $0x80, v3, vm0, $0xb8;
	[tilespmem:$0x1C180] =	vst v63  }
0x8e: {  	s11 =	simm.s32 $0x8C80  }
0x8f: {  	[tilespmem:s11], [sflag:$0x1] =	stream.indirect_vreg.gather [hbm4b:s7+s2], $0x80, v3, vm1, $0xb8;
	[tilespmem:$0x1C180] =	vst v63  }
0x90: {  	v3 =	vld [tilespmem:$0x60];
	_ =	sdelay $0x4  }
0x91: {  	v54 =	vshrl.u32 v3, $0x3  }
0x92: {  	v4 =	vmul.u32 $0x18, v54  }
0x93: {  	v3 =	vand.u32 $0x7, v3  }
0x94: {  	v3 =	vor.u32 v3, v4  }
0x95: {  	v4 =	vperm.xlane v3, v0;
	_ =	sdelay $0x1  }
0x96: {  	v4 =	vadd.s32 v1, v4;
	_ =	sdelay $0x1  }
0x97: {  	v3 =	vperm.xlane v3, v2;
	_ =	sdelay $0x1  }
0x98: {  	s11 =	simm.s32 $0x9080;
	v3 =	vadd.s32 v1, v3  }
0x99: {  	[tilespmem:s11], [sflag:$0x1] =	stream.indirect_vreg.gather [hbm4b:s1+s2], $0x80, v4, vm0, $0xb8;
	[tilespmem:$0x1C180] =	vst v63  }
0x9a: {  	s11 =	simm.s32 $0x9880  }
0x9b: {  	[tilespmem:s11], [sflag:$0x1] =	stream.indirect_vreg.gather [hbm4b:s7+s2], $0x80, v4, vm1, $0xb8;
	[tilespmem:$0x1C180] =	vst v63  }
0x9c: {  	s11 =	simm.s32 $0x9C80  }
0x9d: {  	[tilespmem:s11], [sflag:$0x1] =	stream.indirect_vreg.gather [hbm4b:s1+s2], $0x80, v3, vm0, $0xb8;
	[tilespmem:$0x1C180] =	vst v63  }
0x9e: {  	s11 =	simm.s32 $0xA480  }
0x9f: {  	[tilespmem:s11], [sflag:$0x1] =	stream.indirect_vreg.gather [hbm4b:s7+s2], $0x80, v3, vm1, $0xb8;
	[tilespmem:$0x1C180] =	vst v63  }
0xa0: {  	v3 =	vld [tilespmem:$0x70];
	_ =	sdelay $0x4  }
0xa1: {  	v55 =	vshrl.u32 v3, $0x3  }
0xa2: {  	v4 =	vmul.u32 $0x18, v55  }
0xa3: {  	v3 =	vand.u32 $0x7, v3  }
0xa4: {  	v3 =	vor.u32 v3, v4  }
0xa5: {  	v4 =	vperm.xlane v3, v0;
	_ =	sdelay $0x1  }
0xa6: {  	v4 =	vadd.s32 v1, v4;
	_ =	sdelay $0x1  }
0xa7: {  	v3 =	vperm.xlane v3, v2;
	_ =	sdelay $0x1  }
0xa8: {  	s11 =	simm.s32 $0xA880;
	v3 =	vadd.s32 v1, v3  }
0xa9: {  	[tilespmem:s11], [sflag:$0x1] =	stream.indirect_vreg.gather [hbm4b:s1+s2], $0x80, v4, vm0, $0xb8;
	[tilespmem:$0x1C180] =	vst v63  }
0xaa: {  	s11 =	simm.s32 $0xB080  }
0xab: {  	[tilespmem:s11], [sflag:$0x1] =	stream.indirect_vreg.gather [hbm4b:s7+s2], $0x80, v4, vm1, $0xb8;
	[tilespmem:$0x1C180] =	vst v63  }
0xac: {  	s11 =	simm.s32 $0xB480  }
0xad: {  	[tilespmem:s11], [sflag:$0x1] =	stream.indirect_vreg.gather [hbm4b:s1+s2], $0x80, v3, vm0, $0xb8;
	[tilespmem:$0x1C180] =	vst v63  }
0xae: {  	s11 =	simm.s32 $0xBC80  }
0xaf: {  	[tilespmem:s11], [sflag:$0x1] =	stream.indirect_vreg.gather [hbm4b:s7+s2], $0x80, v3, vm1, $0xb8;
	[tilespmem:$0x1C180] =	vst v63  }
0xb0: {  	_ =	swait.ge [sflag:s31], $0x80  }
0xb1: {  	[sflag:s31] =	ssyncset.done $0x0  }
0xb2: {  	[sflag:s31] =	ssyncadd.s32 $0xFFFFFF80  }
0xb3: {  	v3 =	vld [tilespmem:$0xC080];
	_ =	sdelay $0x4  }
0xb4: {  	v56 =	vshrl.u32 v3, $0x3  }
0xb5: {  	v4 =	vmul.u32 $0x18, v56  }
0xb6: {  	v3 =	vand.u32 $0x7, v3  }
0xb7: {  	v3 =	vor.u32 v3, v4  }
0xb8: {  	v4 =	vperm.xlane v3, v0;
	_ =	sdelay $0x1  }
0xb9: {  	v4 =	vadd.s32 v1, v4;
	_ =	sdelay $0x1  }
0xba: {  	v3 =	vperm.xlane v3, v2;
	_ =	sdelay $0x1  }
0xbb: {  	v3 =	vadd.s32 v1, v3  }
0xbc: {  	[tilespmem:s0], [sflag:$0x2] =	stream.indirect_vreg.gather [hbm4b:s4+s2], $0x80, v4, vm0, $0xb8;
	[tilespmem:$0x1C180] =	vst v63  }
0xbd: {  	s11 =	simm.s32 $0xC900  }
0xbe: {  	[tilespmem:s11], [sflag:$0x2] =	stream.indirect_vreg.gather [hbm4b:s8+s2], $0x80, v4, vm1, $0xb8;
	[tilespmem:$0x1C180] =	vst v63  }
0xbf: {  	s11 =	simm.s32 $0xCD00  }
0xc0: {  	[tilespmem:s11], [sflag:$0x2] =	stream.indirect_vreg.gather [hbm4b:s4+s2], $0x80, v3, vm0, $0xb8;
	[tilespmem:$0x1C180] =	vst v63  }
0xc1: {  	s11 =	simm.s32 $0xD500  }
0xc2: {  	[tilespmem:s11], [sflag:$0x2] =	stream.indirect_vreg.gather [hbm4b:s8+s2], $0x80, v3, vm1, $0xb8;
	[tilespmem:$0x1C180] =	vst v63  }
0xc3: {  	v3 =	vld [tilespmem:$0xC090];
	_ =	sdelay $0x4  }
0xc4: {  	v57 =	vshrl.u32 v3, $0x3  }
0xc5: {  	v4 =	vmul.u32 $0x18, v57  }
0xc6: {  	v3 =	vand.u32 $0x7, v3  }
0xc7: {  	v3 =	vor.u32 v3, v4  }
0xc8: {  	v4 =	vperm.xlane v3, v0;
	_ =	sdelay $0x1  }
0xc9: {  	v4 =	vadd.s32 v1, v4;
	_ =	sdelay $0x1  }
0xca: {  	v3 =	vperm.xlane v3, v2;
	_ =	sdelay $0x1  }
0xcb: {  	s11 =	simm.s32 $0xD900;
	v3 =	vadd.s32 v1, v3  }
0xcc: {  	[tilespmem:s11], [sflag:$0x2] =	stream.indirect_vreg.gather [hbm4b:s4+s2], $0x80, v4, vm0, $0xb8;
	[tilespmem:$0x1C180] =	vst v63  }
0xcd: {  	s11 =	simm.s32 $0xE100  }
0xce: {  	[tilespmem:s11], [sflag:$0x2] =	stream.indirect_vreg.gather [hbm4b:s8+s2], $0x80, v4, vm1, $0xb8;
	[tilespmem:$0x1C180] =	vst v63  }
0xcf: {  	s11 =	simm.s32 $0xE500  }
0xd0: {  	[tilespmem:s11], [sflag:$0x2] =	stream.indirect_vreg.gather [hbm4b:s4+s2], $0x80, v3, vm0, $0xb8;
	[tilespmem:$0x1C180] =	vst v63  }
0xd1: {  	s11 =	simm.s32 $0xED00  }
0xd2: {  	[tilespmem:s11], [sflag:$0x2] =	stream.indirect_vreg.gather [hbm4b:s8+s2], $0x80, v3, vm1, $0xb8;
	[tilespmem:$0x1C180] =	vst v63  }
0xd3: {  	v3 =	vld [tilespmem:$0xC0A0];
	_ =	sdelay $0x4  }
0xd4: {  	v58 =	vshrl.u32 v3, $0x3  }
0xd5: {  	v4 =	vmul.u32 $0x18, v58  }
0xd6: {  	v3 =	vand.u32 $0x7, v3  }
0xd7: {  	v3 =	vor.u32 v3, v4  }
0xd8: {  	v4 =	vperm.xlane v3, v0;
	_ =	sdelay $0x1  }
0xd9: {  	v4 =	vadd.s32 v1, v4;
	_ =	sdelay $0x1  }
0xda: {  	v3 =	vperm.xlane v3, v2;
	_ =	sdelay $0x1  }
0xdb: {  	s11 =	simm.s32 $0xF100;
	v3 =	vadd.s32 v1, v3  }
0xdc: {  	[tilespmem:s11], [sflag:$0x2] =	stream.indirect_vreg.gather [hbm4b:s4+s2], $0x80, v4, vm0, $0xb8;
	[tilespmem:$0x1C180] =	vst v63  }
0xdd: {  	s11 =	simm.s32 $0xF900  }
0xde: {  	[tilespmem:s11], [sflag:$0x2] =	stream.indirect_vreg.gather [hbm4b:s8+s2], $0x80, v4, vm1, $0xb8;
	[tilespmem:$0x1C180] =	vst v63  }
0xdf: {  	s11 =	simm.s32 $0xFD00  }
0xe0: {  	[tilespmem:s11], [sflag:$0x2] =	stream.indirect_vreg.gather [hbm4b:s4+s2], $0x80, v3, vm0, $0xb8;
	[tilespmem:$0x1C180] =	vst v63  }
0xe1: {  	s11 =	simm.s32 $0x10500  }
0xe2: {  	[tilespmem:s11], [sflag:$0x2] =	stream.indirect_vreg.gather [hbm4b:s8+s2], $0x80, v3, vm1, $0xb8;
	[tilespmem:$0x1C180] =	vst v63  }
0xe3: {  	v3 =	vld [tilespmem:$0xC0B0];
	_ =	sdelay $0x4  }
0xe4: {  	v59 =	vshrl.u32 v3, $0x3  }
0xe5: {  	v4 =	vmul.u32 $0x18, v59  }
0xe6: {  	v3 =	vand.u32 $0x7, v3  }
0xe7: {  	v3 =	vor.u32 v3, v4  }
0xe8: {  	v4 =	vperm.xlane v3, v0;
	_ =	sdelay $0x1  }
0xe9: {  	v4 =	vadd.s32 v1, v4;
	_ =	sdelay $0x1  }
0xea: {  	v3 =	vperm.xlane v3, v2;
	_ =	sdelay $0x1  }
0xeb: {  	s11 =	simm.s32 $0x10900;
	v3 =	vadd.s32 v1, v3  }
0xec: {  	[tilespmem:s11], [sflag:$0x2] =	stream.indirect_vreg.gather [hbm4b:s4+s2], $0x80, v4, vm0, $0xb8;
	[tilespmem:$0x1C180] =	vst v63  }
0xed: {  	s11 =	simm.s32 $0x11100  }
0xee: {  	[tilespmem:s11], [sflag:$0x2] =	stream.indirect_vreg.gather [hbm4b:s8+s2], $0x80, v4, vm1, $0xb8;
	[tilespmem:$0x1C180] =	vst v63  }
0xef: {  	s11 =	simm.s32 $0x11500  }
0xf0: {  	[tilespmem:s11], [sflag:$0x2] =	stream.indirect_vreg.gather [hbm4b:s4+s2], $0x80, v3, vm0, $0xb8;
	[tilespmem:$0x1C180] =	vst v63  }
0xf1: {  	s11 =	simm.s32 $0x11D00  }
0xf2: {  	[tilespmem:s11], [sflag:$0x2] =	stream.indirect_vreg.gather [hbm4b:s8+s2], $0x80, v3, vm1, $0xb8;
	[tilespmem:$0x1C180] =	vst v63  }
0xf3: {  	v3 =	vld [tilespmem:$0xC0C0];
	_ =	sdelay $0x4  }
0xf4: {  	v60 =	vshrl.u32 v3, $0x3  }
0xf5: {  	v4 =	vmul.u32 $0x18, v60  }
0xf6: {  	v3 =	vand.u32 $0x7, v3  }
0xf7: {  	v3 =	vor.u32 v3, v4  }
0xf8: {  	v4 =	vperm.xlane v3, v0;
	_ =	sdelay $0x1  }
0xf9: {  	v4 =	vadd.s32 v1, v4;
	_ =	sdelay $0x1  }
0xfa: {  	v3 =	vperm.xlane v3, v2;
	_ =	sdelay $0x1  }
0xfb: {  	s11 =	simm.s32 $0x12100;
	v3 =	vadd.s32 v1, v3  }
0xfc: {  	[tilespmem:s11], [sflag:$0x2] =	stream.indirect_vreg.gather [hbm4b:s4+s2], $0x80, v4, vm0, $0xb8;
	[tilespmem:$0x1C180] =	vst v63  }
0xfd: {  	s11 =	simm.s32 $0x12900  }
0xfe: {  	[tilespmem:s11], [sflag:$0x2] =	stream.indirect_vreg.gather [hbm4b:s8+s2], $0x80, v4, vm1, $0xb8;
	[tilespmem:$0x1C180] =	vst v63  }
0xff: {  	s11 =	simm.s32 $0x12D00  }
0x100: {  	[tilespmem:s11], [sflag:$0x2] =	stream.indirect_vreg.gather [hbm4b:s4+s2], $0x80, v3, vm0, $0xb8;
	[tilespmem:$0x1C180] =	vst v63  }
0x101: {  	s11 =	simm.s32 $0x13500  }
0x102: {  	[tilespmem:s11], [sflag:$0x2] =	stream.indirect_vreg.gather [hbm4b:s8+s2], $0x80, v3, vm1, $0xb8;
	[tilespmem:$0x1C180] =	vst v63  }
0x103: {  	v3 =	vld [tilespmem:$0xC0D0];
	_ =	sdelay $0x4  }
0x104: {  	v61 =	vshrl.u32 v3, $0x3  }
0x105: {  	v4 =	vmul.u32 $0x18, v61  }
0x106: {  	v3 =	vand.u32 $0x7, v3  }
0x107: {  	v3 =	vor.u32 v3, v4  }
0x108: {  	v4 =	vperm.xlane v3, v0;
	_ =	sdelay $0x1  }
0x109: {  	v4 =	vadd.s32 v1, v4;
	_ =	sdelay $0x1  }
0x10a: {  	v3 =	vperm.xlane v3, v2;
	_ =	sdelay $0x1  }
0x10b: {  	s11 =	simm.s32 $0x13900;
	v3 =	vadd.s32 v1, v3  }
0x10c: {  	[tilespmem:s11], [sflag:$0x2] =	stream.indirect_vreg.gather [hbm4b:s4+s2], $0x80, v4, vm0, $0xb8;
	[tilespmem:$0x1C180] =	vst v63  }
0x10d: {  	s11 =	simm.s32 $0x14100  }
0x10e: {  	[tilespmem:s11], [sflag:$0x2] =	stream.indirect_vreg.gather [hbm4b:s8+s2], $0x80, v4, vm1, $0xb8;
	[tilespmem:$0x1C180] =	vst v63  }
0x10f: {  	_ = 	snop  }
0x110: {  	[tilespmem:s9], [sflag:$0x2] =	stream.indirect_vreg.gather [hbm4b:s4+s2], $0x80, v3, vm0, $0xb8;
	[tilespmem:$0x1C180] =	vst v63  }
0x111: {  	_ = 	snop  }
0x112: {  	[tilespmem:s13], [sflag:$0x2] =	stream.indirect_vreg.gather [hbm4b:s8+s2], $0x80, v3, vm1, $0xb8;
	[tilespmem:$0x1C180] =	vst v63  }
0x113: {  	v3 =	vld [tilespmem:$0xC0E0];
	_ =	sdelay $0x4  }
0x114: {  	v62 =	vshrl.u32 v3, $0x3  }
0x115: {  	v4 =	vmul.u32 $0x18, v62  }
0x116: {  	v3 =	vand.u32 $0x7, v3  }
0x117: {  	v3 =	vor.u32 v3, v4  }
0x118: {  	v4 =	vperm.xlane v3, v0;
	_ =	sdelay $0x1  }
0x119: {  	v4 =	vadd.s32 v1, v4;
	_ =	sdelay $0x1  }
0x11a: {  	v3 =	vperm.xlane v3, v2;
	_ =	sdelay $0x1  }
0x11b: {  	v3 =	vadd.s32 v1, v3  }
0x11c: {  	[tilespmem:s14], [sflag:$0x2] =	stream.indirect_vreg.gather [hbm4b:s4+s2], $0x80, v4, vm0, $0xb8;
	[tilespmem:$0x1C180] =	vst v63  }
0x11d: {  	_ = 	snop  }
0x11e: {  	[tilespmem:s15], [sflag:$0x2] =	stream.indirect_vreg.gather [hbm4b:s8+s2], $0x80, v4, vm1, $0xb8;
	[tilespmem:$0x1C180] =	vst v63  }
0x11f: {  	_ = 	snop  }
0x120: {  	[tilespmem:s19], [sflag:$0x2] =	stream.indirect_vreg.gather [hbm4b:s4+s2], $0x80, v3, vm0, $0xb8;
	[tilespmem:$0x1C180] =	vst v63  }
0x121: {  	_ = 	snop  }
0x122: {  	[tilespmem:s20], [sflag:$0x2] =	stream.indirect_vreg.gather [hbm4b:s8+s2], $0x80, v3, vm1, $0xb8;
	[tilespmem:$0x1C180] =	vst v63  }
0x123: {  	v3 =	vld [tilespmem:$0xC0F0];
	_ =	sdelay $0x4  }
0x124: {  	v63 =	vshrl.u32 v3, $0x3  }
0x125: {  	v4 =	vmul.u32 $0x18, v63  }
0x126: {  	v3 =	vand.u32 $0x7, v3  }
0x127: {  	v3 =	vor.u32 v3, v4  }
0x128: {  	v4 =	vperm.xlane v3, v0;
	_ =	sdelay $0x1  }
0x129: {  	v4 =	vadd.s32 v1, v4;
	_ =	sdelay $0x1  }
0x12a: {  	v3 =	vperm.xlane v3, v2;
	_ =	sdelay $0x1  }
0x12b: {  	v3 =	vadd.s32 v1, v3  }
0x12c: {  	[tilespmem:s21], [sflag:$0x2] =	stream.indirect_vreg.gather [hbm4b:s4+s2], $0x80, v4, vm0, $0xb8;
	[tilespmem:$0x1C180] =	vst v63  }
0x12d: {  	_ = 	snop  }
0x12e: {  	[tilespmem:s22], [sflag:$0x2] =	stream.indirect_vreg.gather [hbm4b:s8+s2], $0x80, v4, vm1, $0xb8;
	[tilespmem:$0x1C180] =	vst v63  }
0x12f: {  	_ = 	snop  }
0x130: {  	[tilespmem:s23], [sflag:$0x2] =	stream.indirect_vreg.gather [hbm4b:s4+s2], $0x80, v3, vm0, $0xb8;
	[tilespmem:$0x1C180] =	vst v63  }
0x131: {  	_ = 	snop  }
0x132: {  	[tilespmem:s24], [sflag:$0x2] =	stream.indirect_vreg.gather [hbm4b:s8+s2], $0x80, v3, vm1, $0xb8;
	[tilespmem:$0x1C180] =	vst v63  }
0x133: {  	_ =	swait.ge [sflag:s25], $0x80  }
0x134: {  	[sflag:s25] =	ssyncset.done $0x0  }
0x135: {  	[sflag:s25] =	ssyncadd.s32 $0xFFFFFF80  }
0x136: {  	[tilespmem:s26], [sflag:$0x3] =	stream.indirect.gather [hbm4b:s5+s18], $0x80, s16, s18, $0xb8;
	[tilespmem:$0x1C180] =	vst v63  }
0x137: {  	_ =	swait.ge [sflag:s17], $0xC000  }
0x138: {  	[sflag:s17] =	ssyncset.done $0x0  }
0x139: {  	s11 =	sadd.s32 s6, s12;
	[sflag:s17] =	ssyncadd.s32 $0xFFFF4000  }
0x13a: {  	[hbm4b:s11+s2] =	stream.linear.scatter [tilespmem:s18], [sflag:$0x1], $0xC000, $0x38;
	[tilespmem:$0x1C180] =	vst v63  }
0x13b: {  	_ =	swait.ge [sflag:s31], $0xC000  }
0x13c: {  	[sflag:s31] =	ssyncset.done $0x0  }
0x13d: {  	s11 =	sadd.s32 s6, s10;
	[sflag:s31] =	ssyncadd.s32 $0xFFFF4000  }
0x13e: {  	[hbm4b:s11+s2] =	stream.linear.scatter [tilespmem:s0], [sflag:$0x2], $0xC000, $0x38;
	[tilespmem:$0x1C180] =	vst v63  }
0x13f: {  	_ =	swait.ge [sflag:s25], $0x4000  }
0x140: {  	[sflag:s25] =	ssyncset.done $0x0  }
0x141: {  	[sflag:s25] =	ssyncadd.s32 $0xFFFFC000  }
0x142: {  	[hbm4b:s3+s2] =	stream.linear.scatter [tilespmem:s26], [sflag:$0x3], $0x4000, $0x38;
	[tilespmem:$0x1C180] =	vst v63  }
0x143: {  	_ =	swait.ge [sflag:s17], $0xC000  }
0x144: {  	[sflag:s17] =	ssyncset.done $0x0  }
0x145: {  	[sflag:s17] =	ssyncadd.s32 $0xFFFF4000  }
0x146: {  	_ =	swait.ge [sflag:s31], $0xC000  }
.Ltmp5:
0x147: {  	[sflag:s31] =	ssyncset.done $0x0;
	(pc) =	sbr.rel .LBB2_4-.Ltmp5, $4  }
0x148: {  	[sflag:s31] =	ssyncadd.s32 $0xFFFF4000  }
0x149: {  	_ =	swait.ge [sflag:s25], $0x4000  }
0x14a: {  	[sflag:s25] =	ssyncset.done $0x0  }
0x14b: {  	[sflag:s25] =	ssyncadd.s32 $0xFFFFC000  }
.LBB2_6:
0x14c: {  	_ =	sfence.sel $0x180000  }
0x14d: {  	[bflag:$0x0] =	sbarrier.arrive $0xFFFF  }
0x14e: {  	_ =	strace $0x90000050  }
0x14f: {  	s0 =	stileid.u32;
	[bflag:$0x2] =	sbarrier.arrive $0xFFFF  }
0x150: {  	p0 =	sne.s32 s0, $0x0;
	s0 =	rddreg [dreg:$0x2]  }
0x151: {  	s0 =	sadd.s32 @!p0 $0x100000, s0  }
0x152: {  	[sflag:s0] =	ssyncadd.tile.s32 @!p0 $0x1;
	_ =	shalt  }
.Lfunc_end2:
_tile_overlayer_lowered:
.L_overlay_start_2:
0x153: {  	(tag) =	ssettag $0x2  }
0x154: {  	s0 =	rddreg [dreg:$0x0];
	s2 =	stileid.u32  }
0x155: {  	s1 =	rddreg [dreg:$0x1];
	p0 =	sne.s32 s2, $0x0  }
0x156: {  	s3 =	rddreg [dreg:$0x2];
	[bflag:$0x3] =	sbarrier.arrive $0xFFFF;
	s2 =	simm.s32 @!p0 $0x1C04  }
0x157: {  	[timem:s3], [sflag:s2] =	dma.local @!p0 [hbm:s0], s1  }
0x158: {  	s0 =	simm.s32 @!p0 $0x4  }
0x159: {  	_ =	swait.ge @!p0 [sflag:s0], s1  }
0x15a: {  	s1 =	ssub.s32 @!p0 $0x0, s1;
	[sflag:s0] =	ssyncset.done @!p0 $0x0  }
0x15b: {  	[sflag:s0] =	ssyncadd.s32 @!p0 s1  }
0x15c: {  	[bflag:$0x3] =	sbarrier.arrive $0xFFFF  }
0x15d: {  	_ =	shalt  }

// kernel: kernel.29.cloned.1.call-start
scs
__scs_entry_jumppad:
0x0: {  	(pc) =	sbr.rel $0x88, $3  }
0x1: {  	(tag) =	ssettag $0x0;
	lr =	simm.s32 $0x1  }
0x2: {  	[smem:$0x3F63] =	sst lr;
	_ =	strace $0xD0000000  }
0x3: {  	_ = 	snop  }
0x4: {  	_ = 	snop  }
0x5: {  	_ = 	snop  }
0x6: {  	_ = 	snop  }
0x7: {  	_ = 	snop  }
__scs_overlays_trampoline_lowered:
0x8: {  	[smem:$0x3F72] =	sst s0  }
0x9: {  	[smem:$0x3F73] =	sst s1  }
0xa: {  	[smem:$0x3F74] =	sst s2  }
0xb: {  	[smem:$0x3F75] =	sst s3  }
0xc: {  	[smem:$0x3F76] =	sst s4  }
0xd: {  	[smem:$0x3F77] =	sst s5  }
0xe: {  	[smem:$0x3F78] =	sst s6  }
0xf: {  	[smem:$0x3F79] =	sst s7  }
0x10: {  	[smem:$0x3F7A] =	sst s8  }
0x11: {  	[smem:$0x3F7B] =	sst s9;
	s0 =	simm.s32 @!p0 $0x0  }
0x12: {  	s1 =	sld [smem:$0x3F61];
	s0 =	simm.s32 @p0 $0x1  }
0x13: {  	[smem:$0x3F7C] =	sst s0;
	s0 =	simm.s32 @!p1 $0x0  }
0x14: {  	s2 =	sld [smem:$0x3F60];
	s0 =	simm.s32 @p1 $0x1  }
0x15: {  	[smem:$0x3F7D] =	sst s0;
	s0 =	simm.s32 @!p2 $0x0  }
0x16: {  	s3 =	sld [smem:$0x3FDB];
	s0 =	simm.s32 @p2 $0x1  }
0x17: {  	s4 =	simm.s32 $0x1BF5;
	[smem:$0x3F7F] =	sst s0  }
0x18: {  	s0 =	sld [smem:$0x3F62];
	_ =	swait.ge [sflag:s4], $0x0  }
0x19: {  	s7 =	sld [smem:$0x3F63]  }
0x1a: {  	s8 =	sadd.s32 $0xFFFFE003, lr  }
0x1b: {  	s9 =	sadd.s32 $0xFFFFFEF7, lr;
	s5 =	simm.s32 $0xFFFFFFFF;
	p2 =	slt.u32 s8, $0xFFFFF086  }
0x1c: {  	p1 =	slt.u32 s9, $0xF7A;
	s5 =	simm.s32 @!p2 $0x0  }
0x1d: {  	s5 =	simm.s32 @p1 $0x1;
	p0 =	seq.s32 s7, s2  }
0x1e: {  	s7 =	smul.u32 @!p0 $0xF7A, s2;
	p2 =	seq.s32 @!p0 s5, $0x0  }
0x1f: {  	s9 =	smul.u32 $0xF7A, s1;
	s8 =	simm.s32 @!p0 $0x1BF5;
	p2 =	por !p2, p0  }
0x20: {  	[sflag:s8] =	ssyncset.s32 @!p0 $0xFFFFF086;
	s6 =	sadd.s32 @!p0 s3, s7;
	s7 =	simm.s32 @!p0 $0x108  }
0x21: {  	s3 =	sadd.s32 s3, s9;
	s6 =	sadd.s32 @!p0 $0x88, s6;
	s7 =	simm.s32 @p2 $0x1082  }
0x22: {  	[simem:s7], [sflag:s8] =	dma.local @!p0 [hbm:s6], $0xF7A  }
0x23: {  	s9 =	sor.u32 $0xD0000000, s2;
	s6 =	simm.s32 $0x108;
	_ =	swait.ge @!p0 [sflag:s8], $0x0  }
0x24: {  	s3 =	sadd.s32 $0x88, s3;
	s6 =	simm.s32 @!p1 $0x1082;
	[sflag:s4] =	ssyncset.s32 $0xFFFFF086  }
0x25: {  	[simem:s6], [sflag:s4] =	dma.local [hbm:s3], $0xF7A  }
0x26: {  	[smem:$0x3F63] =	sst s1;
	(tag) =	ssettag s2;
	_ =	strace s9  }
0x27: {  	s1 =	sld [smem:$0x3F73]  }
0x28: {  	s2 =	sld [smem:$0x3F74]  }
0x29: {  	s4 =	sld [smem:$0x3F76]  }
0x2a: {  	p0 =	seq.s32 s5, $0x0;
	s5 =	sld [smem:$0x3F77]  }
0x2b: {  	s6 =	sld [smem:$0x3F78]  }
0x2c: {  	s7 =	sld [smem:$0x3F79]  }
0x2d: {  	s3 =	simm.s32 $0x108;
	s8 =	sld [smem:$0x3F7A]  }
0x2e: {  	s3 =	simm.s32 @!p0 $0x1082;
	s9 =	sld [smem:$0x3F7B]  }
0x2f: {  	lr =	sadd.s32 s0, s3;
	s0 =	sld [smem:$0x3F72]  }
0x30: {  	s3 =	sld [smem:$0x3F75]  }
0x31: {  	[smem:$0x3F7E] =	sst s10  }
0x32: {  	s10 =	sld [smem:$0x3F7C];
	_ =	sdelay $0x3  }
0x33: {  	p0 =	seq.s32 s10, $0x1;
	s10 =	sld [smem:$0x3F7E];
	_ =	sdelay $0x3  }
0x34: {  	[smem:$0x3F7E] =	sst s10  }
0x35: {  	s10 =	sld [smem:$0x3F7D];
	_ =	sdelay $0x3  }
0x36: {  	p1 =	seq.s32 s10, $0x1;
	s10 =	sld [smem:$0x3F7E];
	_ =	sdelay $0x3  }
0x37: {  	[smem:$0x3F7E] =	sst s10  }
0x38: {  	s10 =	sld [smem:$0x3F7F]  }
0x39: {  	_ = 	snop;
	(pc) =	sbr.ind lr, $3  }
0x3a: {  	_ = 	snop  }
0x3b: {  	_ = 	snop  }
0x3c: {  	p2 =	seq.s32 s10, $0x1;
	s10 =	sld [smem:$0x3F7E]  }
0x3d: {  	_ =	shalt  }
0x3e: {  	_ =	shalt  }
0x3f: {  	_ =	shalt  }
0x40: {  	_ =	shalt  }
0x41: {  	_ =	shalt  }
0x42: {  	_ =	shalt  }
0x43: {  	_ =	shalt  }
0x44: {  	_ =	shalt  }
0x45: {  	_ =	shalt  }
0x46: {  	_ =	shalt  }
0x47: {  	_ =	shalt  }
0x48: {  	_ =	shalt  }
0x49: {  	_ =	shalt  }
0x4a: {  	_ =	shalt  }
0x4b: {  	_ =	shalt  }
0x4c: {  	_ =	shalt  }
0x4d: {  	_ =	shalt  }
0x4e: {  	_ =	shalt  }
0x4f: {  	_ =	shalt  }
0x50: {  	_ =	shalt  }
0x51: {  	_ =	shalt  }
0x52: {  	_ =	shalt  }
0x53: {  	_ =	shalt  }
0x54: {  	_ =	shalt  }
0x55: {  	_ =	shalt  }
0x56: {  	_ =	shalt  }
0x57: {  	_ =	shalt  }
0x58: {  	_ =	shalt  }
0x59: {  	_ =	shalt  }
0x5a: {  	_ =	shalt  }
0x5b: {  	_ =	shalt  }
0x5c: {  	_ =	shalt  }
0x5d: {  	_ =	shalt  }
0x5e: {  	_ =	shalt  }
0x5f: {  	_ =	shalt  }
0x60: {  	_ =	shalt  }
0x61: {  	_ =	shalt  }
0x62: {  	_ =	shalt  }
0x63: {  	_ =	shalt  }
0x64: {  	_ =	shalt  }
0x65: {  	_ =	shalt  }
0x66: {  	_ =	shalt  }
0x67: {  	_ =	shalt  }
0x68: {  	_ =	shalt  }
0x69: {  	_ =	shalt  }
0x6a: {  	_ =	shalt  }
0x6b: {  	_ =	shalt  }
0x6c: {  	_ =	shalt  }
0x6d: {  	_ =	shalt  }
0x6e: {  	_ =	shalt  }
0x6f: {  	_ =	shalt  }
0x70: {  	_ =	shalt  }
0x71: {  	_ =	shalt  }
0x72: {  	_ =	shalt  }
0x73: {  	_ =	shalt  }
0x74: {  	_ =	shalt  }
0x75: {  	_ =	shalt  }
0x76: {  	_ =	shalt  }
0x77: {  	_ =	shalt  }
0x78: {  	_ =	shalt  }
0x79: {  	_ =	shalt  }
0x7a: {  	_ =	shalt  }
0x7b: {  	_ =	shalt  }
0x7c: {  	_ =	shalt  }
0x7d: {  	_ =	shalt  }
0x7e: {  	_ =	shalt  }
0x7f: {  	_ =	shalt  }
0x80: {  	_ =	shalt  }
0x81: {  	_ =	shalt  }
0x82: {  	_ =	shalt  }
0x83: {  	_ =	shalt  }
0x84: {  	_ =	shalt  }
0x85: {  	_ =	shalt  }
0x86: {  	_ =	shalt  }
0x87: {  	_ =	shalt  }
.Lfunc_end0:
.L_simem_size_0:
called_computation.4_lowered:
.L_overlay_start_0:
0x88: {  	s2 =	sld [smem:$0x3FD9]  }
0x89: {  	s3 =	sld [smem:$0x3FFE];
	_ =	sdelay $0x1  }
0x8a: {  	s1 =	srdreg.scid  }
0x8b: {  	s0 =	sand.u32 $0x1, s1  }
0x8c: {  	s14 =	sshll.u32 s0, $0xA;
	s2 =	sadd.s32 s3, s2  }
0x8d: {  	s2 =	sadd.s32 s2, s14  }
0x8e: {  	[smem:$0x3F8A] =	sst s2  }
0x8f: {  	_ = 	snop  }
0x90: {  	s2 =	sld [smem:$0x3FD0];
	_ =	sdelay $0x2  }
0x91: {  	s15 =	simm.s32 $0xB;
	s4 =	simm.s32 $0x10  }
0x92: {  	[smem:s4], [sflag:s15] =	dma.local [hbm:s2], $0x1  }
0x93: {  	_ =	swait.eq [sflag:s15], $0x1  }
0x94: {  	[sflag:s15] =	ssyncset.done $0x0  }
0x95: {  	[sflag:s15] =	ssyncadd.s32 $0xFFFFFFFF  }
0x96: {  	s16 =	sld [smem:$0x11];
	(tm) =	ssettm $0x1  }
0x97: {  	s17 =	sld [smem:$0x3FFB];
	_ =	sdelay $0x3  }
0x98: {  	_ =	strace s17  }
0x99: {  	s3 =	sld [smem:$0x3FFC];
	_ =	sdelay $0x3  }
0x9a: {  	_ =	strace s3  }
0x9b: {  	s3 =	sld [smem:$0x3FFD];
	_ =	sdelay $0x3  }
0x9c: {  	_ =	strace s3  }
0x9d: {  	_ =	strace $0x8FFFFFFF  }
0x9e: {  	s18 =	sld [smem:$0x3FDB];
	_ =	sdelay $0x1  }
0x9f: {  	s19 =	simm.s32 $_scs_section_size  }
0xa0: {  	s5 =	simm.s32 $_size__tile_overlayer_lowered;
	s6 =	simm.s32 $_tile_overlayer_lowered  }
0xa1: {  	s22 =	simm.s32 $0x1BFF;
	s21 =	sshll.u32 s6, $0x1;
	s3 =	sadd.s32 s19, s18  }
0xa2: {  	s7 =	simm.s32 $0x0;
	s20 =	sshll.u32 s5, $0x1;
	s5 =	sadd.s32 s21, s3  }
0xa3: {  	[timem:s7], [sflag:s22] =	dma.local [hbm:s5], s20  }
0xa4: {  	_ =	swait.ge [sflag:s22], s20  }
0xa5: {  	s4 =	ssub.s32 $0x0, s20;
	[sflag:s22] =	ssyncset.done $0x0  }
0xa6: {  	[sflag:s22] =	ssyncadd.s32 s4;
	_ =	sdelay $0x1  }
0xa7: {  	s23 =	simm.s32 $0x1B8B  }
0xa8: {  	_ =	swait.ge [sflag:s23], $0x1  }
0xa9: {  	[sflag:s23] =	ssyncset.done $0x0  }
0xaa: {  	s25 =	simm.s32 $0x1B8E;
	s24 =	sld [smem:$0x3FFE];
	[sflag:s23] =	ssyncadd.s32 $0xFFFFFFFF  }
0xab: {  	s26 =	simm.s32 $execute0_lowered;
	[smem:$0x3FD2] =	sst s25  }
0xac: {  	s5 =	sshll.u32 s26, $0x1;
	_ =	strace $0x80000052;
	[dreg:$0x1] =	wrdreg $0xFFFFFFFF  }
0xad: {  	s28 =	simm.s32 $_size_execute0_lowered;
	s3 =	sadd.s32 s3, s5;
	[dreg:$0x0] =	wrdreg $0x0  }
0xae: {  	s5 =	sshll.u32 s28, $0x1;
	[dreg:$0x2] =	wrdreg s3  }
0xaf: {  	[dreg:$0x3] =	wrdreg s5  }
0xb0: {  	[dreg:$0x4] =	wrdreg $0xC0  }
0xb1: {  	_ =	task [dreg:s7], $0x5FFFF  }
0xb2: {  	[dreg:$0x1] =	wrdreg $0xFFFFFFFF  }
0xb3: {  	[dreg:$0x0] =	wrdreg $0x60  }
0xb4: {  	[dreg:$0x2] =	wrdreg s16  }
0xb5: {  	[dreg:$0x3] =	wrdreg s24  }
0xb6: {  	[dreg:$0x4] =	wrdreg $0xA9000  }
0xb7: {  	[dreg:$0x5] =	wrdreg $0x9  }
0xb8: {  	_ =	task.clear_ibuf [dreg:s7], $0x6FFFF;
	_ =	strace $0x90000052  }
0xb9: {  	s29 =	simm.s32 $0x9;
	_ =	strace $0x80000054  }
0xba: {  	_ =	swait.ge [sflag:s29], $0x1  }
0xbb: {  	[sflag:s29] =	ssyncadd.s32 $0xFFFFFFFF  }
0xbc: {  	_ =	strace $0x90000054  }
0xbd: {  	_ =	sfence  }
0xbe: {  	s30 =	sld [smem:$0x0];
	_ =	sdelay $0x2  }
0xbf: {  	s31 =	sshll.u32 s1, $0xD;
	s1 =	sshrl.u32 s1, $0x2  }
0xc0: {  	s3 =	sand.u32 $0x4000, s31;
	s1 =	sadd.s32 s1, s30  }
0xc1: {  	s0 =	sor.u32 s3, s0;
	s1 =	sshll.u32 s1, $0x11  }
0xc2: {  	s0 =	sor.u32 s1, s0  }
0xc3: {  	s0 =	sadd.s32 $0x8F2B, s0  }
0xc4: {  	[sflag:s0] =	ssyncadd.remote.s32 $0x1  }
0xc5: {  	_ =	sfence.sel $0xFFFF  }
0xc6: {  	[dreg:$0x0] =	wrdreg $0xFFFFFFFF;
	(pc) =	sbr.abs _section_cstart, $3  }
0xc7: {  	[dreg:$0x1] =	wrdreg $0xFFFFFFFF  }
0xc8: {  	_ =	task.clear_ibuf [dreg:s7], $0x2FFFF;
	_ =	strace $0x9FFFFFFF  }
0xc9: {  	(tm) =	ssettm $0x7FFFFFFF  }
tec
execute0_lowered:
.L_overlay_start_1:
0x0: {  	(tag) =	ssettag $0x1  }
0x1: {  	s30 =	stileid.u32  }
0x2: {  	s1 =	srdreg.scid;
	s4 =	smul.u32 $0xA000, s30  }
0x3: {  	s22 =	sand.u32 $0x1, s1;
	s25 =	smul.u32 $0x2800, s30  }
0x4: {  	s5 =	sor.u32 $0x10, s30;
	s1 =	smul.u32 $0x138800, s22  }
0x5: {  	s15 =	rddreg [dreg:$0x0];
	s7 =	smul.u32 $0xA000, s5  }
0x6: {  	s0 =	rddreg [dreg:$0x1];
	s8 =	sor.u32 $0x20, s30;
	s5 =	smul.u32 $0x2800, s5  }
0x7: {  	s2 =	rddreg [dreg:$0x2];
	s10 =	sor.u32 $0x30, s30;
	s11 =	smul.u32 $0x2800, s8  }
0x8: {  	s3 =	simm.s32 $0x0;
	s13 =	sor.u32 $0x40, s30;
	s14 =	smul.u32 $0x2800, s10  }
0x9: {  	[smem:$0x7FF] =	sst s3;
	s18 =	sor.u32 $0x60, s30;
	s17 =	smul.u32 $0x2800, s13  }
0xa: {  	s6 =	sshll.u32 s30, $0x5;
	s24 =	sor.u32 $0x70, s30;
	s26 =	smul.u32 $0x2800, s18  }
0xb: {  	_ =	strace $0x80000053;
	s16 =	sadd.s32 s6, s0;
	s31 =	smul.u32 $0x2800, s24  }
0xc: {  	s0 =	sadd.s32 $0x64C00, s0;
	s9 =	ssub.s32 $0x2, s22;
	s8 =	smul.u32 $0xA000, s8  }
0xd: {  	s28 =	smul.u32 $0xA000, s13;
	p0 =	sgt.u32 s24, $0x7C;
	s12 =	sshrl.u32 s9, $0x1  }
0xe: {  	s4 =	sshrl.u32 s4, $0x2;
	s9 =	ssub.s32 s9, s12;
	s12 =	sor.u32 $0x50, s30  }
0xf: {  	s20 =	sadd.s32 s1, s25;
	s21 =	sadd.s32 s1, s5;
	s11 =	sadd.s32 s1, s11  }
0x10: {  	s14 =	sadd.s32 s1, s14;
	s17 =	sadd.s32 s1, s17;
	s23 =	sadd.s32 s1, s26  }
0x11: {  	s25 =	sshll.u32 s30, $0x1;
	s7 =	sshrl.u32 s7, $0x2;
	s26 =	smul.u32 $0xA000, s10  }
0x12: {  	s5 =	sadd.s32 s4, s2;
	s4 =	sshrl.u32 s8, $0x2;
	s19 =	smul.u32 $0x2800, s12  }
0x13: {  	s6 =	sadd.s32 s7, s2;
	s29 =	smul.u32 $0xA000, s12;
	s8 =	sshrl.u32 s20, $0x3  }
0x14: {  	s12 =	sshrl.u32 s11, $0x3;
	s14 =	sshrl.u32 s14, $0x3;
	s17 =	sshrl.u32 s17, $0x3  }
0x15: {  	s26 =	sshrl.u32 s26, $0x2;
	s7 =	sadd.s32 s0, s8;
	s13 =	sadd.s32 s0, s12  }
0x16: {  	s20 =	sadd.s32 s0, s14;
	s11 =	sadd.s32 s0, s17;
	s8 =	sshll.u32 s30, $0xC  }
0x17: {  	s30 =	simm.s32 $0x0;
	s19 =	sadd.s32 s1, s19;
	[dreg:$0x5] =	wrdreg s7  }
0x18: {  	s1 =	sadd.s32 s1, s31;
	s31 =	smax.u32 s9, $0x1;
	[dreg:$0x7] =	wrdreg s13  }
0x19: {  	s9 =	sshrl.u32 s21, $0x3;
	[dreg:$0x8] =	wrdreg s20;
	s7 =	smul.u32 $0xA000, s18  }
0x1a: {  	s20 =	sshrl.u32 s29, $0x2;
	s29 =	simm.s32 $0x4;
	[dreg:$0x4] =	wrdreg s31  }
0x1b: {  	s10 =	sadd.s32 s0, s9;
	s21 =	sshrl.u32 s19, $0x3;
	s31 =	sshrl.u32 s23, $0x3  }
0x1c: {  	s1 =	sshrl.u32 s1, $0x3;
	s9 =	sshrl.u32 s28, $0x2;
	s19 =	smul.u32 $0xA000, s24  }
0x1d: {  	s18 =	sadd.s32 s20, s2;
	s24 =	simm.s32 $0x8100;
	s28 =	simm.s32 $0x1  }
0x1e: {  	[dreg:$0x6] =	wrdreg s10;
	s12 =	sadd.s32 s0, s21;
	s13 =	sadd.s32 s0, s31  }
0x1f: {  	s14 =	sadd.s32 s0, s1;
	s1 =	sshll.u32 s22, $0x4;
	s10 =	sadd.s32 s8, s15  }
0x20: {  	s15 =	sadd.s32 s4, s2;
	s17 =	sadd.s32 s9, s2;
	s31 =	sshll.u32 s22, $0xB  }
0x21: {  	s0 =	sadd.s32 s1, s16;
	s16 =	sadd.s32 s26, s2;
	s1 =	sshrl.u32 s7, $0x2  }
0x22: {  	s21 =	sshrl.u32 s19, $0x2;
	s26 =	sor.u32 s22, s25;
	s25 =	simm.s32 $0x3  }
0x23: {  	s19 =	sadd.s32 s1, s2;
	s20 =	sadd.s32 s21, s2;
	s21 =	sadd.s32 $0xC800, s0  }
0x24: {  	v0 =	vimm.f32 $0.0e+00;
	s1 =	sadd.s32 s31, s10;
	s23 =	sor.u32 $0x20, s26;
	s26 =	simm.s32 $0x80  }
.LBB2_1:
0x25: {  	s0 =	simm.s32 $0x70;
	s4 =	simm.s32 $0x3C0  }
.LBB2_2:
0x26: {  	p1 =	sne.s32 s4, $0x9FC0;
	[tilespmem:s0+$0x8100] =	vst v0  }
0x27: {  	[tilespmem:s0+$0x8090] =	vst v0  }
0x28: {  	[tilespmem:s0+$0x80A0] =	vst v0  }
.Ltmp0:
0x29: {  	[tilespmem:s0+$0x80B0] =	vst v0;
	(pc) =	sbr.rel @p1 .LBB2_2-.Ltmp0, $4  }
0x2a: {  	[tilespmem:s0+$0x80C0] =	vst v0  }
0x2b: {  	[tilespmem:s0+$0x80D0] =	vst v0  }
0x2c: {  	[tilespmem:s0+$0x80E0] =	vst v0  }
0x2d: {  	[tilespmem:s0+$0x80F0] =	vst v0;
	s0 =	sshra.s32 s4, $0x2;
	s4 =	sadd.s32 $0x200, s4  }
0x2e: {  	[tilespmem:s0+$0x8100] =	vst v0  }
0x2f: {  	[tilespmem:s0+$0x8090] =	vst v0  }
0x30: {  	[tilespmem:s0+$0x80A0] =	vst v0  }
0x31: {  	[tilespmem:s0+$0x80B0] =	vst v0  }
0x32: {  	[tilespmem:s0+$0x80C0] =	vst v0  }
0x33: {  	[tilespmem:s0+$0x80D0] =	vst v0  }
0x34: {  	[tilespmem:s0+$0x80E0] =	vst v0  }
0x35: {  	[tilespmem:s0+$0x80F0] =	vst v0  }
0x36: {  	[spmem:s5] =	stream.linear.scatter [tilespmem:s24], [sflag:$0x3], $0x2800, $0x38;
	[tilespmem:$0x1E180] =	vst v63  }
0x37: {  	_ =	swait.ge [sflag:s25], $0x2800  }
0x38: {  	[sflag:s25] =	ssyncset.done $0x0  }
0x39: {  	[sflag:s25] =	ssyncadd.s32 $0xFFFFD800  }
0x3a: {  	[spmem:s6] =	stream.linear.scatter [tilespmem:s24], [sflag:$0x3], $0x2800, $0x38;
	[tilespmem:$0x1E180] =	vst v63  }
0x3b: {  	_ =	swait.ge [sflag:s25], $0x2800  }
0x3c: {  	[sflag:s25] =	ssyncset.done $0x0  }
0x3d: {  	[sflag:s25] =	ssyncadd.s32 $0xFFFFD800  }
0x3e: {  	[spmem:s15] =	stream.linear.scatter [tilespmem:s24], [sflag:$0x3], $0x2800, $0x38;
	[tilespmem:$0x1E180] =	vst v63  }
0x3f: {  	_ =	swait.ge [sflag:s25], $0x2800  }
0x40: {  	[sflag:s25] =	ssyncset.done $0x0  }
0x41: {  	[sflag:s25] =	ssyncadd.s32 $0xFFFFD800  }
0x42: {  	[spmem:s16] =	stream.linear.scatter [tilespmem:s24], [sflag:$0x3], $0x2800, $0x38;
	[tilespmem:$0x1E180] =	vst v63  }
0x43: {  	_ =	swait.ge [sflag:s25], $0x2800  }
0x44: {  	[sflag:s25] =	ssyncset.done $0x0  }
0x45: {  	[sflag:s25] =	ssyncadd.s32 $0xFFFFD800  }
0x46: {  	[spmem:s17] =	stream.linear.scatter [tilespmem:s24], [sflag:$0x3], $0x2800, $0x38;
	[tilespmem:$0x1E180] =	vst v63  }
0x47: {  	_ =	swait.ge [sflag:s25], $0x2800  }
0x48: {  	[sflag:s25] =	ssyncset.done $0x0  }
0x49: {  	[sflag:s25] =	ssyncadd.s32 $0xFFFFD800  }
0x4a: {  	[spmem:s18] =	stream.linear.scatter [tilespmem:s24], [sflag:$0x3], $0x2800, $0x38;
	[tilespmem:$0x1E180] =	vst v63  }
0x4b: {  	_ =	swait.ge [sflag:s25], $0x2800  }
0x4c: {  	[sflag:s25] =	ssyncset.done $0x0  }
0x4d: {  	[sflag:s25] =	ssyncadd.s32 $0xFFFFD800  }
0x4e: {  	[spmem:s19] =	stream.linear.scatter [tilespmem:s24], [sflag:$0x3], $0x2800, $0x38;
	[tilespmem:$0x1E180] =	vst v63  }
0x4f: {  	_ =	swait.ge [sflag:s25], $0x2800  }
0x50: {  	[sflag:s25] =	ssyncset.done $0x0  }
0x51: {  	s0 =	simm.s32 @!p0 $0x8100;
	[sflag:s25] =	ssyncadd.s32 $0xFFFFD800  }
0x52: {  	[spmem:s20] =	stream.linear.scatter @!p0 [tilespmem:s0], [sflag:$0x3], $0x2800, $0x38;
	[tilespmem:$0x1E180] =	vst v63  }
0x53: {  	s0 =	simm.s32 @!p0 $0x3  }
0x54: {  	_ =	swait.ge @!p0 [sflag:s0], $0x2800  }
0x55: {  	[sflag:s0] =	ssyncset.done @!p0 $0x0  }
0x56: {  	[sflag:s0] =	ssyncadd.s32 @!p0 $0xFFFFD800  }
0x57: {  	s22 =	sadd.s32 $0x0, s21;
	p1 =	sgt.u32 s23, $0x4E1;
	[bflag:$0x0] =	sbarrier.arrive $0xFFFF  }
0x58: {  	[tilespmem:s3], [sflag:$0x1] =	stream.linear.gather [hbm4b:s22+s3], $0x80, $0x38;
	[tilespmem:$0x1E180] =	vst v63  }
0x59: {  	s0 =	sadd.s32 @!p1 $0x0, s21  }
0x5a: {  	[tilespmem:s26], [sflag:$0x1] =	stream.linear.gather [hbm4b:s1+s3], $0x4000, $0x38;
	[tilespmem:$0x1E180] =	vst v63  }
0x5b: {  	s4 =	simm.s32 @!p1 $0x0;
	s0 =	sadd.s32 @!p1 $0x200, s0;
	s22 =	simm.s32 @!p1 $0x4080  }
0x5c: {  	[tilespmem:s22], [sflag:$0x2] =	stream.linear.gather @!p1 [hbm4b:s0+s4], $0x80, $0x38;
	[tilespmem:$0x1E180] =	vst v63  }
0x5d: {  	s31 =	simm.s32 @!p1 $0x4100;
	s0 =	sadd.s32 @!p1 $0x10000, s1  }
0x5e: {  	[tilespmem:s31], [sflag:$0x2] =	stream.linear.gather @!p1 [hbm4b:s0+s4], $0x4000, $0x38;
	[tilespmem:$0x1E180] =	vst v63  }
0x5f: {  	_ =	swait.ge [sflag:s28], $0x80  }
0x60: {  	[sflag:s28] =	ssyncset.done $0x0  }
0x61: {  	[sflag:s28] =	ssyncadd.s32 $0xFFFFFF80  }
0x62: {  	_ =	swait.ge [sflag:s28], $0x4000  }
0x63: {  	[sflag:s28] =	ssyncset.done $0x0  }
0x64: {  	[sflag:s28] =	ssyncadd.s32 $0xFFFFC000  }
0x65: {  	[spmem:s2] =	stream.indirect.scatter.add.f32 [tilespmem:s26], [sflag:$0x4], $0x80, s3, s26, $0xb8;
	[tilespmem:$0x1E180] =	vst v63  }
0x66: {  	_ =	swait.ge [sflag:s29], $0x4000  }
0x67: {  	[sflag:s29] =	ssyncset.done $0x0  }
0x68: {  	s0 =	simm.s32 @!p1 $0x2;
	[sflag:s29] =	ssyncadd.s32 $0xFFFFC000  }
0x69: {  	_ =	swait.ge @!p1 [sflag:s0], $0x80  }
0x6a: {  	[sflag:s0] =	ssyncset.done @!p1 $0x0  }
0x6b: {  	[sflag:s0] =	ssyncadd.s32 @!p1 $0xFFFFFF80  }
0x6c: {  	_ =	swait.ge @!p1 [sflag:s0], $0x4000  }
0x6d: {  	[sflag:s0] =	ssyncset.done @!p1 $0x0  }
0x6e: {  	s4 =	simm.s32 @!p1 $0x80;
	[sflag:s0] =	ssyncadd.s32 @!p1 $0xFFFFC000  }
0x6f: {  	[spmem:s2] =	stream.indirect.scatter.add.f32 @!p1 [tilespmem:s31], [sflag:$0x3], $0x80, s22, s4, $0xb8;
	[tilespmem:$0x1E180] =	vst v63  }
0x70: {  	s0 =	sadd.s32 $0x40, s23;
	s4 =	simm.s32 @!p1 $0x3  }
0x71: {  	s31 =	simm.s32 $0x400;
	s22 =	smov.u32 s1;
	_ =	swait.ge @!p1 [sflag:s4], $0x4000  }
.LBB2_4:
0x72: {  	[sflag:s4] =	ssyncset.done @!p1 $0x0  }
0x73: {  	s22 =	sadd.s32 $0x20000, s22;
	s7 =	smov.u32 s31;
	s31 =	sadd.s32 $0x400, s31  }
0x74: {  	s8 =	sadd.s32 s7, s21;
	p2 =	sne.s32 s31, $0x5000;
	[sflag:s4] =	ssyncadd.s32 @!p1 $0xFFFFC000  }
0x75: {  	[tilespmem:s3], [sflag:$0x1] =	stream.linear.gather [hbm4b:s8+s3], $0x80, $0x38;
	[tilespmem:$0x1E180] =	vst v63  }
0x76: {  	p1 =	sgt.u32 s0, $0x4E1  }
0x77: {  	[tilespmem:s26], [sflag:$0x1] =	stream.linear.gather [hbm4b:s22+s3], $0x4000, $0x38;
	[tilespmem:$0x1E180] =	vst v63  }
0x78: {  	s4 =	sadd.s32 @!p1 s7, s21;
	s7 =	simm.s32 @!p1 $0x0;
	s8 =	simm.s32 @!p1 $0x4080  }
0x79: {  	s9 =	sadd.s32 @!p1 $0x10000, s22;
	s10 =	simm.s32 @!p1 $0x4100;
	s4 =	sadd.s32 @!p1 $0x200, s4  }
0x7a: {  	[tilespmem:s8], [sflag:$0x2] =	stream.linear.gather @!p1 [hbm4b:s4+s7], $0x80, $0x38;
	[tilespmem:$0x1E180] =	vst v63  }
0x7b: {  	_ = 	snop  }
0x7c: {  	[tilespmem:s10], [sflag:$0x2] =	stream.linear.gather @!p1 [hbm4b:s9+s7], $0x4000, $0x38;
	[tilespmem:$0x1E180] =	vst v63  }
0x7d: {  	_ =	swait.ge [sflag:s28], $0x80  }
0x7e: {  	[sflag:s28] =	ssyncset.done $0x0  }
0x7f: {  	[sflag:s28] =	ssyncadd.s32 $0xFFFFFF80  }
0x80: {  	_ =	swait.ge [sflag:s28], $0x4000  }
0x81: {  	[sflag:s28] =	ssyncset.done $0x0  }
0x82: {  	[sflag:s28] =	ssyncadd.s32 $0xFFFFC000  }
0x83: {  	[spmem:s2] =	stream.indirect.scatter.add.f32 [tilespmem:s26], [sflag:$0x4], $0x80, s3, s26, $0xb8;
	[tilespmem:$0x1E180] =	vst v63  }
0x84: {  	_ =	swait.ge [sflag:s29], $0x4000  }
0x85: {  	s4 =	simm.s32 @!p1 $0x2;
	[sflag:s29] =	ssyncset.done $0x0  }
0x86: {  	[sflag:s29] =	ssyncadd.s32 $0xFFFFC000  }
0x87: {  	_ =	swait.ge @!p1 [sflag:s4], $0x80  }
0x88: {  	[sflag:s4] =	ssyncset.done @!p1 $0x0  }
0x89: {  	[sflag:s4] =	ssyncadd.s32 @!p1 $0xFFFFFF80  }
.Ltmp1:
0x8a: {  	_ =	swait.ge @!p1 [sflag:s4], $0x4000;
	(pc) =	sbr.rel @p2 .LBB2_4-.Ltmp1, $4  }
0x8b: {  	s7 =	simm.s32 @!p1 $0x80;
	[sflag:s4] =	ssyncset.done @!p1 $0x0  }
0x8c: {  	[sflag:s4] =	ssyncadd.s32 @!p1 $0xFFFFC000;
	s4 =	simm.s32 @!p1 $0x3  }
0x8d: {  	[spmem:s2] =	stream.indirect.scatter.add.f32 @!p1 [tilespmem:s10], [sflag:$0x3], $0x80, s8, s7, $0xb8;
	[tilespmem:$0x1E180] =	vst v63  }
0x8e: {  	s0 =	sadd.s32 $0x40, s0;
	_ =	swait.ge @!p1 [sflag:s4], $0x4000  }
0x8f: {  	[sflag:s4] =	ssyncset.done @!p1 $0x0  }
0x90: {  	[sflag:s4] =	ssyncadd.s32 @!p1 $0xFFFFC000  }
0x91: {  	[bflag:$0x0] =	sbarrier.arrive $0xFFFF  }
0x92: {  	[tilespmem:s24], [sflag:$0x4] =	stream.linear.gather [spmem:s5], $0x2800, $0x38;
	[tilespmem:$0x1E180] =	vst v63  }
0x93: {  	_ =	swait.ge [sflag:s29], $0x2800  }
0x94: {  	[sflag:s29] =	ssyncset.done $0x0  }
0x95: {  	s0 =	rddreg [dreg:$0x5];
	[sflag:s29] =	ssyncadd.s32 $0xFFFFD800  }
0x96: {  	[hbm4b:s0+s3] =	stream.linear.scatter [tilespmem:s24], [sflag:$0x3], $0x2800, $0x38;
	[tilespmem:$0x1E180] =	vst v63  }
0x97: {  	_ =	swait.ge [sflag:s25], $0x2800  }
0x98: {  	[sflag:s25] =	ssyncset.done $0x0  }
0x99: {  	[sflag:s25] =	ssyncadd.s32 $0xFFFFD800  }
0x9a: {  	[tilespmem:s24], [sflag:$0x4] =	stream.linear.gather [spmem:s6], $0x2800, $0x38;
	[tilespmem:$0x1E180] =	vst v63  }
0x9b: {  	_ =	swait.ge [sflag:s29], $0x2800  }
0x9c: {  	[sflag:s29] =	ssyncset.done $0x0  }
0x9d: {  	s9 =	rddreg [dreg:$0x6];
	[sflag:s29] =	ssyncadd.s32 $0xFFFFD800  }
0x9e: {  	[hbm4b:s9+s3] =	stream.linear.scatter [tilespmem:s24], [sflag:$0x3], $0x2800, $0x38;
	[tilespmem:$0x1E180] =	vst v63  }
0x9f: {  	_ =	swait.ge [sflag:s25], $0x2800  }
0xa0: {  	[sflag:s25] =	ssyncset.done $0x0  }
0xa1: {  	[sflag:s25] =	ssyncadd.s32 $0xFFFFD800  }
0xa2: {  	[tilespmem:s24], [sflag:$0x4] =	stream.linear.gather [spmem:s15], $0x2800, $0x38;
	[tilespmem:$0x1E180] =	vst v63  }
0xa3: {  	_ =	swait.ge [sflag:s29], $0x2800  }
0xa4: {  	[sflag:s29] =	ssyncset.done $0x0  }
0xa5: {  	s10 =	rddreg [dreg:$0x7];
	[sflag:s29] =	ssyncadd.s32 $0xFFFFD800  }
0xa6: {  	[hbm4b:s10+s3] =	stream.linear.scatter [tilespmem:s24], [sflag:$0x3], $0x2800, $0x38;
	[tilespmem:$0x1E180] =	vst v63  }
0xa7: {  	_ =	swait.ge [sflag:s25], $0x2800  }
0xa8: {  	[sflag:s25] =	ssyncset.done $0x0  }
0xa9: {  	[sflag:s25] =	ssyncadd.s32 $0xFFFFD800  }
0xaa: {  	[tilespmem:s24], [sflag:$0x4] =	stream.linear.gather [spmem:s16], $0x2800, $0x38;
	[tilespmem:$0x1E180] =	vst v63  }
0xab: {  	_ =	swait.ge [sflag:s29], $0x2800  }
0xac: {  	[sflag:s29] =	ssyncset.done $0x0  }
0xad: {  	s22 =	rddreg [dreg:$0x8];
	[sflag:s29] =	ssyncadd.s32 $0xFFFFD800  }
0xae: {  	[hbm4b:s22+s3] =	stream.linear.scatter [tilespmem:s24], [sflag:$0x3], $0x2800, $0x38;
	[tilespmem:$0x1E180] =	vst v63  }
0xaf: {  	_ =	swait.ge [sflag:s25], $0x2800  }
0xb0: {  	[sflag:s25] =	ssyncset.done $0x0  }
0xb1: {  	[sflag:s25] =	ssyncadd.s32 $0xFFFFD800  }
0xb2: {  	[tilespmem:s24], [sflag:$0x4] =	stream.linear.gather [spmem:s17], $0x2800, $0x38;
	[tilespmem:$0x1E180] =	vst v63  }
0xb3: {  	_ =	swait.ge [sflag:s29], $0x2800  }
0xb4: {  	[sflag:s29] =	ssyncset.done $0x0  }
0xb5: {  	[sflag:s29] =	ssyncadd.s32 $0xFFFFD800  }
0xb6: {  	[hbm4b:s11+s3] =	stream.linear.scatter [tilespmem:s24], [sflag:$0x3], $0x2800, $0x38;
	[tilespmem:$0x1E180] =	vst v63  }
0xb7: {  	_ =	swait.ge [sflag:s25], $0x2800  }
0xb8: {  	[sflag:s25] =	ssyncset.done $0x0  }
0xb9: {  	[sflag:s25] =	ssyncadd.s32 $0xFFFFD800  }
0xba: {  	[tilespmem:s24], [sflag:$0x4] =	stream.linear.gather [spmem:s18], $0x2800, $0x38;
	[tilespmem:$0x1E180] =	vst v63  }
0xbb: {  	_ =	swait.ge [sflag:s29], $0x2800  }
0xbc: {  	[sflag:s29] =	ssyncset.done $0x0  }
0xbd: {  	[sflag:s29] =	ssyncadd.s32 $0xFFFFD800  }
0xbe: {  	[hbm4b:s12+s3] =	stream.linear.scatter [tilespmem:s24], [sflag:$0x3], $0x2800, $0x38;
	[tilespmem:$0x1E180] =	vst v63  }
0xbf: {  	_ =	swait.ge [sflag:s25], $0x2800  }
0xc0: {  	[sflag:s25] =	ssyncset.done $0x0  }
0xc1: {  	[sflag:s25] =	ssyncadd.s32 $0xFFFFD800  }
0xc2: {  	[tilespmem:s24], [sflag:$0x4] =	stream.linear.gather [spmem:s19], $0x2800, $0x38;
	[tilespmem:$0x1E180] =	vst v63  }
0xc3: {  	_ =	swait.ge [sflag:s29], $0x2800  }
0xc4: {  	[sflag:s29] =	ssyncset.done $0x0  }
0xc5: {  	[sflag:s29] =	ssyncadd.s32 $0xFFFFD800  }
0xc6: {  	[hbm4b:s13+s3] =	stream.linear.scatter [tilespmem:s24], [sflag:$0x3], $0x2800, $0x38;
	[tilespmem:$0x1E180] =	vst v63  }
0xc7: {  	_ =	swait.ge [sflag:s25], $0x2800  }
0xc8: {  	[sflag:s25] =	ssyncset.done $0x0  }
0xc9: {  	s4 =	simm.s32 @!p0 $0x4;
	s0 =	simm.s32 @!p0 $0x8100;
	[sflag:s25] =	ssyncadd.s32 $0xFFFFD800  }
0xca: {  	[tilespmem:s0], [sflag:$0x4] =	stream.linear.gather @!p0 [spmem:s20], $0x2800, $0x38;
	[tilespmem:$0x1E180] =	vst v63  }
0xcb: {  	_ =	swait.ge @!p0 [sflag:s4], $0x2800  }
0xcc: {  	[sflag:s4] =	ssyncset.done @!p0 $0x0  }
0xcd: {  	[sflag:s4] =	ssyncadd.s32 @!p0 $0xFFFFD800;
	s4 =	simm.s32 @!p0 $0x0  }
0xce: {  	[hbm4b:s14+s4] =	stream.linear.scatter @!p0 [tilespmem:s0], [sflag:$0x3], $0x2800, $0x38;
	[tilespmem:$0x1E180] =	vst v63  }
0xcf: {  	s0 =	simm.s32 @!p0 $0x3  }
0xd0: {  	_ =	swait.ge @!p0 [sflag:s0], $0x2800  }
0xd1: {  	s30 =	sadd.s32 $0x1, s30;
	s31 =	rddreg [dreg:$0x4]  }
0xd2: {  	p1 =	sne.s32 s30, s31  }
.Ltmp2:
0xd3: {  	_ = 	snop;
	(pc) =	sbr.rel @p1 .LBB2_1-.Ltmp2, $3  }
0xd4: {  	_ =	sdelay $0x1  }
0xd5: {  	[sflag:s0] =	ssyncset.done @!p0 $0x0  }
0xd6: {  	[sflag:s0] =	ssyncadd.s32 @!p0 $0xFFFFD800  }
0xd7: {  	_ =	sfence.sel $0x180000  }
0xd8: {  	[bflag:$0x0] =	sbarrier.arrive $0xFFFF  }
0xd9: {  	_ =	strace $0x90000053  }
0xda: {  	s0 =	stileid.u32;
	[bflag:$0x2] =	sbarrier.arrive $0xFFFF  }
0xdb: {  	p0 =	sne.s32 s0, $0x0;
	s0 =	rddreg [dreg:$0x3]  }
0xdc: {  	s0 =	sadd.s32 @!p0 $0x100000, s0  }
0xdd: {  	[sflag:s0] =	ssyncadd.tile.s32 @!p0 $0x1;
	_ =	shalt  }
.Lfunc_end2:
_tile_overlayer_lowered:
.L_overlay_start_2:
0xde: {  	(tag) =	ssettag $0x2  }
0xdf: {  	s0 =	rddreg [dreg:$0x0];
	s2 =	stileid.u32  }
0xe0: {  	s1 =	rddreg [dreg:$0x1];
	p0 =	sne.s32 s2, $0x0  }
0xe1: {  	s3 =	rddreg [dreg:$0x2];
	[bflag:$0x3] =	sbarrier.arrive $0xFFFF;
	s2 =	simm.s32 @!p0 $0x1C03  }
0xe2: {  	[timem:s3], [sflag:s2] =	dma.local @!p0 [hbm:s0], s1  }
0xe3: {  	s0 =	simm.s32 @!p0 $0x3  }
0xe4: {  	_ =	swait.ge @!p0 [sflag:s0], s1  }
0xe5: {  	s1 =	ssub.s32 @!p0 $0x0, s1;
	[sflag:s0] =	ssyncset.done @!p0 $0x0  }
0xe6: {  	[sflag:s0] =	ssyncadd.s32 @!p0 s1  }
0xe7: {  	[bflag:$0x3] =	sbarrier.arrive $0xFFFF  }
0xe8: {  	_ =	shalt  }

// kernel: kernel.32.cloned.1.call-start
scs
__scs_entry_jumppad:
0x0: {  	(pc) =	sbr.rel $0x88, $3  }
0x1: {  	(tag) =	ssettag $0x0;
	lr =	simm.s32 $0x1  }
0x2: {  	[smem:$0x3F63] =	sst lr;
	_ =	strace $0xD0000000  }
0x3: {  	_ = 	snop  }
0x4: {  	_ = 	snop  }
0x5: {  	_ = 	snop  }
0x6: {  	_ = 	snop  }
0x7: {  	_ = 	snop  }
__scs_overlays_trampoline_lowered:
0x8: {  	[smem:$0x3F72] =	sst s0  }
0x9: {  	[smem:$0x3F73] =	sst s1  }
0xa: {  	[smem:$0x3F74] =	sst s2  }
0xb: {  	[smem:$0x3F75] =	sst s3  }
0xc: {  	[smem:$0x3F76] =	sst s4  }
0xd: {  	[smem:$0x3F77] =	sst s5  }
0xe: {  	[smem:$0x3F78] =	sst s6  }
0xf: {  	[smem:$0x3F79] =	sst s7  }
0x10: {  	[smem:$0x3F7A] =	sst s8  }
0x11: {  	[smem:$0x3F7B] =	sst s9;
	s0 =	simm.s32 @!p0 $0x0  }
0x12: {  	s1 =	sld [smem:$0x3F61];
	s0 =	simm.s32 @p0 $0x1  }
0x13: {  	[smem:$0x3F7C] =	sst s0;
	s0 =	simm.s32 @!p1 $0x0  }
0x14: {  	s2 =	sld [smem:$0x3F60];
	s0 =	simm.s32 @p1 $0x1  }
0x15: {  	[smem:$0x3F7D] =	sst s0;
	s0 =	simm.s32 @!p2 $0x0  }
0x16: {  	s3 =	sld [smem:$0x3FDB];
	s0 =	simm.s32 @p2 $0x1  }
0x17: {  	s4 =	simm.s32 $0x1BF5;
	[smem:$0x3F7F] =	sst s0  }
0x18: {  	s0 =	sld [smem:$0x3F62];
	_ =	swait.ge [sflag:s4], $0x0  }
0x19: {  	s7 =	sld [smem:$0x3F63]  }
0x1a: {  	s8 =	sadd.s32 $0xFFFFE003, lr  }
0x1b: {  	s9 =	sadd.s32 $0xFFFFFEF7, lr;
	s5 =	simm.s32 $0xFFFFFFFF;
	p2 =	slt.u32 s8, $0xFFFFF086  }
0x1c: {  	p1 =	slt.u32 s9, $0xF7A;
	s5 =	simm.s32 @!p2 $0x0  }
0x1d: {  	s5 =	simm.s32 @p1 $0x1;
	p0 =	seq.s32 s7, s2  }
0x1e: {  	s7 =	smul.u32 @!p0 $0xF7A, s2;
	p2 =	seq.s32 @!p0 s5, $0x0  }
0x1f: {  	s9 =	smul.u32 $0xF7A, s1;
	s8 =	simm.s32 @!p0 $0x1BF5;
	p2 =	por !p2, p0  }
0x20: {  	[sflag:s8] =	ssyncset.s32 @!p0 $0xFFFFF086;
	s6 =	sadd.s32 @!p0 s3, s7;
	s7 =	simm.s32 @!p0 $0x108  }
0x21: {  	s3 =	sadd.s32 s3, s9;
	s6 =	sadd.s32 @!p0 $0x88, s6;
	s7 =	simm.s32 @p2 $0x1082  }
0x22: {  	[simem:s7], [sflag:s8] =	dma.local @!p0 [hbm:s6], $0xF7A  }
0x23: {  	s9 =	sor.u32 $0xD0000000, s2;
	s6 =	simm.s32 $0x108;
	_ =	swait.ge @!p0 [sflag:s8], $0x0  }
0x24: {  	s3 =	sadd.s32 $0x88, s3;
	s6 =	simm.s32 @!p1 $0x1082;
	[sflag:s4] =	ssyncset.s32 $0xFFFFF086  }
0x25: {  	[simem:s6], [sflag:s4] =	dma.local [hbm:s3], $0xF7A  }
0x26: {  	[smem:$0x3F63] =	sst s1;
	(tag) =	ssettag s2;
	_ =	strace s9  }
0x27: {  	s1 =	sld [smem:$0x3F73]  }
0x28: {  	s2 =	sld [smem:$0x3F74]  }
0x29: {  	s4 =	sld [smem:$0x3F76]  }
0x2a: {  	p0 =	seq.s32 s5, $0x0;
	s5 =	sld [smem:$0x3F77]  }
0x2b: {  	s6 =	sld [smem:$0x3F78]  }
0x2c: {  	s7 =	sld [smem:$0x3F79]  }
0x2d: {  	s3 =	simm.s32 $0x108;
	s8 =	sld [smem:$0x3F7A]  }
0x2e: {  	s3 =	simm.s32 @!p0 $0x1082;
	s9 =	sld [smem:$0x3F7B]  }
0x2f: {  	lr =	sadd.s32 s0, s3;
	s0 =	sld [smem:$0x3F72]  }
0x30: {  	s3 =	sld [smem:$0x3F75]  }
0x31: {  	[smem:$0x3F7E] =	sst s10  }
0x32: {  	s10 =	sld [smem:$0x3F7C];
	_ =	sdelay $0x3  }
0x33: {  	p0 =	seq.s32 s10, $0x1;
	s10 =	sld [smem:$0x3F7E];
	_ =	sdelay $0x3  }
0x34: {  	[smem:$0x3F7E] =	sst s10  }
0x35: {  	s10 =	sld [smem:$0x3F7D];
	_ =	sdelay $0x3  }
0x36: {  	p1 =	seq.s32 s10, $0x1;
	s10 =	sld [smem:$0x3F7E];
	_ =	sdelay $0x3  }
0x37: {  	[smem:$0x3F7E] =	sst s10  }
0x38: {  	s10 =	sld [smem:$0x3F7F]  }
0x39: {  	_ = 	snop;
	(pc) =	sbr.ind lr, $3  }
0x3a: {  	_ = 	snop  }
0x3b: {  	_ = 	snop  }
0x3c: {  	p2 =	seq.s32 s10, $0x1;
	s10 =	sld [smem:$0x3F7E]  }
0x3d: {  	_ =	shalt  }
0x3e: {  	_ =	shalt  }
0x3f: {  	_ =	shalt  }
0x40: {  	_ =	shalt  }
0x41: {  	_ =	shalt  }
0x42: {  	_ =	shalt  }
0x43: {  	_ =	shalt  }
0x44: {  	_ =	shalt  }
0x45: {  	_ =	shalt  }
0x46: {  	_ =	shalt  }
0x47: {  	_ =	shalt  }
0x48: {  	_ =	shalt  }
0x49: {  	_ =	shalt  }
0x4a: {  	_ =	shalt  }
0x4b: {  	_ =	shalt  }
0x4c: {  	_ =	shalt  }
0x4d: {  	_ =	shalt  }
0x4e: {  	_ =	shalt  }
0x4f: {  	_ =	shalt  }
0x50: {  	_ =	shalt  }
0x51: {  	_ =	shalt  }
0x52: {  	_ =	shalt  }
0x53: {  	_ =	shalt  }
0x54: {  	_ =	shalt  }
0x55: {  	_ =	shalt  }
0x56: {  	_ =	shalt  }
0x57: {  	_ =	shalt  }
0x58: {  	_ =	shalt  }
0x59: {  	_ =	shalt  }
0x5a: {  	_ =	shalt  }
0x5b: {  	_ =	shalt  }
0x5c: {  	_ =	shalt  }
0x5d: {  	_ =	shalt  }
0x5e: {  	_ =	shalt  }
0x5f: {  	_ =	shalt  }
0x60: {  	_ =	shalt  }
0x61: {  	_ =	shalt  }
0x62: {  	_ =	shalt  }
0x63: {  	_ =	shalt  }
0x64: {  	_ =	shalt  }
0x65: {  	_ =	shalt  }
0x66: {  	_ =	shalt  }
0x67: {  	_ =	shalt  }
0x68: {  	_ =	shalt  }
0x69: {  	_ =	shalt  }
0x6a: {  	_ =	shalt  }
0x6b: {  	_ =	shalt  }
0x6c: {  	_ =	shalt  }
0x6d: {  	_ =	shalt  }
0x6e: {  	_ =	shalt  }
0x6f: {  	_ =	shalt  }
0x70: {  	_ =	shalt  }
0x71: {  	_ =	shalt  }
0x72: {  	_ =	shalt  }
0x73: {  	_ =	shalt  }
0x74: {  	_ =	shalt  }
0x75: {  	_ =	shalt  }
0x76: {  	_ =	shalt  }
0x77: {  	_ =	shalt  }
0x78: {  	_ =	shalt  }
0x79: {  	_ =	shalt  }
0x7a: {  	_ =	shalt  }
0x7b: {  	_ =	shalt  }
0x7c: {  	_ =	shalt  }
0x7d: {  	_ =	shalt  }
0x7e: {  	_ =	shalt  }
0x7f: {  	_ =	shalt  }
0x80: {  	_ =	shalt  }
0x81: {  	_ =	shalt  }
0x82: {  	_ =	shalt  }
0x83: {  	_ =	shalt  }
0x84: {  	_ =	shalt  }
0x85: {  	_ =	shalt  }
0x86: {  	_ =	shalt  }
0x87: {  	_ =	shalt  }
.Lfunc_end0:
.L_simem_size_0:
called_computation.5_lowered:
.L_overlay_start_0:
0x88: {  	s2 =	sld [smem:$0x3FD9]  }
0x89: {  	s3 =	sld [smem:$0x3FFE];
	_ =	sdelay $0x1  }
0x8a: {  	s1 =	srdreg.scid  }
0x8b: {  	s0 =	sand.u32 $0x1, s1  }
0x8c: {  	s17 =	sshll.u32 s0, $0xA;
	s2 =	sadd.s32 s3, s2  }
0x8d: {  	s2 =	sadd.s32 s2, s17  }
0x8e: {  	[smem:$0x3F8A] =	sst s2  }
0x8f: {  	_ = 	snop  }
0x90: {  	(tm) =	ssettm $0x1  }
0x91: {  	s18 =	sld [smem:$0x3FFB];
	_ =	sdelay $0x3  }
0x92: {  	_ =	strace s18  }
0x93: {  	s2 =	sld [smem:$0x3FFC];
	_ =	sdelay $0x3  }
0x94: {  	_ =	strace s2  }
0x95: {  	s2 =	sld [smem:$0x3FFD];
	_ =	sdelay $0x3  }
0x96: {  	_ =	strace s2  }
0x97: {  	_ =	strace $0x8FFFFFFF  }
0x98: {  	s19 =	sld [smem:$0x3FDB];
	_ =	sdelay $0x1  }
0x99: {  	s20 =	simm.s32 $_scs_section_size  }
0x9a: {  	s4 =	simm.s32 $_size__tile_overlayer_lowered;
	s5 =	simm.s32 $_tile_overlayer_lowered  }
0x9b: {  	s6 =	simm.s32 $0x1BFF;
	s21 =	sshll.u32 s5, $0x1;
	s3 =	sadd.s32 s20, s19  }
0x9c: {  	s22 =	simm.s32 $0x0;
	s4 =	sshll.u32 s4, $0x1;
	s5 =	sadd.s32 s21, s3  }
0x9d: {  	[timem:s22], [sflag:s6] =	dma.local [hbm:s5], s4  }
0x9e: {  	_ =	swait.ge [sflag:s6], s4  }
0x9f: {  	s4 =	ssub.s32 $0x0, s4;
	[sflag:s6] =	ssyncset.done $0x0  }
0xa0: {  	[sflag:s6] =	ssyncadd.s32 s4;
	_ =	sdelay $0x1  }
0xa1: {  	s23 =	simm.s32 $0x1B8B  }
0xa2: {  	_ =	swait.ge [sflag:s23], $0x1  }
0xa3: {  	[sflag:s23] =	ssyncset.done $0x0  }
0xa4: {  	[sflag:s23] =	ssyncadd.s32 $0xFFFFFFFF  }
0xa5: {  	s4 =	sld [smem:$0x0]  }
0xa6: {  	s5 =	sand.u32 $0xFFFFFFFE, s1  }
0xa7: {  	p0 =	sne.s32 s1, s5  }
0xa8: {  	s5 =	sshll.u32 @p0 s5, $0xE  }
0xa9: {  	s5 =	sadd.s32 @p0 $0x11B8D, s5;
	s6 =	sshll.u32 @p0 s4, $0x11  }
0xaa: {  	s5 =	sor.u32 @p0 s6, s5  }
0xab: {  	[sflag:s5] =	ssyncadd.remote.s32 @p0 $0x1;
	_ =	sdelay $0x1  }
0xac: {  	s5 =	simm.s32 @p0 $0x1B8D  }
0xad: {  	_ =	swait.eq @p0 [sflag:s5], $0x1  }
0xae: {  	[sflag:s5] =	ssyncadd.s32 @p0 $0xFFFFFFFF  }
0xaf: {  	s6 =	sshll.u32 @!p0 s1, $0xE  }
0xb0: {  	s6 =	sor.u32 @!p0 $0x4000, s6;
	s5 =	simm.s32 @!p0 $0x1B8D  }
0xb1: {  	s4 =	sshll.u32 @!p0 s4, $0x11;
	s6 =	sadd.s32 @!p0 $0x11B8D, s6;
	_ =	swait.eq @!p0 [sflag:s5], $0x1  }
0xb2: {  	s4 =	sor.u32 @!p0 s4, s6;
	[sflag:s5] =	ssyncadd.s32 @!p0 $0xFFFFFFFF  }
0xb3: {  	s25 =	simm.s32 $0x1B8E;
	s24 =	sld [smem:$0x3FFE];
	[sflag:s4] =	ssyncadd.remote.s32 @!p0 $0x1  }
0xb4: {  	s26 =	simm.s32 $execute0_lowered;
	[smem:$0x3FD2] =	sst s25  }
0xb5: {  	s5 =	sshll.u32 s26, $0x1;
	_ =	strace $0x80000055;
	[dreg:$0x1] =	wrdreg $0xFFFFFFFF  }
0xb6: {  	s28 =	simm.s32 $_size_execute0_lowered;
	s3 =	sadd.s32 s3, s5;
	[dreg:$0x0] =	wrdreg $0x0  }
0xb7: {  	s5 =	sshll.u32 s28, $0x1;
	[dreg:$0x2] =	wrdreg s3  }
0xb8: {  	[dreg:$0x3] =	wrdreg s5  }
0xb9: {  	[dreg:$0x4] =	wrdreg $0xC0  }
0xba: {  	_ =	task [dreg:s22], $0x5FFFF  }
0xbb: {  	[dreg:$0x1] =	wrdreg $0xFFFFFFFF  }
0xbc: {  	[dreg:$0x0] =	wrdreg $0x60  }
0xbd: {  	[dreg:$0x2] =	wrdreg s24  }
0xbe: {  	[dreg:$0x3] =	wrdreg $0xA9000  }
0xbf: {  	[dreg:$0x4] =	wrdreg $0xA  }
0xc0: {  	_ =	task.clear_ibuf [dreg:s22], $0x5FFFF;
	_ =	strace $0x90000055  }
0xc1: {  	s29 =	simm.s32 $0xA;
	_ =	strace $0x80000057  }
0xc2: {  	_ =	swait.ge [sflag:s29], $0x1  }
0xc3: {  	[sflag:s29] =	ssyncadd.s32 $0xFFFFFFFF  }
0xc4: {  	_ =	strace $0x90000057  }
0xc5: {  	_ =	sfence  }
0xc6: {  	s30 =	sld [smem:$0x0];
	_ =	sdelay $0x2  }
0xc7: {  	s31 =	sshll.u32 s1, $0xD;
	s1 =	sshrl.u32 s1, $0x2  }
0xc8: {  	s4 =	sand.u32 $0x4000, s31;
	s1 =	sadd.s32 s1, s30  }
0xc9: {  	s0 =	sor.u32 s4, s0;
	s1 =	sshll.u32 s1, $0x11  }
0xca: {  	s0 =	sor.u32 s1, s0  }
0xcb: {  	s0 =	sadd.s32 $0x8F2B, s0  }
0xcc: {  	[sflag:s0] =	ssyncadd.remote.s32 $0x1  }
0xcd: {  	_ =	sfence.sel $0xFFFF  }
0xce: {  	[dreg:$0x0] =	wrdreg $0xFFFFFFFF;
	(pc) =	sbr.abs _section_cstart, $3  }
0xcf: {  	[dreg:$0x1] =	wrdreg $0xFFFFFFFF  }
0xd0: {  	_ =	task.clear_ibuf [dreg:s22], $0x2FFFF;
	_ =	strace $0x9FFFFFFF  }
0xd1: {  	(tm) =	ssettm $0x7FFFFFFF  }
tec
execute0_lowered:
.L_overlay_start_1:
0x0: {  	(tag) =	ssettag $0x1  }
0x1: {  	s0 =	rddreg [dreg:$0x0]  }
0x2: {  	s1 =	srdreg.scid;
	s25 =	stileid.u32  }
0x3: {  	s2 =	rddreg [dreg:$0x1];
	s3 =	simm.s32 $0x0;
	s4 =	smul.u32 $0xA000, s25  }
0x4: {  	s28 =	simm.s32 $0x1;
	s22 =	sand.u32 $0x1, s1;
	s10 =	smul.u32 $0x2800, s25  }
0x5: {  	s29 =	simm.s32 $0x4;
	s5 =	sor.u32 $0x10, s25;
	s1 =	smul.u32 $0x138800, s22  }
0x6: {  	s30 =	simm.s32 $0x0;
	s7 =	sor.u32 $0x20, s25;
	s6 =	smul.u32 $0xA000, s5  }
0x7: {  	[smem:$0x7FF] =	sst s3;
	s9 =	sshll.u32 s25, $0xC;
	s8 =	smul.u32 $0xA000, s7  }
0x8: {  	s24 =	sshll.u32 s25, $0x5;
	s11 =	sor.u32 $0x40, s25;
	s5 =	smul.u32 $0x2800, s5  }
0x9: {  	s14 =	sor.u32 $0x50, s25;
	s19 =	sor.u32 $0x60, s25;
	s7 =	smul.u32 $0x2800, s7  }
0xa: {  	_ =	strace $0x80000056;
	s17 =	sadd.s32 s9, s0;
	s15 =	smul.u32 $0x2800, s11  }
0xb: {  	s18 =	sadd.s32 s24, s0;
	s9 =	sor.u32 $0x30, s25;
	s20 =	smul.u32 $0x2800, s14  }
0xc: {  	s0 =	sadd.s32 $0xB2E00, s0;
	s13 =	ssub.s32 $0x2, s22;
	s26 =	smul.u32 $0x2800, s19  }
0xd: {  	s24 =	sor.u32 $0x70, s25;
	s25 =	sshll.u32 s25, $0x1;
	s12 =	smul.u32 $0x2800, s9  }
0xe: {  	s16 =	sshrl.u32 s13, $0x1;
	s31 =	smul.u32 $0x2800, s24;
	s4 =	sshrl.u32 s4, $0x2  }
0xf: {  	p0 =	sgt.u32 s24, $0x7C;
	s13 =	ssub.s32 s13, s16;
	s10 =	sadd.s32 s1, s10  }
0x10: {  	s21 =	sadd.s32 s1, s5;
	s23 =	sadd.s32 s1, s7;
	s15 =	sadd.s32 s1, s15  }
0x11: {  	s20 =	sadd.s32 s1, s20;
	s16 =	sadd.s32 s1, s26;
	s26 =	smul.u32 $0xA000, s9  }
0x12: {  	s5 =	sadd.s32 s4, s2;
	s6 =	sshrl.u32 s6, $0x2;
	s9 =	sshrl.u32 s8, $0x2  }
0x13: {  	s4 =	smul.u32 $0xA000, s11;
	s12 =	sadd.s32 s1, s12;
	s1 =	sadd.s32 s1, s31  }
0x14: {  	s31 =	smax.u32 s13, $0x1;
	s6 =	sadd.s32 s6, s2;
	s7 =	sadd.s32 s9, s2  }
0x15: {  	s15 =	sshrl.u32 s15, $0x3;
	[dreg:$0x3] =	wrdreg s31;
	s13 =	sshrl.u32 s26, $0x2  }
0x16: {  	s26 =	smul.u32 $0xA000, s14;
	s14 =	sshrl.u32 s10, $0x3;
	s31 =	sshrl.u32 s21, $0x3  }
0x17: {  	s12 =	sshrl.u32 s12, $0x3;
	s1 =	sshrl.u32 s1, $0x3;
	s10 =	sshll.u32 s22, $0xB  }
0x18: {  	s4 =	sshrl.u32 s4, $0x2;
	s8 =	sadd.s32 s13, s2;
	s9 =	sadd.s32 s0, s14  }
0x19: {  	s11 =	sadd.s32 s0, s31;
	s13 =	sshrl.u32 s23, $0x3;
	s21 =	sadd.s32 s0, s12  }
0x1a: {  	s23 =	sshrl.u32 s20, $0x3;
	s31 =	sshrl.u32 s16, $0x3;
	s16 =	sadd.s32 s0, s1  }
0x1b: {  	s1 =	sshll.u32 s22, $0x4;
	s12 =	smul.u32 $0xA000, s24;
	[dreg:$0x4] =	wrdreg s9  }
0x1c: {  	s24 =	simm.s32 $0x8100;
	[dreg:$0x5] =	wrdreg s11;
	s14 =	sadd.s32 s0, s13  }
0x1d: {  	[dreg:$0x7] =	wrdreg s21;
	s13 =	sadd.s32 s0, s15;
	s15 =	sadd.s32 s0, s31  }
0x1e: {  	s9 =	smul.u32 $0xA000, s19;
	s11 =	sadd.s32 s10, s17;
	s17 =	sadd.s32 s4, s2  }
0x1f: {  	s21 =	sshrl.u32 s26, $0x2;
	s31 =	sor.u32 s22, s25;
	s25 =	simm.s32 $0x3  }
0x20: {  	[dreg:$0x6] =	wrdreg s14;
	s14 =	sadd.s32 s0, s23;
	s0 =	sadd.s32 s1, s18  }
0x21: {  	s18 =	sadd.s32 s21, s2;
	s26 =	sshrl.u32 s12, $0x2;
	s23 =	sor.u32 $0x20, s31  }
0x22: {  	s1 =	sshrl.u32 s9, $0x2;
	s20 =	sadd.s32 s26, s2;
	s21 =	sadd.s32 $0x11800, s0  }
0x23: {  	v0 =	vimm.f32 $0.0e+00;
	s26 =	simm.s32 $0x80;
	s19 =	sadd.s32 s1, s2;
	s1 =	sadd.s32 $0x1244200, s11  }
.LBB2_1:
0x24: {  	s0 =	simm.s32 $0x70;
	s4 =	simm.s32 $0x3C0  }
.LBB2_2:
0x25: {  	p1 =	sne.s32 s4, $0x9FC0;
	[tilespmem:s0+$0x8100] =	vst v0  }
0x26: {  	[tilespmem:s0+$0x8090] =	vst v0  }
0x27: {  	[tilespmem:s0+$0x80A0] =	vst v0  }
.Ltmp0:
0x28: {  	[tilespmem:s0+$0x80B0] =	vst v0;
	(pc) =	sbr.rel @p1 .LBB2_2-.Ltmp0, $4  }
0x29: {  	[tilespmem:s0+$0x80C0] =	vst v0  }
0x2a: {  	[tilespmem:s0+$0x80D0] =	vst v0  }
0x2b: {  	[tilespmem:s0+$0x80E0] =	vst v0  }
0x2c: {  	[tilespmem:s0+$0x80F0] =	vst v0;
	s0 =	sshra.s32 s4, $0x2;
	s4 =	sadd.s32 $0x200, s4  }
0x2d: {  	[tilespmem:s0+$0x8100] =	vst v0  }
0x2e: {  	[tilespmem:s0+$0x8090] =	vst v0  }
0x2f: {  	[tilespmem:s0+$0x80A0] =	vst v0  }
0x30: {  	[tilespmem:s0+$0x80B0] =	vst v0  }
0x31: {  	[tilespmem:s0+$0x80C0] =	vst v0  }
0x32: {  	[tilespmem:s0+$0x80D0] =	vst v0  }
0x33: {  	[tilespmem:s0+$0x80E0] =	vst v0  }
0x34: {  	[tilespmem:s0+$0x80F0] =	vst v0  }
0x35: {  	[spmem:s5] =	stream.linear.scatter [tilespmem:s24], [sflag:$0x3], $0x2800, $0x38;
	[tilespmem:$0x1E180] =	vst v63  }
0x36: {  	_ =	swait.ge [sflag:s25], $0x2800  }
0x37: {  	[sflag:s25] =	ssyncset.done $0x0  }
0x38: {  	[sflag:s25] =	ssyncadd.s32 $0xFFFFD800  }
0x39: {  	[spmem:s6] =	stream.linear.scatter [tilespmem:s24], [sflag:$0x3], $0x2800, $0x38;
	[tilespmem:$0x1E180] =	vst v63  }
0x3a: {  	_ =	swait.ge [sflag:s25], $0x2800  }
0x3b: {  	[sflag:s25] =	ssyncset.done $0x0  }
0x3c: {  	[sflag:s25] =	ssyncadd.s32 $0xFFFFD800  }
0x3d: {  	[spmem:s7] =	stream.linear.scatter [tilespmem:s24], [sflag:$0x3], $0x2800, $0x38;
	[tilespmem:$0x1E180] =	vst v63  }
0x3e: {  	_ =	swait.ge [sflag:s25], $0x2800  }
0x3f: {  	[sflag:s25] =	ssyncset.done $0x0  }
0x40: {  	[sflag:s25] =	ssyncadd.s32 $0xFFFFD800  }
0x41: {  	[spmem:s8] =	stream.linear.scatter [tilespmem:s24], [sflag:$0x3], $0x2800, $0x38;
	[tilespmem:$0x1E180] =	vst v63  }
0x42: {  	_ =	swait.ge [sflag:s25], $0x2800  }
0x43: {  	[sflag:s25] =	ssyncset.done $0x0  }
0x44: {  	[sflag:s25] =	ssyncadd.s32 $0xFFFFD800  }
0x45: {  	[spmem:s17] =	stream.linear.scatter [tilespmem:s24], [sflag:$0x3], $0x2800, $0x38;
	[tilespmem:$0x1E180] =	vst v63  }
0x46: {  	_ =	swait.ge [sflag:s25], $0x2800  }
0x47: {  	[sflag:s25] =	ssyncset.done $0x0  }
0x48: {  	[sflag:s25] =	ssyncadd.s32 $0xFFFFD800  }
0x49: {  	[spmem:s18] =	stream.linear.scatter [tilespmem:s24], [sflag:$0x3], $0x2800, $0x38;
	[tilespmem:$0x1E180] =	vst v63  }
0x4a: {  	_ =	swait.ge [sflag:s25], $0x2800  }
0x4b: {  	[sflag:s25] =	ssyncset.done $0x0  }
0x4c: {  	[sflag:s25] =	ssyncadd.s32 $0xFFFFD800  }
0x4d: {  	[spmem:s19] =	stream.linear.scatter [tilespmem:s24], [sflag:$0x3], $0x2800, $0x38;
	[tilespmem:$0x1E180] =	vst v63  }
0x4e: {  	_ =	swait.ge [sflag:s25], $0x2800  }
0x4f: {  	[sflag:s25] =	ssyncset.done $0x0  }
0x50: {  	s0 =	simm.s32 @!p0 $0x8100;
	[sflag:s25] =	ssyncadd.s32 $0xFFFFD800  }
0x51: {  	[spmem:s20] =	stream.linear.scatter @!p0 [tilespmem:s0], [sflag:$0x3], $0x2800, $0x38;
	[tilespmem:$0x1E180] =	vst v63  }
0x52: {  	s0 =	simm.s32 @!p0 $0x3  }
0x53: {  	_ =	swait.ge @!p0 [sflag:s0], $0x2800  }
0x54: {  	[sflag:s0] =	ssyncset.done @!p0 $0x0  }
0x55: {  	[sflag:s0] =	ssyncadd.s32 @!p0 $0xFFFFD800  }
0x56: {  	s22 =	sadd.s32 $0x0, s21;
	p1 =	sgt.u32 s23, $0x4E1;
	[bflag:$0x0] =	sbarrier.arrive $0xFFFF  }
0x57: {  	[tilespmem:s3], [sflag:$0x1] =	stream.linear.gather [hbm4b:s22+s3], $0x80, $0x38;
	[tilespmem:$0x1E180] =	vst v63  }
0x58: {  	s0 =	sadd.s32 @!p1 $0x0, s21  }
0x59: {  	[tilespmem:s26], [sflag:$0x1] =	stream.linear.gather [hbm4b:s1+s3], $0x4000, $0x38;
	[tilespmem:$0x1E180] =	vst v63  }
0x5a: {  	s4 =	simm.s32 @!p1 $0x0;
	s0 =	sadd.s32 @!p1 $0x200, s0;
	s22 =	simm.s32 @!p1 $0x4080  }
0x5b: {  	[tilespmem:s22], [sflag:$0x2] =	stream.linear.gather @!p1 [hbm4b:s0+s4], $0x80, $0x38;
	[tilespmem:$0x1E180] =	vst v63  }
0x5c: {  	s31 =	simm.s32 @!p1 $0x4100;
	s0 =	sadd.s32 @!p1 $0x10000, s1  }
0x5d: {  	[tilespmem:s31], [sflag:$0x2] =	stream.linear.gather @!p1 [hbm4b:s0+s4], $0x4000, $0x38;
	[tilespmem:$0x1E180] =	vst v63  }
0x5e: {  	_ =	swait.ge [sflag:s28], $0x80  }
0x5f: {  	[sflag:s28] =	ssyncset.done $0x0  }
0x60: {  	[sflag:s28] =	ssyncadd.s32 $0xFFFFFF80  }
0x61: {  	_ =	swait.ge [sflag:s28], $0x4000  }
0x62: {  	[sflag:s28] =	ssyncset.done $0x0  }
0x63: {  	[sflag:s28] =	ssyncadd.s32 $0xFFFFC000  }
0x64: {  	[spmem:s2] =	stream.indirect.scatter.add.f32 [tilespmem:s26], [sflag:$0x4], $0x80, s3, s26, $0xb8;
	[tilespmem:$0x1E180] =	vst v63  }
0x65: {  	_ =	swait.ge [sflag:s29], $0x4000  }
0x66: {  	[sflag:s29] =	ssyncset.done $0x0  }
0x67: {  	s0 =	simm.s32 @!p1 $0x2;
	[sflag:s29] =	ssyncadd.s32 $0xFFFFC000  }
0x68: {  	_ =	swait.ge @!p1 [sflag:s0], $0x80  }
0x69: {  	[sflag:s0] =	ssyncset.done @!p1 $0x0  }
0x6a: {  	[sflag:s0] =	ssyncadd.s32 @!p1 $0xFFFFFF80  }
0x6b: {  	_ =	swait.ge @!p1 [sflag:s0], $0x4000  }
0x6c: {  	[sflag:s0] =	ssyncset.done @!p1 $0x0  }
0x6d: {  	s4 =	simm.s32 @!p1 $0x80;
	[sflag:s0] =	ssyncadd.s32 @!p1 $0xFFFFC000  }
0x6e: {  	[spmem:s2] =	stream.indirect.scatter.add.f32 @!p1 [tilespmem:s31], [sflag:$0x3], $0x80, s22, s4, $0xb8;
	[tilespmem:$0x1E180] =	vst v63  }
0x6f: {  	s0 =	sadd.s32 $0x40, s23;
	s4 =	simm.s32 @!p1 $0x3  }
0x70: {  	s31 =	simm.s32 $0x400;
	s22 =	smov.u32 s1;
	_ =	swait.ge @!p1 [sflag:s4], $0x4000  }
.LBB2_4:
0x71: {  	[sflag:s4] =	ssyncset.done @!p1 $0x0  }
0x72: {  	s22 =	sadd.s32 $0x20000, s22;
	s9 =	smov.u32 s31;
	s31 =	sadd.s32 $0x400, s31  }
0x73: {  	s10 =	sadd.s32 s9, s21;
	p2 =	sne.s32 s31, $0x5000;
	[sflag:s4] =	ssyncadd.s32 @!p1 $0xFFFFC000  }
0x74: {  	[tilespmem:s3], [sflag:$0x1] =	stream.linear.gather [hbm4b:s10+s3], $0x80, $0x38;
	[tilespmem:$0x1E180] =	vst v63  }
0x75: {  	p1 =	sgt.u32 s0, $0x4E1  }
0x76: {  	[tilespmem:s26], [sflag:$0x1] =	stream.linear.gather [hbm4b:s22+s3], $0x4000, $0x38;
	[tilespmem:$0x1E180] =	vst v63  }
0x77: {  	s4 =	sadd.s32 @!p1 s9, s21;
	s9 =	simm.s32 @!p1 $0x0;
	s10 =	simm.s32 @!p1 $0x4080  }
0x78: {  	s11 =	sadd.s32 @!p1 $0x10000, s22;
	s12 =	simm.s32 @!p1 $0x4100;
	s4 =	sadd.s32 @!p1 $0x200, s4  }
0x79: {  	[tilespmem:s10], [sflag:$0x2] =	stream.linear.gather @!p1 [hbm4b:s4+s9], $0x80, $0x38;
	[tilespmem:$0x1E180] =	vst v63  }
0x7a: {  	_ = 	snop  }
0x7b: {  	[tilespmem:s12], [sflag:$0x2] =	stream.linear.gather @!p1 [hbm4b:s11+s9], $0x4000, $0x38;
	[tilespmem:$0x1E180] =	vst v63  }
0x7c: {  	_ =	swait.ge [sflag:s28], $0x80  }
0x7d: {  	[sflag:s28] =	ssyncset.done $0x0  }
0x7e: {  	[sflag:s28] =	ssyncadd.s32 $0xFFFFFF80  }
0x7f: {  	_ =	swait.ge [sflag:s28], $0x4000  }
0x80: {  	[sflag:s28] =	ssyncset.done $0x0  }
0x81: {  	[sflag:s28] =	ssyncadd.s32 $0xFFFFC000  }
0x82: {  	[spmem:s2] =	stream.indirect.scatter.add.f32 [tilespmem:s26], [sflag:$0x4], $0x80, s3, s26, $0xb8;
	[tilespmem:$0x1E180] =	vst v63  }
0x83: {  	_ =	swait.ge [sflag:s29], $0x4000  }
0x84: {  	s4 =	simm.s32 @!p1 $0x2;
	[sflag:s29] =	ssyncset.done $0x0  }
0x85: {  	[sflag:s29] =	ssyncadd.s32 $0xFFFFC000  }
0x86: {  	_ =	swait.ge @!p1 [sflag:s4], $0x80  }
0x87: {  	[sflag:s4] =	ssyncset.done @!p1 $0x0  }
0x88: {  	[sflag:s4] =	ssyncadd.s32 @!p1 $0xFFFFFF80  }
.Ltmp1:
0x89: {  	_ =	swait.ge @!p1 [sflag:s4], $0x4000;
	(pc) =	sbr.rel @p2 .LBB2_4-.Ltmp1, $4  }
0x8a: {  	s9 =	simm.s32 @!p1 $0x80;
	[sflag:s4] =	ssyncset.done @!p1 $0x0  }
0x8b: {  	[sflag:s4] =	ssyncadd.s32 @!p1 $0xFFFFC000;
	s4 =	simm.s32 @!p1 $0x3  }
0x8c: {  	[spmem:s2] =	stream.indirect.scatter.add.f32 @!p1 [tilespmem:s12], [sflag:$0x3], $0x80, s10, s9, $0xb8;
	[tilespmem:$0x1E180] =	vst v63  }
0x8d: {  	s0 =	sadd.s32 $0x40, s0;
	_ =	swait.ge @!p1 [sflag:s4], $0x4000  }
0x8e: {  	[sflag:s4] =	ssyncset.done @!p1 $0x0  }
0x8f: {  	[sflag:s4] =	ssyncadd.s32 @!p1 $0xFFFFC000  }
0x90: {  	[bflag:$0x0] =	sbarrier.arrive $0xFFFF  }
0x91: {  	[tilespmem:s24], [sflag:$0x4] =	stream.linear.gather [spmem:s5], $0x2800, $0x38;
	[tilespmem:$0x1E180] =	vst v63  }
0x92: {  	_ =	swait.ge [sflag:s29], $0x2800  }
0x93: {  	[sflag:s29] =	ssyncset.done $0x0  }
0x94: {  	s0 =	rddreg [dreg:$0x4];
	[sflag:s29] =	ssyncadd.s32 $0xFFFFD800  }
0x95: {  	[hbm4b:s0+s3] =	stream.linear.scatter [tilespmem:s24], [sflag:$0x3], $0x2800, $0x38;
	[tilespmem:$0x1E180] =	vst v63  }
0x96: {  	_ =	swait.ge [sflag:s25], $0x2800  }
0x97: {  	[sflag:s25] =	ssyncset.done $0x0  }
0x98: {  	[sflag:s25] =	ssyncadd.s32 $0xFFFFD800  }
0x99: {  	[tilespmem:s24], [sflag:$0x4] =	stream.linear.gather [spmem:s6], $0x2800, $0x38;
	[tilespmem:$0x1E180] =	vst v63  }
0x9a: {  	_ =	swait.ge [sflag:s29], $0x2800  }
0x9b: {  	[sflag:s29] =	ssyncset.done $0x0  }
0x9c: {  	s11 =	rddreg [dreg:$0x5];
	[sflag:s29] =	ssyncadd.s32 $0xFFFFD800  }
0x9d: {  	[hbm4b:s11+s3] =	stream.linear.scatter [tilespmem:s24], [sflag:$0x3], $0x2800, $0x38;
	[tilespmem:$0x1E180] =	vst v63  }
0x9e: {  	_ =	swait.ge [sflag:s25], $0x2800  }
0x9f: {  	[sflag:s25] =	ssyncset.done $0x0  }
0xa0: {  	[sflag:s25] =	ssyncadd.s32 $0xFFFFD800  }
0xa1: {  	[tilespmem:s24], [sflag:$0x4] =	stream.linear.gather [spmem:s7], $0x2800, $0x38;
	[tilespmem:$0x1E180] =	vst v63  }
0xa2: {  	_ =	swait.ge [sflag:s29], $0x2800  }
0xa3: {  	[sflag:s29] =	ssyncset.done $0x0  }
0xa4: {  	s12 =	rddreg [dreg:$0x6];
	[sflag:s29] =	ssyncadd.s32 $0xFFFFD800  }
0xa5: {  	[hbm4b:s12+s3] =	stream.linear.scatter [tilespmem:s24], [sflag:$0x3], $0x2800, $0x38;
	[tilespmem:$0x1E180] =	vst v63  }
0xa6: {  	_ =	swait.ge [sflag:s25], $0x2800  }
0xa7: {  	[sflag:s25] =	ssyncset.done $0x0  }
0xa8: {  	[sflag:s25] =	ssyncadd.s32 $0xFFFFD800  }
0xa9: {  	[tilespmem:s24], [sflag:$0x4] =	stream.linear.gather [spmem:s8], $0x2800, $0x38;
	[tilespmem:$0x1E180] =	vst v63  }
0xaa: {  	_ =	swait.ge [sflag:s29], $0x2800  }
0xab: {  	[sflag:s29] =	ssyncset.done $0x0  }
0xac: {  	s22 =	rddreg [dreg:$0x7];
	[sflag:s29] =	ssyncadd.s32 $0xFFFFD800  }
0xad: {  	[hbm4b:s22+s3] =	stream.linear.scatter [tilespmem:s24], [sflag:$0x3], $0x2800, $0x38;
	[tilespmem:$0x1E180] =	vst v63  }
0xae: {  	_ =	swait.ge [sflag:s25], $0x2800  }
0xaf: {  	[sflag:s25] =	ssyncset.done $0x0  }
0xb0: {  	[sflag:s25] =	ssyncadd.s32 $0xFFFFD800  }
0xb1: {  	[tilespmem:s24], [sflag:$0x4] =	stream.linear.gather [spmem:s17], $0x2800, $0x38;
	[tilespmem:$0x1E180] =	vst v63  }
0xb2: {  	_ =	swait.ge [sflag:s29], $0x2800  }
0xb3: {  	[sflag:s29] =	ssyncset.done $0x0  }
0xb4: {  	[sflag:s29] =	ssyncadd.s32 $0xFFFFD800  }
0xb5: {  	[hbm4b:s13+s3] =	stream.linear.scatter [tilespmem:s24], [sflag:$0x3], $0x2800, $0x38;
	[tilespmem:$0x1E180] =	vst v63  }
0xb6: {  	_ =	swait.ge [sflag:s25], $0x2800  }
0xb7: {  	[sflag:s25] =	ssyncset.done $0x0  }
0xb8: {  	[sflag:s25] =	ssyncadd.s32 $0xFFFFD800  }
0xb9: {  	[tilespmem:s24], [sflag:$0x4] =	stream.linear.gather [spmem:s18], $0x2800, $0x38;
	[tilespmem:$0x1E180] =	vst v63  }
0xba: {  	_ =	swait.ge [sflag:s29], $0x2800  }
0xbb: {  	[sflag:s29] =	ssyncset.done $0x0  }
0xbc: {  	[sflag:s29] =	ssyncadd.s32 $0xFFFFD800  }
0xbd: {  	[hbm4b:s14+s3] =	stream.linear.scatter [tilespmem:s24], [sflag:$0x3], $0x2800, $0x38;
	[tilespmem:$0x1E180] =	vst v63  }
0xbe: {  	_ =	swait.ge [sflag:s25], $0x2800  }
0xbf: {  	[sflag:s25] =	ssyncset.done $0x0  }
0xc0: {  	[sflag:s25] =	ssyncadd.s32 $0xFFFFD800  }
0xc1: {  	[tilespmem:s24], [sflag:$0x4] =	stream.linear.gather [spmem:s19], $0x2800, $0x38;
	[tilespmem:$0x1E180] =	vst v63  }
0xc2: {  	_ =	swait.ge [sflag:s29], $0x2800  }
0xc3: {  	[sflag:s29] =	ssyncset.done $0x0  }
0xc4: {  	[sflag:s29] =	ssyncadd.s32 $0xFFFFD800  }
0xc5: {  	[hbm4b:s15+s3] =	stream.linear.scatter [tilespmem:s24], [sflag:$0x3], $0x2800, $0x38;
	[tilespmem:$0x1E180] =	vst v63  }
0xc6: {  	_ =	swait.ge [sflag:s25], $0x2800  }
0xc7: {  	[sflag:s25] =	ssyncset.done $0x0  }
0xc8: {  	s4 =	simm.s32 @!p0 $0x4;
	s0 =	simm.s32 @!p0 $0x8100;
	[sflag:s25] =	ssyncadd.s32 $0xFFFFD800  }
0xc9: {  	[tilespmem:s0], [sflag:$0x4] =	stream.linear.gather @!p0 [spmem:s20], $0x2800, $0x38;
	[tilespmem:$0x1E180] =	vst v63  }
0xca: {  	_ =	swait.ge @!p0 [sflag:s4], $0x2800  }
0xcb: {  	[sflag:s4] =	ssyncset.done @!p0 $0x0  }
0xcc: {  	[sflag:s4] =	ssyncadd.s32 @!p0 $0xFFFFD800;
	s4 =	simm.s32 @!p0 $0x0  }
0xcd: {  	[hbm4b:s16+s4] =	stream.linear.scatter @!p0 [tilespmem:s0], [sflag:$0x3], $0x2800, $0x38;
	[tilespmem:$0x1E180] =	vst v63  }
0xce: {  	s0 =	simm.s32 @!p0 $0x3  }
0xcf: {  	_ =	swait.ge @!p0 [sflag:s0], $0x2800  }
0xd0: {  	s30 =	sadd.s32 $0x1, s30;
	s31 =	rddreg [dreg:$0x3]  }
0xd1: {  	p1 =	sne.s32 s30, s31  }
.Ltmp2:
0xd2: {  	_ = 	snop;
	(pc) =	sbr.rel @p1 .LBB2_1-.Ltmp2, $3  }
0xd3: {  	_ =	sdelay $0x1  }
0xd4: {  	[sflag:s0] =	ssyncset.done @!p0 $0x0  }
0xd5: {  	[sflag:s0] =	ssyncadd.s32 @!p0 $0xFFFFD800  }
0xd6: {  	_ =	sfence.sel $0x180000  }
0xd7: {  	[bflag:$0x0] =	sbarrier.arrive $0xFFFF  }
0xd8: {  	_ =	strace $0x90000056  }
0xd9: {  	s0 =	stileid.u32;
	[bflag:$0x2] =	sbarrier.arrive $0xFFFF  }
0xda: {  	p0 =	sne.s32 s0, $0x0;
	s0 =	rddreg [dreg:$0x2]  }
0xdb: {  	s0 =	sadd.s32 @!p0 $0x100000, s0  }
0xdc: {  	[sflag:s0] =	ssyncadd.tile.s32 @!p0 $0x1;
	_ =	shalt  }
.Lfunc_end2:
_tile_overlayer_lowered:
.L_overlay_start_2:
0xdd: {  	(tag) =	ssettag $0x2  }
0xde: {  	s0 =	rddreg [dreg:$0x0];
	s2 =	stileid.u32  }
0xdf: {  	s1 =	rddreg [dreg:$0x1];
	p0 =	sne.s32 s2, $0x0  }
0xe0: {  	s3 =	rddreg [dreg:$0x2];
	[bflag:$0x3] =	sbarrier.arrive $0xFFFF;
	s2 =	simm.s32 @!p0 $0x1C03  }
0xe1: {  	[timem:s3], [sflag:s2] =	dma.local @!p0 [hbm:s0], s1  }
0xe2: {  	s0 =	simm.s32 @!p0 $0x3  }
0xe3: {  	_ =	swait.ge @!p0 [sflag:s0], s1  }
0xe4: {  	s1 =	ssub.s32 @!p0 $0x0, s1;
	[sflag:s0] =	ssyncset.done @!p0 $0x0  }
0xe5: {  	[sflag:s0] =	ssyncadd.s32 @!p0 s1  }
0xe6: {  	[bflag:$0x3] =	sbarrier.arrive $0xFFFF  }
0xe7: {  	_ =	shalt  }

// kernel: kernel.35.cloned.1.call-start
scs
__scs_entry_jumppad:
0x0: {  	(pc) =	sbr.rel $0x88, $3  }
0x1: {  	(tag) =	ssettag $0x0;
	lr =	simm.s32 $0x1  }
0x2: {  	[smem:$0x3F63] =	sst lr;
	_ =	strace $0xD0000000  }
0x3: {  	_ = 	snop  }
0x4: {  	_ = 	snop  }
0x5: {  	_ = 	snop  }
0x6: {  	_ = 	snop  }
0x7: {  	_ = 	snop  }
__scs_overlays_trampoline_lowered:
0x8: {  	[smem:$0x3F72] =	sst s0  }
0x9: {  	[smem:$0x3F73] =	sst s1  }
0xa: {  	[smem:$0x3F74] =	sst s2  }
0xb: {  	[smem:$0x3F75] =	sst s3  }
0xc: {  	[smem:$0x3F76] =	sst s4  }
0xd: {  	[smem:$0x3F77] =	sst s5  }
0xe: {  	[smem:$0x3F78] =	sst s6  }
0xf: {  	[smem:$0x3F79] =	sst s7  }
0x10: {  	[smem:$0x3F7A] =	sst s8  }
0x11: {  	[smem:$0x3F7B] =	sst s9;
	s0 =	simm.s32 @!p0 $0x0  }
0x12: {  	s1 =	sld [smem:$0x3F61];
	s0 =	simm.s32 @p0 $0x1  }
0x13: {  	[smem:$0x3F7C] =	sst s0;
	s0 =	simm.s32 @!p1 $0x0  }
0x14: {  	s2 =	sld [smem:$0x3F60];
	s0 =	simm.s32 @p1 $0x1  }
0x15: {  	[smem:$0x3F7D] =	sst s0;
	s0 =	simm.s32 @!p2 $0x0  }
0x16: {  	s3 =	sld [smem:$0x3FDB];
	s0 =	simm.s32 @p2 $0x1  }
0x17: {  	s4 =	simm.s32 $0x1BF5;
	[smem:$0x3F7F] =	sst s0  }
0x18: {  	s0 =	sld [smem:$0x3F62];
	_ =	swait.ge [sflag:s4], $0x0  }
0x19: {  	s7 =	sld [smem:$0x3F63]  }
0x1a: {  	s8 =	sadd.s32 $0xFFFFE003, lr  }
0x1b: {  	s9 =	sadd.s32 $0xFFFFFEF7, lr;
	s5 =	simm.s32 $0xFFFFFFFF;
	p2 =	slt.u32 s8, $0xFFFFF086  }
0x1c: {  	p1 =	slt.u32 s9, $0xF7A;
	s5 =	simm.s32 @!p2 $0x0  }
0x1d: {  	s5 =	simm.s32 @p1 $0x1;
	p0 =	seq.s32 s7, s2  }
0x1e: {  	s7 =	smul.u32 @!p0 $0xF7A, s2;
	p2 =	seq.s32 @!p0 s5, $0x0  }
0x1f: {  	s9 =	smul.u32 $0xF7A, s1;
	s8 =	simm.s32 @!p0 $0x1BF5;
	p2 =	por !p2, p0  }
0x20: {  	[sflag:s8] =	ssyncset.s32 @!p0 $0xFFFFF086;
	s6 =	sadd.s32 @!p0 s3, s7;
	s7 =	simm.s32 @!p0 $0x108  }
0x21: {  	s3 =	sadd.s32 s3, s9;
	s6 =	sadd.s32 @!p0 $0x88, s6;
	s7 =	simm.s32 @p2 $0x1082  }
0x22: {  	[simem:s7], [sflag:s8] =	dma.local @!p0 [hbm:s6], $0xF7A  }
0x23: {  	s9 =	sor.u32 $0xD0000000, s2;
	s6 =	simm.s32 $0x108;
	_ =	swait.ge @!p0 [sflag:s8], $0x0  }
0x24: {  	s3 =	sadd.s32 $0x88, s3;
	s6 =	simm.s32 @!p1 $0x1082;
	[sflag:s4] =	ssyncset.s32 $0xFFFFF086  }
0x25: {  	[simem:s6], [sflag:s4] =	dma.local [hbm:s3], $0xF7A  }
0x26: {  	[smem:$0x3F63] =	sst s1;
	(tag) =	ssettag s2;
	_ =	strace s9  }
0x27: {  	s1 =	sld [smem:$0x3F73]  }
0x28: {  	s2 =	sld [smem:$0x3F74]  }
0x29: {  	s4 =	sld [smem:$0x3F76]  }
0x2a: {  	p0 =	seq.s32 s5, $0x0;
	s5 =	sld [smem:$0x3F77]  }
0x2b: {  	s6 =	sld [smem:$0x3F78]  }
0x2c: {  	s7 =	sld [smem:$0x3F79]  }
0x2d: {  	s3 =	simm.s32 $0x108;
	s8 =	sld [smem:$0x3F7A]  }
0x2e: {  	s3 =	simm.s32 @!p0 $0x1082;
	s9 =	sld [smem:$0x3F7B]  }
0x2f: {  	lr =	sadd.s32 s0, s3;
	s0 =	sld [smem:$0x3F72]  }
0x30: {  	s3 =	sld [smem:$0x3F75]  }
0x31: {  	[smem:$0x3F7E] =	sst s10  }
0x32: {  	s10 =	sld [smem:$0x3F7C];
	_ =	sdelay $0x3  }
0x33: {  	p0 =	seq.s32 s10, $0x1;
	s10 =	sld [smem:$0x3F7E];
	_ =	sdelay $0x3  }
0x34: {  	[smem:$0x3F7E] =	sst s10  }
0x35: {  	s10 =	sld [smem:$0x3F7D];
	_ =	sdelay $0x3  }
0x36: {  	p1 =	seq.s32 s10, $0x1;
	s10 =	sld [smem:$0x3F7E];
	_ =	sdelay $0x3  }
0x37: {  	[smem:$0x3F7E] =	sst s10  }
0x38: {  	s10 =	sld [smem:$0x3F7F]  }
0x39: {  	_ = 	snop;
	(pc) =	sbr.ind lr, $3  }
0x3a: {  	_ = 	snop  }
0x3b: {  	_ = 	snop  }
0x3c: {  	p2 =	seq.s32 s10, $0x1;
	s10 =	sld [smem:$0x3F7E]  }
0x3d: {  	_ =	shalt  }
0x3e: {  	_ =	shalt  }
0x3f: {  	_ =	shalt  }
0x40: {  	_ =	shalt  }
0x41: {  	_ =	shalt  }
0x42: {  	_ =	shalt  }
0x43: {  	_ =	shalt  }
0x44: {  	_ =	shalt  }
0x45: {  	_ =	shalt  }
0x46: {  	_ =	shalt  }
0x47: {  	_ =	shalt  }
0x48: {  	_ =	shalt  }
0x49: {  	_ =	shalt  }
0x4a: {  	_ =	shalt  }
0x4b: {  	_ =	shalt  }
0x4c: {  	_ =	shalt  }
0x4d: {  	_ =	shalt  }
0x4e: {  	_ =	shalt  }
0x4f: {  	_ =	shalt  }
0x50: {  	_ =	shalt  }
0x51: {  	_ =	shalt  }
0x52: {  	_ =	shalt  }
0x53: {  	_ =	shalt  }
0x54: {  	_ =	shalt  }
0x55: {  	_ =	shalt  }
0x56: {  	_ =	shalt  }
0x57: {  	_ =	shalt  }
0x58: {  	_ =	shalt  }
0x59: {  	_ =	shalt  }
0x5a: {  	_ =	shalt  }
0x5b: {  	_ =	shalt  }
0x5c: {  	_ =	shalt  }
0x5d: {  	_ =	shalt  }
0x5e: {  	_ =	shalt  }
0x5f: {  	_ =	shalt  }
0x60: {  	_ =	shalt  }
0x61: {  	_ =	shalt  }
0x62: {  	_ =	shalt  }
0x63: {  	_ =	shalt  }
0x64: {  	_ =	shalt  }
0x65: {  	_ =	shalt  }
0x66: {  	_ =	shalt  }
0x67: {  	_ =	shalt  }
0x68: {  	_ =	shalt  }
0x69: {  	_ =	shalt  }
0x6a: {  	_ =	shalt  }
0x6b: {  	_ =	shalt  }
0x6c: {  	_ =	shalt  }
0x6d: {  	_ =	shalt  }
0x6e: {  	_ =	shalt  }
0x6f: {  	_ =	shalt  }
0x70: {  	_ =	shalt  }
0x71: {  	_ =	shalt  }
0x72: {  	_ =	shalt  }
0x73: {  	_ =	shalt  }
0x74: {  	_ =	shalt  }
0x75: {  	_ =	shalt  }
0x76: {  	_ =	shalt  }
0x77: {  	_ =	shalt  }
0x78: {  	_ =	shalt  }
0x79: {  	_ =	shalt  }
0x7a: {  	_ =	shalt  }
0x7b: {  	_ =	shalt  }
0x7c: {  	_ =	shalt  }
0x7d: {  	_ =	shalt  }
0x7e: {  	_ =	shalt  }
0x7f: {  	_ =	shalt  }
0x80: {  	_ =	shalt  }
0x81: {  	_ =	shalt  }
0x82: {  	_ =	shalt  }
0x83: {  	_ =	shalt  }
0x84: {  	_ =	shalt  }
0x85: {  	_ =	shalt  }
0x86: {  	_ =	shalt  }
0x87: {  	_ =	shalt  }
.Lfunc_end0:
.L_simem_size_0:
called_computation.6_lowered:
.L_overlay_start_0:
0x88: {  	s2 =	sld [smem:$0x3FD9]  }
0x89: {  	s3 =	sld [smem:$0x3FFE];
	_ =	sdelay $0x1  }
0x8a: {  	s1 =	srdreg.scid  }
0x8b: {  	s0 =	sand.u32 $0x1, s1  }
0x8c: {  	s14 =	sshll.u32 s0, $0xA;
	s2 =	sadd.s32 s3, s2  }
0x8d: {  	s2 =	sadd.s32 s2, s14  }
0x8e: {  	[smem:$0x3F8A] =	sst s2  }
0x8f: {  	_ = 	snop  }
0x90: {  	s2 =	sld [smem:$0x3FD0];
	_ =	sdelay $0x2  }
0x91: {  	s15 =	simm.s32 $0xB;
	s4 =	simm.s32 $0x10  }
0x92: {  	[smem:s4], [sflag:s15] =	dma.local [hbm:s2], $0x1  }
0x93: {  	_ =	swait.eq [sflag:s15], $0x1  }
0x94: {  	[sflag:s15] =	ssyncset.done $0x0  }
0x95: {  	[sflag:s15] =	ssyncadd.s32 $0xFFFFFFFF  }
0x96: {  	s16 =	sld [smem:$0x11];
	(tm) =	ssettm $0x1  }
0x97: {  	s17 =	sld [smem:$0x3FFB];
	_ =	sdelay $0x3  }
0x98: {  	_ =	strace s17  }
0x99: {  	s3 =	sld [smem:$0x3FFC];
	_ =	sdelay $0x3  }
0x9a: {  	_ =	strace s3  }
0x9b: {  	s3 =	sld [smem:$0x3FFD];
	_ =	sdelay $0x3  }
0x9c: {  	_ =	strace s3  }
0x9d: {  	_ =	strace $0x8FFFFFFF  }
0x9e: {  	s18 =	sld [smem:$0x3FDB];
	_ =	sdelay $0x1  }
0x9f: {  	s19 =	simm.s32 $_scs_section_size  }
0xa0: {  	s5 =	simm.s32 $_size__tile_overlayer_lowered;
	s6 =	simm.s32 $_tile_overlayer_lowered  }
0xa1: {  	s22 =	simm.s32 $0x1BFF;
	s21 =	sshll.u32 s6, $0x1;
	s3 =	sadd.s32 s19, s18  }
0xa2: {  	s7 =	simm.s32 $0x0;
	s20 =	sshll.u32 s5, $0x1;
	s5 =	sadd.s32 s21, s3  }
0xa3: {  	[timem:s7], [sflag:s22] =	dma.local [hbm:s5], s20  }
0xa4: {  	_ =	swait.ge [sflag:s22], s20  }
0xa5: {  	s4 =	ssub.s32 $0x0, s20;
	[sflag:s22] =	ssyncset.done $0x0  }
0xa6: {  	[sflag:s22] =	ssyncadd.s32 s4;
	_ =	sdelay $0x1  }
0xa7: {  	s23 =	simm.s32 $0x1B8B  }
0xa8: {  	_ =	swait.ge [sflag:s23], $0x1  }
0xa9: {  	[sflag:s23] =	ssyncset.done $0x0  }
0xaa: {  	s25 =	simm.s32 $0x1B8E;
	s24 =	sld [smem:$0x3FFE];
	[sflag:s23] =	ssyncadd.s32 $0xFFFFFFFF  }
0xab: {  	s26 =	simm.s32 $execute0_lowered;
	[smem:$0x3FD2] =	sst s25  }
0xac: {  	s5 =	sshll.u32 s26, $0x1;
	_ =	strace $0x80000058;
	[dreg:$0x1] =	wrdreg $0xFFFFFFFF  }
0xad: {  	s28 =	simm.s32 $_size_execute0_lowered;
	s3 =	sadd.s32 s3, s5;
	[dreg:$0x0] =	wrdreg $0x0  }
0xae: {  	s5 =	sshll.u32 s28, $0x1;
	[dreg:$0x2] =	wrdreg s3  }
0xaf: {  	[dreg:$0x3] =	wrdreg s5  }
0xb0: {  	[dreg:$0x4] =	wrdreg $0xC0  }
0xb1: {  	_ =	task [dreg:s7], $0x5FFFF  }
0xb2: {  	[dreg:$0x1] =	wrdreg $0xFFFFFFFF  }
0xb3: {  	[dreg:$0x0] =	wrdreg $0x60  }
0xb4: {  	[dreg:$0x2] =	wrdreg s16  }
0xb5: {  	[dreg:$0x3] =	wrdreg s24  }
0xb6: {  	[dreg:$0x4] =	wrdreg $0x9  }
0xb7: {  	_ =	task.clear_ibuf [dreg:s7], $0x5FFFF;
	_ =	strace $0x90000058  }
0xb8: {  	s29 =	simm.s32 $0x9;
	_ =	strace $0x8000005A  }
0xb9: {  	_ =	swait.ge [sflag:s29], $0x1  }
0xba: {  	[sflag:s29] =	ssyncadd.s32 $0xFFFFFFFF  }
0xbb: {  	_ =	strace $0x9000005A  }
0xbc: {  	_ =	sfence  }
0xbd: {  	s30 =	sld [smem:$0x0];
	_ =	sdelay $0x2  }
0xbe: {  	s31 =	sshll.u32 s1, $0xD;
	s1 =	sshrl.u32 s1, $0x2  }
0xbf: {  	s3 =	sand.u32 $0x4000, s31;
	s1 =	sadd.s32 s1, s30  }
0xc0: {  	s0 =	sor.u32 s3, s0;
	s1 =	sshll.u32 s1, $0x11  }
0xc1: {  	s0 =	sor.u32 s1, s0  }
0xc2: {  	s0 =	sadd.s32 $0x8F2B, s0  }
0xc3: {  	[sflag:s0] =	ssyncadd.remote.s32 $0x1  }
0xc4: {  	_ =	sfence.sel $0xFFFF  }
0xc5: {  	[dreg:$0x0] =	wrdreg $0xFFFFFFFF;
	(pc) =	sbr.abs _section_cstart, $3  }
0xc6: {  	[dreg:$0x1] =	wrdreg $0xFFFFFFFF  }
0xc7: {  	_ =	task.clear_ibuf [dreg:s7], $0x2FFFF;
	_ =	strace $0x9FFFFFFF  }
0xc8: {  	(tm) =	ssettm $0x7FFFFFFF  }
0xc9: {  	_ =	shalt  }
tec
execute0_lowered:
.L_overlay_start_1:
0x0: {  	(tag) =	ssettag $0x1  }
0x1: {  	s1 =	rddreg [dreg:$0x0]  }
0x2: {  	s5 =	rddreg [dreg:$0x1]  }
0x3: {  	s0 =	rddreg [dreg:$0x2]  }
0x4: {  	s3 =	simm.s32 $0x0;
	s4 =	srdreg.scid;
	s2 =	stileid.u32  }
0x5: {  	[smem:$0x7FF] =	sst s3;
	s6 =	sand.u32 $0x1, s4;
	s4 =	sadd.s32 $0x16800, s5  }
0x6: {  	s7 =	sshll.u32 s2, $0x5;
	s9 =	sshll.u32 s2, $0xC;
	_ =	strace $0x80000059  }
0x7: {  	s8 =	ssub.s32 $0x2, s6;
	s7 =	sadd.s32 s7, s5;
	s9 =	sadd.s32 s9, s5  }
0x8: {  	s30 =	sshll.u32 s6, $0x4;
	s5 =	sshll.u32 s2, $0x1;
	s10 =	sshrl.u32 s8, $0x1  }
0x9: {  	s31 =	sshll.u32 s6, $0xB;
	s7 =	sadd.s32 s30, s7;
	s8 =	ssub.s32 s8, s10  }
0xa: {  	s6 =	sadd.s32 $0xC800, s7;
	s7 =	sadd.s32 $0x11800, s7;
	s10 =	sadd.s32 s31, s9  }
0xb: {  	s8 =	smax.u32 s8, $0x1;
	s9 =	sadd.s32 $0x14B5200, s10;
	s10 =	sadd.s32 $0x1244200, s10  }
.LBB2_1:
0xc: {  	p0 =	sgt.u32 s5, $0x4E1  }
0xd: {  	s11 =	sadd.s32 @!p0 $0x0, s7;
	s12 =	simm.s32 @!p0 $0x0  }
0xe: {  	[tilespmem:s12], [sflag:$0x1] =	stream.linear.gather @!p0 [hbm4b:s11+s12], $0x80, $0x38;
	[tilespmem:$0x8100] =	vst v63  }
0xf: {  	s14 =	simm.s32 @!p0 $0x4080;
	s16 =	simm.s32 @!p0 $0x1;
	s11 =	sadd.s32 @!p0 $0x0, s6  }
0x10: {  	[tilespmem:s14], [sflag:$0x2] =	stream.linear.gather @!p0 [hbm4b:s11+s12], $0x80, $0x38;
	[tilespmem:$0x8100] =	vst v63  }
0x11: {  	_ =	swait.ge @!p0 [sflag:s16], $0x80  }
0x12: {  	[sflag:s16] =	ssyncset.done @!p0 $0x0;
	p0 =	por p0, p0  }
0x13: {  	[sflag:s16] =	ssyncadd.s32 @!p0 $0xFFFFFF80;
	s11 =	simm.s32 @!p0 $0x80;
	s13 =	simm.s32 @!p0 $0x2  }
0x14: {  	[tilespmem:s11], [sflag:$0x1] =	stream.indirect.gather @!p0 [hbm4b:s1+s11], $0x80, s12, s11, $0xb8;
	[tilespmem:$0x8100] =	vst v63  }
0x15: {  	_ =	swait.ge @!p0 [sflag:s13], $0x80  }
0x16: {  	[sflag:s13] =	ssyncset.done @!p0 $0x0  }
0x17: {  	s15 =	simm.s32 @!p0 $0x4100;
	[sflag:s13] =	ssyncadd.s32 @!p0 $0xFFFFFF80  }
0x18: {  	[tilespmem:s15], [sflag:$0x2] =	stream.indirect.gather @!p0 [hbm4b:s4+s11], $0x80, s14, s11, $0xb8;
	[tilespmem:$0x8100] =	vst v63  }
0x19: {  	_ =	swait.ge @!p0 [sflag:s16], $0x4000  }
0x1a: {  	[sflag:s16] =	ssyncset.done @!p0 $0x0  }
0x1b: {  	[sflag:s16] =	ssyncadd.s32 @!p0 $0xFFFFC000  }
0x1c: {  	[hbm4b:s10+s12] =	stream.linear.scatter @!p0 [tilespmem:s11], [sflag:$0x1], $0x4000, $0x38;
	[tilespmem:$0x8100] =	vst v63  }
0x1d: {  	_ =	swait.ge @!p0 [sflag:s13], $0x4000  }
0x1e: {  	[sflag:s13] =	ssyncset.done @!p0 $0x0  }
0x1f: {  	[sflag:s13] =	ssyncadd.s32 @!p0 $0xFFFFC000  }
0x20: {  	[hbm4b:s9+s12] =	stream.linear.scatter @!p0 [tilespmem:s15], [sflag:$0x2], $0x4000, $0x38;
	[tilespmem:$0x8100] =	vst v63  }
0x21: {  	_ =	swait.ge @!p0 [sflag:s16], $0x4000  }
0x22: {  	[sflag:s16] =	ssyncset.done @!p0 $0x0  }
0x23: {  	s14 =	simm.s32 $0x400;
	s11 =	sadd.s32 $0x10000, s10;
	[sflag:s16] =	ssyncadd.s32 @!p0 $0xFFFFC000  }
0x24: {  	s15 =	simm.s32 $0x200;
	s16 =	sadd.s32 $0x20, s5;
	_ =	swait.ge @!p0 [sflag:s13], $0x4000  }
0x25: {  	s12 =	sadd.s32 $0x10000, s9;
	p2 =	sgt.u32 s16, $0x4E1;
	[sflag:s13] =	ssyncset.done @!p0 $0x0  }
.LBB2_2:
0x26: {  	s17 =	sadd.s32 @!p2 s15, s7;
	s18 =	simm.s32 @!p2 $0x0;
	[sflag:s13] =	ssyncadd.s32 @!p0 $0xFFFFC000  }
0x27: {  	[tilespmem:s18], [sflag:$0x1] =	stream.linear.gather @!p2 [hbm4b:s17+s18], $0x80, $0x38;
	[tilespmem:$0x8100] =	vst v63  }
0x28: {  	s13 =	sadd.s32 @!p2 s15, s6;
	s19 =	simm.s32 @!p2 $0x1;
	s17 =	simm.s32 @!p2 $0x4080  }
0x29: {  	[tilespmem:s17], [sflag:$0x2] =	stream.linear.gather @!p2 [hbm4b:s13+s18], $0x80, $0x38;
	[tilespmem:$0x8100] =	vst v63  }
0x2a: {  	s15 =	smov.u32 s14;
	s14 =	sadd.s32 $0x200, s14;
	_ =	swait.ge @!p2 [sflag:s19], $0x80  }
0x2b: {  	p0 =	por p2, p2;
	p1 =	sne.s32 s14, $0x5000;
	[sflag:s19] =	ssyncset.done @!p2 $0x0  }
0x2c: {  	s20 =	simm.s32 @!p0 $0x80;
	s13 =	simm.s32 @!p0 $0x2;
	[sflag:s19] =	ssyncadd.s32 @!p0 $0xFFFFFF80  }
0x2d: {  	[tilespmem:s20], [sflag:$0x1] =	stream.indirect.gather @!p0 [hbm4b:s1+s20], $0x80, s18, s20, $0xb8;
	[tilespmem:$0x8100] =	vst v63  }
0x2e: {  	_ =	swait.ge @!p0 [sflag:s13], $0x80  }
0x2f: {  	[sflag:s13] =	ssyncset.done @!p0 $0x0  }
0x30: {  	s21 =	simm.s32 @!p0 $0x4100;
	[sflag:s13] =	ssyncadd.s32 @!p0 $0xFFFFFF80  }
0x31: {  	[tilespmem:s21], [sflag:$0x2] =	stream.indirect.gather @!p0 [hbm4b:s4+s20], $0x80, s17, s20, $0xb8;
	[tilespmem:$0x8100] =	vst v63  }
0x32: {  	_ =	swait.ge @!p0 [sflag:s19], $0x4000  }
0x33: {  	[sflag:s19] =	ssyncset.done @!p0 $0x0  }
0x34: {  	[sflag:s19] =	ssyncadd.s32 @!p0 $0xFFFFC000  }
0x35: {  	[hbm4b:s11+s18] =	stream.linear.scatter @!p0 [tilespmem:s20], [sflag:$0x1], $0x4000, $0x38;
	[tilespmem:$0x8100] =	vst v63  }
0x36: {  	_ =	swait.ge @!p0 [sflag:s13], $0x4000  }
0x37: {  	[sflag:s13] =	ssyncset.done @!p0 $0x0  }
0x38: {  	[sflag:s13] =	ssyncadd.s32 @!p0 $0xFFFFC000  }
0x39: {  	[hbm4b:s12+s18] =	stream.linear.scatter @!p0 [tilespmem:s21], [sflag:$0x2], $0x4000, $0x38;
	[tilespmem:$0x8100] =	vst v63  }
.Ltmp0:
0x3a: {  	_ =	swait.ge @!p0 [sflag:s19], $0x4000;
	(pc) =	sbr.rel @p1 .LBB2_2-.Ltmp0, $4  }
0x3b: {  	[sflag:s19] =	ssyncset.done @!p0 $0x0  }
0x3c: {  	[sflag:s19] =	ssyncadd.s32 @!p0 $0xFFFFC000  }
0x3d: {  	s16 =	sadd.s32 $0x20, s16;
	s11 =	sadd.s32 $0x10000, s11;
	_ =	swait.ge @!p0 [sflag:s13], $0x4000  }
0x3e: {  	p2 =	sgt.u32 s16, $0x4E1;
	s12 =	sadd.s32 $0x10000, s12;
	[sflag:s13] =	ssyncset.done @!p0 $0x0  }
0x3f: {  	s14 =	sadd.s32 @!p2 s15, s7;
	s16 =	simm.s32 @!p2 $0x0;
	[sflag:s13] =	ssyncadd.s32 @!p0 $0xFFFFC000  }
0x40: {  	[tilespmem:s16], [sflag:$0x1] =	stream.linear.gather @!p2 [hbm4b:s14+s16], $0x80, $0x38;
	[tilespmem:$0x8100] =	vst v63  }
0x41: {  	s13 =	sadd.s32 @!p2 s15, s6;
	s15 =	simm.s32 @!p2 $0x1;
	s14 =	simm.s32 @!p2 $0x4080  }
0x42: {  	[tilespmem:s14], [sflag:$0x2] =	stream.linear.gather @!p2 [hbm4b:s13+s16], $0x80, $0x38;
	[tilespmem:$0x8100] =	vst v63  }
0x43: {  	_ =	swait.ge @!p2 [sflag:s15], $0x80  }
0x44: {  	p0 =	por p2, p2;
	[sflag:s15] =	ssyncset.done @!p2 $0x0  }
0x45: {  	s17 =	simm.s32 @!p0 $0x2;
	s13 =	simm.s32 @!p0 $0x80;
	[sflag:s15] =	ssyncadd.s32 @!p0 $0xFFFFFF80  }
0x46: {  	[tilespmem:s13], [sflag:$0x1] =	stream.indirect.gather @!p0 [hbm4b:s1+s13], $0x80, s16, s13, $0xb8;
	[tilespmem:$0x8100] =	vst v63  }
0x47: {  	_ =	swait.ge @!p0 [sflag:s17], $0x80  }
0x48: {  	[sflag:s17] =	ssyncset.done @!p0 $0x0  }
0x49: {  	s18 =	simm.s32 @!p0 $0x4100;
	[sflag:s17] =	ssyncadd.s32 @!p0 $0xFFFFFF80  }
0x4a: {  	[tilespmem:s18], [sflag:$0x2] =	stream.indirect.gather @!p0 [hbm4b:s4+s13], $0x80, s14, s13, $0xb8;
	[tilespmem:$0x8100] =	vst v63  }
0x4b: {  	_ =	swait.ge @!p0 [sflag:s15], $0x4000  }
0x4c: {  	[sflag:s15] =	ssyncset.done @!p0 $0x0  }
0x4d: {  	[sflag:s15] =	ssyncadd.s32 @!p0 $0xFFFFC000  }
0x4e: {  	[hbm4b:s11+s16] =	stream.linear.scatter @!p0 [tilespmem:s13], [sflag:$0x1], $0x4000, $0x38;
	[tilespmem:$0x8100] =	vst v63  }
0x4f: {  	_ =	swait.ge @!p0 [sflag:s17], $0x4000  }
0x50: {  	[sflag:s17] =	ssyncset.done @!p0 $0x0  }
0x51: {  	s3 =	sadd.s32 $0x1, s3;
	[sflag:s17] =	ssyncadd.s32 @!p0 $0xFFFFC000  }
0x52: {  	[hbm4b:s12+s16] =	stream.linear.scatter @!p0 [tilespmem:s18], [sflag:$0x2], $0x4000, $0x38;
	[tilespmem:$0x8100] =	vst v63  }
0x53: {  	p1 =	sne.s32 s3, s8;
	_ =	swait.ge @!p0 [sflag:s15], $0x4000  }
.Ltmp1:
0x54: {  	[sflag:s15] =	ssyncset.done @!p0 $0x0;
	(pc) =	sbr.rel @p1 .LBB2_1-.Ltmp1, $4  }
0x55: {  	[sflag:s15] =	ssyncadd.s32 @!p0 $0xFFFFC000  }
0x56: {  	_ =	swait.ge @!p0 [sflag:s17], $0x4000  }
0x57: {  	[sflag:s17] =	ssyncset.done @!p0 $0x0  }
0x58: {  	[sflag:s17] =	ssyncadd.s32 @!p0 $0xFFFFC000  }
0x59: {  	_ =	sfence.sel $0x180000  }
0x5a: {  	[bflag:$0x0] =	sbarrier.arrive $0xFFFF  }
0x5b: {  	p0 =	sne.s32 s2, $0x0;
	_ =	strace $0x90000059  }
0x5c: {  	s0 =	sadd.s32 @!p0 $0x100000, s0;
	[bflag:$0x2] =	sbarrier.arrive $0xFFFF  }
0x5d: {  	[sflag:s0] =	ssyncadd.tile.s32 @!p0 $0x1;
	_ =	shalt  }
.Lfunc_end2:
_tile_overlayer_lowered:
.L_overlay_start_2:
0x5e: {  	(tag) =	ssettag $0x2  }
0x5f: {  	s0 =	rddreg [dreg:$0x0];
	s2 =	stileid.u32  }
0x60: {  	s1 =	rddreg [dreg:$0x1];
	p0 =	sne.s32 s2, $0x0  }
0x61: {  	s3 =	rddreg [dreg:$0x2];
	[bflag:$0x3] =	sbarrier.arrive $0xFFFF;
	s2 =	simm.s32 @!p0 $0x1C03  }
0x62: {  	[timem:s3], [sflag:s2] =	dma.local @!p0 [hbm:s0], s1  }
0x63: {  	s0 =	simm.s32 @!p0 $0x3  }
0x64: {  	_ =	swait.ge @!p0 [sflag:s0], s1  }
0x65: {  	s1 =	ssub.s32 @!p0 $0x0, s1;
	[sflag:s0] =	ssyncset.done @!p0 $0x0  }
0x66: {  	[sflag:s0] =	ssyncadd.s32 @!p0 s1  }
0x67: {  	[bflag:$0x3] =	sbarrier.arrive $0xFFFF  }
0x68: {  	_ =	shalt  }

// kernel: kernel.38.cloned.1.call-start
scs
__scs_entry_jumppad:
0x0: {  	(pc) =	sbr.rel $0x88, $3  }
0x1: {  	(tag) =	ssettag $0x0;
	lr =	simm.s32 $0x1  }
0x2: {  	[smem:$0x3F63] =	sst lr;
	_ =	strace $0xD0000000  }
0x3: {  	_ = 	snop  }
0x4: {  	_ = 	snop  }
0x5: {  	_ = 	snop  }
0x6: {  	_ = 	snop  }
0x7: {  	_ = 	snop  }
__scs_overlays_trampoline_lowered:
0x8: {  	[smem:$0x3F72] =	sst s0  }
0x9: {  	[smem:$0x3F73] =	sst s1  }
0xa: {  	[smem:$0x3F74] =	sst s2  }
0xb: {  	[smem:$0x3F75] =	sst s3  }
0xc: {  	[smem:$0x3F76] =	sst s4  }
0xd: {  	[smem:$0x3F77] =	sst s5  }
0xe: {  	[smem:$0x3F78] =	sst s6  }
0xf: {  	[smem:$0x3F79] =	sst s7  }
0x10: {  	[smem:$0x3F7A] =	sst s8  }
0x11: {  	[smem:$0x3F7B] =	sst s9;
	s0 =	simm.s32 @!p0 $0x0  }
0x12: {  	s1 =	sld [smem:$0x3F61];
	s0 =	simm.s32 @p0 $0x1  }
0x13: {  	[smem:$0x3F7C] =	sst s0;
	s0 =	simm.s32 @!p1 $0x0  }
0x14: {  	s2 =	sld [smem:$0x3F60];
	s0 =	simm.s32 @p1 $0x1  }
0x15: {  	[smem:$0x3F7D] =	sst s0;
	s0 =	simm.s32 @!p2 $0x0  }
0x16: {  	s3 =	sld [smem:$0x3FDB];
	s0 =	simm.s32 @p2 $0x1  }
0x17: {  	s4 =	simm.s32 $0x1BF5;
	[smem:$0x3F7F] =	sst s0  }
0x18: {  	s0 =	sld [smem:$0x3F62];
	_ =	swait.ge [sflag:s4], $0x0  }
0x19: {  	s7 =	sld [smem:$0x3F63]  }
0x1a: {  	s8 =	sadd.s32 $0xFFFFE003, lr  }
0x1b: {  	s9 =	sadd.s32 $0xFFFFFEF7, lr;
	s5 =	simm.s32 $0xFFFFFFFF;
	p2 =	slt.u32 s8, $0xFFFFF086  }
0x1c: {  	p1 =	slt.u32 s9, $0xF7A;
	s5 =	simm.s32 @!p2 $0x0  }
0x1d: {  	s5 =	simm.s32 @p1 $0x1;
	p0 =	seq.s32 s7, s2  }
0x1e: {  	s7 =	smul.u32 @!p0 $0xF7A, s2;
	p2 =	seq.s32 @!p0 s5, $0x0  }
0x1f: {  	s9 =	smul.u32 $0xF7A, s1;
	s8 =	simm.s32 @!p0 $0x1BF5;
	p2 =	por !p2, p0  }
0x20: {  	[sflag:s8] =	ssyncset.s32 @!p0 $0xFFFFF086;
	s6 =	sadd.s32 @!p0 s3, s7;
	s7 =	simm.s32 @!p0 $0x108  }
0x21: {  	s3 =	sadd.s32 s3, s9;
	s6 =	sadd.s32 @!p0 $0x88, s6;
	s7 =	simm.s32 @p2 $0x1082  }
0x22: {  	[simem:s7], [sflag:s8] =	dma.local @!p0 [hbm:s6], $0xF7A  }
0x23: {  	s9 =	sor.u32 $0xD0000000, s2;
	s6 =	simm.s32 $0x108;
	_ =	swait.ge @!p0 [sflag:s8], $0x0  }
0x24: {  	s3 =	sadd.s32 $0x88, s3;
	s6 =	simm.s32 @!p1 $0x1082;
	[sflag:s4] =	ssyncset.s32 $0xFFFFF086  }
0x25: {  	[simem:s6], [sflag:s4] =	dma.local [hbm:s3], $0xF7A  }
0x26: {  	[smem:$0x3F63] =	sst s1;
	(tag) =	ssettag s2;
	_ =	strace s9  }
0x27: {  	s1 =	sld [smem:$0x3F73]  }
0x28: {  	s2 =	sld [smem:$0x3F74]  }
0x29: {  	s4 =	sld [smem:$0x3F76]  }
0x2a: {  	p0 =	seq.s32 s5, $0x0;
	s5 =	sld [smem:$0x3F77]  }
0x2b: {  	s6 =	sld [smem:$0x3F78]  }
0x2c: {  	s7 =	sld [smem:$0x3F79]  }
0x2d: {  	s3 =	simm.s32 $0x108;
	s8 =	sld [smem:$0x3F7A]  }
0x2e: {  	s3 =	simm.s32 @!p0 $0x1082;
	s9 =	sld [smem:$0x3F7B]  }
0x2f: {  	lr =	sadd.s32 s0, s3;
	s0 =	sld [smem:$0x3F72]  }
0x30: {  	s3 =	sld [smem:$0x3F75]  }
0x31: {  	[smem:$0x3F7E] =	sst s10  }
0x32: {  	s10 =	sld [smem:$0x3F7C];
	_ =	sdelay $0x3  }
0x33: {  	p0 =	seq.s32 s10, $0x1;
	s10 =	sld [smem:$0x3F7E];
	_ =	sdelay $0x3  }
0x34: {  	[smem:$0x3F7E] =	sst s10  }
0x35: {  	s10 =	sld [smem:$0x3F7D];
	_ =	sdelay $0x3  }
0x36: {  	p1 =	seq.s32 s10, $0x1;
	s10 =	sld [smem:$0x3F7E];
	_ =	sdelay $0x3  }
0x37: {  	[smem:$0x3F7E] =	sst s10  }
0x38: {  	s10 =	sld [smem:$0x3F7F]  }
0x39: {  	_ = 	snop;
	(pc) =	sbr.ind lr, $3  }
0x3a: {  	_ = 	snop  }
0x3b: {  	_ = 	snop  }
0x3c: {  	p2 =	seq.s32 s10, $0x1;
	s10 =	sld [smem:$0x3F7E]  }
0x3d: {  	_ =	shalt  }
0x3e: {  	_ =	shalt  }
0x3f: {  	_ =	shalt  }
0x40: {  	_ =	shalt  }
0x41: {  	_ =	shalt  }
0x42: {  	_ =	shalt  }
0x43: {  	_ =	shalt  }
0x44: {  	_ =	shalt  }
0x45: {  	_ =	shalt  }
0x46: {  	_ =	shalt  }
0x47: {  	_ =	shalt  }
0x48: {  	_ =	shalt  }
0x49: {  	_ =	shalt  }
0x4a: {  	_ =	shalt  }
0x4b: {  	_ =	shalt  }
0x4c: {  	_ =	shalt  }
0x4d: {  	_ =	shalt  }
0x4e: {  	_ =	shalt  }
0x4f: {  	_ =	shalt  }
0x50: {  	_ =	shalt  }
0x51: {  	_ =	shalt  }
0x52: {  	_ =	shalt  }
0x53: {  	_ =	shalt  }
0x54: {  	_ =	shalt  }
0x55: {  	_ =	shalt  }
0x56: {  	_ =	shalt  }
0x57: {  	_ =	shalt  }
0x58: {  	_ =	shalt  }
0x59: {  	_ =	shalt  }
0x5a: {  	_ =	shalt  }
0x5b: {  	_ =	shalt  }
0x5c: {  	_ =	shalt  }
0x5d: {  	_ =	shalt  }
0x5e: {  	_ =	shalt  }
0x5f: {  	_ =	shalt  }
0x60: {  	_ =	shalt  }
0x61: {  	_ =	shalt  }
0x62: {  	_ =	shalt  }
0x63: {  	_ =	shalt  }
0x64: {  	_ =	shalt  }
0x65: {  	_ =	shalt  }
0x66: {  	_ =	shalt  }
0x67: {  	_ =	shalt  }
0x68: {  	_ =	shalt  }
0x69: {  	_ =	shalt  }
0x6a: {  	_ =	shalt  }
0x6b: {  	_ =	shalt  }
0x6c: {  	_ =	shalt  }
0x6d: {  	_ =	shalt  }
0x6e: {  	_ =	shalt  }
0x6f: {  	_ =	shalt  }
0x70: {  	_ =	shalt  }
0x71: {  	_ =	shalt  }
0x72: {  	_ =	shalt  }
0x73: {  	_ =	shalt  }
0x74: {  	_ =	shalt  }
0x75: {  	_ =	shalt  }
0x76: {  	_ =	shalt  }
0x77: {  	_ =	shalt  }
0x78: {  	_ =	shalt  }
0x79: {  	_ =	shalt  }
0x7a: {  	_ =	shalt  }
0x7b: {  	_ =	shalt  }
0x7c: {  	_ =	shalt  }
0x7d: {  	_ =	shalt  }
0x7e: {  	_ =	shalt  }
0x7f: {  	_ =	shalt  }
0x80: {  	_ =	shalt  }
0x81: {  	_ =	shalt  }
0x82: {  	_ =	shalt  }
0x83: {  	_ =	shalt  }
0x84: {  	_ =	shalt  }
0x85: {  	_ =	shalt  }
0x86: {  	_ =	shalt  }
0x87: {  	_ =	shalt  }
.Lfunc_end0:
.L_simem_size_0:
called_computation.7_lowered:
.L_overlay_start_0:
0x88: {  	s2 =	sld [smem:$0x3FD9]  }
0x89: {  	s3 =	sld [smem:$0x3FFE];
	_ =	sdelay $0x1  }
0x8a: {  	s1 =	srdreg.scid  }
0x8b: {  	s0 =	sand.u32 $0x1, s1  }
0x8c: {  	s16 =	sshll.u32 s0, $0xA;
	s2 =	sadd.s32 s3, s2  }
0x8d: {  	s2 =	sadd.s32 s2, s16  }
0x8e: {  	[smem:$0x3F8A] =	sst s2  }
0x8f: {  	_ = 	snop  }
0x90: {  	(tm) =	ssettm $0x1  }
0x91: {  	s17 =	sld [smem:$0x3FFB];
	_ =	sdelay $0x3  }
0x92: {  	_ =	strace s17  }
0x93: {  	s2 =	sld [smem:$0x3FFC];
	_ =	sdelay $0x3  }
0x94: {  	_ =	strace s2  }
0x95: {  	s2 =	sld [smem:$0x3FFD];
	_ =	sdelay $0x3  }
0x96: {  	_ =	strace s2  }
0x97: {  	_ =	strace $0x8FFFFFFF  }
0x98: {  	s18 =	sld [smem:$0x3FDB];
	_ =	sdelay $0x1  }
0x99: {  	s19 =	simm.s32 $_scs_section_size  }
0x9a: {  	s4 =	simm.s32 $_size__tile_overlayer_lowered;
	s5 =	simm.s32 $_tile_overlayer_lowered  }
0x9b: {  	s22 =	simm.s32 $0x1BFF;
	s21 =	sshll.u32 s5, $0x1;
	s2 =	sadd.s32 s19, s18  }
0x9c: {  	s6 =	simm.s32 $0x0;
	s20 =	sshll.u32 s4, $0x1;
	s4 =	sadd.s32 s21, s2  }
0x9d: {  	[timem:s6], [sflag:s22] =	dma.local [hbm:s4], s20  }
0x9e: {  	_ =	swait.ge [sflag:s22], s20  }
0x9f: {  	s3 =	ssub.s32 $0x0, s20;
	[sflag:s22] =	ssyncset.done $0x0  }
0xa0: {  	[sflag:s22] =	ssyncadd.s32 s3;
	_ =	sdelay $0x1  }
0xa1: {  	s23 =	simm.s32 $0x1B8B  }
0xa2: {  	_ =	swait.ge [sflag:s23], $0x1  }
0xa3: {  	[sflag:s23] =	ssyncset.done $0x0  }
0xa4: {  	s25 =	simm.s32 $0x1B8E;
	s24 =	sld [smem:$0x3FFE];
	[sflag:s23] =	ssyncadd.s32 $0xFFFFFFFF  }
0xa5: {  	s26 =	simm.s32 $execute0_lowered;
	[smem:$0x3FD2] =	sst s25  }
0xa6: {  	s4 =	sshll.u32 s26, $0x1;
	_ =	strace $0x8000005B;
	[dreg:$0x1] =	wrdreg $0xFFFFFFFF  }
0xa7: {  	s28 =	simm.s32 $_size_execute0_lowered;
	s2 =	sadd.s32 s2, s4;
	[dreg:$0x0] =	wrdreg $0x0  }
0xa8: {  	s4 =	sshll.u32 s28, $0x1;
	[dreg:$0x2] =	wrdreg s2  }
0xa9: {  	[dreg:$0x3] =	wrdreg s4  }
0xaa: {  	[dreg:$0x4] =	wrdreg $0xC0  }
0xab: {  	_ =	task [dreg:s6], $0x5FFFF  }
0xac: {  	[dreg:$0x1] =	wrdreg $0xFFFFFFFF  }
0xad: {  	[dreg:$0x0] =	wrdreg $0x60  }
0xae: {  	[dreg:$0x2] =	wrdreg s24  }
0xaf: {  	[dreg:$0x3] =	wrdreg $0xA9000  }
0xb0: {  	[dreg:$0x4] =	wrdreg $0x9  }
0xb1: {  	_ =	task.clear_ibuf [dreg:s6], $0x5FFFF;
	_ =	strace $0x9000005B  }
0xb2: {  	s29 =	simm.s32 $0x9;
	_ =	strace $0x8000005D  }
0xb3: {  	_ =	swait.ge [sflag:s29], $0x1  }
0xb4: {  	[sflag:s29] =	ssyncadd.s32 $0xFFFFFFFF  }
0xb5: {  	_ =	strace $0x9000005D  }
0xb6: {  	_ =	sfence  }
0xb7: {  	s30 =	sld [smem:$0x0];
	_ =	sdelay $0x2  }
0xb8: {  	s31 =	sshll.u32 s1, $0xD;
	s1 =	sshrl.u32 s1, $0x2  }
0xb9: {  	s3 =	sand.u32 $0x4000, s31;
	s1 =	sadd.s32 s1, s30  }
0xba: {  	s0 =	sor.u32 s3, s0;
	s1 =	sshll.u32 s1, $0x11  }
0xbb: {  	s0 =	sor.u32 s1, s0  }
0xbc: {  	s0 =	sadd.s32 $0x8F2B, s0  }
0xbd: {  	[sflag:s0] =	ssyncadd.remote.s32 $0x1  }
0xbe: {  	_ =	sfence.sel $0xFFFF  }
0xbf: {  	[dreg:$0x0] =	wrdreg $0xFFFFFFFF;
	(pc) =	sbr.abs _section_cstart, $3  }
0xc0: {  	[dreg:$0x1] =	wrdreg $0xFFFFFFFF  }
0xc1: {  	_ =	task.clear_ibuf [dreg:s6], $0x2FFFF;
	_ =	strace $0x9FFFFFFF  }
0xc2: {  	(tm) =	ssettm $0x7FFFFFFF  }
0xc3: {  	_ =	shalt  }
tec
execute0_lowered:
.L_overlay_start_1:
0x0: {  	(tag) =	ssettag $0x1  }
0x1: {  	s0 =	rddreg [dreg:$0x0]  }
0x2: {  	s1 =	srdreg.scid;
	s25 =	stileid.u32  }
0x3: {  	s2 =	rddreg [dreg:$0x1];
	s3 =	simm.s32 $0x0;
	s4 =	smul.u32 $0xA000, s25  }
0x4: {  	s28 =	simm.s32 $0x1;
	s22 =	sand.u32 $0x1, s1;
	s10 =	smul.u32 $0x2800, s25  }
0x5: {  	s29 =	simm.s32 $0x4;
	s5 =	sor.u32 $0x10, s25;
	s1 =	smul.u32 $0x138800, s22  }
0x6: {  	s30 =	simm.s32 $0x0;
	s7 =	sor.u32 $0x20, s25;
	s6 =	smul.u32 $0xA000, s5  }
0x7: {  	[smem:$0x7FF] =	sst s3;
	s9 =	sshll.u32 s25, $0xC;
	s8 =	smul.u32 $0xA000, s7  }
0x8: {  	s24 =	sshll.u32 s25, $0x5;
	s11 =	sor.u32 $0x40, s25;
	s5 =	smul.u32 $0x2800, s5  }
0x9: {  	s14 =	sor.u32 $0x50, s25;
	s19 =	sor.u32 $0x60, s25;
	s7 =	smul.u32 $0x2800, s7  }
0xa: {  	_ =	strace $0x8000005C;
	s17 =	sadd.s32 s9, s0;
	s15 =	smul.u32 $0x2800, s11  }
0xb: {  	s18 =	sadd.s32 s24, s0;
	s9 =	sor.u32 $0x30, s25;
	s20 =	smul.u32 $0x2800, s14  }
0xc: {  	s0 =	sadd.s32 $0x64C00, s0;
	s13 =	ssub.s32 $0x2, s22;
	s26 =	smul.u32 $0x2800, s19  }
0xd: {  	s24 =	sor.u32 $0x70, s25;
	s25 =	sshll.u32 s25, $0x1;
	s12 =	smul.u32 $0x2800, s9  }
0xe: {  	s16 =	sshrl.u32 s13, $0x1;
	s31 =	smul.u32 $0x2800, s24;
	s4 =	sshrl.u32 s4, $0x2  }
0xf: {  	p0 =	sgt.u32 s24, $0x7C;
	s13 =	ssub.s32 s13, s16;
	s10 =	sadd.s32 s1, s10  }
0x10: {  	s21 =	sadd.s32 s1, s5;
	s23 =	sadd.s32 s1, s7;
	s15 =	sadd.s32 s1, s15  }
0x11: {  	s20 =	sadd.s32 s1, s20;
	s16 =	sadd.s32 s1, s26;
	s26 =	smul.u32 $0xA000, s9  }
0x12: {  	s5 =	sadd.s32 s4, s2;
	s6 =	sshrl.u32 s6, $0x2;
	s9 =	sshrl.u32 s8, $0x2  }
0x13: {  	s4 =	smul.u32 $0xA000, s11;
	s12 =	sadd.s32 s1, s12;
	s1 =	sadd.s32 s1, s31  }
0x14: {  	s31 =	smax.u32 s13, $0x1;
	s6 =	sadd.s32 s6, s2;
	s7 =	sadd.s32 s9, s2  }
0x15: {  	s15 =	sshrl.u32 s15, $0x3;
	[dreg:$0x3] =	wrdreg s31;
	s13 =	sshrl.u32 s26, $0x2  }
0x16: {  	s26 =	smul.u32 $0xA000, s14;
	s14 =	sshrl.u32 s10, $0x3;
	s31 =	sshrl.u32 s21, $0x3  }
0x17: {  	s12 =	sshrl.u32 s12, $0x3;
	s1 =	sshrl.u32 s1, $0x3;
	s10 =	sshll.u32 s22, $0xB  }
0x18: {  	s4 =	sshrl.u32 s4, $0x2;
	s8 =	sadd.s32 s13, s2;
	s9 =	sadd.s32 s0, s14  }
0x19: {  	s11 =	sadd.s32 s0, s31;
	s13 =	sshrl.u32 s23, $0x3;
	s21 =	sadd.s32 s0, s12  }
0x1a: {  	s23 =	sshrl.u32 s20, $0x3;
	s31 =	sshrl.u32 s16, $0x3;
	s16 =	sadd.s32 s0, s1  }
0x1b: {  	s1 =	sshll.u32 s22, $0x4;
	s12 =	smul.u32 $0xA000, s24;
	[dreg:$0x4] =	wrdreg s9  }
0x1c: {  	s24 =	simm.s32 $0x8100;
	[dreg:$0x5] =	wrdreg s11;
	s14 =	sadd.s32 s0, s13  }
0x1d: {  	[dreg:$0x7] =	wrdreg s21;
	s13 =	sadd.s32 s0, s15;
	s15 =	sadd.s32 s0, s31  }
0x1e: {  	s9 =	smul.u32 $0xA000, s19;
	s11 =	sadd.s32 s10, s17;
	s17 =	sadd.s32 s4, s2  }
0x1f: {  	s21 =	sshrl.u32 s26, $0x2;
	s31 =	sor.u32 s22, s25;
	s25 =	simm.s32 $0x3  }
0x20: {  	[dreg:$0x6] =	wrdreg s14;
	s14 =	sadd.s32 s0, s23;
	s0 =	sadd.s32 s1, s18  }
0x21: {  	s18 =	sadd.s32 s21, s2;
	s26 =	sshrl.u32 s12, $0x2;
	s23 =	sor.u32 $0x20, s31  }
0x22: {  	s1 =	sshrl.u32 s9, $0x2;
	s20 =	sadd.s32 s26, s2;
	s21 =	sadd.s32 $0x11800, s0  }
0x23: {  	v0 =	vimm.f32 $0.0e+00;
	s26 =	simm.s32 $0x80;
	s19 =	sadd.s32 s1, s2;
	s1 =	sadd.s32 $0x1726200, s11  }
.LBB2_1:
0x24: {  	s0 =	simm.s32 $0x70;
	s4 =	simm.s32 $0x3C0  }
.LBB2_2:
0x25: {  	p1 =	sne.s32 s4, $0x9FC0;
	[tilespmem:s0+$0x8100] =	vst v0  }
0x26: {  	[tilespmem:s0+$0x8090] =	vst v0  }
0x27: {  	[tilespmem:s0+$0x80A0] =	vst v0  }
.Ltmp0:
0x28: {  	[tilespmem:s0+$0x80B0] =	vst v0;
	(pc) =	sbr.rel @p1 .LBB2_2-.Ltmp0, $4  }
0x29: {  	[tilespmem:s0+$0x80C0] =	vst v0  }
0x2a: {  	[tilespmem:s0+$0x80D0] =	vst v0  }
0x2b: {  	[tilespmem:s0+$0x80E0] =	vst v0  }
0x2c: {  	[tilespmem:s0+$0x80F0] =	vst v0;
	s0 =	sshra.s32 s4, $0x2;
	s4 =	sadd.s32 $0x200, s4  }
0x2d: {  	[tilespmem:s0+$0x8100] =	vst v0  }
0x2e: {  	[tilespmem:s0+$0x8090] =	vst v0  }
0x2f: {  	[tilespmem:s0+$0x80A0] =	vst v0  }
0x30: {  	[tilespmem:s0+$0x80B0] =	vst v0  }
0x31: {  	[tilespmem:s0+$0x80C0] =	vst v0  }
0x32: {  	[tilespmem:s0+$0x80D0] =	vst v0  }
0x33: {  	[tilespmem:s0+$0x80E0] =	vst v0  }
0x34: {  	[tilespmem:s0+$0x80F0] =	vst v0  }
0x35: {  	[spmem:s5] =	stream.linear.scatter [tilespmem:s24], [sflag:$0x3], $0x2800, $0x38;
	[tilespmem:$0x1E180] =	vst v63  }
0x36: {  	_ =	swait.ge [sflag:s25], $0x2800  }
0x37: {  	[sflag:s25] =	ssyncset.done $0x0  }
0x38: {  	[sflag:s25] =	ssyncadd.s32 $0xFFFFD800  }
0x39: {  	[spmem:s6] =	stream.linear.scatter [tilespmem:s24], [sflag:$0x3], $0x2800, $0x38;
	[tilespmem:$0x1E180] =	vst v63  }
0x3a: {  	_ =	swait.ge [sflag:s25], $0x2800  }
0x3b: {  	[sflag:s25] =	ssyncset.done $0x0  }
0x3c: {  	[sflag:s25] =	ssyncadd.s32 $0xFFFFD800  }
0x3d: {  	[spmem:s7] =	stream.linear.scatter [tilespmem:s24], [sflag:$0x3], $0x2800, $0x38;
	[tilespmem:$0x1E180] =	vst v63  }
0x3e: {  	_ =	swait.ge [sflag:s25], $0x2800  }
0x3f: {  	[sflag:s25] =	ssyncset.done $0x0  }
0x40: {  	[sflag:s25] =	ssyncadd.s32 $0xFFFFD800  }
0x41: {  	[spmem:s8] =	stream.linear.scatter [tilespmem:s24], [sflag:$0x3], $0x2800, $0x38;
	[tilespmem:$0x1E180] =	vst v63  }
0x42: {  	_ =	swait.ge [sflag:s25], $0x2800  }
0x43: {  	[sflag:s25] =	ssyncset.done $0x0  }
0x44: {  	[sflag:s25] =	ssyncadd.s32 $0xFFFFD800  }
0x45: {  	[spmem:s17] =	stream.linear.scatter [tilespmem:s24], [sflag:$0x3], $0x2800, $0x38;
	[tilespmem:$0x1E180] =	vst v63  }
0x46: {  	_ =	swait.ge [sflag:s25], $0x2800  }
0x47: {  	[sflag:s25] =	ssyncset.done $0x0  }
0x48: {  	[sflag:s25] =	ssyncadd.s32 $0xFFFFD800  }
0x49: {  	[spmem:s18] =	stream.linear.scatter [tilespmem:s24], [sflag:$0x3], $0x2800, $0x38;
	[tilespmem:$0x1E180] =	vst v63  }
0x4a: {  	_ =	swait.ge [sflag:s25], $0x2800  }
0x4b: {  	[sflag:s25] =	ssyncset.done $0x0  }
0x4c: {  	[sflag:s25] =	ssyncadd.s32 $0xFFFFD800  }
0x4d: {  	[spmem:s19] =	stream.linear.scatter [tilespmem:s24], [sflag:$0x3], $0x2800, $0x38;
	[tilespmem:$0x1E180] =	vst v63  }
0x4e: {  	_ =	swait.ge [sflag:s25], $0x2800  }
0x4f: {  	[sflag:s25] =	ssyncset.done $0x0  }
0x50: {  	s0 =	simm.s32 @!p0 $0x8100;
	[sflag:s25] =	ssyncadd.s32 $0xFFFFD800  }
0x51: {  	[spmem:s20] =	stream.linear.scatter @!p0 [tilespmem:s0], [sflag:$0x3], $0x2800, $0x38;
	[tilespmem:$0x1E180] =	vst v63  }
0x52: {  	s0 =	simm.s32 @!p0 $0x3  }
0x53: {  	_ =	swait.ge @!p0 [sflag:s0], $0x2800  }
0x54: {  	[sflag:s0] =	ssyncset.done @!p0 $0x0  }
0x55: {  	[sflag:s0] =	ssyncadd.s32 @!p0 $0xFFFFD800  }
0x56: {  	s22 =	sadd.s32 $0x0, s21;
	p1 =	sgt.u32 s23, $0x4E1;
	[bflag:$0x0] =	sbarrier.arrive $0xFFFF  }
0x57: {  	[tilespmem:s3], [sflag:$0x1] =	stream.linear.gather [hbm4b:s22+s3], $0x80, $0x38;
	[tilespmem:$0x1E180] =	vst v63  }
0x58: {  	s0 =	sadd.s32 @!p1 $0x0, s21  }
0x59: {  	[tilespmem:s26], [sflag:$0x1] =	stream.linear.gather [hbm4b:s1+s3], $0x4000, $0x38;
	[tilespmem:$0x1E180] =	vst v63  }
0x5a: {  	s4 =	simm.s32 @!p1 $0x0;
	s0 =	sadd.s32 @!p1 $0x200, s0;
	s22 =	simm.s32 @!p1 $0x4080  }
0x5b: {  	[tilespmem:s22], [sflag:$0x2] =	stream.linear.gather @!p1 [hbm4b:s0+s4], $0x80, $0x38;
	[tilespmem:$0x1E180] =	vst v63  }
0x5c: {  	s31 =	simm.s32 @!p1 $0x4100;
	s0 =	sadd.s32 @!p1 $0x10000, s1  }
0x5d: {  	[tilespmem:s31], [sflag:$0x2] =	stream.linear.gather @!p1 [hbm4b:s0+s4], $0x4000, $0x38;
	[tilespmem:$0x1E180] =	vst v63  }
0x5e: {  	_ =	swait.ge [sflag:s28], $0x80  }
0x5f: {  	[sflag:s28] =	ssyncset.done $0x0  }
0x60: {  	[sflag:s28] =	ssyncadd.s32 $0xFFFFFF80  }
0x61: {  	_ =	swait.ge [sflag:s28], $0x4000  }
0x62: {  	[sflag:s28] =	ssyncset.done $0x0  }
0x63: {  	[sflag:s28] =	ssyncadd.s32 $0xFFFFC000  }
0x64: {  	[spmem:s2] =	stream.indirect.scatter.add.f32 [tilespmem:s26], [sflag:$0x4], $0x80, s3, s26, $0xb8;
	[tilespmem:$0x1E180] =	vst v63  }
0x65: {  	_ =	swait.ge [sflag:s29], $0x4000  }
0x66: {  	[sflag:s29] =	ssyncset.done $0x0  }
0x67: {  	s0 =	simm.s32 @!p1 $0x2;
	[sflag:s29] =	ssyncadd.s32 $0xFFFFC000  }
0x68: {  	_ =	swait.ge @!p1 [sflag:s0], $0x80  }
0x69: {  	[sflag:s0] =	ssyncset.done @!p1 $0x0  }
0x6a: {  	[sflag:s0] =	ssyncadd.s32 @!p1 $0xFFFFFF80  }
0x6b: {  	_ =	swait.ge @!p1 [sflag:s0], $0x4000  }
0x6c: {  	[sflag:s0] =	ssyncset.done @!p1 $0x0  }
0x6d: {  	s4 =	simm.s32 @!p1 $0x80;
	[sflag:s0] =	ssyncadd.s32 @!p1 $0xFFFFC000  }
0x6e: {  	[spmem:s2] =	stream.indirect.scatter.add.f32 @!p1 [tilespmem:s31], [sflag:$0x3], $0x80, s22, s4, $0xb8;
	[tilespmem:$0x1E180] =	vst v63  }
0x6f: {  	s0 =	sadd.s32 $0x40, s23;
	s4 =	simm.s32 @!p1 $0x3  }
0x70: {  	s31 =	simm.s32 $0x400;
	s22 =	smov.u32 s1;
	_ =	swait.ge @!p1 [sflag:s4], $0x4000  }
.LBB2_4:
0x71: {  	[sflag:s4] =	ssyncset.done @!p1 $0x0  }
0x72: {  	s22 =	sadd.s32 $0x20000, s22;
	s9 =	smov.u32 s31;
	s31 =	sadd.s32 $0x400, s31  }
0x73: {  	s10 =	sadd.s32 s9, s21;
	p2 =	sne.s32 s31, $0x5000;
	[sflag:s4] =	ssyncadd.s32 @!p1 $0xFFFFC000  }
0x74: {  	[tilespmem:s3], [sflag:$0x1] =	stream.linear.gather [hbm4b:s10+s3], $0x80, $0x38;
	[tilespmem:$0x1E180] =	vst v63  }
0x75: {  	p1 =	sgt.u32 s0, $0x4E1  }
0x76: {  	[tilespmem:s26], [sflag:$0x1] =	stream.linear.gather [hbm4b:s22+s3], $0x4000, $0x38;
	[tilespmem:$0x1E180] =	vst v63  }
0x77: {  	s4 =	sadd.s32 @!p1 s9, s21;
	s9 =	simm.s32 @!p1 $0x0;
	s10 =	simm.s32 @!p1 $0x4080  }
0x78: {  	s11 =	sadd.s32 @!p1 $0x10000, s22;
	s12 =	simm.s32 @!p1 $0x4100;
	s4 =	sadd.s32 @!p1 $0x200, s4  }
0x79: {  	[tilespmem:s10], [sflag:$0x2] =	stream.linear.gather @!p1 [hbm4b:s4+s9], $0x80, $0x38;
	[tilespmem:$0x1E180] =	vst v63  }
0x7a: {  	_ = 	snop  }
0x7b: {  	[tilespmem:s12], [sflag:$0x2] =	stream.linear.gather @!p1 [hbm4b:s11+s9], $0x4000, $0x38;
	[tilespmem:$0x1E180] =	vst v63  }
0x7c: {  	_ =	swait.ge [sflag:s28], $0x80  }
0x7d: {  	[sflag:s28] =	ssyncset.done $0x0  }
0x7e: {  	[sflag:s28] =	ssyncadd.s32 $0xFFFFFF80  }
0x7f: {  	_ =	swait.ge [sflag:s28], $0x4000  }
0x80: {  	[sflag:s28] =	ssyncset.done $0x0  }
0x81: {  	[sflag:s28] =	ssyncadd.s32 $0xFFFFC000  }
0x82: {  	[spmem:s2] =	stream.indirect.scatter.add.f32 [tilespmem:s26], [sflag:$0x4], $0x80, s3, s26, $0xb8;
	[tilespmem:$0x1E180] =	vst v63  }
0x83: {  	_ =	swait.ge [sflag:s29], $0x4000  }
0x84: {  	s4 =	simm.s32 @!p1 $0x2;
	[sflag:s29] =	ssyncset.done $0x0  }
0x85: {  	[sflag:s29] =	ssyncadd.s32 $0xFFFFC000  }
0x86: {  	_ =	swait.ge @!p1 [sflag:s4], $0x80  }
0x87: {  	[sflag:s4] =	ssyncset.done @!p1 $0x0  }
0x88: {  	[sflag:s4] =	ssyncadd.s32 @!p1 $0xFFFFFF80  }
.Ltmp1:
0x89: {  	_ =	swait.ge @!p1 [sflag:s4], $0x4000;
	(pc) =	sbr.rel @p2 .LBB2_4-.Ltmp1, $4  }
0x8a: {  	s9 =	simm.s32 @!p1 $0x80;
	[sflag:s4] =	ssyncset.done @!p1 $0x0  }
0x8b: {  	[sflag:s4] =	ssyncadd.s32 @!p1 $0xFFFFC000;
	s4 =	simm.s32 @!p1 $0x3  }
0x8c: {  	[spmem:s2] =	stream.indirect.scatter.add.f32 @!p1 [tilespmem:s12], [sflag:$0x3], $0x80, s10, s9, $0xb8;
	[tilespmem:$0x1E180] =	vst v63  }
0x8d: {  	s0 =	sadd.s32 $0x40, s0;
	_ =	swait.ge @!p1 [sflag:s4], $0x4000  }
0x8e: {  	[sflag:s4] =	ssyncset.done @!p1 $0x0  }
0x8f: {  	[sflag:s4] =	ssyncadd.s32 @!p1 $0xFFFFC000  }
0x90: {  	[bflag:$0x0] =	sbarrier.arrive $0xFFFF  }
0x91: {  	[tilespmem:s24], [sflag:$0x4] =	stream.linear.gather [spmem:s5], $0x2800, $0x38;
	[tilespmem:$0x1E180] =	vst v63  }
0x92: {  	_ =	swait.ge [sflag:s29], $0x2800  }
0x93: {  	[sflag:s29] =	ssyncset.done $0x0  }
0x94: {  	s0 =	rddreg [dreg:$0x4];
	[sflag:s29] =	ssyncadd.s32 $0xFFFFD800  }
0x95: {  	[hbm4b:s0+s3] =	stream.linear.scatter [tilespmem:s24], [sflag:$0x3], $0x2800, $0x38;
	[tilespmem:$0x1E180] =	vst v63  }
0x96: {  	_ =	swait.ge [sflag:s25], $0x2800  }
0x97: {  	[sflag:s25] =	ssyncset.done $0x0  }
0x98: {  	[sflag:s25] =	ssyncadd.s32 $0xFFFFD800  }
0x99: {  	[tilespmem:s24], [sflag:$0x4] =	stream.linear.gather [spmem:s6], $0x2800, $0x38;
	[tilespmem:$0x1E180] =	vst v63  }
0x9a: {  	_ =	swait.ge [sflag:s29], $0x2800  }
0x9b: {  	[sflag:s29] =	ssyncset.done $0x0  }
0x9c: {  	s11 =	rddreg [dreg:$0x5];
	[sflag:s29] =	ssyncadd.s32 $0xFFFFD800  }
0x9d: {  	[hbm4b:s11+s3] =	stream.linear.scatter [tilespmem:s24], [sflag:$0x3], $0x2800, $0x38;
	[tilespmem:$0x1E180] =	vst v63  }
0x9e: {  	_ =	swait.ge [sflag:s25], $0x2800  }
0x9f: {  	[sflag:s25] =	ssyncset.done $0x0  }
0xa0: {  	[sflag:s25] =	ssyncadd.s32 $0xFFFFD800  }
0xa1: {  	[tilespmem:s24], [sflag:$0x4] =	stream.linear.gather [spmem:s7], $0x2800, $0x38;
	[tilespmem:$0x1E180] =	vst v63  }
0xa2: {  	_ =	swait.ge [sflag:s29], $0x2800  }
0xa3: {  	[sflag:s29] =	ssyncset.done $0x0  }
0xa4: {  	s12 =	rddreg [dreg:$0x6];
	[sflag:s29] =	ssyncadd.s32 $0xFFFFD800  }
0xa5: {  	[hbm4b:s12+s3] =	stream.linear.scatter [tilespmem:s24], [sflag:$0x3], $0x2800, $0x38;
	[tilespmem:$0x1E180] =	vst v63  }
0xa6: {  	_ =	swait.ge [sflag:s25], $0x2800  }
0xa7: {  	[sflag:s25] =	ssyncset.done $0x0  }
0xa8: {  	[sflag:s25] =	ssyncadd.s32 $0xFFFFD800  }
0xa9: {  	[tilespmem:s24], [sflag:$0x4] =	stream.linear.gather [spmem:s8], $0x2800, $0x38;
	[tilespmem:$0x1E180] =	vst v63  }
0xaa: {  	_ =	swait.ge [sflag:s29], $0x2800  }
0xab: {  	[sflag:s29] =	ssyncset.done $0x0  }
0xac: {  	s22 =	rddreg [dreg:$0x7];
	[sflag:s29] =	ssyncadd.s32 $0xFFFFD800  }
0xad: {  	[hbm4b:s22+s3] =	stream.linear.scatter [tilespmem:s24], [sflag:$0x3], $0x2800, $0x38;
	[tilespmem:$0x1E180] =	vst v63  }
0xae: {  	_ =	swait.ge [sflag:s25], $0x2800  }
0xaf: {  	[sflag:s25] =	ssyncset.done $0x0  }
0xb0: {  	[sflag:s25] =	ssyncadd.s32 $0xFFFFD800  }
0xb1: {  	[tilespmem:s24], [sflag:$0x4] =	stream.linear.gather [spmem:s17], $0x2800, $0x38;
	[tilespmem:$0x1E180] =	vst v63  }
0xb2: {  	_ =	swait.ge [sflag:s29], $0x2800  }
0xb3: {  	[sflag:s29] =	ssyncset.done $0x0  }
0xb4: {  	[sflag:s29] =	ssyncadd.s32 $0xFFFFD800  }
0xb5: {  	[hbm4b:s13+s3] =	stream.linear.scatter [tilespmem:s24], [sflag:$0x3], $0x2800, $0x38;
	[tilespmem:$0x1E180] =	vst v63  }
0xb6: {  	_ =	swait.ge [sflag:s25], $0x2800  }
0xb7: {  	[sflag:s25] =	ssyncset.done $0x0  }
0xb8: {  	[sflag:s25] =	ssyncadd.s32 $0xFFFFD800  }
0xb9: {  	[tilespmem:s24], [sflag:$0x4] =	stream.linear.gather [spmem:s18], $0x2800, $0x38;
	[tilespmem:$0x1E180] =	vst v63  }
0xba: {  	_ =	swait.ge [sflag:s29], $0x2800  }
0xbb: {  	[sflag:s29] =	ssyncset.done $0x0  }
0xbc: {  	[sflag:s29] =	ssyncadd.s32 $0xFFFFD800  }
0xbd: {  	[hbm4b:s14+s3] =	stream.linear.scatter [tilespmem:s24], [sflag:$0x3], $0x2800, $0x38;
	[tilespmem:$0x1E180] =	vst v63  }
0xbe: {  	_ =	swait.ge [sflag:s25], $0x2800  }
0xbf: {  	[sflag:s25] =	ssyncset.done $0x0  }
0xc0: {  	[sflag:s25] =	ssyncadd.s32 $0xFFFFD800  }
0xc1: {  	[tilespmem:s24], [sflag:$0x4] =	stream.linear.gather [spmem:s19], $0x2800, $0x38;
	[tilespmem:$0x1E180] =	vst v63  }
0xc2: {  	_ =	swait.ge [sflag:s29], $0x2800  }
0xc3: {  	[sflag:s29] =	ssyncset.done $0x0  }
0xc4: {  	[sflag:s29] =	ssyncadd.s32 $0xFFFFD800  }
0xc5: {  	[hbm4b:s15+s3] =	stream.linear.scatter [tilespmem:s24], [sflag:$0x3], $0x2800, $0x38;
	[tilespmem:$0x1E180] =	vst v63  }
0xc6: {  	_ =	swait.ge [sflag:s25], $0x2800  }
0xc7: {  	[sflag:s25] =	ssyncset.done $0x0  }
0xc8: {  	s4 =	simm.s32 @!p0 $0x4;
	s0 =	simm.s32 @!p0 $0x8100;
	[sflag:s25] =	ssyncadd.s32 $0xFFFFD800  }
0xc9: {  	[tilespmem:s0], [sflag:$0x4] =	stream.linear.gather @!p0 [spmem:s20], $0x2800, $0x38;
	[tilespmem:$0x1E180] =	vst v63  }
0xca: {  	_ =	swait.ge @!p0 [sflag:s4], $0x2800  }
0xcb: {  	[sflag:s4] =	ssyncset.done @!p0 $0x0  }
0xcc: {  	[sflag:s4] =	ssyncadd.s32 @!p0 $0xFFFFD800;
	s4 =	simm.s32 @!p0 $0x0  }
0xcd: {  	[hbm4b:s16+s4] =	stream.linear.scatter @!p0 [tilespmem:s0], [sflag:$0x3], $0x2800, $0x38;
	[tilespmem:$0x1E180] =	vst v63  }
0xce: {  	s0 =	simm.s32 @!p0 $0x3  }
0xcf: {  	_ =	swait.ge @!p0 [sflag:s0], $0x2800  }
0xd0: {  	s30 =	sadd.s32 $0x1, s30;
	s31 =	rddreg [dreg:$0x3]  }
0xd1: {  	p1 =	sne.s32 s30, s31  }
.Ltmp2:
0xd2: {  	_ = 	snop;
	(pc) =	sbr.rel @p1 .LBB2_1-.Ltmp2, $3  }
0xd3: {  	_ =	sdelay $0x1  }
0xd4: {  	[sflag:s0] =	ssyncset.done @!p0 $0x0  }
0xd5: {  	[sflag:s0] =	ssyncadd.s32 @!p0 $0xFFFFD800  }
0xd6: {  	_ =	sfence.sel $0x180000  }
0xd7: {  	[bflag:$0x0] =	sbarrier.arrive $0xFFFF  }
0xd8: {  	_ =	strace $0x9000005C  }
0xd9: {  	s0 =	stileid.u32;
	[bflag:$0x2] =	sbarrier.arrive $0xFFFF  }
0xda: {  	p0 =	sne.s32 s0, $0x0;
	s0 =	rddreg [dreg:$0x2]  }
0xdb: {  	s0 =	sadd.s32 @!p0 $0x100000, s0  }
0xdc: {  	[sflag:s0] =	ssyncadd.tile.s32 @!p0 $0x1;
	_ =	shalt  }
.Lfunc_end2:
_tile_overlayer_lowered:
.L_overlay_start_2:
0xdd: {  	(tag) =	ssettag $0x2  }
0xde: {  	s0 =	rddreg [dreg:$0x0];
	s2 =	stileid.u32  }
0xdf: {  	s1 =	rddreg [dreg:$0x1];
	p0 =	sne.s32 s2, $0x0  }
0xe0: {  	s3 =	rddreg [dreg:$0x2];
	[bflag:$0x3] =	sbarrier.arrive $0xFFFF;
	s2 =	simm.s32 @!p0 $0x1C03  }
0xe1: {  	[timem:s3], [sflag:s2] =	dma.local @!p0 [hbm:s0], s1  }
0xe2: {  	s0 =	simm.s32 @!p0 $0x3  }
0xe3: {  	_ =	swait.ge @!p0 [sflag:s0], s1  }
0xe4: {  	s1 =	ssub.s32 @!p0 $0x0, s1;
	[sflag:s0] =	ssyncset.done @!p0 $0x0  }
0xe5: {  	[sflag:s0] =	ssyncadd.s32 @!p0 s1  }
0xe6: {  	[bflag:$0x3] =	sbarrier.arrive $0xFFFF  }
0xe7: {  	_ =	shalt  }

</sc_bundles>
